<compile_context>
chip_gen: v7x
topology: tpu7x:2x2x1
jax: 0.10.2.dev20260603
libtpu: 0.0.44.dev20260713+nightly
codegen_flags: <defaults>
</compile_context>

<pallas_src>
import jax
import jax.numpy as jnp
from jax import lax
from jax.experimental import pallas as pl
from jax.experimental.pallas import tpu as pltpu
from jax.experimental.pallas import tpu_sc as plsc

N_FIELDS = 26
VOCAB = 100000
DIM = 32
BATCH = 16384

ROWS = BATCH * N_FIELDS
NC, NS, LANES = 2, 16, 16
NW = NC * NS
ROWS_PER_W = ROWS // NW
BLK = 128
OFF_PERIOD = 1664
OFF_VREGS = OFF_PERIOD // LANES
CHUNK = 1024
GPC = CHUNK // BLK
NCHUNK = ROWS_PER_W // CHUNK


def _sc_body(tab_hbm, idx_hbm, offs_hbm, out_hbm,
             idx_v, offs_v, rows_a, rows_b, sem_g0, sem_g1, sem_w0, sem_w1):
    sem_g = (sem_g0, sem_g1)
    sem_w = (sem_w0, sem_w1)
    wid = lax.axis_index("s") * NC + lax.axis_index("c")
    base = wid * ROWS_PER_W

    pltpu.sync_copy(idx_hbm.at[pl.ds(base, ROWS_PER_W)], idx_v)
    pltpu.sync_copy(offs_hbm, offs_v)

    bufs = (rows_a, rows_b)

    def add_off_chunk(c):
        v0 = c * (CHUNK // LANES)

        def body(i, carry):
            j = v0 + i
            sl = pl.ds(j * LANES, LANES)
            ph = pl.ds((j % OFF_VREGS) * LANES, LANES)
            idx_v[sl] = idx_v[sl] + offs_v[ph]
            return carry

        lax.fori_loop(0, CHUNK // LANES, body, 0)

    def fire_gathers(c):
        buf = bufs[c % 2]
        descs = []
        for j in range(GPC):
            idx_slice = idx_v.at[pl.ds(c * CHUNK + j * BLK, BLK)]
            descs.append(
                pltpu.async_copy(tab_hbm.at[idx_slice],
                                 buf.at[pl.ds(j * BLK, BLK)], sem_g[c % 2]))
        return descs

    def fire_write(c):
        return pltpu.async_copy(bufs[c % 2],
                                out_hbm.at[pl.ds(base + c * CHUNK, CHUNK)],
                                sem_w[c % 2])

    add_off_chunk(0)
    gathers = fire_gathers(0)
    writes = [None, None]
    for c in range(NCHUNK):
        if c + 1 < NCHUNK:
            add_off_chunk(c + 1)
            if writes[(c + 1) % 2] is not None:
                writes[(c + 1) % 2].wait()
            nxt = fire_gathers(c + 1)
        for d in gathers:
            d.wait()
        writes[c % 2] = fire_write(c)
        if c + 1 < NCHUNK:
            gathers = nxt
    writes[(NCHUNK - 1) % 2].wait()
    if NCHUNK > 1:
        writes[(NCHUNK - 2) % 2].wait()


@jax.jit
def kernel(inputs, tables):
    flat_tables = tables.reshape(N_FIELDS * VOCAB, DIM)
    idx_flat = inputs.reshape(ROWS)
    offs = (jnp.arange(OFF_PERIOD, dtype=jnp.int32) % N_FIELDS) * VOCAB

    mesh = plsc.VectorSubcoreMesh(core_axis_name="c", subcore_axis_name="s")
    out = pl.kernel(
        _sc_body,
        out_type=jax.ShapeDtypeStruct((ROWS, DIM), jnp.float32),
        mesh=mesh,
        compiler_params=pltpu.CompilerParams(use_tc_tiling_on_sc=False),
        scratch_types=[
            pltpu.VMEM((ROWS_PER_W,), jnp.int32),
            pltpu.VMEM((OFF_PERIOD,), jnp.int32),
            pltpu.VMEM((CHUNK, DIM), jnp.float32),
            pltpu.VMEM((CHUNK, DIM), jnp.float32),
            pltpu.SemaphoreType.DMA,
            pltpu.SemaphoreType.DMA,
            pltpu.SemaphoreType.DMA,
            pltpu.SemaphoreType.DMA,
        ],
    )(flat_tables, idx_flat, offs)
    return out.reshape(BATCH, N_FIELDS * DIM)

# --- scband reference (transcript-rebuilt; emitter-appended) ---
"""Pipeline reference for scband-classifier-41961830482153 (READ-ONLY COPY).

The authoritative reference and input builder live on the scoring server;
editing this copy changes nothing except your own understanding.
"""

import jax, jax.numpy as jnp
import numpy as np

N_FIELDS = 26
VOCAB = 100000
DIM = 32
BATCH = 16384

def setup_inputs(seed: int = 0) -> dict:
    key = jax.random.key(seed)
    k1, k2 = jax.random.split(key)
    inputs = jax.random.randint(k1, (BATCH, N_FIELDS), 0, VOCAB, dtype=jnp.int32)
    # Learned parameters: one embedding table per sparse field, stacked.
    tables = jax.random.normal(k2, (N_FIELDS, VOCAB, DIM), dtype=jnp.float32) * 0.02
    return {"inputs": inputs, "tables": tables}

def reference(inputs, tables):
    # Per-field embedding lookup: for field i, tables[i][inputs[:, i]] -> [B, DIM]
    # vmap over the field axis, then concatenate field embeddings per example.
    emb = jax.vmap(lambda t, idx: jnp.take(t, idx, axis=0), in_axes=(0, 1), out_axes=1)(tables, inputs)
    # emb: [B, N_FIELDS, DIM] -> concat over fields -> [B, N_FIELDS*DIM]
    return emb.reshape(inputs.shape[0], N_FIELDS * DIM)

if __name__ == "__main__":
    import jax
    _d = setup_inputs()
    print(jax.jit(kernel)(*tuple(_d.values())))

</pallas_src>

<mosaic_0001>
#map = affine_map<(d0, d1) -> (0, 0)>
#map1 = affine_map<(d0, d1) -> (0)>
module attributes {stable_mosaic.version = 14 : i64} {
  func.func @_sc_body(%arg0: i32, %arg1: i32, %arg2: memref<2600000x32xf32, #tpu.memory_space<hbm>>, %arg3: memref<425984xi32, #tpu.memory_space<hbm>>, %arg4: memref<1664xi32, #tpu.memory_space<hbm>>, %arg5: memref<425984x32xf32, #tpu.memory_space<hbm>>, %arg6: memref<13312xi32, #tpu.memory_space<vmem>>, %arg7: memref<1664xi32, #tpu.memory_space<vmem>>, %arg8: memref<1024x32xf32, #tpu.memory_space<vmem>>, %arg9: memref<1024x32xf32, #tpu.memory_space<vmem>>, %arg10: memref<!tpu.dma_semaphore, #tpu.memory_space<semaphore_mem>>, %arg11: memref<!tpu.dma_semaphore, #tpu.memory_space<semaphore_mem>>, %arg12: memref<!tpu.dma_semaphore, #tpu.memory_space<semaphore_mem>>, %arg13: memref<!tpu.dma_semaphore, #tpu.memory_space<semaphore_mem>>) attributes {dimension_semantics = [#tpu.dimension_semantics<core_parallel>, #tpu.dimension_semantics<subcore_parallel>], iteration_bounds = array<i64: 2, 16>, scalar_prefetch = 0 : i64, scratch_operands = 8 : i64, tpu.core_type = #tpu.core_type<sc_vector_subcore>, window_params = [{transform_indices = #map}, {transform_indices = #map1}, {transform_indices = #map1}, {transform_indices = #map}]} {
    %mul3A = arith.constant 2 : i32
    %mul3A_0 = arith.muli %arg1, %mul3A : i32
    %add3A = arith.addi %mul3A_0, %arg0 : i32
    %mul3A_1 = arith.constant 13312 : i32
    %mul3A_2 = arith.muli %add3A, %mul3A_1 : i32
    "tpu.region"() ({
      %run_scoped3A = tpu.sem_alloc : memref<!tpu.dma_semaphore, #tpu.memory_space<semaphore_mem>>
      %dma_start3A_1872 = tpu.memref_slice %arg3[%mul3A_2] : memref<425984xi32, #tpu.memory_space<hbm>> -> memref<13312xi32, #tpu.memory_space<hbm>>
      %dma_start3A_1873 = tpu.memref_slice %arg3[%mul3A_2] : memref<425984xi32, #tpu.memory_space<hbm>> -> memref<13312xi32, #tpu.memory_space<hbm>>
      tpu.enqueue_dma source(%dma_start3A_1873 : memref<13312xi32, #tpu.memory_space<hbm>>) target(%arg6 : memref<13312xi32, #tpu.memory_space<vmem>>) target_semaphore(%run_scoped3A : memref<!tpu.dma_semaphore, #tpu.memory_space<semaphore_mem>>)
      %dma_wait3A_1874 = tpu.memref_slice %arg3[%mul3A_2] : memref<425984xi32, #tpu.memory_space<hbm>> -> memref<13312xi32, #tpu.memory_space<hbm>>
      %dma_wait3A_1875 = tpu.memref_slice %arg3[%mul3A_2] : memref<425984xi32, #tpu.memory_space<hbm>> -> memref<13312xi32, #tpu.memory_space<hbm>>
      tpu.wait_dma2 semaphore(%run_scoped3A : memref<!tpu.dma_semaphore, #tpu.memory_space<semaphore_mem>>) src(%dma_wait3A_1875 : memref<13312xi32, #tpu.memory_space<hbm>>) dst(%arg6 : memref<13312xi32, #tpu.memory_space<vmem>>)
      tpu.yield
    }) : () -> ()
    "tpu.region"() ({
      %run_scoped3A = tpu.sem_alloc : memref<!tpu.dma_semaphore, #tpu.memory_space<semaphore_mem>>
      tpu.enqueue_dma source(%arg4 : memref<1664xi32, #tpu.memory_space<hbm>>) target(%arg7 : memref<1664xi32, #tpu.memory_space<vmem>>) target_semaphore(%run_scoped3A : memref<!tpu.dma_semaphore, #tpu.memory_space<semaphore_mem>>)
      tpu.wait_dma2 semaphore(%run_scoped3A : memref<!tpu.dma_semaphore, #tpu.memory_space<semaphore_mem>>) src(%arg4 : memref<1664xi32, #tpu.memory_space<hbm>>) dst(%arg7 : memref<1664xi32, #tpu.memory_space<vmem>>)
      tpu.yield
    }) : () -> ()
    %scan3A = arith.constant 0 : i32
    %scan3A_3 = arith.constant 0 : i32
    %scan3A_4 = arith.constant 64 : i32
    %scan3A_5 = arith.addi %scan3A_3, %scan3A_4 : i32
    %scan3A_6 = arith.constant 1 : i32
    scf.for %scan3A_1872 = %scan3A_3 to %scan3A_5 step %scan3A_6  : i32 {
      %add3A_1873 = arith.constant 0 : i32
      %add3A_1874 = arith.addi %add3A_1873, %scan3A_1872 : i32
      %mul3A_1875 = arith.constant 16 : i32
      %mul3A_1876 = arith.muli %add3A_1874, %mul3A_1875 : i32
      %jit3A = arith.constant 104 : i32
      %eq3A = arith.constant 0 : i32
      %eq3A_1877 = arith.cmpi eq, %jit3A, %eq3A : i32
      %jit3A_1878 = arith.constant 1 : i32
      %select_n3A = arith.select %eq3A_1877, %jit3A_1878, %jit3A : i32
      %rem3A = arith.remsi %add3A_1874, %select_n3A : i32
      %ne3A = arith.constant 0 : i32
      %ne3A_1879 = arith.cmpi ne, %rem3A, %ne3A : i32
      %lt3A = arith.constant 0 : i32
      %lt3A_1880 = arith.cmpi slt, %rem3A, %lt3A : i32
      %lt3A_1881 = arith.constant 0 : i32
      %lt3A_1882 = arith.cmpi slt, %select_n3A, %lt3A_1881 : i32
      %ne3A_1883 = arith.xori %lt3A_1880, %lt3A_1882 : i1
      %and3A = arith.andi %ne3A_1883, %ne3A_1879 : i1
      %add3A_1884 = arith.addi %rem3A, %select_n3A : i32
      %select_n3A_1885 = arith.select %and3A, %add3A_1884, %rem3A : i32
      %mul3A_1886 = arith.constant 16 : i32
      %mul3A_1887 = arith.muli %select_n3A_1885, %mul3A_1886 : i32
      %get3A = arith.index_cast %mul3A_1876 : i32 to index
      %get3A_1888 = tpu.vector_load %arg6[%get3A] {strides = array<i32>} : memref<13312xi32, #tpu.memory_space<vmem>>, vector<16xi32>,
      %get3A_1889 = vector.shape_cast %get3A_1888 : vector<16xi32> to vector<16xi32>
      %get3A_1890 = arith.index_cast %mul3A_1887 : i32 to index
      %get3A_1891 = tpu.vector_load %arg7[%get3A_1890] {strides = array<i32>} : memref<1664xi32, #tpu.memory_space<vmem>>, vector<16xi32>,
      %get3A_1892 = vector.shape_cast %get3A_1891 : vector<16xi32> to vector<16xi32>
      %add3A_1893 = arith.addi %get3A_1889, %get3A_1892 : vector<16xi32>
      %swap3A = arith.index_cast %mul3A_1876 : i32 to index
      %swap3A_1894 = tpu.vector_load %arg6[%swap3A] {strides = array<i32>} : memref<13312xi32, #tpu.memory_space<vmem>>, vector<16xi32>,
      %swap3A_1895 = vector.shape_cast %swap3A_1894 : vector<16xi32> to vector<16xi32>
      %swap3A_1896 = vector.shape_cast %add3A_1893 : vector<16xi32> to vector<16xi32>
      tpu.vector_store %arg6[%swap3A], %swap3A_1896 {strides = array<i32>} : memref<13312xi32, #tpu.memory_space<vmem>>, vector<16xi32>,
    }
    %scan3A_7 = arith.constant 64 : i32
    %dma_start3A = arith.constant 0 : i32
    %dma_start3A_8 = arith.constant 0 : i32
    %dma_start3A_9 = tpu.memref_slice %arg8[%dma_start3A, %dma_start3A_8] : memref<1024x32xf32, #tpu.memory_space<vmem>> -> memref<128x32xf32, #tpu.memory_space<vmem>>
    %dma_start3A_10 = arith.constant 0 : i32
    %dma_start3A_11 = tpu.memref_slice %arg6[%dma_start3A_10] : memref<13312xi32, #tpu.memory_space<vmem>> -> memref<128xi32, #tpu.memory_space<vmem>>
    %dma_start3A_12 = arith.constant 0 : i32
    %dma_start3A_13 = arith.constant 0 : i32
    %dma_start3A_14 = tpu.memref_slice %arg2[%dma_start3A_12, %dma_start3A_13] : memref<2600000x32xf32, #tpu.memory_space<hbm>> -> memref<2600000x32xf32, #tpu.memory_space<hbm>>
    tpu.enqueue_indirect_dma source(%dma_start3A_14 : memref<2600000x32xf32, #tpu.memory_space<hbm>>) target(%dma_start3A_9 : memref<128x32xf32, #tpu.memory_space<vmem>>) offsets(%dma_start3A_11 : memref<128xi32, #tpu.memory_space<vmem>>) semaphore(%arg10 : memref<!tpu.dma_semaphore, #tpu.memory_space<semaphore_mem>>)
    %dma_start3A_15 = arith.constant 128 : i32
    %dma_start3A_16 = arith.constant 0 : i32
    %dma_start3A_17 = tpu.memref_slice %arg8[%dma_start3A_15, %dma_start3A_16] : memref<1024x32xf32, #tpu.memory_space<vmem>> -> memref<128x32xf32, #tpu.memory_space<vmem>>
    %dma_start3A_18 = arith.constant 128 : i32
    %dma_start3A_19 = tpu.memref_slice %arg6[%dma_start3A_18] : memref<13312xi32, #tpu.memory_space<vmem>> -> memref<128xi32, #tpu.memory_space<vmem>>
    %dma_start3A_20 = arith.constant 0 : i32
    %dma_start3A_21 = arith.constant 0 : i32
    %dma_start3A_22 = tpu.memref_slice %arg2[%dma_start3A_20, %dma_start3A_21] : memref<2600000x32xf32, #tpu.memory_space<hbm>> -> memref<2600000x32xf32, #tpu.memory_space<hbm>>
    tpu.enqueue_indirect_dma source(%dma_start3A_22 : memref<2600000x32xf32, #tpu.memory_space<hbm>>) target(%dma_start3A_17 : memref<128x32xf32, #tpu.memory_space<vmem>>) offsets(%dma_start3A_19 : memref<128xi32, #tpu.memory_space<vmem>>) semaphore(%arg10 : memref<!tpu.dma_semaphore, #tpu.memory_space<semaphore_mem>>)
    %dma_start3A_23 = arith.constant 256 : i32
    %dma_start3A_24 = arith.constant 0 : i32
    %dma_start3A_25 = tpu.memref_slice %arg8[%dma_start3A_23, %dma_start3A_24] : memref<1024x32xf32, #tpu.memory_space<vmem>> -> memref<128x32xf32, #tpu.memory_space<vmem>>
    %dma_start3A_26 = arith.constant 256 : i32
    %dma_start3A_27 = tpu.memref_slice %arg6[%dma_start3A_26] : memref<13312xi32, #tpu.memory_space<vmem>> -> memref<128xi32, #tpu.memory_space<vmem>>
    %dma_start3A_28 = arith.constant 0 : i32
    %dma_start3A_29 = arith.constant 0 : i32
    %dma_start3A_30 = tpu.memref_slice %arg2[%dma_start3A_28, %dma_start3A_29] : memref<2600000x32xf32, #tpu.memory_space<hbm>> -> memref<2600000x32xf32, #tpu.memory_space<hbm>>
    tpu.enqueue_indirect_dma source(%dma_start3A_30 : memref<2600000x32xf32, #tpu.memory_space<hbm>>) target(%dma_start3A_25 : memref<128x32xf32, #tpu.memory_space<vmem>>) offsets(%dma_start3A_27 : memref<128xi32, #tpu.memory_space<vmem>>) semaphore(%arg10 : memref<!tpu.dma_semaphore, #tpu.memory_space<semaphore_mem>>)
    %dma_start3A_31 = arith.constant 384 : i32
    %dma_start3A_32 = arith.constant 0 : i32
    %dma_start3A_33 = tpu.memref_slice %arg8[%dma_start3A_31, %dma_start3A_32] : memref<1024x32xf32, #tpu.memory_space<vmem>> -> memref<128x32xf32, #tpu.memory_space<vmem>>
    %dma_start3A_34 = arith.constant 384 : i32
    %dma_start3A_35 = tpu.memref_slice %arg6[%dma_start3A_34] : memref<13312xi32, #tpu.memory_space<vmem>> -> memref<128xi32, #tpu.memory_space<vmem>>
    %dma_start3A_36 = arith.constant 0 : i32
    %dma_start3A_37 = arith.constant 0 : i32
    %dma_start3A_38 = tpu.memref_slice %arg2[%dma_start3A_36, %dma_start3A_37] : memref<2600000x32xf32, #tpu.memory_space<hbm>> -> memref<2600000x32xf32, #tpu.memory_space<hbm>>
    tpu.enqueue_indirect_dma source(%dma_start3A_38 : memref<2600000x32xf32, #tpu.memory_space<hbm>>) target(%dma_start3A_33 : memref<128x32xf32, #tpu.memory_space<vmem>>) offsets(%dma_start3A_35 : memref<128xi32, #tpu.memory_space<vmem>>) semaphore(%arg10 : memref<!tpu.dma_semaphore, #tpu.memory_space<semaphore_mem>>)
    %dma_start3A_39 = arith.constant 512 : i32
    %dma_start3A_40 = arith.constant 0 : i32
    %dma_start3A_41 = tpu.memref_slice %arg8[%dma_start3A_39, %dma_start3A_40] : memref<1024x32xf32, #tpu.memory_space<vmem>> -> memref<128x32xf32, #tpu.memory_space<vmem>>
    %dma_start3A_42 = arith.constant 512 : i32
    %dma_start3A_43 = tpu.memref_slice %arg6[%dma_start3A_42] : memref<13312xi32, #tpu.memory_space<vmem>> -> memref<128xi32, #tpu.memory_space<vmem>>
    %dma_start3A_44 = arith.constant 0 : i32
    %dma_start3A_45 = arith.constant 0 : i32
    %dma_start3A_46 = tpu.memref_slice %arg2[%dma_start3A_44, %dma_start3A_45] : memref<2600000x32xf32, #tpu.memory_space<hbm>> -> memref<2600000x32xf32, #tpu.memory_space<hbm>>
    tpu.enqueue_indirect_dma source(%dma_start3A_46 : memref<2600000x32xf32, #tpu.memory_space<hbm>>) target(%dma_start3A_41 : memref<128x32xf32, #tpu.memory_space<vmem>>) offsets(%dma_start3A_43 : memref<128xi32, #tpu.memory_space<vmem>>) semaphore(%arg10 : memref<!tpu.dma_semaphore, #tpu.memory_space<semaphore_mem>>)
    %dma_start3A_47 = arith.constant 640 : i32
    %dma_start3A_48 = arith.constant 0 : i32
    %dma_start3A_49 = tpu.memref_slice %arg8[%dma_start3A_47, %dma_start3A_48] : memref<1024x32xf32, #tpu.memory_space<vmem>> -> memref<128x32xf32, #tpu.memory_space<vmem>>
    %dma_start3A_50 = arith.constant 640 : i32
    %dma_start3A_51 = tpu.memref_slice %arg6[%dma_start3A_50] : memref<13312xi32, #tpu.memory_space<vmem>> -> memref<128xi32, #tpu.memory_space<vmem>>
    %dma_start3A_52 = arith.constant 0 : i32
    %dma_start3A_53 = arith.constant 0 : i32
    %dma_start3A_54 = tpu.memref_slice %arg2[%dma_start3A_52, %dma_start3A_53] : memref<2600000x32xf32, #tpu.memory_space<hbm>> -> memref<2600000x32xf32, #tpu.memory_space<hbm>>
    tpu.enqueue_indirect_dma source(%dma_start3A_54 : memref<2600000x32xf32, #tpu.memory_space<hbm>>) target(%dma_start3A_49 : memref<128x32xf32, #tpu.memory_space<vmem>>) offsets(%dma_start3A_51 : memref<128xi32, #tpu.memory_space<vmem>>) semaphore(%arg10 : memref<!tpu.dma_semaphore, #tpu.memory_space<semaphore_mem>>)
    %dma_start3A_55 = arith.constant 768 : i32
    %dma_start3A_56 = arith.constant 0 : i32
    %dma_start3A_57 = tpu.memref_slice %arg8[%dma_start3A_55, %dma_start3A_56] : memref<1024x32xf32, #tpu.memory_space<vmem>> -> memref<128x32xf32, #tpu.memory_space<vmem>>
    %dma_start3A_58 = arith.constant 768 : i32
    %dma_start3A_59 = tpu.memref_slice %arg6[%dma_start3A_58] : memref<13312xi32, #tpu.memory_space<vmem>> -> memref<128xi32, #tpu.memory_space<vmem>>
    %dma_start3A_60 = arith.constant 0 : i32
    %dma_start3A_61 = arith.constant 0 : i32
    %dma_start3A_62 = tpu.memref_slice %arg2[%dma_start3A_60, %dma_start3A_61] : memref<2600000x32xf32, #tpu.memory_space<hbm>> -> memref<2600000x32xf32, #tpu.memory_space<hbm>>
    tpu.enqueue_indirect_dma source(%dma_start3A_62 : memref<2600000x32xf32, #tpu.memory_space<hbm>>) target(%dma_start3A_57 : memref<128x32xf32, #tpu.memory_space<vmem>>) offsets(%dma_start3A_59 : memref<128xi32, #tpu.memory_space<vmem>>) semaphore(%arg10 : memref<!tpu.dma_semaphore, #tpu.memory_space<semaphore_mem>>)
    %dma_start3A_63 = arith.constant 896 : i32
    %dma_start3A_64 = arith.constant 0 : i32
    %dma_start3A_65 = tpu.memref_slice %arg8[%dma_start3A_63, %dma_start3A_64] : memref<1024x32xf32, #tpu.memory_space<vmem>> -> memref<128x32xf32, #tpu.memory_space<vmem>>
    %dma_start3A_66 = arith.constant 896 : i32
    %dma_start3A_67 = tpu.memref_slice %arg6[%dma_start3A_66] : memref<13312xi32, #tpu.memory_space<vmem>> -> memref<128xi32, #tpu.memory_space<vmem>>
    %dma_start3A_68 = arith.constant 0 : i32
    %dma_start3A_69 = arith.constant 0 : i32
    %dma_start3A_70 = tpu.memref_slice %arg2[%dma_start3A_68, %dma_start3A_69] : memref<2600000x32xf32, #tpu.memory_space<hbm>> -> memref<2600000x32xf32, #tpu.memory_space<hbm>>
    tpu.enqueue_indirect_dma source(%dma_start3A_70 : memref<2600000x32xf32, #tpu.memory_space<hbm>>) target(%dma_start3A_65 : memref<128x32xf32, #tpu.memory_space<vmem>>) offsets(%dma_start3A_67 : memref<128xi32, #tpu.memory_space<vmem>>) semaphore(%arg10 : memref<!tpu.dma_semaphore, #tpu.memory_space<semaphore_mem>>)
    %scan3A_71 = arith.constant 0 : i32
    %scan3A_72 = arith.constant 0 : i32
    %scan3A_73 = arith.constant 64 : i32
    %scan3A_74 = arith.addi %scan3A_72, %scan3A_73 : i32
    %scan3A_75 = arith.constant 1 : i32
    scf.for %scan3A_1872 = %scan3A_72 to %scan3A_74 step %scan3A_75  : i32 {
      %add3A_1873 = arith.constant 64 : i32
      %add3A_1874 = arith.addi %add3A_1873, %scan3A_1872 : i32
      %mul3A_1875 = arith.constant 16 : i32
      %mul3A_1876 = arith.muli %add3A_1874, %mul3A_1875 : i32
      %jit3A = arith.constant 104 : i32
      %eq3A = arith.constant 0 : i32
      %eq3A_1877 = arith.cmpi eq, %jit3A, %eq3A : i32
      %jit3A_1878 = arith.constant 1 : i32
      %select_n3A = arith.select %eq3A_1877, %jit3A_1878, %jit3A : i32
      %rem3A = arith.remsi %add3A_1874, %select_n3A : i32
      %ne3A = arith.constant 0 : i32
      %ne3A_1879 = arith.cmpi ne, %rem3A, %ne3A : i32
      %lt3A = arith.constant 0 : i32
      %lt3A_1880 = arith.cmpi slt, %rem3A, %lt3A : i32
      %lt3A_1881 = arith.constant 0 : i32
      %lt3A_1882 = arith.cmpi slt, %select_n3A, %lt3A_1881 : i32
      %ne3A_1883 = arith.xori %lt3A_1880, %lt3A_1882 : i1
      %and3A = arith.andi %ne3A_1883, %ne3A_1879 : i1
      %add3A_1884 = arith.addi %rem3A, %select_n3A : i32
      %select_n3A_1885 = arith.select %and3A, %add3A_1884, %rem3A : i32
      %mul3A_1886 = arith.constant 16 : i32
      %mul3A_1887 = arith.muli %select_n3A_1885, %mul3A_1886 : i32
      %get3A = arith.index_cast %mul3A_1876 : i32 to index
      %get3A_1888 = tpu.vector_load %arg6[%get3A] {strides = array<i32>} : memref<13312xi32, #tpu.memory_space<vmem>>, vector<16xi32>,
      %get3A_1889 = vector.shape_cast %get3A_1888 : vector<16xi32> to vector<16xi32>
      %get3A_1890 = arith.index_cast %mul3A_1887 : i32 to index
      %get3A_1891 = tpu.vector_load %arg7[%get3A_1890] {strides = array<i32>} : memref<1664xi32, #tpu.memory_space<vmem>>, vector<16xi32>,
      %get3A_1892 = vector.shape_cast %get3A_1891 : vector<16xi32> to vector<16xi32>
      %add3A_1893 = arith.addi %get3A_1889, %get3A_1892 : vector<16xi32>
      %swap3A = arith.index_cast %mul3A_1876 : i32 to index
      %swap3A_1894 = tpu.vector_load %arg6[%swap3A] {strides = array<i32>} : memref<13312xi32, #tpu.memory_space<vmem>>, vector<16xi32>,
      %swap3A_1895 = vector.shape_cast %swap3A_1894 : vector<16xi32> to vector<16xi32>
      %swap3A_1896 = vector.shape_cast %add3A_1893 : vector<16xi32> to vector<16xi32>
      tpu.vector_store %arg6[%swap3A], %swap3A_1896 {strides = array<i32>} : memref<13312xi32, #tpu.memory_space<vmem>>, vector<16xi32>,
    }
    %scan3A_76 = arith.constant 64 : i32
    %dma_start3A_77 = arith.constant 0 : i32
    %dma_start3A_78 = arith.constant 0 : i32
    %dma_start3A_79 = tpu.memref_slice %arg9[%dma_start3A_77, %dma_start3A_78] : memref<1024x32xf32, #tpu.memory_space<vmem>> -> memref<128x32xf32, #tpu.memory_space<vmem>>
    %dma_start3A_80 = arith.constant 1024 : i32
    %dma_start3A_81 = tpu.memref_slice %arg6[%dma_start3A_80] : memref<13312xi32, #tpu.memory_space<vmem>> -> memref<128xi32, #tpu.memory_space<vmem>>
    %dma_start3A_82 = arith.constant 0 : i32
    %dma_start3A_83 = arith.constant 0 : i32
    %dma_start3A_84 = tpu.memref_slice %arg2[%dma_start3A_82, %dma_start3A_83] : memref<2600000x32xf32, #tpu.memory_space<hbm>> -> memref<2600000x32xf32, #tpu.memory_space<hbm>>
    tpu.enqueue_indirect_dma source(%dma_start3A_84 : memref<2600000x32xf32, #tpu.memory_space<hbm>>) target(%dma_start3A_79 : memref<128x32xf32, #tpu.memory_space<vmem>>) offsets(%dma_start3A_81 : memref<128xi32, #tpu.memory_space<vmem>>) semaphore(%arg11 : memref<!tpu.dma_semaphore, #tpu.memory_space<semaphore_mem>>)
    %dma_start3A_85 = arith.constant 128 : i32
    %dma_start3A_86 = arith.constant 0 : i32
    %dma_start3A_87 = tpu.memref_slice %arg9[%dma_start3A_85, %dma_start3A_86] : memref<1024x32xf32, #tpu.memory_space<vmem>> -> memref<128x32xf32, #tpu.memory_space<vmem>>
    %dma_start3A_88 = arith.constant 1152 : i32
    %dma_start3A_89 = tpu.memref_slice %arg6[%dma_start3A_88] : memref<13312xi32, #tpu.memory_space<vmem>> -> memref<128xi32, #tpu.memory_space<vmem>>
    %dma_start3A_90 = arith.constant 0 : i32
    %dma_start3A_91 = arith.constant 0 : i32
    %dma_start3A_92 = tpu.memref_slice %arg2[%dma_start3A_90, %dma_start3A_91] : memref<2600000x32xf32, #tpu.memory_space<hbm>> -> memref<2600000x32xf32, #tpu.memory_space<hbm>>
    tpu.enqueue_indirect_dma source(%dma_start3A_92 : memref<2600000x32xf32, #tpu.memory_space<hbm>>) target(%dma_start3A_87 : memref<128x32xf32, #tpu.memory_space<vmem>>) offsets(%dma_start3A_89 : memref<128xi32, #tpu.memory_space<vmem>>) semaphore(%arg11 : memref<!tpu.dma_semaphore, #tpu.memory_space<semaphore_mem>>)
    %dma_start3A_93 = arith.constant 256 : i32
    %dma_start3A_94 = arith.constant 0 : i32
    %dma_start3A_95 = tpu.memref_slice %arg9[%dma_start3A_93, %dma_start3A_94] : memref<1024x32xf32, #tpu.memory_space<vmem>> -> memref<128x32xf32, #tpu.memory_space<vmem>>
    %dma_start3A_96 = arith.constant 1280 : i32
    %dma_start3A_97 = tpu.memref_slice %arg6[%dma_start3A_96] : memref<13312xi32, #tpu.memory_space<vmem>> -> memref<128xi32, #tpu.memory_space<vmem>>
    %dma_start3A_98 = arith.constant 0 : i32
    %dma_start3A_99 = arith.constant 0 : i32
    %dma_start3A_100 = tpu.memref_slice %arg2[%dma_start3A_98, %dma_start3A_99] : memref<2600000x32xf32, #tpu.memory_space<hbm>> -> memref<2600000x32xf32, #tpu.memory_space<hbm>>
    tpu.enqueue_indirect_dma source(%dma_start3A_100 : memref<2600000x32xf32, #tpu.memory_space<hbm>>) target(%dma_start3A_95 : memref<128x32xf32, #tpu.memory_space<vmem>>) offsets(%dma_start3A_97 : memref<128xi32, #tpu.memory_space<vmem>>) semaphore(%arg11 : memref<!tpu.dma_semaphore, #tpu.memory_space<semaphore_mem>>)
    %dma_start3A_101 = arith.constant 384 : i32
    %dma_start3A_102 = arith.constant 0 : i32
    %dma_start3A_103 = tpu.memref_slice %arg9[%dma_start3A_101, %dma_start3A_102] : memref<1024x32xf32, #tpu.memory_space<vmem>> -> memref<128x32xf32, #tpu.memory_space<vmem>>
    %dma_start3A_104 = arith.constant 1408 : i32
    %dma_start3A_105 = tpu.memref_slice %arg6[%dma_start3A_104] : memref<13312xi32, #tpu.memory_space<vmem>> -> memref<128xi32, #tpu.memory_space<vmem>>
    %dma_start3A_106 = arith.constant 0 : i32
    %dma_start3A_107 = arith.constant 0 : i32
    %dma_start3A_108 = tpu.memref_slice %arg2[%dma_start3A_106, %dma_start3A_107] : memref<2600000x32xf32, #tpu.memory_space<hbm>> -> memref<2600000x32xf32, #tpu.memory_space<hbm>>
    tpu.enqueue_indirect_dma source(%dma_start3A_108 : memref<2600000x32xf32, #tpu.memory_space<hbm>>) target(%dma_start3A_103 : memref<128x32xf32, #tpu.memory_space<vmem>>) offsets(%dma_start3A_105 : memref<128xi32, #tpu.memory_space<vmem>>) semaphore(%arg11 : memref<!tpu.dma_semaphore, #tpu.memory_space<semaphore_mem>>)
    %dma_start3A_109 = arith.constant 512 : i32
    %dma_start3A_110 = arith.constant 0 : i32
    %dma_start3A_111 = tpu.memref_slice %arg9[%dma_start3A_109, %dma_start3A_110] : memref<1024x32xf32, #tpu.memory_space<vmem>> -> memref<128x32xf32, #tpu.memory_space<vmem>>
    %dma_start3A_112 = arith.constant 1536 : i32
    %dma_start3A_113 = tpu.memref_slice %arg6[%dma_start3A_112] : memref<13312xi32, #tpu.memory_space<vmem>> -> memref<128xi32, #tpu.memory_space<vmem>>
    %dma_start3A_114 = arith.constant 0 : i32
    %dma_start3A_115 = arith.constant 0 : i32
    %dma_start3A_116 = tpu.memref_slice %arg2[%dma_start3A_114, %dma_start3A_115] : memref<2600000x32xf32, #tpu.memory_space<hbm>> -> memref<2600000x32xf32, #tpu.memory_space<hbm>>
    tpu.enqueue_indirect_dma source(%dma_start3A_116 : memref<2600000x32xf32, #tpu.memory_space<hbm>>) target(%dma_start3A_111 : memref<128x32xf32, #tpu.memory_space<vmem>>) offsets(%dma_start3A_113 : memref<128xi32, #tpu.memory_space<vmem>>) semaphore(%arg11 : memref<!tpu.dma_semaphore, #tpu.memory_space<semaphore_mem>>)
    %dma_start3A_117 = arith.constant 640 : i32
    %dma_start3A_118 = arith.constant 0 : i32
    %dma_start3A_119 = tpu.memref_slice %arg9[%dma_start3A_117, %dma_start3A_118] : memref<1024x32xf32, #tpu.memory_space<vmem>> -> memref<128x32xf32, #tpu.memory_space<vmem>>
    %dma_start3A_120 = arith.constant 1664 : i32
    %dma_start3A_121 = tpu.memref_slice %arg6[%dma_start3A_120] : memref<13312xi32, #tpu.memory_space<vmem>> -> memref<128xi32, #tpu.memory_space<vmem>>
    %dma_start3A_122 = arith.constant 0 : i32
    %dma_start3A_123 = arith.constant 0 : i32
    %dma_start3A_124 = tpu.memref_slice %arg2[%dma_start3A_122, %dma_start3A_123] : memref<2600000x32xf32, #tpu.memory_space<hbm>> -> memref<2600000x32xf32, #tpu.memory_space<hbm>>
    tpu.enqueue_indirect_dma source(%dma_start3A_124 : memref<2600000x32xf32, #tpu.memory_space<hbm>>) target(%dma_start3A_119 : memref<128x32xf32, #tpu.memory_space<vmem>>) offsets(%dma_start3A_121 : memref<128xi32, #tpu.memory_space<vmem>>) semaphore(%arg11 : memref<!tpu.dma_semaphore, #tpu.memory_space<semaphore_mem>>)
    %dma_start3A_125 = arith.constant 768 : i32
    %dma_start3A_126 = arith.constant 0 : i32
    %dma_start3A_127 = tpu.memref_slice %arg9[%dma_start3A_125, %dma_start3A_126] : memref<1024x32xf32, #tpu.memory_space<vmem>> -> memref<128x32xf32, #tpu.memory_space<vmem>>
    %dma_start3A_128 = arith.constant 1792 : i32
    %dma_start3A_129 = tpu.memref_slice %arg6[%dma_start3A_128] : memref<13312xi32, #tpu.memory_space<vmem>> -> memref<128xi32, #tpu.memory_space<vmem>>
    %dma_start3A_130 = arith.constant 0 : i32
    %dma_start3A_131 = arith.constant 0 : i32
    %dma_start3A_132 = tpu.memref_slice %arg2[%dma_start3A_130, %dma_start3A_131] : memref<2600000x32xf32, #tpu.memory_space<hbm>> -> memref<2600000x32xf32, #tpu.memory_space<hbm>>
    tpu.enqueue_indirect_dma source(%dma_start3A_132 : memref<2600000x32xf32, #tpu.memory_space<hbm>>) target(%dma_start3A_127 : memref<128x32xf32, #tpu.memory_space<vmem>>) offsets(%dma_start3A_129 : memref<128xi32, #tpu.memory_space<vmem>>) semaphore(%arg11 : memref<!tpu.dma_semaphore, #tpu.memory_space<semaphore_mem>>)
    %dma_start3A_133 = arith.constant 896 : i32
    %dma_start3A_134 = arith.constant 0 : i32
    %dma_start3A_135 = tpu.memref_slice %arg9[%dma_start3A_133, %dma_start3A_134] : memref<1024x32xf32, #tpu.memory_space<vmem>> -> memref<128x32xf32, #tpu.memory_space<vmem>>
    %dma_start3A_136 = arith.constant 1920 : i32
    %dma_start3A_137 = tpu.memref_slice %arg6[%dma_start3A_136] : memref<13312xi32, #tpu.memory_space<vmem>> -> memref<128xi32, #tpu.memory_space<vmem>>
    %dma_start3A_138 = arith.constant 0 : i32
    %dma_start3A_139 = arith.constant 0 : i32
    %dma_start3A_140 = tpu.memref_slice %arg2[%dma_start3A_138, %dma_start3A_139] : memref<2600000x32xf32, #tpu.memory_space<hbm>> -> memref<2600000x32xf32, #tpu.memory_space<hbm>>
    tpu.enqueue_indirect_dma source(%dma_start3A_140 : memref<2600000x32xf32, #tpu.memory_space<hbm>>) target(%dma_start3A_135 : memref<128x32xf32, #tpu.memory_space<vmem>>) offsets(%dma_start3A_137 : memref<128xi32, #tpu.memory_space<vmem>>) semaphore(%arg11 : memref<!tpu.dma_semaphore, #tpu.memory_space<semaphore_mem>>)
    %dma_wait3A = arith.constant 0 : i32
    %dma_wait3A_141 = arith.constant 0 : i32
    %dma_wait3A_142 = tpu.memref_slice %arg8[%dma_wait3A, %dma_wait3A_141] : memref<1024x32xf32, #tpu.memory_space<vmem>> -> memref<128x32xf32, #tpu.memory_space<vmem>>
    %dma_wait3A_143 = arith.constant 0 : i32
    %dma_wait3A_144 = tpu.memref_slice %arg6[%dma_wait3A_143] : memref<13312xi32, #tpu.memory_space<vmem>> -> memref<128xi32, #tpu.memory_space<vmem>>
    %dma_wait3A_145 = arith.constant 0 : i32
    %dma_wait3A_146 = arith.constant 0 : i32
    %dma_wait3A_147 = tpu.memref_slice %arg2[%dma_wait3A_145, %dma_wait3A_146] : memref<2600000x32xf32, #tpu.memory_space<hbm>> -> memref<2600000x32xf32, #tpu.memory_space<hbm>>
    tpu.wait_indirect_dma semaphore(%arg10 : memref<!tpu.dma_semaphore, #tpu.memory_space<semaphore_mem>>) src(%dma_wait3A_147 : memref<2600000x32xf32, #tpu.memory_space<hbm>>) dst(%dma_wait3A_142 : memref<128x32xf32, #tpu.memory_space<vmem>>)
    %dma_wait3A_148 = arith.constant 128 : i32
    %dma_wait3A_149 = arith.constant 0 : i32
    %dma_wait3A_150 = tpu.memref_slice %arg8[%dma_wait3A_148, %dma_wait3A_149] : memref<1024x32xf32, #tpu.memory_space<vmem>> -> memref<128x32xf32, #tpu.memory_space<vmem>>
    %dma_wait3A_151 = arith.constant 128 : i32
    %dma_wait3A_152 = tpu.memref_slice %arg6[%dma_wait3A_151] : memref<13312xi32, #tpu.memory_space<vmem>> -> memref<128xi32, #tpu.memory_space<vmem>>
    %dma_wait3A_153 = arith.constant 0 : i32
    %dma_wait3A_154 = arith.constant 0 : i32
    %dma_wait3A_155 = tpu.memref_slice %arg2[%dma_wait3A_153, %dma_wait3A_154] : memref<2600000x32xf32, #tpu.memory_space<hbm>> -> memref<2600000x32xf32, #tpu.memory_space<hbm>>
    tpu.wait_indirect_dma semaphore(%arg10 : memref<!tpu.dma_semaphore, #tpu.memory_space<semaphore_mem>>) src(%dma_wait3A_155 : memref<2600000x32xf32, #tpu.memory_space<hbm>>) dst(%dma_wait3A_150 : memref<128x32xf32, #tpu.memory_space<vmem>>)
    %dma_wait3A_156 = arith.constant 256 : i32
    %dma_wait3A_157 = arith.constant 0 : i32
    %dma_wait3A_158 = tpu.memref_slice %arg8[%dma_wait3A_156, %dma_wait3A_157] : memref<1024x32xf32, #tpu.memory_space<vmem>> -> memref<128x32xf32, #tpu.memory_space<vmem>>
    %dma_wait3A_159 = arith.constant 256 : i32
    %dma_wait3A_160 = tpu.memref_slice %arg6[%dma_wait3A_159] : memref<13312xi32, #tpu.memory_space<vmem>> -> memref<128xi32, #tpu.memory_space<vmem>>
    %dma_wait3A_161 = arith.constant 0 : i32
    %dma_wait3A_162 = arith.constant 0 : i32
    %dma_wait3A_163 = tpu.memref_slice %arg2[%dma_wait3A_161, %dma_wait3A_162] : memref<2600000x32xf32, #tpu.memory_space<hbm>> -> memref<2600000x32xf32, #tpu.memory_space<hbm>>
    tpu.wait_indirect_dma semaphore(%arg10 : memref<!tpu.dma_semaphore, #tpu.memory_space<semaphore_mem>>) src(%dma_wait3A_163 : memref<2600000x32xf32, #tpu.memory_space<hbm>>) dst(%dma_wait3A_158 : memref<128x32xf32, #tpu.memory_space<vmem>>)
    %dma_wait3A_164 = arith.constant 384 : i32
    %dma_wait3A_165 = arith.constant 0 : i32
    %dma_wait3A_166 = tpu.memref_slice %arg8[%dma_wait3A_164, %dma_wait3A_165] : memref<1024x32xf32, #tpu.memory_space<vmem>> -> memref<128x32xf32, #tpu.memory_space<vmem>>
    %dma_wait3A_167 = arith.constant 384 : i32
    %dma_wait3A_168 = tpu.memref_slice %arg6[%dma_wait3A_167] : memref<13312xi32, #tpu.memory_space<vmem>> -> memref<128xi32, #tpu.memory_space<vmem>>
    %dma_wait3A_169 = arith.constant 0 : i32
    %dma_wait3A_170 = arith.constant 0 : i32
    %dma_wait3A_171 = tpu.memref_slice %arg2[%dma_wait3A_169, %dma_wait3A_170] : memref<2600000x32xf32, #tpu.memory_space<hbm>> -> memref<2600000x32xf32, #tpu.memory_space<hbm>>
    tpu.wait_indirect_dma semaphore(%arg10 : memref<!tpu.dma_semaphore, #tpu.memory_space<semaphore_mem>>) src(%dma_wait3A_171 : memref<2600000x32xf32, #tpu.memory_space<hbm>>) dst(%dma_wait3A_166 : memref<128x32xf32, #tpu.memory_space<vmem>>)
    %dma_wait3A_172 = arith.constant 512 : i32
    %dma_wait3A_173 = arith.constant 0 : i32
    %dma_wait3A_174 = tpu.memref_slice %arg8[%dma_wait3A_172, %dma_wait3A_173] : memref<1024x32xf32, #tpu.memory_space<vmem>> -> memref<128x32xf32, #tpu.memory_space<vmem>>
    %dma_wait3A_175 = arith.constant 512 : i32
    %dma_wait3A_176 = tpu.memref_slice %arg6[%dma_wait3A_175] : memref<13312xi32, #tpu.memory_space<vmem>> -> memref<128xi32, #tpu.memory_space<vmem>>
    %dma_wait3A_177 = arith.constant 0 : i32
    %dma_wait3A_178 = arith.constant 0 : i32
    %dma_wait3A_179 = tpu.memref_slice %arg2[%dma_wait3A_177, %dma_wait3A_178] : memref<2600000x32xf32, #tpu.memory_space<hbm>> -> memref<2600000x32xf32, #tpu.memory_space<hbm>>
    tpu.wait_indirect_dma semaphore(%arg10 : memref<!tpu.dma_semaphore, #tpu.memory_space<semaphore_mem>>) src(%dma_wait3A_179 : memref<2600000x32xf32, #tpu.memory_space<hbm>>) dst(%dma_wait3A_174 : memref<128x32xf32, #tpu.memory_space<vmem>>)
    %dma_wait3A_180 = arith.constant 640 : i32
    %dma_wait3A_181 = arith.constant 0 : i32
    %dma_wait3A_182 = tpu.memref_slice %arg8[%dma_wait3A_180, %dma_wait3A_181] : memref<1024x32xf32, #tpu.memory_space<vmem>> -> memref<128x32xf32, #tpu.memory_space<vmem>>
    %dma_wait3A_183 = arith.constant 640 : i32
    %dma_wait3A_184 = tpu.memref_slice %arg6[%dma_wait3A_183] : memref<13312xi32, #tpu.memory_space<vmem>> -> memref<128xi32, #tpu.memory_space<vmem>>
    %dma_wait3A_185 = arith.constant 0 : i32
    %dma_wait3A_186 = arith.constant 0 : i32
    %dma_wait3A_187 = tpu.memref_slice %arg2[%dma_wait3A_185, %dma_wait3A_186] : memref<2600000x32xf32, #tpu.memory_space<hbm>> -> memref<2600000x32xf32, #tpu.memory_space<hbm>>
    tpu.wait_indirect_dma semaphore(%arg10 : memref<!tpu.dma_semaphore, #tpu.memory_space<semaphore_mem>>) src(%dma_wait3A_187 : memref<2600000x32xf32, #tpu.memory_space<hbm>>) dst(%dma_wait3A_182 : memref<128x32xf32, #tpu.memory_space<vmem>>)
    %dma_wait3A_188 = arith.constant 768 : i32
    %dma_wait3A_189 = arith.constant 0 : i32
    %dma_wait3A_190 = tpu.memref_slice %arg8[%dma_wait3A_188, %dma_wait3A_189] : memref<1024x32xf32, #tpu.memory_space<vmem>> -> memref<128x32xf32, #tpu.memory_space<vmem>>
    %dma_wait3A_191 = arith.constant 768 : i32
    %dma_wait3A_192 = tpu.memref_slice %arg6[%dma_wait3A_191] : memref<13312xi32, #tpu.memory_space<vmem>> -> memref<128xi32, #tpu.memory_space<vmem>>
    %dma_wait3A_193 = arith.constant 0 : i32
    %dma_wait3A_194 = arith.constant 0 : i32
    %dma_wait3A_195 = tpu.memref_slice %arg2[%dma_wait3A_193, %dma_wait3A_194] : memref<2600000x32xf32, #tpu.memory_space<hbm>> -> memref<2600000x32xf32, #tpu.memory_space<hbm>>
    tpu.wait_indirect_dma semaphore(%arg10 : memref<!tpu.dma_semaphore, #tpu.memory_space<semaphore_mem>>) src(%dma_wait3A_195 : memref<2600000x32xf32, #tpu.memory_space<hbm>>) dst(%dma_wait3A_190 : memref<128x32xf32, #tpu.memory_space<vmem>>)
    %dma_wait3A_196 = arith.constant 896 : i32
    %dma_wait3A_197 = arith.constant 0 : i32
    %dma_wait3A_198 = tpu.memref_slice %arg8[%dma_wait3A_196, %dma_wait3A_197] : memref<1024x32xf32, #tpu.memory_space<vmem>> -> memref<128x32xf32, #tpu.memory_space<vmem>>
    %dma_wait3A_199 = arith.constant 896 : i32
    %dma_wait3A_200 = tpu.memref_slice %arg6[%dma_wait3A_199] : memref<13312xi32, #tpu.memory_space<vmem>> -> memref<128xi32, #tpu.memory_space<vmem>>
    %dma_wait3A_201 = arith.constant 0 : i32
    %dma_wait3A_202 = arith.constant 0 : i32
    %dma_wait3A_203 = tpu.memref_slice %arg2[%dma_wait3A_201, %dma_wait3A_202] : memref<2600000x32xf32, #tpu.memory_space<hbm>> -> memref<2600000x32xf32, #tpu.memory_space<hbm>>
    tpu.wait_indirect_dma semaphore(%arg10 : memref<!tpu.dma_semaphore, #tpu.memory_space<semaphore_mem>>) src(%dma_wait3A_203 : memref<2600000x32xf32, #tpu.memory_space<hbm>>) dst(%dma_wait3A_198 : memref<128x32xf32, #tpu.memory_space<vmem>>)
    %add3A_204 = arith.constant 0 : i32
    %add3A_205 = arith.addi %mul3A_2, %add3A_204 : i32
    %dma_start3A_206 = arith.constant 0 : i32
    %dma_start3A_207 = tpu.memref_slice %arg5[%add3A_205, %dma_start3A_206] : memref<425984x32xf32, #tpu.memory_space<hbm>> -> memref<1024x32xf32, #tpu.memory_space<hbm>>
    %dma_start3A_208 = arith.constant 0 : i32
    %dma_start3A_209 = tpu.memref_slice %arg5[%add3A_205, %dma_start3A_208] : memref<425984x32xf32, #tpu.memory_space<hbm>> -> memref<1024x32xf32, #tpu.memory_space<hbm>>
    tpu.enqueue_dma source(%arg8 : memref<1024x32xf32, #tpu.memory_space<vmem>>) target(%dma_start3A_209 : memref<1024x32xf32, #tpu.memory_space<hbm>>) target_semaphore(%arg12 : memref<!tpu.dma_semaphore, #tpu.memory_space<semaphore_mem>>)
    %scan3A_210 = arith.constant 0 : i32
    %scan3A_211 = arith.constant 0 : i32
    %scan3A_212 = arith.constant 64 : i32
    %scan3A_213 = arith.addi %scan3A_211, %scan3A_212 : i32
    %scan3A_214 = arith.constant 1 : i32
    scf.for %scan3A_1872 = %scan3A_211 to %scan3A_213 step %scan3A_214  : i32 {
      %add3A_1873 = arith.constant 128 : i32
      %add3A_1874 = arith.addi %add3A_1873, %scan3A_1872 : i32
      %mul3A_1875 = arith.constant 16 : i32
      %mul3A_1876 = arith.muli %add3A_1874, %mul3A_1875 : i32
      %jit3A = arith.constant 104 : i32
      %eq3A = arith.constant 0 : i32
      %eq3A_1877 = arith.cmpi eq, %jit3A, %eq3A : i32
      %jit3A_1878 = arith.constant 1 : i32
      %select_n3A = arith.select %eq3A_1877, %jit3A_1878, %jit3A : i32
      %rem3A = arith.remsi %add3A_1874, %select_n3A : i32
      %ne3A = arith.constant 0 : i32
      %ne3A_1879 = arith.cmpi ne, %rem3A, %ne3A : i32
      %lt3A = arith.constant 0 : i32
      %lt3A_1880 = arith.cmpi slt, %rem3A, %lt3A : i32
      %lt3A_1881 = arith.constant 0 : i32
      %lt3A_1882 = arith.cmpi slt, %select_n3A, %lt3A_1881 : i32
      %ne3A_1883 = arith.xori %lt3A_1880, %lt3A_1882 : i1
      %and3A = arith.andi %ne3A_1883, %ne3A_1879 : i1
      %add3A_1884 = arith.addi %rem3A, %select_n3A : i32
      %select_n3A_1885 = arith.select %and3A, %add3A_1884, %rem3A : i32
      %mul3A_1886 = arith.constant 16 : i32
      %mul3A_1887 = arith.muli %select_n3A_1885, %mul3A_1886 : i32
      %get3A = arith.index_cast %mul3A_1876 : i32 to index
      %get3A_1888 = tpu.vector_load %arg6[%get3A] {strides = array<i32>} : memref<13312xi32, #tpu.memory_space<vmem>>, vector<16xi32>,
      %get3A_1889 = vector.shape_cast %get3A_1888 : vector<16xi32> to vector<16xi32>
      %get3A_1890 = arith.index_cast %mul3A_1887 : i32 to index
      %get3A_1891 = tpu.vector_load %arg7[%get3A_1890] {strides = array<i32>} : memref<1664xi32, #tpu.memory_space<vmem>>, vector<16xi32>,
      %get3A_1892 = vector.shape_cast %get3A_1891 : vector<16xi32> to vector<16xi32>
      %add3A_1893 = arith.addi %get3A_1889, %get3A_1892 : vector<16xi32>
      %swap3A = arith.index_cast %mul3A_1876 : i32 to index
      %swap3A_1894 = tpu.vector_load %arg6[%swap3A] {strides = array<i32>} : memref<13312xi32, #tpu.memory_space<vmem>>, vector<16xi32>,
      %swap3A_1895 = vector.shape_cast %swap3A_1894 : vector<16xi32> to vector<16xi32>
      %swap3A_1896 = vector.shape_cast %add3A_1893 : vector<16xi32> to vector<16xi32>
      tpu.vector_store %arg6[%swap3A], %swap3A_1896 {strides = array<i32>} : memref<13312xi32, #tpu.memory_space<vmem>>, vector<16xi32>,
    }
    %scan3A_215 = arith.constant 64 : i32
    %dma_wait3A_216 = arith.constant 0 : i32
    %dma_wait3A_217 = tpu.memref_slice %arg5[%add3A_205, %dma_wait3A_216] : memref<425984x32xf32, #tpu.memory_space<hbm>> -> memref<1024x32xf32, #tpu.memory_space<hbm>>
    %dma_wait3A_218 = arith.constant 0 : i32
    %dma_wait3A_219 = tpu.memref_slice %arg5[%add3A_205, %dma_wait3A_218] : memref<425984x32xf32, #tpu.memory_space<hbm>> -> memref<1024x32xf32, #tpu.memory_space<hbm>>
    tpu.wait_dma2 semaphore(%arg12 : memref<!tpu.dma_semaphore, #tpu.memory_space<semaphore_mem>>) src(%arg8 : memref<1024x32xf32, #tpu.memory_space<vmem>>) dst(%dma_wait3A_219 : memref<1024x32xf32, #tpu.memory_space<hbm>>)
    %dma_start3A_220 = arith.constant 0 : i32
    %dma_start3A_221 = arith.constant 0 : i32
    %dma_start3A_222 = tpu.memref_slice %arg8[%dma_start3A_220, %dma_start3A_221] : memref<1024x32xf32, #tpu.memory_space<vmem>> -> memref<128x32xf32, #tpu.memory_space<vmem>>
    %dma_start3A_223 = arith.constant 2048 : i32
    %dma_start3A_224 = tpu.memref_slice %arg6[%dma_start3A_223] : memref<13312xi32, #tpu.memory_space<vmem>> -> memref<128xi32, #tpu.memory_space<vmem>>
    %dma_start3A_225 = arith.constant 0 : i32
    %dma_start3A_226 = arith.constant 0 : i32
    %dma_start3A_227 = tpu.memref_slice %arg2[%dma_start3A_225, %dma_start3A_226] : memref<2600000x32xf32, #tpu.memory_space<hbm>> -> memref<2600000x32xf32, #tpu.memory_space<hbm>>
    tpu.enqueue_indirect_dma source(%dma_start3A_227 : memref<2600000x32xf32, #tpu.memory_space<hbm>>) target(%dma_start3A_222 : memref<128x32xf32, #tpu.memory_space<vmem>>) offsets(%dma_start3A_224 : memref<128xi32, #tpu.memory_space<vmem>>) semaphore(%arg10 : memref<!tpu.dma_semaphore, #tpu.memory_space<semaphore_mem>>)
    %dma_start3A_228 = arith.constant 128 : i32
    %dma_start3A_229 = arith.constant 0 : i32
    %dma_start3A_230 = tpu.memref_slice %arg8[%dma_start3A_228, %dma_start3A_229] : memref<1024x32xf32, #tpu.memory_space<vmem>> -> memref<128x32xf32, #tpu.memory_space<vmem>>
    %dma_start3A_231 = arith.constant 2176 : i32
    %dma_start3A_232 = tpu.memref_slice %arg6[%dma_start3A_231] : memref<13312xi32, #tpu.memory_space<vmem>> -> memref<128xi32, #tpu.memory_space<vmem>>
    %dma_start3A_233 = arith.constant 0 : i32
    %dma_start3A_234 = arith.constant 0 : i32
    %dma_start3A_235 = tpu.memref_slice %arg2[%dma_start3A_233, %dma_start3A_234] : memref<2600000x32xf32, #tpu.memory_space<hbm>> -> memref<2600000x32xf32, #tpu.memory_space<hbm>>
    tpu.enqueue_indirect_dma source(%dma_start3A_235 : memref<2600000x32xf32, #tpu.memory_space<hbm>>) target(%dma_start3A_230 : memref<128x32xf32, #tpu.memory_space<vmem>>) offsets(%dma_start3A_232 : memref<128xi32, #tpu.memory_space<vmem>>) semaphore(%arg10 : memref<!tpu.dma_semaphore, #tpu.memory_space<semaphore_mem>>)
    %dma_start3A_236 = arith.constant 256 : i32
    %dma_start3A_237 = arith.constant 0 : i32
    %dma_start3A_238 = tpu.memref_slice %arg8[%dma_start3A_236, %dma_start3A_237] : memref<1024x32xf32, #tpu.memory_space<vmem>> -> memref<128x32xf32, #tpu.memory_space<vmem>>
    %dma_start3A_239 = arith.constant 2304 : i32
    %dma_start3A_240 = tpu.memref_slice %arg6[%dma_start3A_239] : memref<13312xi32, #tpu.memory_space<vmem>> -> memref<128xi32, #tpu.memory_space<vmem>>
    %dma_start3A_241 = arith.constant 0 : i32
    %dma_start3A_242 = arith.constant 0 : i32
    %dma_start3A_243 = tpu.memref_slice %arg2[%dma_start3A_241, %dma_start3A_242] : memref<2600000x32xf32, #tpu.memory_space<hbm>> -> memref<2600000x32xf32, #tpu.memory_space<hbm>>
    tpu.enqueue_indirect_dma source(%dma_start3A_243 : memref<2600000x32xf32, #tpu.memory_space<hbm>>) target(%dma_start3A_238 : memref<128x32xf32, #tpu.memory_space<vmem>>) offsets(%dma_start3A_240 : memref<128xi32, #tpu.memory_space<vmem>>) semaphore(%arg10 : memref<!tpu.dma_semaphore, #tpu.memory_space<semaphore_mem>>)
    %dma_start3A_244 = arith.constant 384 : i32
    %dma_start3A_245 = arith.constant 0 : i32
    %dma_start3A_246 = tpu.memref_slice %arg8[%dma_start3A_244, %dma_start3A_245] : memref<1024x32xf32, #tpu.memory_space<vmem>> -> memref<128x32xf32, #tpu.memory_space<vmem>>
    %dma_start3A_247 = arith.constant 2432 : i32
    %dma_start3A_248 = tpu.memref_slice %arg6[%dma_start3A_247] : memref<13312xi32, #tpu.memory_space<vmem>> -> memref<128xi32, #tpu.memory_space<vmem>>
    %dma_start3A_249 = arith.constant 0 : i32
    %dma_start3A_250 = arith.constant 0 : i32
    %dma_start3A_251 = tpu.memref_slice %arg2[%dma_start3A_249, %dma_start3A_250] : memref<2600000x32xf32, #tpu.memory_space<hbm>> -> memref<2600000x32xf32, #tpu.memory_space<hbm>>
    tpu.enqueue_indirect_dma source(%dma_start3A_251 : memref<2600000x32xf32, #tpu.memory_space<hbm>>) target(%dma_start3A_246 : memref<128x32xf32, #tpu.memory_space<vmem>>) offsets(%dma_start3A_248 : memref<128xi32, #tpu.memory_space<vmem>>) semaphore(%arg10 : memref<!tpu.dma_semaphore, #tpu.memory_space<semaphore_mem>>)
    %dma_start3A_252 = arith.constant 512 : i32
    %dma_start3A_253 = arith.constant 0 : i32
    %dma_start3A_254 = tpu.memref_slice %arg8[%dma_start3A_252, %dma_start3A_253] : memref<1024x32xf32, #tpu.memory_space<vmem>> -> memref<128x32xf32, #tpu.memory_space<vmem>>
    %dma_start3A_255 = arith.constant 2560 : i32
    %dma_start3A_256 = tpu.memref_slice %arg6[%dma_start3A_255] : memref<13312xi32, #tpu.memory_space<vmem>> -> memref<128xi32, #tpu.memory_space<vmem>>
    %dma_start3A_257 = arith.constant 0 : i32
    %dma_start3A_258 = arith.constant 0 : i32
    %dma_start3A_259 = tpu.memref_slice %arg2[%dma_start3A_257, %dma_start3A_258] : memref<2600000x32xf32, #tpu.memory_space<hbm>> -> memref<2600000x32xf32, #tpu.memory_space<hbm>>
    tpu.enqueue_indirect_dma source(%dma_start3A_259 : memref<2600000x32xf32, #tpu.memory_space<hbm>>) target(%dma_start3A_254 : memref<128x32xf32, #tpu.memory_space<vmem>>) offsets(%dma_start3A_256 : memref<128xi32, #tpu.memory_space<vmem>>) semaphore(%arg10 : memref<!tpu.dma_semaphore, #tpu.memory_space<semaphore_mem>>)
    %dma_start3A_260 = arith.constant 640 : i32
    %dma_start3A_261 = arith.constant 0 : i32
    %dma_start3A_262 = tpu.memref_slice %arg8[%dma_start3A_260, %dma_start3A_261] : memref<1024x32xf32, #tpu.memory_space<vmem>> -> memref<128x32xf32, #tpu.memory_space<vmem>>
    %dma_start3A_263 = arith.constant 2688 : i32
    %dma_start3A_264 = tpu.memref_slice %arg6[%dma_start3A_263] : memref<13312xi32, #tpu.memory_space<vmem>> -> memref<128xi32, #tpu.memory_space<vmem>>
    %dma_start3A_265 = arith.constant 0 : i32
    %dma_start3A_266 = arith.constant 0 : i32
    %dma_start3A_267 = tpu.memref_slice %arg2[%dma_start3A_265, %dma_start3A_266] : memref<2600000x32xf32, #tpu.memory_space<hbm>> -> memref<2600000x32xf32, #tpu.memory_space<hbm>>
    tpu.enqueue_indirect_dma source(%dma_start3A_267 : memref<2600000x32xf32, #tpu.memory_space<hbm>>) target(%dma_start3A_262 : memref<128x32xf32, #tpu.memory_space<vmem>>) offsets(%dma_start3A_264 : memref<128xi32, #tpu.memory_space<vmem>>) semaphore(%arg10 : memref<!tpu.dma_semaphore, #tpu.memory_space<semaphore_mem>>)
    %dma_start3A_268 = arith.constant 768 : i32
    %dma_start3A_269 = arith.constant 0 : i32
    %dma_start3A_270 = tpu.memref_slice %arg8[%dma_start3A_268, %dma_start3A_269] : memref<1024x32xf32, #tpu.memory_space<vmem>> -> memref<128x32xf32, #tpu.memory_space<vmem>>
    %dma_start3A_271 = arith.constant 2816 : i32
    %dma_start3A_272 = tpu.memref_slice %arg6[%dma_start3A_271] : memref<13312xi32, #tpu.memory_space<vmem>> -> memref<128xi32, #tpu.memory_space<vmem>>
    %dma_start3A_273 = arith.constant 0 : i32
    %dma_start3A_274 = arith.constant 0 : i32
    %dma_start3A_275 = tpu.memref_slice %arg2[%dma_start3A_273, %dma_start3A_274] : memref<2600000x32xf32, #tpu.memory_space<hbm>> -> memref<2600000x32xf32, #tpu.memory_space<hbm>>
    tpu.enqueue_indirect_dma source(%dma_start3A_275 : memref<2600000x32xf32, #tpu.memory_space<hbm>>) target(%dma_start3A_270 : memref<128x32xf32, #tpu.memory_space<vmem>>) offsets(%dma_start3A_272 : memref<128xi32, #tpu.memory_space<vmem>>) semaphore(%arg10 : memref<!tpu.dma_semaphore, #tpu.memory_space<semaphore_mem>>)
    %dma_start3A_276 = arith.constant 896 : i32
    %dma_start3A_277 = arith.constant 0 : i32
    %dma_start3A_278 = tpu.memref_slice %arg8[%dma_start3A_276, %dma_start3A_277] : memref<1024x32xf32, #tpu.memory_space<vmem>> -> memref<128x32xf32, #tpu.memory_space<vmem>>
    %dma_start3A_279 = arith.constant 2944 : i32
    %dma_start3A_280 = tpu.memref_slice %arg6[%dma_start3A_279] : memref<13312xi32, #tpu.memory_space<vmem>> -> memref<128xi32, #tpu.memory_space<vmem>>
    %dma_start3A_281 = arith.constant 0 : i32
    %dma_start3A_282 = arith.constant 0 : i32
    %dma_start3A_283 = tpu.memref_slice %arg2[%dma_start3A_281, %dma_start3A_282] : memref<2600000x32xf32, #tpu.memory_space<hbm>> -> memref<2600000x32xf32, #tpu.memory_space<hbm>>
    tpu.enqueue_indirect_dma source(%dma_start3A_283 : memref<2600000x32xf32, #tpu.memory_space<hbm>>) target(%dma_start3A_278 : memref<128x32xf32, #tpu.memory_space<vmem>>) offsets(%dma_start3A_280 : memref<128xi32, #tpu.memory_space<vmem>>) semaphore(%arg10 : memref<!tpu.dma_semaphore, #tpu.memory_space<semaphore_mem>>)
    %dma_wait3A_284 = arith.constant 0 : i32
    %dma_wait3A_285 = arith.constant 0 : i32
    %dma_wait3A_286 = tpu.memref_slice %arg9[%dma_wait3A_284, %dma_wait3A_285] : memref<1024x32xf32, #tpu.memory_space<vmem>> -> memref<128x32xf32, #tpu.memory_space<vmem>>
    %dma_wait3A_287 = arith.constant 1024 : i32
    %dma_wait3A_288 = tpu.memref_slice %arg6[%dma_wait3A_287] : memref<13312xi32, #tpu.memory_space<vmem>> -> memref<128xi32, #tpu.memory_space<vmem>>
    %dma_wait3A_289 = arith.constant 0 : i32
    %dma_wait3A_290 = arith.constant 0 : i32
    %dma_wait3A_291 = tpu.memref_slice %arg2[%dma_wait3A_289, %dma_wait3A_290] : memref<2600000x32xf32, #tpu.memory_space<hbm>> -> memref<2600000x32xf32, #tpu.memory_space<hbm>>
    tpu.wait_indirect_dma semaphore(%arg11 : memref<!tpu.dma_semaphore, #tpu.memory_space<semaphore_mem>>) src(%dma_wait3A_291 : memref<2600000x32xf32, #tpu.memory_space<hbm>>) dst(%dma_wait3A_286 : memref<128x32xf32, #tpu.memory_space<vmem>>)
    %dma_wait3A_292 = arith.constant 128 : i32
    %dma_wait3A_293 = arith.constant 0 : i32
    %dma_wait3A_294 = tpu.memref_slice %arg9[%dma_wait3A_292, %dma_wait3A_293] : memref<1024x32xf32, #tpu.memory_space<vmem>> -> memref<128x32xf32, #tpu.memory_space<vmem>>
    %dma_wait3A_295 = arith.constant 1152 : i32
    %dma_wait3A_296 = tpu.memref_slice %arg6[%dma_wait3A_295] : memref<13312xi32, #tpu.memory_space<vmem>> -> memref<128xi32, #tpu.memory_space<vmem>>
    %dma_wait3A_297 = arith.constant 0 : i32
    %dma_wait3A_298 = arith.constant 0 : i32
    %dma_wait3A_299 = tpu.memref_slice %arg2[%dma_wait3A_297, %dma_wait3A_298] : memref<2600000x32xf32, #tpu.memory_space<hbm>> -> memref<2600000x32xf32, #tpu.memory_space<hbm>>
    tpu.wait_indirect_dma semaphore(%arg11 : memref<!tpu.dma_semaphore, #tpu.memory_space<semaphore_mem>>) src(%dma_wait3A_299 : memref<2600000x32xf32, #tpu.memory_space<hbm>>) dst(%dma_wait3A_294 : memref<128x32xf32, #tpu.memory_space<vmem>>)
    %dma_wait3A_300 = arith.constant 256 : i32
    %dma_wait3A_301 = arith.constant 0 : i32
    %dma_wait3A_302 = tpu.memref_slice %arg9[%dma_wait3A_300, %dma_wait3A_301] : memref<1024x32xf32, #tpu.memory_space<vmem>> -> memref<128x32xf32, #tpu.memory_space<vmem>>
    %dma_wait3A_303 = arith.constant 1280 : i32
    %dma_wait3A_304 = tpu.memref_slice %arg6[%dma_wait3A_303] : memref<13312xi32, #tpu.memory_space<vmem>> -> memref<128xi32, #tpu.memory_space<vmem>>
    %dma_wait3A_305 = arith.constant 0 : i32
    %dma_wait3A_306 = arith.constant 0 : i32
    %dma_wait3A_307 = tpu.memref_slice %arg2[%dma_wait3A_305, %dma_wait3A_306] : memref<2600000x32xf32, #tpu.memory_space<hbm>> -> memref<2600000x32xf32, #tpu.memory_space<hbm>>
    tpu.wait_indirect_dma semaphore(%arg11 : memref<!tpu.dma_semaphore, #tpu.memory_space<semaphore_mem>>) src(%dma_wait3A_307 : memref<2600000x32xf32, #tpu.memory_space<hbm>>) dst(%dma_wait3A_302 : memref<128x32xf32, #tpu.memory_space<vmem>>)
    %dma_wait3A_308 = arith.constant 384 : i32
    %dma_wait3A_309 = arith.constant 0 : i32
    %dma_wait3A_310 = tpu.memref_slice %arg9[%dma_wait3A_308, %dma_wait3A_309] : memref<1024x32xf32, #tpu.memory_space<vmem>> -> memref<128x32xf32, #tpu.memory_space<vmem>>
    %dma_wait3A_311 = arith.constant 1408 : i32
    %dma_wait3A_312 = tpu.memref_slice %arg6[%dma_wait3A_311] : memref<13312xi32, #tpu.memory_space<vmem>> -> memref<128xi32, #tpu.memory_space<vmem>>
    %dma_wait3A_313 = arith.constant 0 : i32
    %dma_wait3A_314 = arith.constant 0 : i32
    %dma_wait3A_315 = tpu.memref_slice %arg2[%dma_wait3A_313, %dma_wait3A_314] : memref<2600000x32xf32, #tpu.memory_space<hbm>> -> memref<2600000x32xf32, #tpu.memory_space<hbm>>
    tpu.wait_indirect_dma semaphore(%arg11 : memref<!tpu.dma_semaphore, #tpu.memory_space<semaphore_mem>>) src(%dma_wait3A_315 : memref<2600000x32xf32, #tpu.memory_space<hbm>>) dst(%dma_wait3A_310 : memref<128x32xf32, #tpu.memory_space<vmem>>)
    %dma_wait3A_316 = arith.constant 512 : i32
    %dma_wait3A_317 = arith.constant 0 : i32
    %dma_wait3A_318 = tpu.memref_slice %arg9[%dma_wait3A_316, %dma_wait3A_317] : memref<1024x32xf32, #tpu.memory_space<vmem>> -> memref<128x32xf32, #tpu.memory_space<vmem>>
    %dma_wait3A_319 = arith.constant 1536 : i32
    %dma_wait3A_320 = tpu.memref_slice %arg6[%dma_wait3A_319] : memref<13312xi32, #tpu.memory_space<vmem>> -> memref<128xi32, #tpu.memory_space<vmem>>
    %dma_wait3A_321 = arith.constant 0 : i32
    %dma_wait3A_322 = arith.constant 0 : i32
    %dma_wait3A_323 = tpu.memref_slice %arg2[%dma_wait3A_321, %dma_wait3A_322] : memref<2600000x32xf32, #tpu.memory_space<hbm>> -> memref<2600000x32xf32, #tpu.memory_space<hbm>>
    tpu.wait_indirect_dma semaphore(%arg11 : memref<!tpu.dma_semaphore, #tpu.memory_space<semaphore_mem>>) src(%dma_wait3A_323 : memref<2600000x32xf32, #tpu.memory_space<hbm>>) dst(%dma_wait3A_318 : memref<128x32xf32, #tpu.memory_space<vmem>>)
    %dma_wait3A_324 = arith.constant 640 : i32
    %dma_wait3A_325 = arith.constant 0 : i32
    %dma_wait3A_326 = tpu.memref_slice %arg9[%dma_wait3A_324, %dma_wait3A_325] : memref<1024x32xf32, #tpu.memory_space<vmem>> -> memref<128x32xf32, #tpu.memory_space<vmem>>
    %dma_wait3A_327 = arith.constant 1664 : i32
    %dma_wait3A_328 = tpu.memref_slice %arg6[%dma_wait3A_327] : memref<13312xi32, #tpu.memory_space<vmem>> -> memref<128xi32, #tpu.memory_space<vmem>>
    %dma_wait3A_329 = arith.constant 0 : i32
    %dma_wait3A_330 = arith.constant 0 : i32
    %dma_wait3A_331 = tpu.memref_slice %arg2[%dma_wait3A_329, %dma_wait3A_330] : memref<2600000x32xf32, #tpu.memory_space<hbm>> -> memref<2600000x32xf32, #tpu.memory_space<hbm>>
    tpu.wait_indirect_dma semaphore(%arg11 : memref<!tpu.dma_semaphore, #tpu.memory_space<semaphore_mem>>) src(%dma_wait3A_331 : memref<2600000x32xf32, #tpu.memory_space<hbm>>) dst(%dma_wait3A_326 : memref<128x32xf32, #tpu.memory_space<vmem>>)
    %dma_wait3A_332 = arith.constant 768 : i32
    %dma_wait3A_333 = arith.constant 0 : i32
    %dma_wait3A_334 = tpu.memref_slice %arg9[%dma_wait3A_332, %dma_wait3A_333] : memref<1024x32xf32, #tpu.memory_space<vmem>> -> memref<128x32xf32, #tpu.memory_space<vmem>>
    %dma_wait3A_335 = arith.constant 1792 : i32
    %dma_wait3A_336 = tpu.memref_slice %arg6[%dma_wait3A_335] : memref<13312xi32, #tpu.memory_space<vmem>> -> memref<128xi32, #tpu.memory_space<vmem>>
    %dma_wait3A_337 = arith.constant 0 : i32
    %dma_wait3A_338 = arith.constant 0 : i32
    %dma_wait3A_339 = tpu.memref_slice %arg2[%dma_wait3A_337, %dma_wait3A_338] : memref<2600000x32xf32, #tpu.memory_space<hbm>> -> memref<2600000x32xf32, #tpu.memory_space<hbm>>
    tpu.wait_indirect_dma semaphore(%arg11 : memref<!tpu.dma_semaphore, #tpu.memory_space<semaphore_mem>>) src(%dma_wait3A_339 : memref<2600000x32xf32, #tpu.memory_space<hbm>>) dst(%dma_wait3A_334 : memref<128x32xf32, #tpu.memory_space<vmem>>)
    %dma_wait3A_340 = arith.constant 896 : i32
    %dma_wait3A_341 = arith.constant 0 : i32
    %dma_wait3A_342 = tpu.memref_slice %arg9[%dma_wait3A_340, %dma_wait3A_341] : memref<1024x32xf32, #tpu.memory_space<vmem>> -> memref<128x32xf32, #tpu.memory_space<vmem>>
    %dma_wait3A_343 = arith.constant 1920 : i32
    %dma_wait3A_344 = tpu.memref_slice %arg6[%dma_wait3A_343] : memref<13312xi32, #tpu.memory_space<vmem>> -> memref<128xi32, #tpu.memory_space<vmem>>
    %dma_wait3A_345 = arith.constant 0 : i32
    %dma_wait3A_346 = arith.constant 0 : i32
    %dma_wait3A_347 = tpu.memref_slice %arg2[%dma_wait3A_345, %dma_wait3A_346] : memref<2600000x32xf32, #tpu.memory_space<hbm>> -> memref<2600000x32xf32, #tpu.memory_space<hbm>>
    tpu.wait_indirect_dma semaphore(%arg11 : memref<!tpu.dma_semaphore, #tpu.memory_space<semaphore_mem>>) src(%dma_wait3A_347 : memref<2600000x32xf32, #tpu.memory_space<hbm>>) dst(%dma_wait3A_342 : memref<128x32xf32, #tpu.memory_space<vmem>>)
    %add3A_348 = arith.constant 1024 : i32
    %add3A_349 = arith.addi %mul3A_2, %add3A_348 : i32
    %dma_start3A_350 = arith.constant 0 : i32
    %dma_start3A_351 = tpu.memref_slice %arg5[%add3A_349, %dma_start3A_350] : memref<425984x32xf32, #tpu.memory_space<hbm>> -> memref<1024x32xf32, #tpu.memory_space<hbm>>
    %dma_start3A_352 = arith.constant 0 : i32
    %dma_start3A_353 = tpu.memref_slice %arg5[%add3A_349, %dma_start3A_352] : memref<425984x32xf32, #tpu.memory_space<hbm>> -> memref<1024x32xf32, #tpu.memory_space<hbm>>
    tpu.enqueue_dma source(%arg9 : memref<1024x32xf32, #tpu.memory_space<vmem>>) target(%dma_start3A_353 : memref<1024x32xf32, #tpu.memory_space<hbm>>) target_semaphore(%arg13 : memref<!tpu.dma_semaphore, #tpu.memory_space<semaphore_mem>>)
    %scan3A_354 = arith.constant 0 : i32
    %scan3A_355 = arith.constant 0 : i32
    %scan3A_356 = arith.constant 64 : i32
    %scan3A_357 = arith.addi %scan3A_355, %scan3A_356 : i32
    %scan3A_358 = arith.constant 1 : i32
    scf.for %scan3A_1872 = %scan3A_355 to %scan3A_357 step %scan3A_358  : i32 {
      %add3A_1873 = arith.constant 192 : i32
      %add3A_1874 = arith.addi %add3A_1873, %scan3A_1872 : i32
      %mul3A_1875 = arith.constant 16 : i32
      %mul3A_1876 = arith.muli %add3A_1874, %mul3A_1875 : i32
      %jit3A = arith.constant 104 : i32
      %eq3A = arith.constant 0 : i32
      %eq3A_1877 = arith.cmpi eq, %jit3A, %eq3A : i32
      %jit3A_1878 = arith.constant 1 : i32
      %select_n3A = arith.select %eq3A_1877, %jit3A_1878, %jit3A : i32
      %rem3A = arith.remsi %add3A_1874, %select_n3A : i32
      %ne3A = arith.constant 0 : i32
      %ne3A_1879 = arith.cmpi ne, %rem3A, %ne3A : i32
      %lt3A = arith.constant 0 : i32
      %lt3A_1880 = arith.cmpi slt, %rem3A, %lt3A : i32
      %lt3A_1881 = arith.constant 0 : i32
      %lt3A_1882 = arith.cmpi slt, %select_n3A, %lt3A_1881 : i32
      %ne3A_1883 = arith.xori %lt3A_1880, %lt3A_1882 : i1
      %and3A = arith.andi %ne3A_1883, %ne3A_1879 : i1
      %add3A_1884 = arith.addi %rem3A, %select_n3A : i32
      %select_n3A_1885 = arith.select %and3A, %add3A_1884, %rem3A : i32
      %mul3A_1886 = arith.constant 16 : i32
      %mul3A_1887 = arith.muli %select_n3A_1885, %mul3A_1886 : i32
      %get3A = arith.index_cast %mul3A_1876 : i32 to index
      %get3A_1888 = tpu.vector_load %arg6[%get3A] {strides = array<i32>} : memref<13312xi32, #tpu.memory_space<vmem>>, vector<16xi32>,
      %get3A_1889 = vector.shape_cast %get3A_1888 : vector<16xi32> to vector<16xi32>
      %get3A_1890 = arith.index_cast %mul3A_1887 : i32 to index
      %get3A_1891 = tpu.vector_load %arg7[%get3A_1890] {strides = array<i32>} : memref<1664xi32, #tpu.memory_space<vmem>>, vector<16xi32>,
      %get3A_1892 = vector.shape_cast %get3A_1891 : vector<16xi32> to vector<16xi32>
      %add3A_1893 = arith.addi %get3A_1889, %get3A_1892 : vector<16xi32>
      %swap3A = arith.index_cast %mul3A_1876 : i32 to index
      %swap3A_1894 = tpu.vector_load %arg6[%swap3A] {strides = array<i32>} : memref<13312xi32, #tpu.memory_space<vmem>>, vector<16xi32>,
      %swap3A_1895 = vector.shape_cast %swap3A_1894 : vector<16xi32> to vector<16xi32>
      %swap3A_1896 = vector.shape_cast %add3A_1893 : vector<16xi32> to vector<16xi32>
      tpu.vector_store %arg6[%swap3A], %swap3A_1896 {strides = array<i32>} : memref<13312xi32, #tpu.memory_space<vmem>>, vector<16xi32>,
    }
    %scan3A_359 = arith.constant 64 : i32
    %dma_wait3A_360 = arith.constant 0 : i32
    %dma_wait3A_361 = tpu.memref_slice %arg5[%add3A_349, %dma_wait3A_360] : memref<425984x32xf32, #tpu.memory_space<hbm>> -> memref<1024x32xf32, #tpu.memory_space<hbm>>
    %dma_wait3A_362 = arith.constant 0 : i32
    %dma_wait3A_363 = tpu.memref_slice %arg5[%add3A_349, %dma_wait3A_362] : memref<425984x32xf32, #tpu.memory_space<hbm>> -> memref<1024x32xf32, #tpu.memory_space<hbm>>
    tpu.wait_dma2 semaphore(%arg13 : memref<!tpu.dma_semaphore, #tpu.memory_space<semaphore_mem>>) src(%arg9 : memref<1024x32xf32, #tpu.memory_space<vmem>>) dst(%dma_wait3A_363 : memref<1024x32xf32, #tpu.memory_space<hbm>>)
    %dma_start3A_364 = arith.constant 0 : i32
    %dma_start3A_365 = arith.constant 0 : i32
    %dma_start3A_366 = tpu.memref_slice %arg9[%dma_start3A_364, %dma_start3A_365] : memref<1024x32xf32, #tpu.memory_space<vmem>> -> memref<128x32xf32, #tpu.memory_space<vmem>>
    %dma_start3A_367 = arith.constant 3072 : i32
    %dma_start3A_368 = tpu.memref_slice %arg6[%dma_start3A_367] : memref<13312xi32, #tpu.memory_space<vmem>> -> memref<128xi32, #tpu.memory_space<vmem>>
    %dma_start3A_369 = arith.constant 0 : i32
    %dma_start3A_370 = arith.constant 0 : i32
    %dma_start3A_371 = tpu.memref_slice %arg2[%dma_start3A_369, %dma_start3A_370] : memref<2600000x32xf32, #tpu.memory_space<hbm>> -> memref<2600000x32xf32, #tpu.memory_space<hbm>>
    tpu.enqueue_indirect_dma source(%dma_start3A_371 : memref<2600000x32xf32, #tpu.memory_space<hbm>>) target(%dma_start3A_366 : memref<128x32xf32, #tpu.memory_space<vmem>>) offsets(%dma_start3A_368 : memref<128xi32, #tpu.memory_space<vmem>>) semaphore(%arg11 : memref<!tpu.dma_semaphore, #tpu.memory_space<semaphore_mem>>)
    %dma_start3A_372 = arith.constant 128 : i32
    %dma_start3A_373 = arith.constant 0 : i32
    %dma_start3A_374 = tpu.memref_slice %arg9[%dma_start3A_372, %dma_start3A_373] : memref<1024x32xf32, #tpu.memory_space<vmem>> -> memref<128x32xf32, #tpu.memory_space<vmem>>
    %dma_start3A_375 = arith.constant 3200 : i32
    %dma_start3A_376 = tpu.memref_slice %arg6[%dma_start3A_375] : memref<13312xi32, #tpu.memory_space<vmem>> -> memref<128xi32, #tpu.memory_space<vmem>>
    %dma_start3A_377 = arith.constant 0 : i32
    %dma_start3A_378 = arith.constant 0 : i32
    %dma_start3A_379 = tpu.memref_slice %arg2[%dma_start3A_377, %dma_start3A_378] : memref<2600000x32xf32, #tpu.memory_space<hbm>> -> memref<2600000x32xf32, #tpu.memory_space<hbm>>
    tpu.enqueue_indirect_dma source(%dma_start3A_379 : memref<2600000x32xf32, #tpu.memory_space<hbm>>) target(%dma_start3A_374 : memref<128x32xf32, #tpu.memory_space<vmem>>) offsets(%dma_start3A_376 : memref<128xi32, #tpu.memory_space<vmem>>) semaphore(%arg11 : memref<!tpu.dma_semaphore, #tpu.memory_space<semaphore_mem>>)
    %dma_start3A_380 = arith.constant 256 : i32
    %dma_start3A_381 = arith.constant 0 : i32
    %dma_start3A_382 = tpu.memref_slice %arg9[%dma_start3A_380, %dma_start3A_381] : memref<1024x32xf32, #tpu.memory_space<vmem>> -> memref<128x32xf32, #tpu.memory_space<vmem>>
    %dma_start3A_383 = arith.constant 3328 : i32
    %dma_start3A_384 = tpu.memref_slice %arg6[%dma_start3A_383] : memref<13312xi32, #tpu.memory_space<vmem>> -> memref<128xi32, #tpu.memory_space<vmem>>
    %dma_start3A_385 = arith.constant 0 : i32
    %dma_start3A_386 = arith.constant 0 : i32
    %dma_start3A_387 = tpu.memref_slice %arg2[%dma_start3A_385, %dma_start3A_386] : memref<2600000x32xf32, #tpu.memory_space<hbm>> -> memref<2600000x32xf32, #tpu.memory_space<hbm>>
    tpu.enqueue_indirect_dma source(%dma_start3A_387 : memref<2600000x32xf32, #tpu.memory_space<hbm>>) target(%dma_start3A_382 : memref<128x32xf32, #tpu.memory_space<vmem>>) offsets(%dma_start3A_384 : memref<128xi32, #tpu.memory_space<vmem>>) semaphore(%arg11 : memref<!tpu.dma_semaphore, #tpu.memory_space<semaphore_mem>>)
    %dma_start3A_388 = arith.constant 384 : i32
    %dma_start3A_389 = arith.constant 0 : i32
    %dma_start3A_390 = tpu.memref_slice %arg9[%dma_start3A_388, %dma_start3A_389] : memref<1024x32xf32, #tpu.memory_space<vmem>> -> memref<128x32xf32, #tpu.memory_space<vmem>>
    %dma_start3A_391 = arith.constant 3456 : i32
    %dma_start3A_392 = tpu.memref_slice %arg6[%dma_start3A_391] : memref<13312xi32, #tpu.memory_space<vmem>> -> memref<128xi32, #tpu.memory_space<vmem>>
    %dma_start3A_393 = arith.constant 0 : i32
    %dma_start3A_394 = arith.constant 0 : i32
    %dma_start3A_395 = tpu.memref_slice %arg2[%dma_start3A_393, %dma_start3A_394] : memref<2600000x32xf32, #tpu.memory_space<hbm>> -> memref<2600000x32xf32, #tpu.memory_space<hbm>>
    tpu.enqueue_indirect_dma source(%dma_start3A_395 : memref<2600000x32xf32, #tpu.memory_space<hbm>>) target(%dma_start3A_390 : memref<128x32xf32, #tpu.memory_space<vmem>>) offsets(%dma_start3A_392 : memref<128xi32, #tpu.memory_space<vmem>>) semaphore(%arg11 : memref<!tpu.dma_semaphore, #tpu.memory_space<semaphore_mem>>)
    %dma_start3A_396 = arith.constant 512 : i32
    %dma_start3A_397 = arith.constant 0 : i32
    %dma_start3A_398 = tpu.memref_slice %arg9[%dma_start3A_396, %dma_start3A_397] : memref<1024x32xf32, #tpu.memory_space<vmem>> -> memref<128x32xf32, #tpu.memory_space<vmem>>
    %dma_start3A_399 = arith.constant 3584 : i32
    %dma_start3A_400 = tpu.memref_slice %arg6[%dma_start3A_399] : memref<13312xi32, #tpu.memory_space<vmem>> -> memref<128xi32, #tpu.memory_space<vmem>>
    %dma_start3A_401 = arith.constant 0 : i32
    %dma_start3A_402 = arith.constant 0 : i32
    %dma_start3A_403 = tpu.memref_slice %arg2[%dma_start3A_401, %dma_start3A_402] : memref<2600000x32xf32, #tpu.memory_space<hbm>> -> memref<2600000x32xf32, #tpu.memory_space<hbm>>
    tpu.enqueue_indirect_dma source(%dma_start3A_403 : memref<2600000x32xf32, #tpu.memory_space<hbm>>) target(%dma_start3A_398 : memref<128x32xf32, #tpu.memory_space<vmem>>) offsets(%dma_start3A_400 : memref<128xi32, #tpu.memory_space<vmem>>) semaphore(%arg11 : memref<!tpu.dma_semaphore, #tpu.memory_space<semaphore_mem>>)
    %dma_start3A_404 = arith.constant 640 : i32
    %dma_start3A_405 = arith.constant 0 : i32
    %dma_start3A_406 = tpu.memref_slice %arg9[%dma_start3A_404, %dma_start3A_405] : memref<1024x32xf32, #tpu.memory_space<vmem>> -> memref<128x32xf32, #tpu.memory_space<vmem>>
    %dma_start3A_407 = arith.constant 3712 : i32
    %dma_start3A_408 = tpu.memref_slice %arg6[%dma_start3A_407] : memref<13312xi32, #tpu.memory_space<vmem>> -> memref<128xi32, #tpu.memory_space<vmem>>
    %dma_start3A_409 = arith.constant 0 : i32
    %dma_start3A_410 = arith.constant 0 : i32
    %dma_start3A_411 = tpu.memref_slice %arg2[%dma_start3A_409, %dma_start3A_410] : memref<2600000x32xf32, #tpu.memory_space<hbm>> -> memref<2600000x32xf32, #tpu.memory_space<hbm>>
    tpu.enqueue_indirect_dma source(%dma_start3A_411 : memref<2600000x32xf32, #tpu.memory_space<hbm>>) target(%dma_start3A_406 : memref<128x32xf32, #tpu.memory_space<vmem>>) offsets(%dma_start3A_408 : memref<128xi32, #tpu.memory_space<vmem>>) semaphore(%arg11 : memref<!tpu.dma_semaphore, #tpu.memory_space<semaphore_mem>>)
    %dma_start3A_412 = arith.constant 768 : i32
    %dma_start3A_413 = arith.constant 0 : i32
    %dma_start3A_414 = tpu.memref_slice %arg9[%dma_start3A_412, %dma_start3A_413] : memref<1024x32xf32, #tpu.memory_space<vmem>> -> memref<128x32xf32, #tpu.memory_space<vmem>>
    %dma_start3A_415 = arith.constant 3840 : i32
    %dma_start3A_416 = tpu.memref_slice %arg6[%dma_start3A_415] : memref<13312xi32, #tpu.memory_space<vmem>> -> memref<128xi32, #tpu.memory_space<vmem>>
    %dma_start3A_417 = arith.constant 0 : i32
    %dma_start3A_418 = arith.constant 0 : i32
    %dma_start3A_419 = tpu.memref_slice %arg2[%dma_start3A_417, %dma_start3A_418] : memref<2600000x32xf32, #tpu.memory_space<hbm>> -> memref<2600000x32xf32, #tpu.memory_space<hbm>>
    tpu.enqueue_indirect_dma source(%dma_start3A_419 : memref<2600000x32xf32, #tpu.memory_space<hbm>>) target(%dma_start3A_414 : memref<128x32xf32, #tpu.memory_space<vmem>>) offsets(%dma_start3A_416 : memref<128xi32, #tpu.memory_space<vmem>>) semaphore(%arg11 : memref<!tpu.dma_semaphore, #tpu.memory_space<semaphore_mem>>)
    %dma_start3A_420 = arith.constant 896 : i32
    %dma_start3A_421 = arith.constant 0 : i32
    %dma_start3A_422 = tpu.memref_slice %arg9[%dma_start3A_420, %dma_start3A_421] : memref<1024x32xf32, #tpu.memory_space<vmem>> -> memref<128x32xf32, #tpu.memory_space<vmem>>
    %dma_start3A_423 = arith.constant 3968 : i32
    %dma_start3A_424 = tpu.memref_slice %arg6[%dma_start3A_423] : memref<13312xi32, #tpu.memory_space<vmem>> -> memref<128xi32, #tpu.memory_space<vmem>>
    %dma_start3A_425 = arith.constant 0 : i32
    %dma_start3A_426 = arith.constant 0 : i32
    %dma_start3A_427 = tpu.memref_slice %arg2[%dma_start3A_425, %dma_start3A_426] : memref<2600000x32xf32, #tpu.memory_space<hbm>> -> memref<2600000x32xf32, #tpu.memory_space<hbm>>
    tpu.enqueue_indirect_dma source(%dma_start3A_427 : memref<2600000x32xf32, #tpu.memory_space<hbm>>) target(%dma_start3A_422 : memref<128x32xf32, #tpu.memory_space<vmem>>) offsets(%dma_start3A_424 : memref<128xi32, #tpu.memory_space<vmem>>) semaphore(%arg11 : memref<!tpu.dma_semaphore, #tpu.memory_space<semaphore_mem>>)
    %dma_wait3A_428 = arith.constant 0 : i32
    %dma_wait3A_429 = arith.constant 0 : i32
    %dma_wait3A_430 = tpu.memref_slice %arg8[%dma_wait3A_428, %dma_wait3A_429] : memref<1024x32xf32, #tpu.memory_space<vmem>> -> memref<128x32xf32, #tpu.memory_space<vmem>>
    %dma_wait3A_431 = arith.constant 2048 : i32
    %dma_wait3A_432 = tpu.memref_slice %arg6[%dma_wait3A_431] : memref<13312xi32, #tpu.memory_space<vmem>> -> memref<128xi32, #tpu.memory_space<vmem>>
    %dma_wait3A_433 = arith.constant 0 : i32
    %dma_wait3A_434 = arith.constant 0 : i32
    %dma_wait3A_435 = tpu.memref_slice %arg2[%dma_wait3A_433, %dma_wait3A_434] : memref<2600000x32xf32, #tpu.memory_space<hbm>> -> memref<2600000x32xf32, #tpu.memory_space<hbm>>
    tpu.wait_indirect_dma semaphore(%arg10 : memref<!tpu.dma_semaphore, #tpu.memory_space<semaphore_mem>>) src(%dma_wait3A_435 : memref<2600000x32xf32, #tpu.memory_space<hbm>>) dst(%dma_wait3A_430 : memref<128x32xf32, #tpu.memory_space<vmem>>)
    %dma_wait3A_436 = arith.constant 128 : i32
    %dma_wait3A_437 = arith.constant 0 : i32
    %dma_wait3A_438 = tpu.memref_slice %arg8[%dma_wait3A_436, %dma_wait3A_437] : memref<1024x32xf32, #tpu.memory_space<vmem>> -> memref<128x32xf32, #tpu.memory_space<vmem>>
    %dma_wait3A_439 = arith.constant 2176 : i32
    %dma_wait3A_440 = tpu.memref_slice %arg6[%dma_wait3A_439] : memref<13312xi32, #tpu.memory_space<vmem>> -> memref<128xi32, #tpu.memory_space<vmem>>
    %dma_wait3A_441 = arith.constant 0 : i32
    %dma_wait3A_442 = arith.constant 0 : i32
    %dma_wait3A_443 = tpu.memref_slice %arg2[%dma_wait3A_441, %dma_wait3A_442] : memref<2600000x32xf32, #tpu.memory_space<hbm>> -> memref<2600000x32xf32, #tpu.memory_space<hbm>>
    tpu.wait_indirect_dma semaphore(%arg10 : memref<!tpu.dma_semaphore, #tpu.memory_space<semaphore_mem>>) src(%dma_wait3A_443 : memref<2600000x32xf32, #tpu.memory_space<hbm>>) dst(%dma_wait3A_438 : memref<128x32xf32, #tpu.memory_space<vmem>>)
    %dma_wait3A_444 = arith.constant 256 : i32
    %dma_wait3A_445 = arith.constant 0 : i32
    %dma_wait3A_446 = tpu.memref_slice %arg8[%dma_wait3A_444, %dma_wait3A_445] : memref<1024x32xf32, #tpu.memory_space<vmem>> -> memref<128x32xf32, #tpu.memory_space<vmem>>
    %dma_wait3A_447 = arith.constant 2304 : i32
    %dma_wait3A_448 = tpu.memref_slice %arg6[%dma_wait3A_447] : memref<13312xi32, #tpu.memory_space<vmem>> -> memref<128xi32, #tpu.memory_space<vmem>>
    %dma_wait3A_449 = arith.constant 0 : i32
    %dma_wait3A_450 = arith.constant 0 : i32
    %dma_wait3A_451 = tpu.memref_slice %arg2[%dma_wait3A_449, %dma_wait3A_450] : memref<2600000x32xf32, #tpu.memory_space<hbm>> -> memref<2600000x32xf32, #tpu.memory_space<hbm>>
    tpu.wait_indirect_dma semaphore(%arg10 : memref<!tpu.dma_semaphore, #tpu.memory_space<semaphore_mem>>) src(%dma_wait3A_451 : memref<2600000x32xf32, #tpu.memory_space<hbm>>) dst(%dma_wait3A_446 : memref<128x32xf32, #tpu.memory_space<vmem>>)
    %dma_wait3A_452 = arith.constant 384 : i32
    %dma_wait3A_453 = arith.constant 0 : i32
    %dma_wait3A_454 = tpu.memref_slice %arg8[%dma_wait3A_452, %dma_wait3A_453] : memref<1024x32xf32, #tpu.memory_space<vmem>> -> memref<128x32xf32, #tpu.memory_space<vmem>>
    %dma_wait3A_455 = arith.constant 2432 : i32
    %dma_wait3A_456 = tpu.memref_slice %arg6[%dma_wait3A_455] : memref<13312xi32, #tpu.memory_space<vmem>> -> memref<128xi32, #tpu.memory_space<vmem>>
    %dma_wait3A_457 = arith.constant 0 : i32
    %dma_wait3A_458 = arith.constant 0 : i32
    %dma_wait3A_459 = tpu.memref_slice %arg2[%dma_wait3A_457, %dma_wait3A_458] : memref<2600000x32xf32, #tpu.memory_space<hbm>> -> memref<2600000x32xf32, #tpu.memory_space<hbm>>
    tpu.wait_indirect_dma semaphore(%arg10 : memref<!tpu.dma_semaphore, #tpu.memory_space<semaphore_mem>>) src(%dma_wait3A_459 : memref<2600000x32xf32, #tpu.memory_space<hbm>>) dst(%dma_wait3A_454 : memref<128x32xf32, #tpu.memory_space<vmem>>)
    %dma_wait3A_460 = arith.constant 512 : i32
    %dma_wait3A_461 = arith.constant 0 : i32
    %dma_wait3A_462 = tpu.memref_slice %arg8[%dma_wait3A_460, %dma_wait3A_461] : memref<1024x32xf32, #tpu.memory_space<vmem>> -> memref<128x32xf32, #tpu.memory_space<vmem>>
    %dma_wait3A_463 = arith.constant 2560 : i32
    %dma_wait3A_464 = tpu.memref_slice %arg6[%dma_wait3A_463] : memref<13312xi32, #tpu.memory_space<vmem>> -> memref<128xi32, #tpu.memory_space<vmem>>
    %dma_wait3A_465 = arith.constant 0 : i32
    %dma_wait3A_466 = arith.constant 0 : i32
    %dma_wait3A_467 = tpu.memref_slice %arg2[%dma_wait3A_465, %dma_wait3A_466] : memref<2600000x32xf32, #tpu.memory_space<hbm>> -> memref<2600000x32xf32, #tpu.memory_space<hbm>>
    tpu.wait_indirect_dma semaphore(%arg10 : memref<!tpu.dma_semaphore, #tpu.memory_space<semaphore_mem>>) src(%dma_wait3A_467 : memref<2600000x32xf32, #tpu.memory_space<hbm>>) dst(%dma_wait3A_462 : memref<128x32xf32, #tpu.memory_space<vmem>>)
    %dma_wait3A_468 = arith.constant 640 : i32
    %dma_wait3A_469 = arith.constant 0 : i32
    %dma_wait3A_470 = tpu.memref_slice %arg8[%dma_wait3A_468, %dma_wait3A_469] : memref<1024x32xf32, #tpu.memory_space<vmem>> -> memref<128x32xf32, #tpu.memory_space<vmem>>
    %dma_wait3A_471 = arith.constant 2688 : i32
    %dma_wait3A_472 = tpu.memref_slice %arg6[%dma_wait3A_471] : memref<13312xi32, #tpu.memory_space<vmem>> -> memref<128xi32, #tpu.memory_space<vmem>>
    %dma_wait3A_473 = arith.constant 0 : i32
    %dma_wait3A_474 = arith.constant 0 : i32
    %dma_wait3A_475 = tpu.memref_slice %arg2[%dma_wait3A_473, %dma_wait3A_474] : memref<2600000x32xf32, #tpu.memory_space<hbm>> -> memref<2600000x32xf32, #tpu.memory_space<hbm>>
    tpu.wait_indirect_dma semaphore(%arg10 : memref<!tpu.dma_semaphore, #tpu.memory_space<semaphore_mem>>) src(%dma_wait3A_475 : memref<2600000x32xf32, #tpu.memory_space<hbm>>) dst(%dma_wait3A_470 : memref<128x32xf32, #tpu.memory_space<vmem>>)
    %dma_wait3A_476 = arith.constant 768 : i32
    %dma_wait3A_477 = arith.constant 0 : i32
    %dma_wait3A_478 = tpu.memref_slice %arg8[%dma_wait3A_476, %dma_wait3A_477] : memref<1024x32xf32, #tpu.memory_space<vmem>> -> memref<128x32xf32, #tpu.memory_space<vmem>>
    %dma_wait3A_479 = arith.constant 2816 : i32
    %dma_wait3A_480 = tpu.memref_slice %arg6[%dma_wait3A_479] : memref<13312xi32, #tpu.memory_space<vmem>> -> memref<128xi32, #tpu.memory_space<vmem>>
    %dma_wait3A_481 = arith.constant 0 : i32
    %dma_wait3A_482 = arith.constant 0 : i32
    %dma_wait3A_483 = tpu.memref_slice %arg2[%dma_wait3A_481, %dma_wait3A_482] : memref<2600000x32xf32, #tpu.memory_space<hbm>> -> memref<2600000x32xf32, #tpu.memory_space<hbm>>
    tpu.wait_indirect_dma semaphore(%arg10 : memref<!tpu.dma_semaphore, #tpu.memory_space<semaphore_mem>>) src(%dma_wait3A_483 : memref<2600000x32xf32, #tpu.memory_space<hbm>>) dst(%dma_wait3A_478 : memref<128x32xf32, #tpu.memory_space<vmem>>)
    %dma_wait3A_484 = arith.constant 896 : i32
    %dma_wait3A_485 = arith.constant 0 : i32
    %dma_wait3A_486 = tpu.memref_slice %arg8[%dma_wait3A_484, %dma_wait3A_485] : memref<1024x32xf32, #tpu.memory_space<vmem>> -> memref<128x32xf32, #tpu.memory_space<vmem>>
    %dma_wait3A_487 = arith.constant 2944 : i32
    %dma_wait3A_488 = tpu.memref_slice %arg6[%dma_wait3A_487] : memref<13312xi32, #tpu.memory_space<vmem>> -> memref<128xi32, #tpu.memory_space<vmem>>
    %dma_wait3A_489 = arith.constant 0 : i32
    %dma_wait3A_490 = arith.constant 0 : i32
    %dma_wait3A_491 = tpu.memref_slice %arg2[%dma_wait3A_489, %dma_wait3A_490] : memref<2600000x32xf32, #tpu.memory_space<hbm>> -> memref<2600000x32xf32, #tpu.memory_space<hbm>>
    tpu.wait_indirect_dma semaphore(%arg10 : memref<!tpu.dma_semaphore, #tpu.memory_space<semaphore_mem>>) src(%dma_wait3A_491 : memref<2600000x32xf32, #tpu.memory_space<hbm>>) dst(%dma_wait3A_486 : memref<128x32xf32, #tpu.memory_space<vmem>>)
    %add3A_492 = arith.constant 2048 : i32
    %add3A_493 = arith.addi %mul3A_2, %add3A_492 : i32
    %dma_start3A_494 = arith.constant 0 : i32
    %dma_start3A_495 = tpu.memref_slice %arg5[%add3A_493, %dma_start3A_494] : memref<425984x32xf32, #tpu.memory_space<hbm>> -> memref<1024x32xf32, #tpu.memory_space<hbm>>
    %dma_start3A_496 = arith.constant 0 : i32
    %dma_start3A_497 = tpu.memref_slice %arg5[%add3A_493, %dma_start3A_496] : memref<425984x32xf32, #tpu.memory_space<hbm>> -> memref<1024x32xf32, #tpu.memory_space<hbm>>
    tpu.enqueue_dma source(%arg8 : memref<1024x32xf32, #tpu.memory_space<vmem>>) target(%dma_start3A_497 : memref<1024x32xf32, #tpu.memory_space<hbm>>) target_semaphore(%arg12 : memref<!tpu.dma_semaphore, #tpu.memory_space<semaphore_mem>>)
    %scan3A_498 = arith.constant 0 : i32
    %scan3A_499 = arith.constant 0 : i32
    %scan3A_500 = arith.constant 64 : i32
    %scan3A_501 = arith.addi %scan3A_499, %scan3A_500 : i32
    %scan3A_502 = arith.constant 1 : i32
    scf.for %scan3A_1872 = %scan3A_499 to %scan3A_501 step %scan3A_502  : i32 {
      %add3A_1873 = arith.constant 256 : i32
      %add3A_1874 = arith.addi %add3A_1873, %scan3A_1872 : i32
      %mul3A_1875 = arith.constant 16 : i32
      %mul3A_1876 = arith.muli %add3A_1874, %mul3A_1875 : i32
      %jit3A = arith.constant 104 : i32
      %eq3A = arith.constant 0 : i32
      %eq3A_1877 = arith.cmpi eq, %jit3A, %eq3A : i32
      %jit3A_1878 = arith.constant 1 : i32
      %select_n3A = arith.select %eq3A_1877, %jit3A_1878, %jit3A : i32
      %rem3A = arith.remsi %add3A_1874, %select_n3A : i32
      %ne3A = arith.constant 0 : i32
      %ne3A_1879 = arith.cmpi ne, %rem3A, %ne3A : i32
      %lt3A = arith.constant 0 : i32
      %lt3A_1880 = arith.cmpi slt, %rem3A, %lt3A : i32
      %lt3A_1881 = arith.constant 0 : i32
      %lt3A_1882 = arith.cmpi slt, %select_n3A, %lt3A_1881 : i32
      %ne3A_1883 = arith.xori %lt3A_1880, %lt3A_1882 : i1
      %and3A = arith.andi %ne3A_1883, %ne3A_1879 : i1
      %add3A_1884 = arith.addi %rem3A, %select_n3A : i32
      %select_n3A_1885 = arith.select %and3A, %add3A_1884, %rem3A : i32
      %mul3A_1886 = arith.constant 16 : i32
      %mul3A_1887 = arith.muli %select_n3A_1885, %mul3A_1886 : i32
      %get3A = arith.index_cast %mul3A_1876 : i32 to index
      %get3A_1888 = tpu.vector_load %arg6[%get3A] {strides = array<i32>} : memref<13312xi32, #tpu.memory_space<vmem>>, vector<16xi32>,
      %get3A_1889 = vector.shape_cast %get3A_1888 : vector<16xi32> to vector<16xi32>
      %get3A_1890 = arith.index_cast %mul3A_1887 : i32 to index
      %get3A_1891 = tpu.vector_load %arg7[%get3A_1890] {strides = array<i32>} : memref<1664xi32, #tpu.memory_space<vmem>>, vector<16xi32>,
      %get3A_1892 = vector.shape_cast %get3A_1891 : vector<16xi32> to vector<16xi32>
      %add3A_1893 = arith.addi %get3A_1889, %get3A_1892 : vector<16xi32>
      %swap3A = arith.index_cast %mul3A_1876 : i32 to index
      %swap3A_1894 = tpu.vector_load %arg6[%swap3A] {strides = array<i32>} : memref<13312xi32, #tpu.memory_space<vmem>>, vector<16xi32>,
      %swap3A_1895 = vector.shape_cast %swap3A_1894 : vector<16xi32> to vector<16xi32>
      %swap3A_1896 = vector.shape_cast %add3A_1893 : vector<16xi32> to vector<16xi32>
      tpu.vector_store %arg6[%swap3A], %swap3A_1896 {strides = array<i32>} : memref<13312xi32, #tpu.memory_space<vmem>>, vector<16xi32>,
    }
    %scan3A_503 = arith.constant 64 : i32
    %dma_wait3A_504 = arith.constant 0 : i32
    %dma_wait3A_505 = tpu.memref_slice %arg5[%add3A_493, %dma_wait3A_504] : memref<425984x32xf32, #tpu.memory_space<hbm>> -> memref<1024x32xf32, #tpu.memory_space<hbm>>
    %dma_wait3A_506 = arith.constant 0 : i32
    %dma_wait3A_507 = tpu.memref_slice %arg5[%add3A_493, %dma_wait3A_506] : memref<425984x32xf32, #tpu.memory_space<hbm>> -> memref<1024x32xf32, #tpu.memory_space<hbm>>
    tpu.wait_dma2 semaphore(%arg12 : memref<!tpu.dma_semaphore, #tpu.memory_space<semaphore_mem>>) src(%arg8 : memref<1024x32xf32, #tpu.memory_space<vmem>>) dst(%dma_wait3A_507 : memref<1024x32xf32, #tpu.memory_space<hbm>>)
    %dma_start3A_508 = arith.constant 0 : i32
    %dma_start3A_509 = arith.constant 0 : i32
    %dma_start3A_510 = tpu.memref_slice %arg8[%dma_start3A_508, %dma_start3A_509] : memref<1024x32xf32, #tpu.memory_space<vmem>> -> memref<128x32xf32, #tpu.memory_space<vmem>>
    %dma_start3A_511 = arith.constant 4096 : i32
    %dma_start3A_512 = tpu.memref_slice %arg6[%dma_start3A_511] : memref<13312xi32, #tpu.memory_space<vmem>> -> memref<128xi32, #tpu.memory_space<vmem>>
    %dma_start3A_513 = arith.constant 0 : i32
    %dma_start3A_514 = arith.constant 0 : i32
    %dma_start3A_515 = tpu.memref_slice %arg2[%dma_start3A_513, %dma_start3A_514] : memref<2600000x32xf32, #tpu.memory_space<hbm>> -> memref<2600000x32xf32, #tpu.memory_space<hbm>>
    tpu.enqueue_indirect_dma source(%dma_start3A_515 : memref<2600000x32xf32, #tpu.memory_space<hbm>>) target(%dma_start3A_510 : memref<128x32xf32, #tpu.memory_space<vmem>>) offsets(%dma_start3A_512 : memref<128xi32, #tpu.memory_space<vmem>>) semaphore(%arg10 : memref<!tpu.dma_semaphore, #tpu.memory_space<semaphore_mem>>)
    %dma_start3A_516 = arith.constant 128 : i32
    %dma_start3A_517 = arith.constant 0 : i32
    %dma_start3A_518 = tpu.memref_slice %arg8[%dma_start3A_516, %dma_start3A_517] : memref<1024x32xf32, #tpu.memory_space<vmem>> -> memref<128x32xf32, #tpu.memory_space<vmem>>
    %dma_start3A_519 = arith.constant 4224 : i32
    %dma_start3A_520 = tpu.memref_slice %arg6[%dma_start3A_519] : memref<13312xi32, #tpu.memory_space<vmem>> -> memref<128xi32, #tpu.memory_space<vmem>>
    %dma_start3A_521 = arith.constant 0 : i32
    %dma_start3A_522 = arith.constant 0 : i32
    %dma_start3A_523 = tpu.memref_slice %arg2[%dma_start3A_521, %dma_start3A_522] : memref<2600000x32xf32, #tpu.memory_space<hbm>> -> memref<2600000x32xf32, #tpu.memory_space<hbm>>
    tpu.enqueue_indirect_dma source(%dma_start3A_523 : memref<2600000x32xf32, #tpu.memory_space<hbm>>) target(%dma_start3A_518 : memref<128x32xf32, #tpu.memory_space<vmem>>) offsets(%dma_start3A_520 : memref<128xi32, #tpu.memory_space<vmem>>) semaphore(%arg10 : memref<!tpu.dma_semaphore, #tpu.memory_space<semaphore_mem>>)
    %dma_start3A_524 = arith.constant 256 : i32
    %dma_start3A_525 = arith.constant 0 : i32
    %dma_start3A_526 = tpu.memref_slice %arg8[%dma_start3A_524, %dma_start3A_525] : memref<1024x32xf32, #tpu.memory_space<vmem>> -> memref<128x32xf32, #tpu.memory_space<vmem>>
    %dma_start3A_527 = arith.constant 4352 : i32
    %dma_start3A_528 = tpu.memref_slice %arg6[%dma_start3A_527] : memref<13312xi32, #tpu.memory_space<vmem>> -> memref<128xi32, #tpu.memory_space<vmem>>
    %dma_start3A_529 = arith.constant 0 : i32
    %dma_start3A_530 = arith.constant 0 : i32
    %dma_start3A_531 = tpu.memref_slice %arg2[%dma_start3A_529, %dma_start3A_530] : memref<2600000x32xf32, #tpu.memory_space<hbm>> -> memref<2600000x32xf32, #tpu.memory_space<hbm>>
    tpu.enqueue_indirect_dma source(%dma_start3A_531 : memref<2600000x32xf32, #tpu.memory_space<hbm>>) target(%dma_start3A_526 : memref<128x32xf32, #tpu.memory_space<vmem>>) offsets(%dma_start3A_528 : memref<128xi32, #tpu.memory_space<vmem>>) semaphore(%arg10 : memref<!tpu.dma_semaphore, #tpu.memory_space<semaphore_mem>>)
    %dma_start3A_532 = arith.constant 384 : i32
    %dma_start3A_533 = arith.constant 0 : i32
    %dma_start3A_534 = tpu.memref_slice %arg8[%dma_start3A_532, %dma_start3A_533] : memref<1024x32xf32, #tpu.memory_space<vmem>> -> memref<128x32xf32, #tpu.memory_space<vmem>>
    %dma_start3A_535 = arith.constant 4480 : i32
    %dma_start3A_536 = tpu.memref_slice %arg6[%dma_start3A_535] : memref<13312xi32, #tpu.memory_space<vmem>> -> memref<128xi32, #tpu.memory_space<vmem>>
    %dma_start3A_537 = arith.constant 0 : i32
    %dma_start3A_538 = arith.constant 0 : i32
    %dma_start3A_539 = tpu.memref_slice %arg2[%dma_start3A_537, %dma_start3A_538] : memref<2600000x32xf32, #tpu.memory_space<hbm>> -> memref<2600000x32xf32, #tpu.memory_space<hbm>>
    tpu.enqueue_indirect_dma source(%dma_start3A_539 : memref<2600000x32xf32, #tpu.memory_space<hbm>>) target(%dma_start3A_534 : memref<128x32xf32, #tpu.memory_space<vmem>>) offsets(%dma_start3A_536 : memref<128xi32, #tpu.memory_space<vmem>>) semaphore(%arg10 : memref<!tpu.dma_semaphore, #tpu.memory_space<semaphore_mem>>)
    %dma_start3A_540 = arith.constant 512 : i32
    %dma_start3A_541 = arith.constant 0 : i32
    %dma_start3A_542 = tpu.memref_slice %arg8[%dma_start3A_540, %dma_start3A_541] : memref<1024x32xf32, #tpu.memory_space<vmem>> -> memref<128x32xf32, #tpu.memory_space<vmem>>
    %dma_start3A_543 = arith.constant 4608 : i32
    %dma_start3A_544 = tpu.memref_slice %arg6[%dma_start3A_543] : memref<13312xi32, #tpu.memory_space<vmem>> -> memref<128xi32, #tpu.memory_space<vmem>>
    %dma_start3A_545 = arith.constant 0 : i32
    %dma_start3A_546 = arith.constant 0 : i32
    %dma_start3A_547 = tpu.memref_slice %arg2[%dma_start3A_545, %dma_start3A_546] : memref<2600000x32xf32, #tpu.memory_space<hbm>> -> memref<2600000x32xf32, #tpu.memory_space<hbm>>
    tpu.enqueue_indirect_dma source(%dma_start3A_547 : memref<2600000x32xf32, #tpu.memory_space<hbm>>) target(%dma_start3A_542 : memref<128x32xf32, #tpu.memory_space<vmem>>) offsets(%dma_start3A_544 : memref<128xi32, #tpu.memory_space<vmem>>) semaphore(%arg10 : memref<!tpu.dma_semaphore, #tpu.memory_space<semaphore_mem>>)
    %dma_start3A_548 = arith.constant 640 : i32
    %dma_start3A_549 = arith.constant 0 : i32
    %dma_start3A_550 = tpu.memref_slice %arg8[%dma_start3A_548, %dma_start3A_549] : memref<1024x32xf32, #tpu.memory_space<vmem>> -> memref<128x32xf32, #tpu.memory_space<vmem>>
    %dma_start3A_551 = arith.constant 4736 : i32
    %dma_start3A_552 = tpu.memref_slice %arg6[%dma_start3A_551] : memref<13312xi32, #tpu.memory_space<vmem>> -> memref<128xi32, #tpu.memory_space<vmem>>
    %dma_start3A_553 = arith.constant 0 : i32
    %dma_start3A_554 = arith.constant 0 : i32
    %dma_start3A_555 = tpu.memref_slice %arg2[%dma_start3A_553, %dma_start3A_554] : memref<2600000x32xf32, #tpu.memory_space<hbm>> -> memref<2600000x32xf32, #tpu.memory_space<hbm>>
    tpu.enqueue_indirect_dma source(%dma_start3A_555 : memref<2600000x32xf32, #tpu.memory_space<hbm>>) target(%dma_start3A_550 : memref<128x32xf32, #tpu.memory_space<vmem>>) offsets(%dma_start3A_552 : memref<128xi32, #tpu.memory_space<vmem>>) semaphore(%arg10 : memref<!tpu.dma_semaphore, #tpu.memory_space<semaphore_mem>>)
    %dma_start3A_556 = arith.constant 768 : i32
    %dma_start3A_557 = arith.constant 0 : i32
    %dma_start3A_558 = tpu.memref_slice %arg8[%dma_start3A_556, %dma_start3A_557] : memref<1024x32xf32, #tpu.memory_space<vmem>> -> memref<128x32xf32, #tpu.memory_space<vmem>>
    %dma_start3A_559 = arith.constant 4864 : i32
    %dma_start3A_560 = tpu.memref_slice %arg6[%dma_start3A_559] : memref<13312xi32, #tpu.memory_space<vmem>> -> memref<128xi32, #tpu.memory_space<vmem>>
    %dma_start3A_561 = arith.constant 0 : i32
    %dma_start3A_562 = arith.constant 0 : i32
    %dma_start3A_563 = tpu.memref_slice %arg2[%dma_start3A_561, %dma_start3A_562] : memref<2600000x32xf32, #tpu.memory_space<hbm>> -> memref<2600000x32xf32, #tpu.memory_space<hbm>>
    tpu.enqueue_indirect_dma source(%dma_start3A_563 : memref<2600000x32xf32, #tpu.memory_space<hbm>>) target(%dma_start3A_558 : memref<128x32xf32, #tpu.memory_space<vmem>>) offsets(%dma_start3A_560 : memref<128xi32, #tpu.memory_space<vmem>>) semaphore(%arg10 : memref<!tpu.dma_semaphore, #tpu.memory_space<semaphore_mem>>)
    %dma_start3A_564 = arith.constant 896 : i32
    %dma_start3A_565 = arith.constant 0 : i32
    %dma_start3A_566 = tpu.memref_slice %arg8[%dma_start3A_564, %dma_start3A_565] : memref<1024x32xf32, #tpu.memory_space<vmem>> -> memref<128x32xf32, #tpu.memory_space<vmem>>
    %dma_start3A_567 = arith.constant 4992 : i32
    %dma_start3A_568 = tpu.memref_slice %arg6[%dma_start3A_567] : memref<13312xi32, #tpu.memory_space<vmem>> -> memref<128xi32, #tpu.memory_space<vmem>>
    %dma_start3A_569 = arith.constant 0 : i32
    %dma_start3A_570 = arith.constant 0 : i32
    %dma_start3A_571 = tpu.memref_slice %arg2[%dma_start3A_569, %dma_start3A_570] : memref<2600000x32xf32, #tpu.memory_space<hbm>> -> memref<2600000x32xf32, #tpu.memory_space<hbm>>
    tpu.enqueue_indirect_dma source(%dma_start3A_571 : memref<2600000x32xf32, #tpu.memory_space<hbm>>) target(%dma_start3A_566 : memref<128x32xf32, #tpu.memory_space<vmem>>) offsets(%dma_start3A_568 : memref<128xi32, #tpu.memory_space<vmem>>) semaphore(%arg10 : memref<!tpu.dma_semaphore, #tpu.memory_space<semaphore_mem>>)
    %dma_wait3A_572 = arith.constant 0 : i32
    %dma_wait3A_573 = arith.constant 0 : i32
    %dma_wait3A_574 = tpu.memref_slice %arg9[%dma_wait3A_572, %dma_wait3A_573] : memref<1024x32xf32, #tpu.memory_space<vmem>> -> memref<128x32xf32, #tpu.memory_space<vmem>>
    %dma_wait3A_575 = arith.constant 3072 : i32
    %dma_wait3A_576 = tpu.memref_slice %arg6[%dma_wait3A_575] : memref<13312xi32, #tpu.memory_space<vmem>> -> memref<128xi32, #tpu.memory_space<vmem>>
    %dma_wait3A_577 = arith.constant 0 : i32
    %dma_wait3A_578 = arith.constant 0 : i32
    %dma_wait3A_579 = tpu.memref_slice %arg2[%dma_wait3A_577, %dma_wait3A_578] : memref<2600000x32xf32, #tpu.memory_space<hbm>> -> memref<2600000x32xf32, #tpu.memory_space<hbm>>
    tpu.wait_indirect_dma semaphore(%arg11 : memref<!tpu.dma_semaphore, #tpu.memory_space<semaphore_mem>>) src(%dma_wait3A_579 : memref<2600000x32xf32, #tpu.memory_space<hbm>>) dst(%dma_wait3A_574 : memref<128x32xf32, #tpu.memory_space<vmem>>)
    %dma_wait3A_580 = arith.constant 128 : i32
    %dma_wait3A_581 = arith.constant 0 : i32
    %dma_wait3A_582 = tpu.memref_slice %arg9[%dma_wait3A_580, %dma_wait3A_581] : memref<1024x32xf32, #tpu.memory_space<vmem>> -> memref<128x32xf32, #tpu.memory_space<vmem>>
    %dma_wait3A_583 = arith.constant 3200 : i32
    %dma_wait3A_584 = tpu.memref_slice %arg6[%dma_wait3A_583] : memref<13312xi32, #tpu.memory_space<vmem>> -> memref<128xi32, #tpu.memory_space<vmem>>
    %dma_wait3A_585 = arith.constant 0 : i32
    %dma_wait3A_586 = arith.constant 0 : i32
    %dma_wait3A_587 = tpu.memref_slice %arg2[%dma_wait3A_585, %dma_wait3A_586] : memref<2600000x32xf32, #tpu.memory_space<hbm>> -> memref<2600000x32xf32, #tpu.memory_space<hbm>>
    tpu.wait_indirect_dma semaphore(%arg11 : memref<!tpu.dma_semaphore, #tpu.memory_space<semaphore_mem>>) src(%dma_wait3A_587 : memref<2600000x32xf32, #tpu.memory_space<hbm>>) dst(%dma_wait3A_582 : memref<128x32xf32, #tpu.memory_space<vmem>>)
    %dma_wait3A_588 = arith.constant 256 : i32
    %dma_wait3A_589 = arith.constant 0 : i32
    %dma_wait3A_590 = tpu.memref_slice %arg9[%dma_wait3A_588, %dma_wait3A_589] : memref<1024x32xf32, #tpu.memory_space<vmem>> -> memref<128x32xf32, #tpu.memory_space<vmem>>
    %dma_wait3A_591 = arith.constant 3328 : i32
    %dma_wait3A_592 = tpu.memref_slice %arg6[%dma_wait3A_591] : memref<13312xi32, #tpu.memory_space<vmem>> -> memref<128xi32, #tpu.memory_space<vmem>>
    %dma_wait3A_593 = arith.constant 0 : i32
    %dma_wait3A_594 = arith.constant 0 : i32
    %dma_wait3A_595 = tpu.memref_slice %arg2[%dma_wait3A_593, %dma_wait3A_594] : memref<2600000x32xf32, #tpu.memory_space<hbm>> -> memref<2600000x32xf32, #tpu.memory_space<hbm>>
    tpu.wait_indirect_dma semaphore(%arg11 : memref<!tpu.dma_semaphore, #tpu.memory_space<semaphore_mem>>) src(%dma_wait3A_595 : memref<2600000x32xf32, #tpu.memory_space<hbm>>) dst(%dma_wait3A_590 : memref<128x32xf32, #tpu.memory_space<vmem>>)
    %dma_wait3A_596 = arith.constant 384 : i32
    %dma_wait3A_597 = arith.constant 0 : i32
    %dma_wait3A_598 = tpu.memref_slice %arg9[%dma_wait3A_596, %dma_wait3A_597] : memref<1024x32xf32, #tpu.memory_space<vmem>> -> memref<128x32xf32, #tpu.memory_space<vmem>>
    %dma_wait3A_599 = arith.constant 3456 : i32
    %dma_wait3A_600 = tpu.memref_slice %arg6[%dma_wait3A_599] : memref<13312xi32, #tpu.memory_space<vmem>> -> memref<128xi32, #tpu.memory_space<vmem>>
    %dma_wait3A_601 = arith.constant 0 : i32
    %dma_wait3A_602 = arith.constant 0 : i32
    %dma_wait3A_603 = tpu.memref_slice %arg2[%dma_wait3A_601, %dma_wait3A_602] : memref<2600000x32xf32, #tpu.memory_space<hbm>> -> memref<2600000x32xf32, #tpu.memory_space<hbm>>
    tpu.wait_indirect_dma semaphore(%arg11 : memref<!tpu.dma_semaphore, #tpu.memory_space<semaphore_mem>>) src(%dma_wait3A_603 : memref<2600000x32xf32, #tpu.memory_space<hbm>>) dst(%dma_wait3A_598 : memref<128x32xf32, #tpu.memory_space<vmem>>)
    %dma_wait3A_604 = arith.constant 512 : i32
    %dma_wait3A_605 = arith.constant 0 : i32
    %dma_wait3A_606 = tpu.memref_slice %arg9[%dma_wait3A_604, %dma_wait3A_605] : memref<1024x32xf32, #tpu.memory_space<vmem>> -> memref<128x32xf32, #tpu.memory_space<vmem>>
    %dma_wait3A_607 = arith.constant 3584 : i32
    %dma_wait3A_608 = tpu.memref_slice %arg6[%dma_wait3A_607] : memref<13312xi32, #tpu.memory_space<vmem>> -> memref<128xi32, #tpu.memory_space<vmem>>
    %dma_wait3A_609 = arith.constant 0 : i32
    %dma_wait3A_610 = arith.constant 0 : i32
    %dma_wait3A_611 = tpu.memref_slice %arg2[%dma_wait3A_609, %dma_wait3A_610] : memref<2600000x32xf32, #tpu.memory_space<hbm>> -> memref<2600000x32xf32, #tpu.memory_space<hbm>>
    tpu.wait_indirect_dma semaphore(%arg11 : memref<!tpu.dma_semaphore, #tpu.memory_space<semaphore_mem>>) src(%dma_wait3A_611 : memref<2600000x32xf32, #tpu.memory_space<hbm>>) dst(%dma_wait3A_606 : memref<128x32xf32, #tpu.memory_space<vmem>>)
    %dma_wait3A_612 = arith.constant 640 : i32
    %dma_wait3A_613 = arith.constant 0 : i32
    %dma_wait3A_614 = tpu.memref_slice %arg9[%dma_wait3A_612, %dma_wait3A_613] : memref<1024x32xf32, #tpu.memory_space<vmem>> -> memref<128x32xf32, #tpu.memory_space<vmem>>
    %dma_wait3A_615 = arith.constant 3712 : i32
    %dma_wait3A_616 = tpu.memref_slice %arg6[%dma_wait3A_615] : memref<13312xi32, #tpu.memory_space<vmem>> -> memref<128xi32, #tpu.memory_space<vmem>>
    %dma_wait3A_617 = arith.constant 0 : i32
    %dma_wait3A_618 = arith.constant 0 : i32
    %dma_wait3A_619 = tpu.memref_slice %arg2[%dma_wait3A_617, %dma_wait3A_618] : memref<2600000x32xf32, #tpu.memory_space<hbm>> -> memref<2600000x32xf32, #tpu.memory_space<hbm>>
    tpu.wait_indirect_dma semaphore(%arg11 : memref<!tpu.dma_semaphore, #tpu.memory_space<semaphore_mem>>) src(%dma_wait3A_619 : memref<2600000x32xf32, #tpu.memory_space<hbm>>) dst(%dma_wait3A_614 : memref<128x32xf32, #tpu.memory_space<vmem>>)
    %dma_wait3A_620 = arith.constant 768 : i32
    %dma_wait3A_621 = arith.constant 0 : i32
    %dma_wait3A_622 = tpu.memref_slice %arg9[%dma_wait3A_620, %dma_wait3A_621] : memref<1024x32xf32, #tpu.memory_space<vmem>> -> memref<128x32xf32, #tpu.memory_space<vmem>>
    %dma_wait3A_623 = arith.constant 3840 : i32
    %dma_wait3A_624 = tpu.memref_slice %arg6[%dma_wait3A_623] : memref<13312xi32, #tpu.memory_space<vmem>> -> memref<128xi32, #tpu.memory_space<vmem>>
    %dma_wait3A_625 = arith.constant 0 : i32
    %dma_wait3A_626 = arith.constant 0 : i32
    %dma_wait3A_627 = tpu.memref_slice %arg2[%dma_wait3A_625, %dma_wait3A_626] : memref<2600000x32xf32, #tpu.memory_space<hbm>> -> memref<2600000x32xf32, #tpu.memory_space<hbm>>
    tpu.wait_indirect_dma semaphore(%arg11 : memref<!tpu.dma_semaphore, #tpu.memory_space<semaphore_mem>>) src(%dma_wait3A_627 : memref<2600000x32xf32, #tpu.memory_space<hbm>>) dst(%dma_wait3A_622 : memref<128x32xf32, #tpu.memory_space<vmem>>)
    %dma_wait3A_628 = arith.constant 896 : i32
    %dma_wait3A_629 = arith.constant 0 : i32
    %dma_wait3A_630 = tpu.memref_slice %arg9[%dma_wait3A_628, %dma_wait3A_629] : memref<1024x32xf32, #tpu.memory_space<vmem>> -> memref<128x32xf32, #tpu.memory_space<vmem>>
    %dma_wait3A_631 = arith.constant 3968 : i32
    %dma_wait3A_632 = tpu.memref_slice %arg6[%dma_wait3A_631] : memref<13312xi32, #tpu.memory_space<vmem>> -> memref<128xi32, #tpu.memory_space<vmem>>
    %dma_wait3A_633 = arith.constant 0 : i32
    %dma_wait3A_634 = arith.constant 0 : i32
    %dma_wait3A_635 = tpu.memref_slice %arg2[%dma_wait3A_633, %dma_wait3A_634] : memref<2600000x32xf32, #tpu.memory_space<hbm>> -> memref<2600000x32xf32, #tpu.memory_space<hbm>>
    tpu.wait_indirect_dma semaphore(%arg11 : memref<!tpu.dma_semaphore, #tpu.memory_space<semaphore_mem>>) src(%dma_wait3A_635 : memref<2600000x32xf32, #tpu.memory_space<hbm>>) dst(%dma_wait3A_630 : memref<128x32xf32, #tpu.memory_space<vmem>>)
    %add3A_636 = arith.constant 3072 : i32
    %add3A_637 = arith.addi %mul3A_2, %add3A_636 : i32
    %dma_start3A_638 = arith.constant 0 : i32
    %dma_start3A_639 = tpu.memref_slice %arg5[%add3A_637, %dma_start3A_638] : memref<425984x32xf32, #tpu.memory_space<hbm>> -> memref<1024x32xf32, #tpu.memory_space<hbm>>
    %dma_start3A_640 = arith.constant 0 : i32
    %dma_start3A_641 = tpu.memref_slice %arg5[%add3A_637, %dma_start3A_640] : memref<425984x32xf32, #tpu.memory_space<hbm>> -> memref<1024x32xf32, #tpu.memory_space<hbm>>
    tpu.enqueue_dma source(%arg9 : memref<1024x32xf32, #tpu.memory_space<vmem>>) target(%dma_start3A_641 : memref<1024x32xf32, #tpu.memory_space<hbm>>) target_semaphore(%arg13 : memref<!tpu.dma_semaphore, #tpu.memory_space<semaphore_mem>>)
    %scan3A_642 = arith.constant 0 : i32
    %scan3A_643 = arith.constant 0 : i32
    %scan3A_644 = arith.constant 64 : i32
    %scan3A_645 = arith.addi %scan3A_643, %scan3A_644 : i32
    %scan3A_646 = arith.constant 1 : i32
    scf.for %scan3A_1872 = %scan3A_643 to %scan3A_645 step %scan3A_646  : i32 {
      %add3A_1873 = arith.constant 320 : i32
      %add3A_1874 = arith.addi %add3A_1873, %scan3A_1872 : i32
      %mul3A_1875 = arith.constant 16 : i32
      %mul3A_1876 = arith.muli %add3A_1874, %mul3A_1875 : i32
      %jit3A = arith.constant 104 : i32
      %eq3A = arith.constant 0 : i32
      %eq3A_1877 = arith.cmpi eq, %jit3A, %eq3A : i32
      %jit3A_1878 = arith.constant 1 : i32
      %select_n3A = arith.select %eq3A_1877, %jit3A_1878, %jit3A : i32
      %rem3A = arith.remsi %add3A_1874, %select_n3A : i32
      %ne3A = arith.constant 0 : i32
      %ne3A_1879 = arith.cmpi ne, %rem3A, %ne3A : i32
      %lt3A = arith.constant 0 : i32
      %lt3A_1880 = arith.cmpi slt, %rem3A, %lt3A : i32
      %lt3A_1881 = arith.constant 0 : i32
      %lt3A_1882 = arith.cmpi slt, %select_n3A, %lt3A_1881 : i32
      %ne3A_1883 = arith.xori %lt3A_1880, %lt3A_1882 : i1
      %and3A = arith.andi %ne3A_1883, %ne3A_1879 : i1
      %add3A_1884 = arith.addi %rem3A, %select_n3A : i32
      %select_n3A_1885 = arith.select %and3A, %add3A_1884, %rem3A : i32
      %mul3A_1886 = arith.constant 16 : i32
      %mul3A_1887 = arith.muli %select_n3A_1885, %mul3A_1886 : i32
      %get3A = arith.index_cast %mul3A_1876 : i32 to index
      %get3A_1888 = tpu.vector_load %arg6[%get3A] {strides = array<i32>} : memref<13312xi32, #tpu.memory_space<vmem>>, vector<16xi32>,
      %get3A_1889 = vector.shape_cast %get3A_1888 : vector<16xi32> to vector<16xi32>
      %get3A_1890 = arith.index_cast %mul3A_1887 : i32 to index
      %get3A_1891 = tpu.vector_load %arg7[%get3A_1890] {strides = array<i32>} : memref<1664xi32, #tpu.memory_space<vmem>>, vector<16xi32>,
      %get3A_1892 = vector.shape_cast %get3A_1891 : vector<16xi32> to vector<16xi32>
      %add3A_1893 = arith.addi %get3A_1889, %get3A_1892 : vector<16xi32>
      %swap3A = arith.index_cast %mul3A_1876 : i32 to index
      %swap3A_1894 = tpu.vector_load %arg6[%swap3A] {strides = array<i32>} : memref<13312xi32, #tpu.memory_space<vmem>>, vector<16xi32>,
      %swap3A_1895 = vector.shape_cast %swap3A_1894 : vector<16xi32> to vector<16xi32>
      %swap3A_1896 = vector.shape_cast %add3A_1893 : vector<16xi32> to vector<16xi32>
      tpu.vector_store %arg6[%swap3A], %swap3A_1896 {strides = array<i32>} : memref<13312xi32, #tpu.memory_space<vmem>>, vector<16xi32>,
    }
    %scan3A_647 = arith.constant 64 : i32
    %dma_wait3A_648 = arith.constant 0 : i32
    %dma_wait3A_649 = tpu.memref_slice %arg5[%add3A_637, %dma_wait3A_648] : memref<425984x32xf32, #tpu.memory_space<hbm>> -> memref<1024x32xf32, #tpu.memory_space<hbm>>
    %dma_wait3A_650 = arith.constant 0 : i32
    %dma_wait3A_651 = tpu.memref_slice %arg5[%add3A_637, %dma_wait3A_650] : memref<425984x32xf32, #tpu.memory_space<hbm>> -> memref<1024x32xf32, #tpu.memory_space<hbm>>
    tpu.wait_dma2 semaphore(%arg13 : memref<!tpu.dma_semaphore, #tpu.memory_space<semaphore_mem>>) src(%arg9 : memref<1024x32xf32, #tpu.memory_space<vmem>>) dst(%dma_wait3A_651 : memref<1024x32xf32, #tpu.memory_space<hbm>>)
    %dma_start3A_652 = arith.constant 0 : i32
    %dma_start3A_653 = arith.constant 0 : i32
    %dma_start3A_654 = tpu.memref_slice %arg9[%dma_start3A_652, %dma_start3A_653] : memref<1024x32xf32, #tpu.memory_space<vmem>> -> memref<128x32xf32, #tpu.memory_space<vmem>>
    %dma_start3A_655 = arith.constant 5120 : i32
    %dma_start3A_656 = tpu.memref_slice %arg6[%dma_start3A_655] : memref<13312xi32, #tpu.memory_space<vmem>> -> memref<128xi32, #tpu.memory_space<vmem>>
    %dma_start3A_657 = arith.constant 0 : i32
    %dma_start3A_658 = arith.constant 0 : i32
    %dma_start3A_659 = tpu.memref_slice %arg2[%dma_start3A_657, %dma_start3A_658] : memref<2600000x32xf32, #tpu.memory_space<hbm>> -> memref<2600000x32xf32, #tpu.memory_space<hbm>>
    tpu.enqueue_indirect_dma source(%dma_start3A_659 : memref<2600000x32xf32, #tpu.memory_space<hbm>>) target(%dma_start3A_654 : memref<128x32xf32, #tpu.memory_space<vmem>>) offsets(%dma_start3A_656 : memref<128xi32, #tpu.memory_space<vmem>>) semaphore(%arg11 : memref<!tpu.dma_semaphore, #tpu.memory_space<semaphore_mem>>)
    %dma_start3A_660 = arith.constant 128 : i32
    %dma_start3A_661 = arith.constant 0 : i32
    %dma_start3A_662 = tpu.memref_slice %arg9[%dma_start3A_660, %dma_start3A_661] : memref<1024x32xf32, #tpu.memory_space<vmem>> -> memref<128x32xf32, #tpu.memory_space<vmem>>
    %dma_start3A_663 = arith.constant 5248 : i32
    %dma_start3A_664 = tpu.memref_slice %arg6[%dma_start3A_663] : memref<13312xi32, #tpu.memory_space<vmem>> -> memref<128xi32, #tpu.memory_space<vmem>>
    %dma_start3A_665 = arith.constant 0 : i32
    %dma_start3A_666 = arith.constant 0 : i32
    %dma_start3A_667 = tpu.memref_slice %arg2[%dma_start3A_665, %dma_start3A_666] : memref<2600000x32xf32, #tpu.memory_space<hbm>> -> memref<2600000x32xf32, #tpu.memory_space<hbm>>
    tpu.enqueue_indirect_dma source(%dma_start3A_667 : memref<2600000x32xf32, #tpu.memory_space<hbm>>) target(%dma_start3A_662 : memref<128x32xf32, #tpu.memory_space<vmem>>) offsets(%dma_start3A_664 : memref<128xi32, #tpu.memory_space<vmem>>) semaphore(%arg11 : memref<!tpu.dma_semaphore, #tpu.memory_space<semaphore_mem>>)
    %dma_start3A_668 = arith.constant 256 : i32
    %dma_start3A_669 = arith.constant 0 : i32
    %dma_start3A_670 = tpu.memref_slice %arg9[%dma_start3A_668, %dma_start3A_669] : memref<1024x32xf32, #tpu.memory_space<vmem>> -> memref<128x32xf32, #tpu.memory_space<vmem>>
    %dma_start3A_671 = arith.constant 5376 : i32
    %dma_start3A_672 = tpu.memref_slice %arg6[%dma_start3A_671] : memref<13312xi32, #tpu.memory_space<vmem>> -> memref<128xi32, #tpu.memory_space<vmem>>
    %dma_start3A_673 = arith.constant 0 : i32
    %dma_start3A_674 = arith.constant 0 : i32
    %dma_start3A_675 = tpu.memref_slice %arg2[%dma_start3A_673, %dma_start3A_674] : memref<2600000x32xf32, #tpu.memory_space<hbm>> -> memref<2600000x32xf32, #tpu.memory_space<hbm>>
    tpu.enqueue_indirect_dma source(%dma_start3A_675 : memref<2600000x32xf32, #tpu.memory_space<hbm>>) target(%dma_start3A_670 : memref<128x32xf32, #tpu.memory_space<vmem>>) offsets(%dma_start3A_672 : memref<128xi32, #tpu.memory_space<vmem>>) semaphore(%arg11 : memref<!tpu.dma_semaphore, #tpu.memory_space<semaphore_mem>>)
    %dma_start3A_676 = arith.constant 384 : i32
    %dma_start3A_677 = arith.constant 0 : i32
    %dma_start3A_678 = tpu.memref_slice %arg9[%dma_start3A_676, %dma_start3A_677] : memref<1024x32xf32, #tpu.memory_space<vmem>> -> memref<128x32xf32, #tpu.memory_space<vmem>>
    %dma_start3A_679 = arith.constant 5504 : i32
    %dma_start3A_680 = tpu.memref_slice %arg6[%dma_start3A_679] : memref<13312xi32, #tpu.memory_space<vmem>> -> memref<128xi32, #tpu.memory_space<vmem>>
    %dma_start3A_681 = arith.constant 0 : i32
    %dma_start3A_682 = arith.constant 0 : i32
    %dma_start3A_683 = tpu.memref_slice %arg2[%dma_start3A_681, %dma_start3A_682] : memref<2600000x32xf32, #tpu.memory_space<hbm>> -> memref<2600000x32xf32, #tpu.memory_space<hbm>>
    tpu.enqueue_indirect_dma source(%dma_start3A_683 : memref<2600000x32xf32, #tpu.memory_space<hbm>>) target(%dma_start3A_678 : memref<128x32xf32, #tpu.memory_space<vmem>>) offsets(%dma_start3A_680 : memref<128xi32, #tpu.memory_space<vmem>>) semaphore(%arg11 : memref<!tpu.dma_semaphore, #tpu.memory_space<semaphore_mem>>)
    %dma_start3A_684 = arith.constant 512 : i32
    %dma_start3A_685 = arith.constant 0 : i32
    %dma_start3A_686 = tpu.memref_slice %arg9[%dma_start3A_684, %dma_start3A_685] : memref<1024x32xf32, #tpu.memory_space<vmem>> -> memref<128x32xf32, #tpu.memory_space<vmem>>
    %dma_start3A_687 = arith.constant 5632 : i32
    %dma_start3A_688 = tpu.memref_slice %arg6[%dma_start3A_687] : memref<13312xi32, #tpu.memory_space<vmem>> -> memref<128xi32, #tpu.memory_space<vmem>>
    %dma_start3A_689 = arith.constant 0 : i32
    %dma_start3A_690 = arith.constant 0 : i32
    %dma_start3A_691 = tpu.memref_slice %arg2[%dma_start3A_689, %dma_start3A_690] : memref<2600000x32xf32, #tpu.memory_space<hbm>> -> memref<2600000x32xf32, #tpu.memory_space<hbm>>
    tpu.enqueue_indirect_dma source(%dma_start3A_691 : memref<2600000x32xf32, #tpu.memory_space<hbm>>) target(%dma_start3A_686 : memref<128x32xf32, #tpu.memory_space<vmem>>) offsets(%dma_start3A_688 : memref<128xi32, #tpu.memory_space<vmem>>) semaphore(%arg11 : memref<!tpu.dma_semaphore, #tpu.memory_space<semaphore_mem>>)
    %dma_start3A_692 = arith.constant 640 : i32
    %dma_start3A_693 = arith.constant 0 : i32
    %dma_start3A_694 = tpu.memref_slice %arg9[%dma_start3A_692, %dma_start3A_693] : memref<1024x32xf32, #tpu.memory_space<vmem>> -> memref<128x32xf32, #tpu.memory_space<vmem>>
    %dma_start3A_695 = arith.constant 5760 : i32
    %dma_start3A_696 = tpu.memref_slice %arg6[%dma_start3A_695] : memref<13312xi32, #tpu.memory_space<vmem>> -> memref<128xi32, #tpu.memory_space<vmem>>
    %dma_start3A_697 = arith.constant 0 : i32
    %dma_start3A_698 = arith.constant 0 : i32
    %dma_start3A_699 = tpu.memref_slice %arg2[%dma_start3A_697, %dma_start3A_698] : memref<2600000x32xf32, #tpu.memory_space<hbm>> -> memref<2600000x32xf32, #tpu.memory_space<hbm>>
    tpu.enqueue_indirect_dma source(%dma_start3A_699 : memref<2600000x32xf32, #tpu.memory_space<hbm>>) target(%dma_start3A_694 : memref<128x32xf32, #tpu.memory_space<vmem>>) offsets(%dma_start3A_696 : memref<128xi32, #tpu.memory_space<vmem>>) semaphore(%arg11 : memref<!tpu.dma_semaphore, #tpu.memory_space<semaphore_mem>>)
    %dma_start3A_700 = arith.constant 768 : i32
    %dma_start3A_701 = arith.constant 0 : i32
    %dma_start3A_702 = tpu.memref_slice %arg9[%dma_start3A_700, %dma_start3A_701] : memref<1024x32xf32, #tpu.memory_space<vmem>> -> memref<128x32xf32, #tpu.memory_space<vmem>>
    %dma_start3A_703 = arith.constant 5888 : i32
    %dma_start3A_704 = tpu.memref_slice %arg6[%dma_start3A_703] : memref<13312xi32, #tpu.memory_space<vmem>> -> memref<128xi32, #tpu.memory_space<vmem>>
    %dma_start3A_705 = arith.constant 0 : i32
    %dma_start3A_706 = arith.constant 0 : i32
    %dma_start3A_707 = tpu.memref_slice %arg2[%dma_start3A_705, %dma_start3A_706] : memref<2600000x32xf32, #tpu.memory_space<hbm>> -> memref<2600000x32xf32, #tpu.memory_space<hbm>>
    tpu.enqueue_indirect_dma source(%dma_start3A_707 : memref<2600000x32xf32, #tpu.memory_space<hbm>>) target(%dma_start3A_702 : memref<128x32xf32, #tpu.memory_space<vmem>>) offsets(%dma_start3A_704 : memref<128xi32, #tpu.memory_space<vmem>>) semaphore(%arg11 : memref<!tpu.dma_semaphore, #tpu.memory_space<semaphore_mem>>)
    %dma_start3A_708 = arith.constant 896 : i32
    %dma_start3A_709 = arith.constant 0 : i32
    %dma_start3A_710 = tpu.memref_slice %arg9[%dma_start3A_708, %dma_start3A_709] : memref<1024x32xf32, #tpu.memory_space<vmem>> -> memref<128x32xf32, #tpu.memory_space<vmem>>
    %dma_start3A_711 = arith.constant 6016 : i32
    %dma_start3A_712 = tpu.memref_slice %arg6[%dma_start3A_711] : memref<13312xi32, #tpu.memory_space<vmem>> -> memref<128xi32, #tpu.memory_space<vmem>>
    %dma_start3A_713 = arith.constant 0 : i32
    %dma_start3A_714 = arith.constant 0 : i32
    %dma_start3A_715 = tpu.memref_slice %arg2[%dma_start3A_713, %dma_start3A_714] : memref<2600000x32xf32, #tpu.memory_space<hbm>> -> memref<2600000x32xf32, #tpu.memory_space<hbm>>
    tpu.enqueue_indirect_dma source(%dma_start3A_715 : memref<2600000x32xf32, #tpu.memory_space<hbm>>) target(%dma_start3A_710 : memref<128x32xf32, #tpu.memory_space<vmem>>) offsets(%dma_start3A_712 : memref<128xi32, #tpu.memory_space<vmem>>) semaphore(%arg11 : memref<!tpu.dma_semaphore, #tpu.memory_space<semaphore_mem>>)
    %dma_wait3A_716 = arith.constant 0 : i32
    %dma_wait3A_717 = arith.constant 0 : i32
    %dma_wait3A_718 = tpu.memref_slice %arg8[%dma_wait3A_716, %dma_wait3A_717] : memref<1024x32xf32, #tpu.memory_space<vmem>> -> memref<128x32xf32, #tpu.memory_space<vmem>>
    %dma_wait3A_719 = arith.constant 4096 : i32
    %dma_wait3A_720 = tpu.memref_slice %arg6[%dma_wait3A_719] : memref<13312xi32, #tpu.memory_space<vmem>> -> memref<128xi32, #tpu.memory_space<vmem>>
    %dma_wait3A_721 = arith.constant 0 : i32
    %dma_wait3A_722 = arith.constant 0 : i32
    %dma_wait3A_723 = tpu.memref_slice %arg2[%dma_wait3A_721, %dma_wait3A_722] : memref<2600000x32xf32, #tpu.memory_space<hbm>> -> memref<2600000x32xf32, #tpu.memory_space<hbm>>
    tpu.wait_indirect_dma semaphore(%arg10 : memref<!tpu.dma_semaphore, #tpu.memory_space<semaphore_mem>>) src(%dma_wait3A_723 : memref<2600000x32xf32, #tpu.memory_space<hbm>>) dst(%dma_wait3A_718 : memref<128x32xf32, #tpu.memory_space<vmem>>)
    %dma_wait3A_724 = arith.constant 128 : i32
    %dma_wait3A_725 = arith.constant 0 : i32
    %dma_wait3A_726 = tpu.memref_slice %arg8[%dma_wait3A_724, %dma_wait3A_725] : memref<1024x32xf32, #tpu.memory_space<vmem>> -> memref<128x32xf32, #tpu.memory_space<vmem>>
    %dma_wait3A_727 = arith.constant 4224 : i32
    %dma_wait3A_728 = tpu.memref_slice %arg6[%dma_wait3A_727] : memref<13312xi32, #tpu.memory_space<vmem>> -> memref<128xi32, #tpu.memory_space<vmem>>
    %dma_wait3A_729 = arith.constant 0 : i32
    %dma_wait3A_730 = arith.constant 0 : i32
    %dma_wait3A_731 = tpu.memref_slice %arg2[%dma_wait3A_729, %dma_wait3A_730] : memref<2600000x32xf32, #tpu.memory_space<hbm>> -> memref<2600000x32xf32, #tpu.memory_space<hbm>>
    tpu.wait_indirect_dma semaphore(%arg10 : memref<!tpu.dma_semaphore, #tpu.memory_space<semaphore_mem>>) src(%dma_wait3A_731 : memref<2600000x32xf32, #tpu.memory_space<hbm>>) dst(%dma_wait3A_726 : memref<128x32xf32, #tpu.memory_space<vmem>>)
    %dma_wait3A_732 = arith.constant 256 : i32
    %dma_wait3A_733 = arith.constant 0 : i32
    %dma_wait3A_734 = tpu.memref_slice %arg8[%dma_wait3A_732, %dma_wait3A_733] : memref<1024x32xf32, #tpu.memory_space<vmem>> -> memref<128x32xf32, #tpu.memory_space<vmem>>
    %dma_wait3A_735 = arith.constant 4352 : i32
    %dma_wait3A_736 = tpu.memref_slice %arg6[%dma_wait3A_735] : memref<13312xi32, #tpu.memory_space<vmem>> -> memref<128xi32, #tpu.memory_space<vmem>>
    %dma_wait3A_737 = arith.constant 0 : i32
    %dma_wait3A_738 = arith.constant 0 : i32
    %dma_wait3A_739 = tpu.memref_slice %arg2[%dma_wait3A_737, %dma_wait3A_738] : memref<2600000x32xf32, #tpu.memory_space<hbm>> -> memref<2600000x32xf32, #tpu.memory_space<hbm>>
    tpu.wait_indirect_dma semaphore(%arg10 : memref<!tpu.dma_semaphore, #tpu.memory_space<semaphore_mem>>) src(%dma_wait3A_739 : memref<2600000x32xf32, #tpu.memory_space<hbm>>) dst(%dma_wait3A_734 : memref<128x32xf32, #tpu.memory_space<vmem>>)
    %dma_wait3A_740 = arith.constant 384 : i32
    %dma_wait3A_741 = arith.constant 0 : i32
    %dma_wait3A_742 = tpu.memref_slice %arg8[%dma_wait3A_740, %dma_wait3A_741] : memref<1024x32xf32, #tpu.memory_space<vmem>> -> memref<128x32xf32, #tpu.memory_space<vmem>>
    %dma_wait3A_743 = arith.constant 4480 : i32
    %dma_wait3A_744 = tpu.memref_slice %arg6[%dma_wait3A_743] : memref<13312xi32, #tpu.memory_space<vmem>> -> memref<128xi32, #tpu.memory_space<vmem>>
    %dma_wait3A_745 = arith.constant 0 : i32
    %dma_wait3A_746 = arith.constant 0 : i32
    %dma_wait3A_747 = tpu.memref_slice %arg2[%dma_wait3A_745, %dma_wait3A_746] : memref<2600000x32xf32, #tpu.memory_space<hbm>> -> memref<2600000x32xf32, #tpu.memory_space<hbm>>
    tpu.wait_indirect_dma semaphore(%arg10 : memref<!tpu.dma_semaphore, #tpu.memory_space<semaphore_mem>>) src(%dma_wait3A_747 : memref<2600000x32xf32, #tpu.memory_space<hbm>>) dst(%dma_wait3A_742 : memref<128x32xf32, #tpu.memory_space<vmem>>)
    %dma_wait3A_748 = arith.constant 512 : i32
    %dma_wait3A_749 = arith.constant 0 : i32
    %dma_wait3A_750 = tpu.memref_slice %arg8[%dma_wait3A_748, %dma_wait3A_749] : memref<1024x32xf32, #tpu.memory_space<vmem>> -> memref<128x32xf32, #tpu.memory_space<vmem>>
    %dma_wait3A_751 = arith.constant 4608 : i32
    %dma_wait3A_752 = tpu.memref_slice %arg6[%dma_wait3A_751] : memref<13312xi32, #tpu.memory_space<vmem>> -> memref<128xi32, #tpu.memory_space<vmem>>
    %dma_wait3A_753 = arith.constant 0 : i32
    %dma_wait3A_754 = arith.constant 0 : i32
    %dma_wait3A_755 = tpu.memref_slice %arg2[%dma_wait3A_753, %dma_wait3A_754] : memref<2600000x32xf32, #tpu.memory_space<hbm>> -> memref<2600000x32xf32, #tpu.memory_space<hbm>>
    tpu.wait_indirect_dma semaphore(%arg10 : memref<!tpu.dma_semaphore, #tpu.memory_space<semaphore_mem>>) src(%dma_wait3A_755 : memref<2600000x32xf32, #tpu.memory_space<hbm>>) dst(%dma_wait3A_750 : memref<128x32xf32, #tpu.memory_space<vmem>>)
    %dma_wait3A_756 = arith.constant 640 : i32
    %dma_wait3A_757 = arith.constant 0 : i32
    %dma_wait3A_758 = tpu.memref_slice %arg8[%dma_wait3A_756, %dma_wait3A_757] : memref<1024x32xf32, #tpu.memory_space<vmem>> -> memref<128x32xf32, #tpu.memory_space<vmem>>
    %dma_wait3A_759 = arith.constant 4736 : i32
    %dma_wait3A_760 = tpu.memref_slice %arg6[%dma_wait3A_759] : memref<13312xi32, #tpu.memory_space<vmem>> -> memref<128xi32, #tpu.memory_space<vmem>>
    %dma_wait3A_761 = arith.constant 0 : i32
    %dma_wait3A_762 = arith.constant 0 : i32
    %dma_wait3A_763 = tpu.memref_slice %arg2[%dma_wait3A_761, %dma_wait3A_762] : memref<2600000x32xf32, #tpu.memory_space<hbm>> -> memref<2600000x32xf32, #tpu.memory_space<hbm>>
    tpu.wait_indirect_dma semaphore(%arg10 : memref<!tpu.dma_semaphore, #tpu.memory_space<semaphore_mem>>) src(%dma_wait3A_763 : memref<2600000x32xf32, #tpu.memory_space<hbm>>) dst(%dma_wait3A_758 : memref<128x32xf32, #tpu.memory_space<vmem>>)
    %dma_wait3A_764 = arith.constant 768 : i32
    %dma_wait3A_765 = arith.constant 0 : i32
    %dma_wait3A_766 = tpu.memref_slice %arg8[%dma_wait3A_764, %dma_wait3A_765] : memref<1024x32xf32, #tpu.memory_space<vmem>> -> memref<128x32xf32, #tpu.memory_space<vmem>>
    %dma_wait3A_767 = arith.constant 4864 : i32
    %dma_wait3A_768 = tpu.memref_slice %arg6[%dma_wait3A_767] : memref<13312xi32, #tpu.memory_space<vmem>> -> memref<128xi32, #tpu.memory_space<vmem>>
    %dma_wait3A_769 = arith.constant 0 : i32
    %dma_wait3A_770 = arith.constant 0 : i32
    %dma_wait3A_771 = tpu.memref_slice %arg2[%dma_wait3A_769, %dma_wait3A_770] : memref<2600000x32xf32, #tpu.memory_space<hbm>> -> memref<2600000x32xf32, #tpu.memory_space<hbm>>
    tpu.wait_indirect_dma semaphore(%arg10 : memref<!tpu.dma_semaphore, #tpu.memory_space<semaphore_mem>>) src(%dma_wait3A_771 : memref<2600000x32xf32, #tpu.memory_space<hbm>>) dst(%dma_wait3A_766 : memref<128x32xf32, #tpu.memory_space<vmem>>)
    %dma_wait3A_772 = arith.constant 896 : i32
    %dma_wait3A_773 = arith.constant 0 : i32
    %dma_wait3A_774 = tpu.memref_slice %arg8[%dma_wait3A_772, %dma_wait3A_773] : memref<1024x32xf32, #tpu.memory_space<vmem>> -> memref<128x32xf32, #tpu.memory_space<vmem>>
    %dma_wait3A_775 = arith.constant 4992 : i32
    %dma_wait3A_776 = tpu.memref_slice %arg6[%dma_wait3A_775] : memref<13312xi32, #tpu.memory_space<vmem>> -> memref<128xi32, #tpu.memory_space<vmem>>
    %dma_wait3A_777 = arith.constant 0 : i32
    %dma_wait3A_778 = arith.constant 0 : i32
    %dma_wait3A_779 = tpu.memref_slice %arg2[%dma_wait3A_777, %dma_wait3A_778] : memref<2600000x32xf32, #tpu.memory_space<hbm>> -> memref<2600000x32xf32, #tpu.memory_space<hbm>>
    tpu.wait_indirect_dma semaphore(%arg10 : memref<!tpu.dma_semaphore, #tpu.memory_space<semaphore_mem>>) src(%dma_wait3A_779 : memref<2600000x32xf32, #tpu.memory_space<hbm>>) dst(%dma_wait3A_774 : memref<128x32xf32, #tpu.memory_space<vmem>>)
    %add3A_780 = arith.constant 4096 : i32
    %add3A_781 = arith.addi %mul3A_2, %add3A_780 : i32
    %dma_start3A_782 = arith.constant 0 : i32
    %dma_start3A_783 = tpu.memref_slice %arg5[%add3A_781, %dma_start3A_782] : memref<425984x32xf32, #tpu.memory_space<hbm>> -> memref<1024x32xf32, #tpu.memory_space<hbm>>
    %dma_start3A_784 = arith.constant 0 : i32
    %dma_start3A_785 = tpu.memref_slice %arg5[%add3A_781, %dma_start3A_784] : memref<425984x32xf32, #tpu.memory_space<hbm>> -> memref<1024x32xf32, #tpu.memory_space<hbm>>
    tpu.enqueue_dma source(%arg8 : memref<1024x32xf32, #tpu.memory_space<vmem>>) target(%dma_start3A_785 : memref<1024x32xf32, #tpu.memory_space<hbm>>) target_semaphore(%arg12 : memref<!tpu.dma_semaphore, #tpu.memory_space<semaphore_mem>>)
    %scan3A_786 = arith.constant 0 : i32
    %scan3A_787 = arith.constant 0 : i32
    %scan3A_788 = arith.constant 64 : i32
    %scan3A_789 = arith.addi %scan3A_787, %scan3A_788 : i32
    %scan3A_790 = arith.constant 1 : i32
    scf.for %scan3A_1872 = %scan3A_787 to %scan3A_789 step %scan3A_790  : i32 {
      %add3A_1873 = arith.constant 384 : i32
      %add3A_1874 = arith.addi %add3A_1873, %scan3A_1872 : i32
      %mul3A_1875 = arith.constant 16 : i32
      %mul3A_1876 = arith.muli %add3A_1874, %mul3A_1875 : i32
      %jit3A = arith.constant 104 : i32
      %eq3A = arith.constant 0 : i32
      %eq3A_1877 = arith.cmpi eq, %jit3A, %eq3A : i32
      %jit3A_1878 = arith.constant 1 : i32
      %select_n3A = arith.select %eq3A_1877, %jit3A_1878, %jit3A : i32
      %rem3A = arith.remsi %add3A_1874, %select_n3A : i32
      %ne3A = arith.constant 0 : i32
      %ne3A_1879 = arith.cmpi ne, %rem3A, %ne3A : i32
      %lt3A = arith.constant 0 : i32
      %lt3A_1880 = arith.cmpi slt, %rem3A, %lt3A : i32
      %lt3A_1881 = arith.constant 0 : i32
      %lt3A_1882 = arith.cmpi slt, %select_n3A, %lt3A_1881 : i32
      %ne3A_1883 = arith.xori %lt3A_1880, %lt3A_1882 : i1
      %and3A = arith.andi %ne3A_1883, %ne3A_1879 : i1
      %add3A_1884 = arith.addi %rem3A, %select_n3A : i32
      %select_n3A_1885 = arith.select %and3A, %add3A_1884, %rem3A : i32
      %mul3A_1886 = arith.constant 16 : i32
      %mul3A_1887 = arith.muli %select_n3A_1885, %mul3A_1886 : i32
      %get3A = arith.index_cast %mul3A_1876 : i32 to index
      %get3A_1888 = tpu.vector_load %arg6[%get3A] {strides = array<i32>} : memref<13312xi32, #tpu.memory_space<vmem>>, vector<16xi32>,
      %get3A_1889 = vector.shape_cast %get3A_1888 : vector<16xi32> to vector<16xi32>
      %get3A_1890 = arith.index_cast %mul3A_1887 : i32 to index
      %get3A_1891 = tpu.vector_load %arg7[%get3A_1890] {strides = array<i32>} : memref<1664xi32, #tpu.memory_space<vmem>>, vector<16xi32>,
      %get3A_1892 = vector.shape_cast %get3A_1891 : vector<16xi32> to vector<16xi32>
      %add3A_1893 = arith.addi %get3A_1889, %get3A_1892 : vector<16xi32>
      %swap3A = arith.index_cast %mul3A_1876 : i32 to index
      %swap3A_1894 = tpu.vector_load %arg6[%swap3A] {strides = array<i32>} : memref<13312xi32, #tpu.memory_space<vmem>>, vector<16xi32>,
      %swap3A_1895 = vector.shape_cast %swap3A_1894 : vector<16xi32> to vector<16xi32>
      %swap3A_1896 = vector.shape_cast %add3A_1893 : vector<16xi32> to vector<16xi32>
      tpu.vector_store %arg6[%swap3A], %swap3A_1896 {strides = array<i32>} : memref<13312xi32, #tpu.memory_space<vmem>>, vector<16xi32>,
    }
    %scan3A_791 = arith.constant 64 : i32
    %dma_wait3A_792 = arith.constant 0 : i32
    %dma_wait3A_793 = tpu.memref_slice %arg5[%add3A_781, %dma_wait3A_792] : memref<425984x32xf32, #tpu.memory_space<hbm>> -> memref<1024x32xf32, #tpu.memory_space<hbm>>
    %dma_wait3A_794 = arith.constant 0 : i32
    %dma_wait3A_795 = tpu.memref_slice %arg5[%add3A_781, %dma_wait3A_794] : memref<425984x32xf32, #tpu.memory_space<hbm>> -> memref<1024x32xf32, #tpu.memory_space<hbm>>
    tpu.wait_dma2 semaphore(%arg12 : memref<!tpu.dma_semaphore, #tpu.memory_space<semaphore_mem>>) src(%arg8 : memref<1024x32xf32, #tpu.memory_space<vmem>>) dst(%dma_wait3A_795 : memref<1024x32xf32, #tpu.memory_space<hbm>>)
    %dma_start3A_796 = arith.constant 0 : i32
    %dma_start3A_797 = arith.constant 0 : i32
    %dma_start3A_798 = tpu.memref_slice %arg8[%dma_start3A_796, %dma_start3A_797] : memref<1024x32xf32, #tpu.memory_space<vmem>> -> memref<128x32xf32, #tpu.memory_space<vmem>>
    %dma_start3A_799 = arith.constant 6144 : i32
    %dma_start3A_800 = tpu.memref_slice %arg6[%dma_start3A_799] : memref<13312xi32, #tpu.memory_space<vmem>> -> memref<128xi32, #tpu.memory_space<vmem>>
    %dma_start3A_801 = arith.constant 0 : i32
    %dma_start3A_802 = arith.constant 0 : i32
    %dma_start3A_803 = tpu.memref_slice %arg2[%dma_start3A_801, %dma_start3A_802] : memref<2600000x32xf32, #tpu.memory_space<hbm>> -> memref<2600000x32xf32, #tpu.memory_space<hbm>>
    tpu.enqueue_indirect_dma source(%dma_start3A_803 : memref<2600000x32xf32, #tpu.memory_space<hbm>>) target(%dma_start3A_798 : memref<128x32xf32, #tpu.memory_space<vmem>>) offsets(%dma_start3A_800 : memref<128xi32, #tpu.memory_space<vmem>>) semaphore(%arg10 : memref<!tpu.dma_semaphore, #tpu.memory_space<semaphore_mem>>)
    %dma_start3A_804 = arith.constant 128 : i32
    %dma_start3A_805 = arith.constant 0 : i32
    %dma_start3A_806 = tpu.memref_slice %arg8[%dma_start3A_804, %dma_start3A_805] : memref<1024x32xf32, #tpu.memory_space<vmem>> -> memref<128x32xf32, #tpu.memory_space<vmem>>
    %dma_start3A_807 = arith.constant 6272 : i32
    %dma_start3A_808 = tpu.memref_slice %arg6[%dma_start3A_807] : memref<13312xi32, #tpu.memory_space<vmem>> -> memref<128xi32, #tpu.memory_space<vmem>>
    %dma_start3A_809 = arith.constant 0 : i32
    %dma_start3A_810 = arith.constant 0 : i32
    %dma_start3A_811 = tpu.memref_slice %arg2[%dma_start3A_809, %dma_start3A_810] : memref<2600000x32xf32, #tpu.memory_space<hbm>> -> memref<2600000x32xf32, #tpu.memory_space<hbm>>
    tpu.enqueue_indirect_dma source(%dma_start3A_811 : memref<2600000x32xf32, #tpu.memory_space<hbm>>) target(%dma_start3A_806 : memref<128x32xf32, #tpu.memory_space<vmem>>) offsets(%dma_start3A_808 : memref<128xi32, #tpu.memory_space<vmem>>) semaphore(%arg10 : memref<!tpu.dma_semaphore, #tpu.memory_space<semaphore_mem>>)
    %dma_start3A_812 = arith.constant 256 : i32
    %dma_start3A_813 = arith.constant 0 : i32
    %dma_start3A_814 = tpu.memref_slice %arg8[%dma_start3A_812, %dma_start3A_813] : memref<1024x32xf32, #tpu.memory_space<vmem>> -> memref<128x32xf32, #tpu.memory_space<vmem>>
    %dma_start3A_815 = arith.constant 6400 : i32
    %dma_start3A_816 = tpu.memref_slice %arg6[%dma_start3A_815] : memref<13312xi32, #tpu.memory_space<vmem>> -> memref<128xi32, #tpu.memory_space<vmem>>
    %dma_start3A_817 = arith.constant 0 : i32
    %dma_start3A_818 = arith.constant 0 : i32
    %dma_start3A_819 = tpu.memref_slice %arg2[%dma_start3A_817, %dma_start3A_818] : memref<2600000x32xf32, #tpu.memory_space<hbm>> -> memref<2600000x32xf32, #tpu.memory_space<hbm>>
    tpu.enqueue_indirect_dma source(%dma_start3A_819 : memref<2600000x32xf32, #tpu.memory_space<hbm>>) target(%dma_start3A_814 : memref<128x32xf32, #tpu.memory_space<vmem>>) offsets(%dma_start3A_816 : memref<128xi32, #tpu.memory_space<vmem>>) semaphore(%arg10 : memref<!tpu.dma_semaphore, #tpu.memory_space<semaphore_mem>>)
    %dma_start3A_820 = arith.constant 384 : i32
    %dma_start3A_821 = arith.constant 0 : i32
    %dma_start3A_822 = tpu.memref_slice %arg8[%dma_start3A_820, %dma_start3A_821] : memref<1024x32xf32, #tpu.memory_space<vmem>> -> memref<128x32xf32, #tpu.memory_space<vmem>>
    %dma_start3A_823 = arith.constant 6528 : i32
    %dma_start3A_824 = tpu.memref_slice %arg6[%dma_start3A_823] : memref<13312xi32, #tpu.memory_space<vmem>> -> memref<128xi32, #tpu.memory_space<vmem>>
    %dma_start3A_825 = arith.constant 0 : i32
    %dma_start3A_826 = arith.constant 0 : i32
    %dma_start3A_827 = tpu.memref_slice %arg2[%dma_start3A_825, %dma_start3A_826] : memref<2600000x32xf32, #tpu.memory_space<hbm>> -> memref<2600000x32xf32, #tpu.memory_space<hbm>>
    tpu.enqueue_indirect_dma source(%dma_start3A_827 : memref<2600000x32xf32, #tpu.memory_space<hbm>>) target(%dma_start3A_822 : memref<128x32xf32, #tpu.memory_space<vmem>>) offsets(%dma_start3A_824 : memref<128xi32, #tpu.memory_space<vmem>>) semaphore(%arg10 : memref<!tpu.dma_semaphore, #tpu.memory_space<semaphore_mem>>)
    %dma_start3A_828 = arith.constant 512 : i32
    %dma_start3A_829 = arith.constant 0 : i32
    %dma_start3A_830 = tpu.memref_slice %arg8[%dma_start3A_828, %dma_start3A_829] : memref<1024x32xf32, #tpu.memory_space<vmem>> -> memref<128x32xf32, #tpu.memory_space<vmem>>
    %dma_start3A_831 = arith.constant 6656 : i32
    %dma_start3A_832 = tpu.memref_slice %arg6[%dma_start3A_831] : memref<13312xi32, #tpu.memory_space<vmem>> -> memref<128xi32, #tpu.memory_space<vmem>>
    %dma_start3A_833 = arith.constant 0 : i32
    %dma_start3A_834 = arith.constant 0 : i32
    %dma_start3A_835 = tpu.memref_slice %arg2[%dma_start3A_833, %dma_start3A_834] : memref<2600000x32xf32, #tpu.memory_space<hbm>> -> memref<2600000x32xf32, #tpu.memory_space<hbm>>
    tpu.enqueue_indirect_dma source(%dma_start3A_835 : memref<2600000x32xf32, #tpu.memory_space<hbm>>) target(%dma_start3A_830 : memref<128x32xf32, #tpu.memory_space<vmem>>) offsets(%dma_start3A_832 : memref<128xi32, #tpu.memory_space<vmem>>) semaphore(%arg10 : memref<!tpu.dma_semaphore, #tpu.memory_space<semaphore_mem>>)
    %dma_start3A_836 = arith.constant 640 : i32
    %dma_start3A_837 = arith.constant 0 : i32
    %dma_start3A_838 = tpu.memref_slice %arg8[%dma_start3A_836, %dma_start3A_837] : memref<1024x32xf32, #tpu.memory_space<vmem>> -> memref<128x32xf32, #tpu.memory_space<vmem>>
    %dma_start3A_839 = arith.constant 6784 : i32
    %dma_start3A_840 = tpu.memref_slice %arg6[%dma_start3A_839] : memref<13312xi32, #tpu.memory_space<vmem>> -> memref<128xi32, #tpu.memory_space<vmem>>
    %dma_start3A_841 = arith.constant 0 : i32
    %dma_start3A_842 = arith.constant 0 : i32
    %dma_start3A_843 = tpu.memref_slice %arg2[%dma_start3A_841, %dma_start3A_842] : memref<2600000x32xf32, #tpu.memory_space<hbm>> -> memref<2600000x32xf32, #tpu.memory_space<hbm>>
    tpu.enqueue_indirect_dma source(%dma_start3A_843 : memref<2600000x32xf32, #tpu.memory_space<hbm>>) target(%dma_start3A_838 : memref<128x32xf32, #tpu.memory_space<vmem>>) offsets(%dma_start3A_840 : memref<128xi32, #tpu.memory_space<vmem>>) semaphore(%arg10 : memref<!tpu.dma_semaphore, #tpu.memory_space<semaphore_mem>>)
    %dma_start3A_844 = arith.constant 768 : i32
    %dma_start3A_845 = arith.constant 0 : i32
    %dma_start3A_846 = tpu.memref_slice %arg8[%dma_start3A_844, %dma_start3A_845] : memref<1024x32xf32, #tpu.memory_space<vmem>> -> memref<128x32xf32, #tpu.memory_space<vmem>>
    %dma_start3A_847 = arith.constant 6912 : i32
    %dma_start3A_848 = tpu.memref_slice %arg6[%dma_start3A_847] : memref<13312xi32, #tpu.memory_space<vmem>> -> memref<128xi32, #tpu.memory_space<vmem>>
    %dma_start3A_849 = arith.constant 0 : i32
    %dma_start3A_850 = arith.constant 0 : i32
    %dma_start3A_851 = tpu.memref_slice %arg2[%dma_start3A_849, %dma_start3A_850] : memref<2600000x32xf32, #tpu.memory_space<hbm>> -> memref<2600000x32xf32, #tpu.memory_space<hbm>>
    tpu.enqueue_indirect_dma source(%dma_start3A_851 : memref<2600000x32xf32, #tpu.memory_space<hbm>>) target(%dma_start3A_846 : memref<128x32xf32, #tpu.memory_space<vmem>>) offsets(%dma_start3A_848 : memref<128xi32, #tpu.memory_space<vmem>>) semaphore(%arg10 : memref<!tpu.dma_semaphore, #tpu.memory_space<semaphore_mem>>)
    %dma_start3A_852 = arith.constant 896 : i32
    %dma_start3A_853 = arith.constant 0 : i32
    %dma_start3A_854 = tpu.memref_slice %arg8[%dma_start3A_852, %dma_start3A_853] : memref<1024x32xf32, #tpu.memory_space<vmem>> -> memref<128x32xf32, #tpu.memory_space<vmem>>
    %dma_start3A_855 = arith.constant 7040 : i32
    %dma_start3A_856 = tpu.memref_slice %arg6[%dma_start3A_855] : memref<13312xi32, #tpu.memory_space<vmem>> -> memref<128xi32, #tpu.memory_space<vmem>>
    %dma_start3A_857 = arith.constant 0 : i32
    %dma_start3A_858 = arith.constant 0 : i32
    %dma_start3A_859 = tpu.memref_slice %arg2[%dma_start3A_857, %dma_start3A_858] : memref<2600000x32xf32, #tpu.memory_space<hbm>> -> memref<2600000x32xf32, #tpu.memory_space<hbm>>
    tpu.enqueue_indirect_dma source(%dma_start3A_859 : memref<2600000x32xf32, #tpu.memory_space<hbm>>) target(%dma_start3A_854 : memref<128x32xf32, #tpu.memory_space<vmem>>) offsets(%dma_start3A_856 : memref<128xi32, #tpu.memory_space<vmem>>) semaphore(%arg10 : memref<!tpu.dma_semaphore, #tpu.memory_space<semaphore_mem>>)
    %dma_wait3A_860 = arith.constant 0 : i32
    %dma_wait3A_861 = arith.constant 0 : i32
    %dma_wait3A_862 = tpu.memref_slice %arg9[%dma_wait3A_860, %dma_wait3A_861] : memref<1024x32xf32, #tpu.memory_space<vmem>> -> memref<128x32xf32, #tpu.memory_space<vmem>>
    %dma_wait3A_863 = arith.constant 5120 : i32
    %dma_wait3A_864 = tpu.memref_slice %arg6[%dma_wait3A_863] : memref<13312xi32, #tpu.memory_space<vmem>> -> memref<128xi32, #tpu.memory_space<vmem>>
    %dma_wait3A_865 = arith.constant 0 : i32
    %dma_wait3A_866 = arith.constant 0 : i32
    %dma_wait3A_867 = tpu.memref_slice %arg2[%dma_wait3A_865, %dma_wait3A_866] : memref<2600000x32xf32, #tpu.memory_space<hbm>> -> memref<2600000x32xf32, #tpu.memory_space<hbm>>
    tpu.wait_indirect_dma semaphore(%arg11 : memref<!tpu.dma_semaphore, #tpu.memory_space<semaphore_mem>>) src(%dma_wait3A_867 : memref<2600000x32xf32, #tpu.memory_space<hbm>>) dst(%dma_wait3A_862 : memref<128x32xf32, #tpu.memory_space<vmem>>)
    %dma_wait3A_868 = arith.constant 128 : i32
    %dma_wait3A_869 = arith.constant 0 : i32
    %dma_wait3A_870 = tpu.memref_slice %arg9[%dma_wait3A_868, %dma_wait3A_869] : memref<1024x32xf32, #tpu.memory_space<vmem>> -> memref<128x32xf32, #tpu.memory_space<vmem>>
    %dma_wait3A_871 = arith.constant 5248 : i32
    %dma_wait3A_872 = tpu.memref_slice %arg6[%dma_wait3A_871] : memref<13312xi32, #tpu.memory_space<vmem>> -> memref<128xi32, #tpu.memory_space<vmem>>
    %dma_wait3A_873 = arith.constant 0 : i32
    %dma_wait3A_874 = arith.constant 0 : i32
    %dma_wait3A_875 = tpu.memref_slice %arg2[%dma_wait3A_873, %dma_wait3A_874] : memref<2600000x32xf32, #tpu.memory_space<hbm>> -> memref<2600000x32xf32, #tpu.memory_space<hbm>>
    tpu.wait_indirect_dma semaphore(%arg11 : memref<!tpu.dma_semaphore, #tpu.memory_space<semaphore_mem>>) src(%dma_wait3A_875 : memref<2600000x32xf32, #tpu.memory_space<hbm>>) dst(%dma_wait3A_870 : memref<128x32xf32, #tpu.memory_space<vmem>>)
    %dma_wait3A_876 = arith.constant 256 : i32
    %dma_wait3A_877 = arith.constant 0 : i32
    %dma_wait3A_878 = tpu.memref_slice %arg9[%dma_wait3A_876, %dma_wait3A_877] : memref<1024x32xf32, #tpu.memory_space<vmem>> -> memref<128x32xf32, #tpu.memory_space<vmem>>
    %dma_wait3A_879 = arith.constant 5376 : i32
    %dma_wait3A_880 = tpu.memref_slice %arg6[%dma_wait3A_879] : memref<13312xi32, #tpu.memory_space<vmem>> -> memref<128xi32, #tpu.memory_space<vmem>>
    %dma_wait3A_881 = arith.constant 0 : i32
    %dma_wait3A_882 = arith.constant 0 : i32
    %dma_wait3A_883 = tpu.memref_slice %arg2[%dma_wait3A_881, %dma_wait3A_882] : memref<2600000x32xf32, #tpu.memory_space<hbm>> -> memref<2600000x32xf32, #tpu.memory_space<hbm>>
    tpu.wait_indirect_dma semaphore(%arg11 : memref<!tpu.dma_semaphore, #tpu.memory_space<semaphore_mem>>) src(%dma_wait3A_883 : memref<2600000x32xf32, #tpu.memory_space<hbm>>) dst(%dma_wait3A_878 : memref<128x32xf32, #tpu.memory_space<vmem>>)
    %dma_wait3A_884 = arith.constant 384 : i32
    %dma_wait3A_885 = arith.constant 0 : i32
    %dma_wait3A_886 = tpu.memref_slice %arg9[%dma_wait3A_884, %dma_wait3A_885] : memref<1024x32xf32, #tpu.memory_space<vmem>> -> memref<128x32xf32, #tpu.memory_space<vmem>>
    %dma_wait3A_887 = arith.constant 5504 : i32
    %dma_wait3A_888 = tpu.memref_slice %arg6[%dma_wait3A_887] : memref<13312xi32, #tpu.memory_space<vmem>> -> memref<128xi32, #tpu.memory_space<vmem>>
    %dma_wait3A_889 = arith.constant 0 : i32
    %dma_wait3A_890 = arith.constant 0 : i32
    %dma_wait3A_891 = tpu.memref_slice %arg2[%dma_wait3A_889, %dma_wait3A_890] : memref<2600000x32xf32, #tpu.memory_space<hbm>> -> memref<2600000x32xf32, #tpu.memory_space<hbm>>
    tpu.wait_indirect_dma semaphore(%arg11 : memref<!tpu.dma_semaphore, #tpu.memory_space<semaphore_mem>>) src(%dma_wait3A_891 : memref<2600000x32xf32, #tpu.memory_space<hbm>>) dst(%dma_wait3A_886 : memref<128x32xf32, #tpu.memory_space<vmem>>)
    %dma_wait3A_892 = arith.constant 512 : i32
    %dma_wait3A_893 = arith.constant 0 : i32
    %dma_wait3A_894 = tpu.memref_slice %arg9[%dma_wait3A_892, %dma_wait3A_893] : memref<1024x32xf32, #tpu.memory_space<vmem>> -> memref<128x32xf32, #tpu.memory_space<vmem>>
    %dma_wait3A_895 = arith.constant 5632 : i32
    %dma_wait3A_896 = tpu.memref_slice %arg6[%dma_wait3A_895] : memref<13312xi32, #tpu.memory_space<vmem>> -> memref<128xi32, #tpu.memory_space<vmem>>
    %dma_wait3A_897 = arith.constant 0 : i32
    %dma_wait3A_898 = arith.constant 0 : i32
    %dma_wait3A_899 = tpu.memref_slice %arg2[%dma_wait3A_897, %dma_wait3A_898] : memref<2600000x32xf32, #tpu.memory_space<hbm>> -> memref<2600000x32xf32, #tpu.memory_space<hbm>>
    tpu.wait_indirect_dma semaphore(%arg11 : memref<!tpu.dma_semaphore, #tpu.memory_space<semaphore_mem>>) src(%dma_wait3A_899 : memref<2600000x32xf32, #tpu.memory_space<hbm>>) dst(%dma_wait3A_894 : memref<128x32xf32, #tpu.memory_space<vmem>>)
    %dma_wait3A_900 = arith.constant 640 : i32
    %dma_wait3A_901 = arith.constant 0 : i32
    %dma_wait3A_902 = tpu.memref_slice %arg9[%dma_wait3A_900, %dma_wait3A_901] : memref<1024x32xf32, #tpu.memory_space<vmem>> -> memref<128x32xf32, #tpu.memory_space<vmem>>
    %dma_wait3A_903 = arith.constant 5760 : i32
    %dma_wait3A_904 = tpu.memref_slice %arg6[%dma_wait3A_903] : memref<13312xi32, #tpu.memory_space<vmem>> -> memref<128xi32, #tpu.memory_space<vmem>>
    %dma_wait3A_905 = arith.constant 0 : i32
    %dma_wait3A_906 = arith.constant 0 : i32
    %dma_wait3A_907 = tpu.memref_slice %arg2[%dma_wait3A_905, %dma_wait3A_906] : memref<2600000x32xf32, #tpu.memory_space<hbm>> -> memref<2600000x32xf32, #tpu.memory_space<hbm>>
    tpu.wait_indirect_dma semaphore(%arg11 : memref<!tpu.dma_semaphore, #tpu.memory_space<semaphore_mem>>) src(%dma_wait3A_907 : memref<2600000x32xf32, #tpu.memory_space<hbm>>) dst(%dma_wait3A_902 : memref<128x32xf32, #tpu.memory_space<vmem>>)
    %dma_wait3A_908 = arith.constant 768 : i32
    %dma_wait3A_909 = arith.constant 0 : i32
    %dma_wait3A_910 = tpu.memref_slice %arg9[%dma_wait3A_908, %dma_wait3A_909] : memref<1024x32xf32, #tpu.memory_space<vmem>> -> memref<128x32xf32, #tpu.memory_space<vmem>>
    %dma_wait3A_911 = arith.constant 5888 : i32
    %dma_wait3A_912 = tpu.memref_slice %arg6[%dma_wait3A_911] : memref<13312xi32, #tpu.memory_space<vmem>> -> memref<128xi32, #tpu.memory_space<vmem>>
    %dma_wait3A_913 = arith.constant 0 : i32
    %dma_wait3A_914 = arith.constant 0 : i32
    %dma_wait3A_915 = tpu.memref_slice %arg2[%dma_wait3A_913, %dma_wait3A_914] : memref<2600000x32xf32, #tpu.memory_space<hbm>> -> memref<2600000x32xf32, #tpu.memory_space<hbm>>
    tpu.wait_indirect_dma semaphore(%arg11 : memref<!tpu.dma_semaphore, #tpu.memory_space<semaphore_mem>>) src(%dma_wait3A_915 : memref<2600000x32xf32, #tpu.memory_space<hbm>>) dst(%dma_wait3A_910 : memref<128x32xf32, #tpu.memory_space<vmem>>)
    %dma_wait3A_916 = arith.constant 896 : i32
    %dma_wait3A_917 = arith.constant 0 : i32
    %dma_wait3A_918 = tpu.memref_slice %arg9[%dma_wait3A_916, %dma_wait3A_917] : memref<1024x32xf32, #tpu.memory_space<vmem>> -> memref<128x32xf32, #tpu.memory_space<vmem>>
    %dma_wait3A_919 = arith.constant 6016 : i32
    %dma_wait3A_920 = tpu.memref_slice %arg6[%dma_wait3A_919] : memref<13312xi32, #tpu.memory_space<vmem>> -> memref<128xi32, #tpu.memory_space<vmem>>
    %dma_wait3A_921 = arith.constant 0 : i32
    %dma_wait3A_922 = arith.constant 0 : i32
    %dma_wait3A_923 = tpu.memref_slice %arg2[%dma_wait3A_921, %dma_wait3A_922] : memref<2600000x32xf32, #tpu.memory_space<hbm>> -> memref<2600000x32xf32, #tpu.memory_space<hbm>>
    tpu.wait_indirect_dma semaphore(%arg11 : memref<!tpu.dma_semaphore, #tpu.memory_space<semaphore_mem>>) src(%dma_wait3A_923 : memref<2600000x32xf32, #tpu.memory_space<hbm>>) dst(%dma_wait3A_918 : memref<128x32xf32, #tpu.memory_space<vmem>>)
    %add3A_924 = arith.constant 5120 : i32
    %add3A_925 = arith.addi %mul3A_2, %add3A_924 : i32
    %dma_start3A_926 = arith.constant 0 : i32
    %dma_start3A_927 = tpu.memref_slice %arg5[%add3A_925, %dma_start3A_926] : memref<425984x32xf32, #tpu.memory_space<hbm>> -> memref<1024x32xf32, #tpu.memory_space<hbm>>
    %dma_start3A_928 = arith.constant 0 : i32
    %dma_start3A_929 = tpu.memref_slice %arg5[%add3A_925, %dma_start3A_928] : memref<425984x32xf32, #tpu.memory_space<hbm>> -> memref<1024x32xf32, #tpu.memory_space<hbm>>
    tpu.enqueue_dma source(%arg9 : memref<1024x32xf32, #tpu.memory_space<vmem>>) target(%dma_start3A_929 : memref<1024x32xf32, #tpu.memory_space<hbm>>) target_semaphore(%arg13 : memref<!tpu.dma_semaphore, #tpu.memory_space<semaphore_mem>>)
    %scan3A_930 = arith.constant 0 : i32
    %scan3A_931 = arith.constant 0 : i32
    %scan3A_932 = arith.constant 64 : i32
    %scan3A_933 = arith.addi %scan3A_931, %scan3A_932 : i32
    %scan3A_934 = arith.constant 1 : i32
    scf.for %scan3A_1872 = %scan3A_931 to %scan3A_933 step %scan3A_934  : i32 {
      %add3A_1873 = arith.constant 448 : i32
      %add3A_1874 = arith.addi %add3A_1873, %scan3A_1872 : i32
      %mul3A_1875 = arith.constant 16 : i32
      %mul3A_1876 = arith.muli %add3A_1874, %mul3A_1875 : i32
      %jit3A = arith.constant 104 : i32
      %eq3A = arith.constant 0 : i32
      %eq3A_1877 = arith.cmpi eq, %jit3A, %eq3A : i32
      %jit3A_1878 = arith.constant 1 : i32
      %select_n3A = arith.select %eq3A_1877, %jit3A_1878, %jit3A : i32
      %rem3A = arith.remsi %add3A_1874, %select_n3A : i32
      %ne3A = arith.constant 0 : i32
      %ne3A_1879 = arith.cmpi ne, %rem3A, %ne3A : i32
      %lt3A = arith.constant 0 : i32
      %lt3A_1880 = arith.cmpi slt, %rem3A, %lt3A : i32
      %lt3A_1881 = arith.constant 0 : i32
      %lt3A_1882 = arith.cmpi slt, %select_n3A, %lt3A_1881 : i32
      %ne3A_1883 = arith.xori %lt3A_1880, %lt3A_1882 : i1
      %and3A = arith.andi %ne3A_1883, %ne3A_1879 : i1
      %add3A_1884 = arith.addi %rem3A, %select_n3A : i32
      %select_n3A_1885 = arith.select %and3A, %add3A_1884, %rem3A : i32
      %mul3A_1886 = arith.constant 16 : i32
      %mul3A_1887 = arith.muli %select_n3A_1885, %mul3A_1886 : i32
      %get3A = arith.index_cast %mul3A_1876 : i32 to index
      %get3A_1888 = tpu.vector_load %arg6[%get3A] {strides = array<i32>} : memref<13312xi32, #tpu.memory_space<vmem>>, vector<16xi32>,
      %get3A_1889 = vector.shape_cast %get3A_1888 : vector<16xi32> to vector<16xi32>
      %get3A_1890 = arith.index_cast %mul3A_1887 : i32 to index
      %get3A_1891 = tpu.vector_load %arg7[%get3A_1890] {strides = array<i32>} : memref<1664xi32, #tpu.memory_space<vmem>>, vector<16xi32>,
      %get3A_1892 = vector.shape_cast %get3A_1891 : vector<16xi32> to vector<16xi32>
      %add3A_1893 = arith.addi %get3A_1889, %get3A_1892 : vector<16xi32>
      %swap3A = arith.index_cast %mul3A_1876 : i32 to index
      %swap3A_1894 = tpu.vector_load %arg6[%swap3A] {strides = array<i32>} : memref<13312xi32, #tpu.memory_space<vmem>>, vector<16xi32>,
      %swap3A_1895 = vector.shape_cast %swap3A_1894 : vector<16xi32> to vector<16xi32>
      %swap3A_1896 = vector.shape_cast %add3A_1893 : vector<16xi32> to vector<16xi32>
      tpu.vector_store %arg6[%swap3A], %swap3A_1896 {strides = array<i32>} : memref<13312xi32, #tpu.memory_space<vmem>>, vector<16xi32>,
    }
    %scan3A_935 = arith.constant 64 : i32
    %dma_wait3A_936 = arith.constant 0 : i32
    %dma_wait3A_937 = tpu.memref_slice %arg5[%add3A_925, %dma_wait3A_936] : memref<425984x32xf32, #tpu.memory_space<hbm>> -> memref<1024x32xf32, #tpu.memory_space<hbm>>
    %dma_wait3A_938 = arith.constant 0 : i32
    %dma_wait3A_939 = tpu.memref_slice %arg5[%add3A_925, %dma_wait3A_938] : memref<425984x32xf32, #tpu.memory_space<hbm>> -> memref<1024x32xf32, #tpu.memory_space<hbm>>
    tpu.wait_dma2 semaphore(%arg13 : memref<!tpu.dma_semaphore, #tpu.memory_space<semaphore_mem>>) src(%arg9 : memref<1024x32xf32, #tpu.memory_space<vmem>>) dst(%dma_wait3A_939 : memref<1024x32xf32, #tpu.memory_space<hbm>>)
    %dma_start3A_940 = arith.constant 0 : i32
    %dma_start3A_941 = arith.constant 0 : i32
    %dma_start3A_942 = tpu.memref_slice %arg9[%dma_start3A_940, %dma_start3A_941] : memref<1024x32xf32, #tpu.memory_space<vmem>> -> memref<128x32xf32, #tpu.memory_space<vmem>>
    %dma_start3A_943 = arith.constant 7168 : i32
    %dma_start3A_944 = tpu.memref_slice %arg6[%dma_start3A_943] : memref<13312xi32, #tpu.memory_space<vmem>> -> memref<128xi32, #tpu.memory_space<vmem>>
    %dma_start3A_945 = arith.constant 0 : i32
    %dma_start3A_946 = arith.constant 0 : i32
    %dma_start3A_947 = tpu.memref_slice %arg2[%dma_start3A_945, %dma_start3A_946] : memref<2600000x32xf32, #tpu.memory_space<hbm>> -> memref<2600000x32xf32, #tpu.memory_space<hbm>>
    tpu.enqueue_indirect_dma source(%dma_start3A_947 : memref<2600000x32xf32, #tpu.memory_space<hbm>>) target(%dma_start3A_942 : memref<128x32xf32, #tpu.memory_space<vmem>>) offsets(%dma_start3A_944 : memref<128xi32, #tpu.memory_space<vmem>>) semaphore(%arg11 : memref<!tpu.dma_semaphore, #tpu.memory_space<semaphore_mem>>)
    %dma_start3A_948 = arith.constant 128 : i32
    %dma_start3A_949 = arith.constant 0 : i32
    %dma_start3A_950 = tpu.memref_slice %arg9[%dma_start3A_948, %dma_start3A_949] : memref<1024x32xf32, #tpu.memory_space<vmem>> -> memref<128x32xf32, #tpu.memory_space<vmem>>
    %dma_start3A_951 = arith.constant 7296 : i32
    %dma_start3A_952 = tpu.memref_slice %arg6[%dma_start3A_951] : memref<13312xi32, #tpu.memory_space<vmem>> -> memref<128xi32, #tpu.memory_space<vmem>>
    %dma_start3A_953 = arith.constant 0 : i32
    %dma_start3A_954 = arith.constant 0 : i32
    %dma_start3A_955 = tpu.memref_slice %arg2[%dma_start3A_953, %dma_start3A_954] : memref<2600000x32xf32, #tpu.memory_space<hbm>> -> memref<2600000x32xf32, #tpu.memory_space<hbm>>
    tpu.enqueue_indirect_dma source(%dma_start3A_955 : memref<2600000x32xf32, #tpu.memory_space<hbm>>) target(%dma_start3A_950 : memref<128x32xf32, #tpu.memory_space<vmem>>) offsets(%dma_start3A_952 : memref<128xi32, #tpu.memory_space<vmem>>) semaphore(%arg11 : memref<!tpu.dma_semaphore, #tpu.memory_space<semaphore_mem>>)
    %dma_start3A_956 = arith.constant 256 : i32
    %dma_start3A_957 = arith.constant 0 : i32
    %dma_start3A_958 = tpu.memref_slice %arg9[%dma_start3A_956, %dma_start3A_957] : memref<1024x32xf32, #tpu.memory_space<vmem>> -> memref<128x32xf32, #tpu.memory_space<vmem>>
    %dma_start3A_959 = arith.constant 7424 : i32
    %dma_start3A_960 = tpu.memref_slice %arg6[%dma_start3A_959] : memref<13312xi32, #tpu.memory_space<vmem>> -> memref<128xi32, #tpu.memory_space<vmem>>
    %dma_start3A_961 = arith.constant 0 : i32
    %dma_start3A_962 = arith.constant 0 : i32
    %dma_start3A_963 = tpu.memref_slice %arg2[%dma_start3A_961, %dma_start3A_962] : memref<2600000x32xf32, #tpu.memory_space<hbm>> -> memref<2600000x32xf32, #tpu.memory_space<hbm>>
    tpu.enqueue_indirect_dma source(%dma_start3A_963 : memref<2600000x32xf32, #tpu.memory_space<hbm>>) target(%dma_start3A_958 : memref<128x32xf32, #tpu.memory_space<vmem>>) offsets(%dma_start3A_960 : memref<128xi32, #tpu.memory_space<vmem>>) semaphore(%arg11 : memref<!tpu.dma_semaphore, #tpu.memory_space<semaphore_mem>>)
    %dma_start3A_964 = arith.constant 384 : i32
    %dma_start3A_965 = arith.constant 0 : i32
    %dma_start3A_966 = tpu.memref_slice %arg9[%dma_start3A_964, %dma_start3A_965] : memref<1024x32xf32, #tpu.memory_space<vmem>> -> memref<128x32xf32, #tpu.memory_space<vmem>>
    %dma_start3A_967 = arith.constant 7552 : i32
    %dma_start3A_968 = tpu.memref_slice %arg6[%dma_start3A_967] : memref<13312xi32, #tpu.memory_space<vmem>> -> memref<128xi32, #tpu.memory_space<vmem>>
    %dma_start3A_969 = arith.constant 0 : i32
    %dma_start3A_970 = arith.constant 0 : i32
    %dma_start3A_971 = tpu.memref_slice %arg2[%dma_start3A_969, %dma_start3A_970] : memref<2600000x32xf32, #tpu.memory_space<hbm>> -> memref<2600000x32xf32, #tpu.memory_space<hbm>>
    tpu.enqueue_indirect_dma source(%dma_start3A_971 : memref<2600000x32xf32, #tpu.memory_space<hbm>>) target(%dma_start3A_966 : memref<128x32xf32, #tpu.memory_space<vmem>>) offsets(%dma_start3A_968 : memref<128xi32, #tpu.memory_space<vmem>>) semaphore(%arg11 : memref<!tpu.dma_semaphore, #tpu.memory_space<semaphore_mem>>)
    %dma_start3A_972 = arith.constant 512 : i32
    %dma_start3A_973 = arith.constant 0 : i32
    %dma_start3A_974 = tpu.memref_slice %arg9[%dma_start3A_972, %dma_start3A_973] : memref<1024x32xf32, #tpu.memory_space<vmem>> -> memref<128x32xf32, #tpu.memory_space<vmem>>
    %dma_start3A_975 = arith.constant 7680 : i32
    %dma_start3A_976 = tpu.memref_slice %arg6[%dma_start3A_975] : memref<13312xi32, #tpu.memory_space<vmem>> -> memref<128xi32, #tpu.memory_space<vmem>>
    %dma_start3A_977 = arith.constant 0 : i32
    %dma_start3A_978 = arith.constant 0 : i32
    %dma_start3A_979 = tpu.memref_slice %arg2[%dma_start3A_977, %dma_start3A_978] : memref<2600000x32xf32, #tpu.memory_space<hbm>> -> memref<2600000x32xf32, #tpu.memory_space<hbm>>
    tpu.enqueue_indirect_dma source(%dma_start3A_979 : memref<2600000x32xf32, #tpu.memory_space<hbm>>) target(%dma_start3A_974 : memref<128x32xf32, #tpu.memory_space<vmem>>) offsets(%dma_start3A_976 : memref<128xi32, #tpu.memory_space<vmem>>) semaphore(%arg11 : memref<!tpu.dma_semaphore, #tpu.memory_space<semaphore_mem>>)
    %dma_start3A_980 = arith.constant 640 : i32
    %dma_start3A_981 = arith.constant 0 : i32
    %dma_start3A_982 = tpu.memref_slice %arg9[%dma_start3A_980, %dma_start3A_981] : memref<1024x32xf32, #tpu.memory_space<vmem>> -> memref<128x32xf32, #tpu.memory_space<vmem>>
    %dma_start3A_983 = arith.constant 7808 : i32
    %dma_start3A_984 = tpu.memref_slice %arg6[%dma_start3A_983] : memref<13312xi32, #tpu.memory_space<vmem>> -> memref<128xi32, #tpu.memory_space<vmem>>
    %dma_start3A_985 = arith.constant 0 : i32
    %dma_start3A_986 = arith.constant 0 : i32
    %dma_start3A_987 = tpu.memref_slice %arg2[%dma_start3A_985, %dma_start3A_986] : memref<2600000x32xf32, #tpu.memory_space<hbm>> -> memref<2600000x32xf32, #tpu.memory_space<hbm>>
    tpu.enqueue_indirect_dma source(%dma_start3A_987 : memref<2600000x32xf32, #tpu.memory_space<hbm>>) target(%dma_start3A_982 : memref<128x32xf32, #tpu.memory_space<vmem>>) offsets(%dma_start3A_984 : memref<128xi32, #tpu.memory_space<vmem>>) semaphore(%arg11 : memref<!tpu.dma_semaphore, #tpu.memory_space<semaphore_mem>>)
    %dma_start3A_988 = arith.constant 768 : i32
    %dma_start3A_989 = arith.constant 0 : i32
    %dma_start3A_990 = tpu.memref_slice %arg9[%dma_start3A_988, %dma_start3A_989] : memref<1024x32xf32, #tpu.memory_space<vmem>> -> memref<128x32xf32, #tpu.memory_space<vmem>>
    %dma_start3A_991 = arith.constant 7936 : i32
    %dma_start3A_992 = tpu.memref_slice %arg6[%dma_start3A_991] : memref<13312xi32, #tpu.memory_space<vmem>> -> memref<128xi32, #tpu.memory_space<vmem>>
    %dma_start3A_993 = arith.constant 0 : i32
    %dma_start3A_994 = arith.constant 0 : i32
    %dma_start3A_995 = tpu.memref_slice %arg2[%dma_start3A_993, %dma_start3A_994] : memref<2600000x32xf32, #tpu.memory_space<hbm>> -> memref<2600000x32xf32, #tpu.memory_space<hbm>>
    tpu.enqueue_indirect_dma source(%dma_start3A_995 : memref<2600000x32xf32, #tpu.memory_space<hbm>>) target(%dma_start3A_990 : memref<128x32xf32, #tpu.memory_space<vmem>>) offsets(%dma_start3A_992 : memref<128xi32, #tpu.memory_space<vmem>>) semaphore(%arg11 : memref<!tpu.dma_semaphore, #tpu.memory_space<semaphore_mem>>)
    %dma_start3A_996 = arith.constant 896 : i32
    %dma_start3A_997 = arith.constant 0 : i32
    %dma_start3A_998 = tpu.memref_slice %arg9[%dma_start3A_996, %dma_start3A_997] : memref<1024x32xf32, #tpu.memory_space<vmem>> -> memref<128x32xf32, #tpu.memory_space<vmem>>
    %dma_start3A_999 = arith.constant 8064 : i32
    %dma_start3A_1000 = tpu.memref_slice %arg6[%dma_start3A_999] : memref<13312xi32, #tpu.memory_space<vmem>> -> memref<128xi32, #tpu.memory_space<vmem>>
    %dma_start3A_1001 = arith.constant 0 : i32
    %dma_start3A_1002 = arith.constant 0 : i32
    %dma_start3A_1003 = tpu.memref_slice %arg2[%dma_start3A_1001, %dma_start3A_1002] : memref<2600000x32xf32, #tpu.memory_space<hbm>> -> memref<2600000x32xf32, #tpu.memory_space<hbm>>
    tpu.enqueue_indirect_dma source(%dma_start3A_1003 : memref<2600000x32xf32, #tpu.memory_space<hbm>>) target(%dma_start3A_998 : memref<128x32xf32, #tpu.memory_space<vmem>>) offsets(%dma_start3A_1000 : memref<128xi32, #tpu.memory_space<vmem>>) semaphore(%arg11 : memref<!tpu.dma_semaphore, #tpu.memory_space<semaphore_mem>>)
    %dma_wait3A_1004 = arith.constant 0 : i32
    %dma_wait3A_1005 = arith.constant 0 : i32
    %dma_wait3A_1006 = tpu.memref_slice %arg8[%dma_wait3A_1004, %dma_wait3A_1005] : memref<1024x32xf32, #tpu.memory_space<vmem>> -> memref<128x32xf32, #tpu.memory_space<vmem>>
    %dma_wait3A_1007 = arith.constant 6144 : i32
    %dma_wait3A_1008 = tpu.memref_slice %arg6[%dma_wait3A_1007] : memref<13312xi32, #tpu.memory_space<vmem>> -> memref<128xi32, #tpu.memory_space<vmem>>
    %dma_wait3A_1009 = arith.constant 0 : i32
    %dma_wait3A_1010 = arith.constant 0 : i32
    %dma_wait3A_1011 = tpu.memref_slice %arg2[%dma_wait3A_1009, %dma_wait3A_1010] : memref<2600000x32xf32, #tpu.memory_space<hbm>> -> memref<2600000x32xf32, #tpu.memory_space<hbm>>
    tpu.wait_indirect_dma semaphore(%arg10 : memref<!tpu.dma_semaphore, #tpu.memory_space<semaphore_mem>>) src(%dma_wait3A_1011 : memref<2600000x32xf32, #tpu.memory_space<hbm>>) dst(%dma_wait3A_1006 : memref<128x32xf32, #tpu.memory_space<vmem>>)
    %dma_wait3A_1012 = arith.constant 128 : i32
    %dma_wait3A_1013 = arith.constant 0 : i32
    %dma_wait3A_1014 = tpu.memref_slice %arg8[%dma_wait3A_1012, %dma_wait3A_1013] : memref<1024x32xf32, #tpu.memory_space<vmem>> -> memref<128x32xf32, #tpu.memory_space<vmem>>
    %dma_wait3A_1015 = arith.constant 6272 : i32
    %dma_wait3A_1016 = tpu.memref_slice %arg6[%dma_wait3A_1015] : memref<13312xi32, #tpu.memory_space<vmem>> -> memref<128xi32, #tpu.memory_space<vmem>>
    %dma_wait3A_1017 = arith.constant 0 : i32
    %dma_wait3A_1018 = arith.constant 0 : i32
    %dma_wait3A_1019 = tpu.memref_slice %arg2[%dma_wait3A_1017, %dma_wait3A_1018] : memref<2600000x32xf32, #tpu.memory_space<hbm>> -> memref<2600000x32xf32, #tpu.memory_space<hbm>>
    tpu.wait_indirect_dma semaphore(%arg10 : memref<!tpu.dma_semaphore, #tpu.memory_space<semaphore_mem>>) src(%dma_wait3A_1019 : memref<2600000x32xf32, #tpu.memory_space<hbm>>) dst(%dma_wait3A_1014 : memref<128x32xf32, #tpu.memory_space<vmem>>)
    %dma_wait3A_1020 = arith.constant 256 : i32
    %dma_wait3A_1021 = arith.constant 0 : i32
    %dma_wait3A_1022 = tpu.memref_slice %arg8[%dma_wait3A_1020, %dma_wait3A_1021] : memref<1024x32xf32, #tpu.memory_space<vmem>> -> memref<128x32xf32, #tpu.memory_space<vmem>>
    %dma_wait3A_1023 = arith.constant 6400 : i32
    %dma_wait3A_1024 = tpu.memref_slice %arg6[%dma_wait3A_1023] : memref<13312xi32, #tpu.memory_space<vmem>> -> memref<128xi32, #tpu.memory_space<vmem>>
    %dma_wait3A_1025 = arith.constant 0 : i32
    %dma_wait3A_1026 = arith.constant 0 : i32
    %dma_wait3A_1027 = tpu.memref_slice %arg2[%dma_wait3A_1025, %dma_wait3A_1026] : memref<2600000x32xf32, #tpu.memory_space<hbm>> -> memref<2600000x32xf32, #tpu.memory_space<hbm>>
    tpu.wait_indirect_dma semaphore(%arg10 : memref<!tpu.dma_semaphore, #tpu.memory_space<semaphore_mem>>) src(%dma_wait3A_1027 : memref<2600000x32xf32, #tpu.memory_space<hbm>>) dst(%dma_wait3A_1022 : memref<128x32xf32, #tpu.memory_space<vmem>>)
    %dma_wait3A_1028 = arith.constant 384 : i32
    %dma_wait3A_1029 = arith.constant 0 : i32
    %dma_wait3A_1030 = tpu.memref_slice %arg8[%dma_wait3A_1028, %dma_wait3A_1029] : memref<1024x32xf32, #tpu.memory_space<vmem>> -> memref<128x32xf32, #tpu.memory_space<vmem>>
    %dma_wait3A_1031 = arith.constant 6528 : i32
    %dma_wait3A_1032 = tpu.memref_slice %arg6[%dma_wait3A_1031] : memref<13312xi32, #tpu.memory_space<vmem>> -> memref<128xi32, #tpu.memory_space<vmem>>
    %dma_wait3A_1033 = arith.constant 0 : i32
    %dma_wait3A_1034 = arith.constant 0 : i32
    %dma_wait3A_1035 = tpu.memref_slice %arg2[%dma_wait3A_1033, %dma_wait3A_1034] : memref<2600000x32xf32, #tpu.memory_space<hbm>> -> memref<2600000x32xf32, #tpu.memory_space<hbm>>
    tpu.wait_indirect_dma semaphore(%arg10 : memref<!tpu.dma_semaphore, #tpu.memory_space<semaphore_mem>>) src(%dma_wait3A_1035 : memref<2600000x32xf32, #tpu.memory_space<hbm>>) dst(%dma_wait3A_1030 : memref<128x32xf32, #tpu.memory_space<vmem>>)
    %dma_wait3A_1036 = arith.constant 512 : i32
    %dma_wait3A_1037 = arith.constant 0 : i32
    %dma_wait3A_1038 = tpu.memref_slice %arg8[%dma_wait3A_1036, %dma_wait3A_1037] : memref<1024x32xf32, #tpu.memory_space<vmem>> -> memref<128x32xf32, #tpu.memory_space<vmem>>
    %dma_wait3A_1039 = arith.constant 6656 : i32
    %dma_wait3A_1040 = tpu.memref_slice %arg6[%dma_wait3A_1039] : memref<13312xi32, #tpu.memory_space<vmem>> -> memref<128xi32, #tpu.memory_space<vmem>>
    %dma_wait3A_1041 = arith.constant 0 : i32
    %dma_wait3A_1042 = arith.constant 0 : i32
    %dma_wait3A_1043 = tpu.memref_slice %arg2[%dma_wait3A_1041, %dma_wait3A_1042] : memref<2600000x32xf32, #tpu.memory_space<hbm>> -> memref<2600000x32xf32, #tpu.memory_space<hbm>>
    tpu.wait_indirect_dma semaphore(%arg10 : memref<!tpu.dma_semaphore, #tpu.memory_space<semaphore_mem>>) src(%dma_wait3A_1043 : memref<2600000x32xf32, #tpu.memory_space<hbm>>) dst(%dma_wait3A_1038 : memref<128x32xf32, #tpu.memory_space<vmem>>)
    %dma_wait3A_1044 = arith.constant 640 : i32
    %dma_wait3A_1045 = arith.constant 0 : i32
    %dma_wait3A_1046 = tpu.memref_slice %arg8[%dma_wait3A_1044, %dma_wait3A_1045] : memref<1024x32xf32, #tpu.memory_space<vmem>> -> memref<128x32xf32, #tpu.memory_space<vmem>>
    %dma_wait3A_1047 = arith.constant 6784 : i32
    %dma_wait3A_1048 = tpu.memref_slice %arg6[%dma_wait3A_1047] : memref<13312xi32, #tpu.memory_space<vmem>> -> memref<128xi32, #tpu.memory_space<vmem>>
    %dma_wait3A_1049 = arith.constant 0 : i32
    %dma_wait3A_1050 = arith.constant 0 : i32
    %dma_wait3A_1051 = tpu.memref_slice %arg2[%dma_wait3A_1049, %dma_wait3A_1050] : memref<2600000x32xf32, #tpu.memory_space<hbm>> -> memref<2600000x32xf32, #tpu.memory_space<hbm>>
    tpu.wait_indirect_dma semaphore(%arg10 : memref<!tpu.dma_semaphore, #tpu.memory_space<semaphore_mem>>) src(%dma_wait3A_1051 : memref<2600000x32xf32, #tpu.memory_space<hbm>>) dst(%dma_wait3A_1046 : memref<128x32xf32, #tpu.memory_space<vmem>>)
    %dma_wait3A_1052 = arith.constant 768 : i32
    %dma_wait3A_1053 = arith.constant 0 : i32
    %dma_wait3A_1054 = tpu.memref_slice %arg8[%dma_wait3A_1052, %dma_wait3A_1053] : memref<1024x32xf32, #tpu.memory_space<vmem>> -> memref<128x32xf32, #tpu.memory_space<vmem>>
    %dma_wait3A_1055 = arith.constant 6912 : i32
    %dma_wait3A_1056 = tpu.memref_slice %arg6[%dma_wait3A_1055] : memref<13312xi32, #tpu.memory_space<vmem>> -> memref<128xi32, #tpu.memory_space<vmem>>
    %dma_wait3A_1057 = arith.constant 0 : i32
    %dma_wait3A_1058 = arith.constant 0 : i32
    %dma_wait3A_1059 = tpu.memref_slice %arg2[%dma_wait3A_1057, %dma_wait3A_1058] : memref<2600000x32xf32, #tpu.memory_space<hbm>> -> memref<2600000x32xf32, #tpu.memory_space<hbm>>
    tpu.wait_indirect_dma semaphore(%arg10 : memref<!tpu.dma_semaphore, #tpu.memory_space<semaphore_mem>>) src(%dma_wait3A_1059 : memref<2600000x32xf32, #tpu.memory_space<hbm>>) dst(%dma_wait3A_1054 : memref<128x32xf32, #tpu.memory_space<vmem>>)
    %dma_wait3A_1060 = arith.constant 896 : i32
    %dma_wait3A_1061 = arith.constant 0 : i32
    %dma_wait3A_1062 = tpu.memref_slice %arg8[%dma_wait3A_1060, %dma_wait3A_1061] : memref<1024x32xf32, #tpu.memory_space<vmem>> -> memref<128x32xf32, #tpu.memory_space<vmem>>
    %dma_wait3A_1063 = arith.constant 7040 : i32
    %dma_wait3A_1064 = tpu.memref_slice %arg6[%dma_wait3A_1063] : memref<13312xi32, #tpu.memory_space<vmem>> -> memref<128xi32, #tpu.memory_space<vmem>>
    %dma_wait3A_1065 = arith.constant 0 : i32
    %dma_wait3A_1066 = arith.constant 0 : i32
    %dma_wait3A_1067 = tpu.memref_slice %arg2[%dma_wait3A_1065, %dma_wait3A_1066] : memref<2600000x32xf32, #tpu.memory_space<hbm>> -> memref<2600000x32xf32, #tpu.memory_space<hbm>>
    tpu.wait_indirect_dma semaphore(%arg10 : memref<!tpu.dma_semaphore, #tpu.memory_space<semaphore_mem>>) src(%dma_wait3A_1067 : memref<2600000x32xf32, #tpu.memory_space<hbm>>) dst(%dma_wait3A_1062 : memref<128x32xf32, #tpu.memory_space<vmem>>)
    %add3A_1068 = arith.constant 6144 : i32
    %add3A_1069 = arith.addi %mul3A_2, %add3A_1068 : i32
    %dma_start3A_1070 = arith.constant 0 : i32
    %dma_start3A_1071 = tpu.memref_slice %arg5[%add3A_1069, %dma_start3A_1070] : memref<425984x32xf32, #tpu.memory_space<hbm>> -> memref<1024x32xf32, #tpu.memory_space<hbm>>
    %dma_start3A_1072 = arith.constant 0 : i32
    %dma_start3A_1073 = tpu.memref_slice %arg5[%add3A_1069, %dma_start3A_1072] : memref<425984x32xf32, #tpu.memory_space<hbm>> -> memref<1024x32xf32, #tpu.memory_space<hbm>>
    tpu.enqueue_dma source(%arg8 : memref<1024x32xf32, #tpu.memory_space<vmem>>) target(%dma_start3A_1073 : memref<1024x32xf32, #tpu.memory_space<hbm>>) target_semaphore(%arg12 : memref<!tpu.dma_semaphore, #tpu.memory_space<semaphore_mem>>)
    %scan3A_1074 = arith.constant 0 : i32
    %scan3A_1075 = arith.constant 0 : i32
    %scan3A_1076 = arith.constant 64 : i32
    %scan3A_1077 = arith.addi %scan3A_1075, %scan3A_1076 : i32
    %scan3A_1078 = arith.constant 1 : i32
    scf.for %scan3A_1872 = %scan3A_1075 to %scan3A_1077 step %scan3A_1078  : i32 {
      %add3A_1873 = arith.constant 512 : i32
      %add3A_1874 = arith.addi %add3A_1873, %scan3A_1872 : i32
      %mul3A_1875 = arith.constant 16 : i32
      %mul3A_1876 = arith.muli %add3A_1874, %mul3A_1875 : i32
      %jit3A = arith.constant 104 : i32
      %eq3A = arith.constant 0 : i32
      %eq3A_1877 = arith.cmpi eq, %jit3A, %eq3A : i32
      %jit3A_1878 = arith.constant 1 : i32
      %select_n3A = arith.select %eq3A_1877, %jit3A_1878, %jit3A : i32
      %rem3A = arith.remsi %add3A_1874, %select_n3A : i32
      %ne3A = arith.constant 0 : i32
      %ne3A_1879 = arith.cmpi ne, %rem3A, %ne3A : i32
      %lt3A = arith.constant 0 : i32
      %lt3A_1880 = arith.cmpi slt, %rem3A, %lt3A : i32
      %lt3A_1881 = arith.constant 0 : i32
      %lt3A_1882 = arith.cmpi slt, %select_n3A, %lt3A_1881 : i32
      %ne3A_1883 = arith.xori %lt3A_1880, %lt3A_1882 : i1
      %and3A = arith.andi %ne3A_1883, %ne3A_1879 : i1
      %add3A_1884 = arith.addi %rem3A, %select_n3A : i32
      %select_n3A_1885 = arith.select %and3A, %add3A_1884, %rem3A : i32
      %mul3A_1886 = arith.constant 16 : i32
      %mul3A_1887 = arith.muli %select_n3A_1885, %mul3A_1886 : i32
      %get3A = arith.index_cast %mul3A_1876 : i32 to index
      %get3A_1888 = tpu.vector_load %arg6[%get3A] {strides = array<i32>} : memref<13312xi32, #tpu.memory_space<vmem>>, vector<16xi32>,
      %get3A_1889 = vector.shape_cast %get3A_1888 : vector<16xi32> to vector<16xi32>
      %get3A_1890 = arith.index_cast %mul3A_1887 : i32 to index
      %get3A_1891 = tpu.vector_load %arg7[%get3A_1890] {strides = array<i32>} : memref<1664xi32, #tpu.memory_space<vmem>>, vector<16xi32>,
      %get3A_1892 = vector.shape_cast %get3A_1891 : vector<16xi32> to vector<16xi32>
      %add3A_1893 = arith.addi %get3A_1889, %get3A_1892 : vector<16xi32>
      %swap3A = arith.index_cast %mul3A_1876 : i32 to index
      %swap3A_1894 = tpu.vector_load %arg6[%swap3A] {strides = array<i32>} : memref<13312xi32, #tpu.memory_space<vmem>>, vector<16xi32>,
      %swap3A_1895 = vector.shape_cast %swap3A_1894 : vector<16xi32> to vector<16xi32>
      %swap3A_1896 = vector.shape_cast %add3A_1893 : vector<16xi32> to vector<16xi32>
      tpu.vector_store %arg6[%swap3A], %swap3A_1896 {strides = array<i32>} : memref<13312xi32, #tpu.memory_space<vmem>>, vector<16xi32>,
    }
    %scan3A_1079 = arith.constant 64 : i32
    %dma_wait3A_1080 = arith.constant 0 : i32
    %dma_wait3A_1081 = tpu.memref_slice %arg5[%add3A_1069, %dma_wait3A_1080] : memref<425984x32xf32, #tpu.memory_space<hbm>> -> memref<1024x32xf32, #tpu.memory_space<hbm>>
    %dma_wait3A_1082 = arith.constant 0 : i32
    %dma_wait3A_1083 = tpu.memref_slice %arg5[%add3A_1069, %dma_wait3A_1082] : memref<425984x32xf32, #tpu.memory_space<hbm>> -> memref<1024x32xf32, #tpu.memory_space<hbm>>
    tpu.wait_dma2 semaphore(%arg12 : memref<!tpu.dma_semaphore, #tpu.memory_space<semaphore_mem>>) src(%arg8 : memref<1024x32xf32, #tpu.memory_space<vmem>>) dst(%dma_wait3A_1083 : memref<1024x32xf32, #tpu.memory_space<hbm>>)
    %dma_start3A_1084 = arith.constant 0 : i32
    %dma_start3A_1085 = arith.constant 0 : i32
    %dma_start3A_1086 = tpu.memref_slice %arg8[%dma_start3A_1084, %dma_start3A_1085] : memref<1024x32xf32, #tpu.memory_space<vmem>> -> memref<128x32xf32, #tpu.memory_space<vmem>>
    %dma_start3A_1087 = arith.constant 8192 : i32
    %dma_start3A_1088 = tpu.memref_slice %arg6[%dma_start3A_1087] : memref<13312xi32, #tpu.memory_space<vmem>> -> memref<128xi32, #tpu.memory_space<vmem>>
    %dma_start3A_1089 = arith.constant 0 : i32
    %dma_start3A_1090 = arith.constant 0 : i32
    %dma_start3A_1091 = tpu.memref_slice %arg2[%dma_start3A_1089, %dma_start3A_1090] : memref<2600000x32xf32, #tpu.memory_space<hbm>> -> memref<2600000x32xf32, #tpu.memory_space<hbm>>
    tpu.enqueue_indirect_dma source(%dma_start3A_1091 : memref<2600000x32xf32, #tpu.memory_space<hbm>>) target(%dma_start3A_1086 : memref<128x32xf32, #tpu.memory_space<vmem>>) offsets(%dma_start3A_1088 : memref<128xi32, #tpu.memory_space<vmem>>) semaphore(%arg10 : memref<!tpu.dma_semaphore, #tpu.memory_space<semaphore_mem>>)
    %dma_start3A_1092 = arith.constant 128 : i32
    %dma_start3A_1093 = arith.constant 0 : i32
    %dma_start3A_1094 = tpu.memref_slice %arg8[%dma_start3A_1092, %dma_start3A_1093] : memref<1024x32xf32, #tpu.memory_space<vmem>> -> memref<128x32xf32, #tpu.memory_space<vmem>>
    %dma_start3A_1095 = arith.constant 8320 : i32
    %dma_start3A_1096 = tpu.memref_slice %arg6[%dma_start3A_1095] : memref<13312xi32, #tpu.memory_space<vmem>> -> memref<128xi32, #tpu.memory_space<vmem>>
    %dma_start3A_1097 = arith.constant 0 : i32
    %dma_start3A_1098 = arith.constant 0 : i32
    %dma_start3A_1099 = tpu.memref_slice %arg2[%dma_start3A_1097, %dma_start3A_1098] : memref<2600000x32xf32, #tpu.memory_space<hbm>> -> memref<2600000x32xf32, #tpu.memory_space<hbm>>
    tpu.enqueue_indirect_dma source(%dma_start3A_1099 : memref<2600000x32xf32, #tpu.memory_space<hbm>>) target(%dma_start3A_1094 : memref<128x32xf32, #tpu.memory_space<vmem>>) offsets(%dma_start3A_1096 : memref<128xi32, #tpu.memory_space<vmem>>) semaphore(%arg10 : memref<!tpu.dma_semaphore, #tpu.memory_space<semaphore_mem>>)
    %dma_start3A_1100 = arith.constant 256 : i32
    %dma_start3A_1101 = arith.constant 0 : i32
    %dma_start3A_1102 = tpu.memref_slice %arg8[%dma_start3A_1100, %dma_start3A_1101] : memref<1024x32xf32, #tpu.memory_space<vmem>> -> memref<128x32xf32, #tpu.memory_space<vmem>>
    %dma_start3A_1103 = arith.constant 8448 : i32
    %dma_start3A_1104 = tpu.memref_slice %arg6[%dma_start3A_1103] : memref<13312xi32, #tpu.memory_space<vmem>> -> memref<128xi32, #tpu.memory_space<vmem>>
    %dma_start3A_1105 = arith.constant 0 : i32
    %dma_start3A_1106 = arith.constant 0 : i32
    %dma_start3A_1107 = tpu.memref_slice %arg2[%dma_start3A_1105, %dma_start3A_1106] : memref<2600000x32xf32, #tpu.memory_space<hbm>> -> memref<2600000x32xf32, #tpu.memory_space<hbm>>
    tpu.enqueue_indirect_dma source(%dma_start3A_1107 : memref<2600000x32xf32, #tpu.memory_space<hbm>>) target(%dma_start3A_1102 : memref<128x32xf32, #tpu.memory_space<vmem>>) offsets(%dma_start3A_1104 : memref<128xi32, #tpu.memory_space<vmem>>) semaphore(%arg10 : memref<!tpu.dma_semaphore, #tpu.memory_space<semaphore_mem>>)
    %dma_start3A_1108 = arith.constant 384 : i32
    %dma_start3A_1109 = arith.constant 0 : i32
    %dma_start3A_1110 = tpu.memref_slice %arg8[%dma_start3A_1108, %dma_start3A_1109] : memref<1024x32xf32, #tpu.memory_space<vmem>> -> memref<128x32xf32, #tpu.memory_space<vmem>>
    %dma_start3A_1111 = arith.constant 8576 : i32
    %dma_start3A_1112 = tpu.memref_slice %arg6[%dma_start3A_1111] : memref<13312xi32, #tpu.memory_space<vmem>> -> memref<128xi32, #tpu.memory_space<vmem>>
    %dma_start3A_1113 = arith.constant 0 : i32
    %dma_start3A_1114 = arith.constant 0 : i32
    %dma_start3A_1115 = tpu.memref_slice %arg2[%dma_start3A_1113, %dma_start3A_1114] : memref<2600000x32xf32, #tpu.memory_space<hbm>> -> memref<2600000x32xf32, #tpu.memory_space<hbm>>
    tpu.enqueue_indirect_dma source(%dma_start3A_1115 : memref<2600000x32xf32, #tpu.memory_space<hbm>>) target(%dma_start3A_1110 : memref<128x32xf32, #tpu.memory_space<vmem>>) offsets(%dma_start3A_1112 : memref<128xi32, #tpu.memory_space<vmem>>) semaphore(%arg10 : memref<!tpu.dma_semaphore, #tpu.memory_space<semaphore_mem>>)
    %dma_start3A_1116 = arith.constant 512 : i32
    %dma_start3A_1117 = arith.constant 0 : i32
    %dma_start3A_1118 = tpu.memref_slice %arg8[%dma_start3A_1116, %dma_start3A_1117] : memref<1024x32xf32, #tpu.memory_space<vmem>> -> memref<128x32xf32, #tpu.memory_space<vmem>>
    %dma_start3A_1119 = arith.constant 8704 : i32
    %dma_start3A_1120 = tpu.memref_slice %arg6[%dma_start3A_1119] : memref<13312xi32, #tpu.memory_space<vmem>> -> memref<128xi32, #tpu.memory_space<vmem>>
    %dma_start3A_1121 = arith.constant 0 : i32
    %dma_start3A_1122 = arith.constant 0 : i32
    %dma_start3A_1123 = tpu.memref_slice %arg2[%dma_start3A_1121, %dma_start3A_1122] : memref<2600000x32xf32, #tpu.memory_space<hbm>> -> memref<2600000x32xf32, #tpu.memory_space<hbm>>
    tpu.enqueue_indirect_dma source(%dma_start3A_1123 : memref<2600000x32xf32, #tpu.memory_space<hbm>>) target(%dma_start3A_1118 : memref<128x32xf32, #tpu.memory_space<vmem>>) offsets(%dma_start3A_1120 : memref<128xi32, #tpu.memory_space<vmem>>) semaphore(%arg10 : memref<!tpu.dma_semaphore, #tpu.memory_space<semaphore_mem>>)
    %dma_start3A_1124 = arith.constant 640 : i32
    %dma_start3A_1125 = arith.constant 0 : i32
    %dma_start3A_1126 = tpu.memref_slice %arg8[%dma_start3A_1124, %dma_start3A_1125] : memref<1024x32xf32, #tpu.memory_space<vmem>> -> memref<128x32xf32, #tpu.memory_space<vmem>>
    %dma_start3A_1127 = arith.constant 8832 : i32
    %dma_start3A_1128 = tpu.memref_slice %arg6[%dma_start3A_1127] : memref<13312xi32, #tpu.memory_space<vmem>> -> memref<128xi32, #tpu.memory_space<vmem>>
    %dma_start3A_1129 = arith.constant 0 : i32
    %dma_start3A_1130 = arith.constant 0 : i32
    %dma_start3A_1131 = tpu.memref_slice %arg2[%dma_start3A_1129, %dma_start3A_1130] : memref<2600000x32xf32, #tpu.memory_space<hbm>> -> memref<2600000x32xf32, #tpu.memory_space<hbm>>
    tpu.enqueue_indirect_dma source(%dma_start3A_1131 : memref<2600000x32xf32, #tpu.memory_space<hbm>>) target(%dma_start3A_1126 : memref<128x32xf32, #tpu.memory_space<vmem>>) offsets(%dma_start3A_1128 : memref<128xi32, #tpu.memory_space<vmem>>) semaphore(%arg10 : memref<!tpu.dma_semaphore, #tpu.memory_space<semaphore_mem>>)
    %dma_start3A_1132 = arith.constant 768 : i32
    %dma_start3A_1133 = arith.constant 0 : i32
    %dma_start3A_1134 = tpu.memref_slice %arg8[%dma_start3A_1132, %dma_start3A_1133] : memref<1024x32xf32, #tpu.memory_space<vmem>> -> memref<128x32xf32, #tpu.memory_space<vmem>>
    %dma_start3A_1135 = arith.constant 8960 : i32
    %dma_start3A_1136 = tpu.memref_slice %arg6[%dma_start3A_1135] : memref<13312xi32, #tpu.memory_space<vmem>> -> memref<128xi32, #tpu.memory_space<vmem>>
    %dma_start3A_1137 = arith.constant 0 : i32
    %dma_start3A_1138 = arith.constant 0 : i32
    %dma_start3A_1139 = tpu.memref_slice %arg2[%dma_start3A_1137, %dma_start3A_1138] : memref<2600000x32xf32, #tpu.memory_space<hbm>> -> memref<2600000x32xf32, #tpu.memory_space<hbm>>
    tpu.enqueue_indirect_dma source(%dma_start3A_1139 : memref<2600000x32xf32, #tpu.memory_space<hbm>>) target(%dma_start3A_1134 : memref<128x32xf32, #tpu.memory_space<vmem>>) offsets(%dma_start3A_1136 : memref<128xi32, #tpu.memory_space<vmem>>) semaphore(%arg10 : memref<!tpu.dma_semaphore, #tpu.memory_space<semaphore_mem>>)
    %dma_start3A_1140 = arith.constant 896 : i32
    %dma_start3A_1141 = arith.constant 0 : i32
    %dma_start3A_1142 = tpu.memref_slice %arg8[%dma_start3A_1140, %dma_start3A_1141] : memref<1024x32xf32, #tpu.memory_space<vmem>> -> memref<128x32xf32, #tpu.memory_space<vmem>>
    %dma_start3A_1143 = arith.constant 9088 : i32
    %dma_start3A_1144 = tpu.memref_slice %arg6[%dma_start3A_1143] : memref<13312xi32, #tpu.memory_space<vmem>> -> memref<128xi32, #tpu.memory_space<vmem>>
    %dma_start3A_1145 = arith.constant 0 : i32
    %dma_start3A_1146 = arith.constant 0 : i32
    %dma_start3A_1147 = tpu.memref_slice %arg2[%dma_start3A_1145, %dma_start3A_1146] : memref<2600000x32xf32, #tpu.memory_space<hbm>> -> memref<2600000x32xf32, #tpu.memory_space<hbm>>
    tpu.enqueue_indirect_dma source(%dma_start3A_1147 : memref<2600000x32xf32, #tpu.memory_space<hbm>>) target(%dma_start3A_1142 : memref<128x32xf32, #tpu.memory_space<vmem>>) offsets(%dma_start3A_1144 : memref<128xi32, #tpu.memory_space<vmem>>) semaphore(%arg10 : memref<!tpu.dma_semaphore, #tpu.memory_space<semaphore_mem>>)
    %dma_wait3A_1148 = arith.constant 0 : i32
    %dma_wait3A_1149 = arith.constant 0 : i32
    %dma_wait3A_1150 = tpu.memref_slice %arg9[%dma_wait3A_1148, %dma_wait3A_1149] : memref<1024x32xf32, #tpu.memory_space<vmem>> -> memref<128x32xf32, #tpu.memory_space<vmem>>
    %dma_wait3A_1151 = arith.constant 7168 : i32
    %dma_wait3A_1152 = tpu.memref_slice %arg6[%dma_wait3A_1151] : memref<13312xi32, #tpu.memory_space<vmem>> -> memref<128xi32, #tpu.memory_space<vmem>>
    %dma_wait3A_1153 = arith.constant 0 : i32
    %dma_wait3A_1154 = arith.constant 0 : i32
    %dma_wait3A_1155 = tpu.memref_slice %arg2[%dma_wait3A_1153, %dma_wait3A_1154] : memref<2600000x32xf32, #tpu.memory_space<hbm>> -> memref<2600000x32xf32, #tpu.memory_space<hbm>>
    tpu.wait_indirect_dma semaphore(%arg11 : memref<!tpu.dma_semaphore, #tpu.memory_space<semaphore_mem>>) src(%dma_wait3A_1155 : memref<2600000x32xf32, #tpu.memory_space<hbm>>) dst(%dma_wait3A_1150 : memref<128x32xf32, #tpu.memory_space<vmem>>)
    %dma_wait3A_1156 = arith.constant 128 : i32
    %dma_wait3A_1157 = arith.constant 0 : i32
    %dma_wait3A_1158 = tpu.memref_slice %arg9[%dma_wait3A_1156, %dma_wait3A_1157] : memref<1024x32xf32, #tpu.memory_space<vmem>> -> memref<128x32xf32, #tpu.memory_space<vmem>>
    %dma_wait3A_1159 = arith.constant 7296 : i32
    %dma_wait3A_1160 = tpu.memref_slice %arg6[%dma_wait3A_1159] : memref<13312xi32, #tpu.memory_space<vmem>> -> memref<128xi32, #tpu.memory_space<vmem>>
    %dma_wait3A_1161 = arith.constant 0 : i32
    %dma_wait3A_1162 = arith.constant 0 : i32
    %dma_wait3A_1163 = tpu.memref_slice %arg2[%dma_wait3A_1161, %dma_wait3A_1162] : memref<2600000x32xf32, #tpu.memory_space<hbm>> -> memref<2600000x32xf32, #tpu.memory_space<hbm>>
    tpu.wait_indirect_dma semaphore(%arg11 : memref<!tpu.dma_semaphore, #tpu.memory_space<semaphore_mem>>) src(%dma_wait3A_1163 : memref<2600000x32xf32, #tpu.memory_space<hbm>>) dst(%dma_wait3A_1158 : memref<128x32xf32, #tpu.memory_space<vmem>>)
    %dma_wait3A_1164 = arith.constant 256 : i32
    %dma_wait3A_1165 = arith.constant 0 : i32
    %dma_wait3A_1166 = tpu.memref_slice %arg9[%dma_wait3A_1164, %dma_wait3A_1165] : memref<1024x32xf32, #tpu.memory_space<vmem>> -> memref<128x32xf32, #tpu.memory_space<vmem>>
    %dma_wait3A_1167 = arith.constant 7424 : i32
    %dma_wait3A_1168 = tpu.memref_slice %arg6[%dma_wait3A_1167] : memref<13312xi32, #tpu.memory_space<vmem>> -> memref<128xi32, #tpu.memory_space<vmem>>
    %dma_wait3A_1169 = arith.constant 0 : i32
    %dma_wait3A_1170 = arith.constant 0 : i32
    %dma_wait3A_1171 = tpu.memref_slice %arg2[%dma_wait3A_1169, %dma_wait3A_1170] : memref<2600000x32xf32, #tpu.memory_space<hbm>> -> memref<2600000x32xf32, #tpu.memory_space<hbm>>
    tpu.wait_indirect_dma semaphore(%arg11 : memref<!tpu.dma_semaphore, #tpu.memory_space<semaphore_mem>>) src(%dma_wait3A_1171 : memref<2600000x32xf32, #tpu.memory_space<hbm>>) dst(%dma_wait3A_1166 : memref<128x32xf32, #tpu.memory_space<vmem>>)
    %dma_wait3A_1172 = arith.constant 384 : i32
    %dma_wait3A_1173 = arith.constant 0 : i32
    %dma_wait3A_1174 = tpu.memref_slice %arg9[%dma_wait3A_1172, %dma_wait3A_1173] : memref<1024x32xf32, #tpu.memory_space<vmem>> -> memref<128x32xf32, #tpu.memory_space<vmem>>
    %dma_wait3A_1175 = arith.constant 7552 : i32
    %dma_wait3A_1176 = tpu.memref_slice %arg6[%dma_wait3A_1175] : memref<13312xi32, #tpu.memory_space<vmem>> -> memref<128xi32, #tpu.memory_space<vmem>>
    %dma_wait3A_1177 = arith.constant 0 : i32
    %dma_wait3A_1178 = arith.constant 0 : i32
    %dma_wait3A_1179 = tpu.memref_slice %arg2[%dma_wait3A_1177, %dma_wait3A_1178] : memref<2600000x32xf32, #tpu.memory_space<hbm>> -> memref<2600000x32xf32, #tpu.memory_space<hbm>>
    tpu.wait_indirect_dma semaphore(%arg11 : memref<!tpu.dma_semaphore, #tpu.memory_space<semaphore_mem>>) src(%dma_wait3A_1179 : memref<2600000x32xf32, #tpu.memory_space<hbm>>) dst(%dma_wait3A_1174 : memref<128x32xf32, #tpu.memory_space<vmem>>)
    %dma_wait3A_1180 = arith.constant 512 : i32
    %dma_wait3A_1181 = arith.constant 0 : i32
    %dma_wait3A_1182 = tpu.memref_slice %arg9[%dma_wait3A_1180, %dma_wait3A_1181] : memref<1024x32xf32, #tpu.memory_space<vmem>> -> memref<128x32xf32, #tpu.memory_space<vmem>>
    %dma_wait3A_1183 = arith.constant 7680 : i32
    %dma_wait3A_1184 = tpu.memref_slice %arg6[%dma_wait3A_1183] : memref<13312xi32, #tpu.memory_space<vmem>> -> memref<128xi32, #tpu.memory_space<vmem>>
    %dma_wait3A_1185 = arith.constant 0 : i32
    %dma_wait3A_1186 = arith.constant 0 : i32
    %dma_wait3A_1187 = tpu.memref_slice %arg2[%dma_wait3A_1185, %dma_wait3A_1186] : memref<2600000x32xf32, #tpu.memory_space<hbm>> -> memref<2600000x32xf32, #tpu.memory_space<hbm>>
    tpu.wait_indirect_dma semaphore(%arg11 : memref<!tpu.dma_semaphore, #tpu.memory_space<semaphore_mem>>) src(%dma_wait3A_1187 : memref<2600000x32xf32, #tpu.memory_space<hbm>>) dst(%dma_wait3A_1182 : memref<128x32xf32, #tpu.memory_space<vmem>>)
    %dma_wait3A_1188 = arith.constant 640 : i32
    %dma_wait3A_1189 = arith.constant 0 : i32
    %dma_wait3A_1190 = tpu.memref_slice %arg9[%dma_wait3A_1188, %dma_wait3A_1189] : memref<1024x32xf32, #tpu.memory_space<vmem>> -> memref<128x32xf32, #tpu.memory_space<vmem>>
    %dma_wait3A_1191 = arith.constant 7808 : i32
    %dma_wait3A_1192 = tpu.memref_slice %arg6[%dma_wait3A_1191] : memref<13312xi32, #tpu.memory_space<vmem>> -> memref<128xi32, #tpu.memory_space<vmem>>
    %dma_wait3A_1193 = arith.constant 0 : i32
    %dma_wait3A_1194 = arith.constant 0 : i32
    %dma_wait3A_1195 = tpu.memref_slice %arg2[%dma_wait3A_1193, %dma_wait3A_1194] : memref<2600000x32xf32, #tpu.memory_space<hbm>> -> memref<2600000x32xf32, #tpu.memory_space<hbm>>
    tpu.wait_indirect_dma semaphore(%arg11 : memref<!tpu.dma_semaphore, #tpu.memory_space<semaphore_mem>>) src(%dma_wait3A_1195 : memref<2600000x32xf32, #tpu.memory_space<hbm>>) dst(%dma_wait3A_1190 : memref<128x32xf32, #tpu.memory_space<vmem>>)
    %dma_wait3A_1196 = arith.constant 768 : i32
    %dma_wait3A_1197 = arith.constant 0 : i32
    %dma_wait3A_1198 = tpu.memref_slice %arg9[%dma_wait3A_1196, %dma_wait3A_1197] : memref<1024x32xf32, #tpu.memory_space<vmem>> -> memref<128x32xf32, #tpu.memory_space<vmem>>
    %dma_wait3A_1199 = arith.constant 7936 : i32
    %dma_wait3A_1200 = tpu.memref_slice %arg6[%dma_wait3A_1199] : memref<13312xi32, #tpu.memory_space<vmem>> -> memref<128xi32, #tpu.memory_space<vmem>>
    %dma_wait3A_1201 = arith.constant 0 : i32
    %dma_wait3A_1202 = arith.constant 0 : i32
    %dma_wait3A_1203 = tpu.memref_slice %arg2[%dma_wait3A_1201, %dma_wait3A_1202] : memref<2600000x32xf32, #tpu.memory_space<hbm>> -> memref<2600000x32xf32, #tpu.memory_space<hbm>>
    tpu.wait_indirect_dma semaphore(%arg11 : memref<!tpu.dma_semaphore, #tpu.memory_space<semaphore_mem>>) src(%dma_wait3A_1203 : memref<2600000x32xf32, #tpu.memory_space<hbm>>) dst(%dma_wait3A_1198 : memref<128x32xf32, #tpu.memory_space<vmem>>)
    %dma_wait3A_1204 = arith.constant 896 : i32
    %dma_wait3A_1205 = arith.constant 0 : i32
    %dma_wait3A_1206 = tpu.memref_slice %arg9[%dma_wait3A_1204, %dma_wait3A_1205] : memref<1024x32xf32, #tpu.memory_space<vmem>> -> memref<128x32xf32, #tpu.memory_space<vmem>>
    %dma_wait3A_1207 = arith.constant 8064 : i32
    %dma_wait3A_1208 = tpu.memref_slice %arg6[%dma_wait3A_1207] : memref<13312xi32, #tpu.memory_space<vmem>> -> memref<128xi32, #tpu.memory_space<vmem>>
    %dma_wait3A_1209 = arith.constant 0 : i32
    %dma_wait3A_1210 = arith.constant 0 : i32
    %dma_wait3A_1211 = tpu.memref_slice %arg2[%dma_wait3A_1209, %dma_wait3A_1210] : memref<2600000x32xf32, #tpu.memory_space<hbm>> -> memref<2600000x32xf32, #tpu.memory_space<hbm>>
    tpu.wait_indirect_dma semaphore(%arg11 : memref<!tpu.dma_semaphore, #tpu.memory_space<semaphore_mem>>) src(%dma_wait3A_1211 : memref<2600000x32xf32, #tpu.memory_space<hbm>>) dst(%dma_wait3A_1206 : memref<128x32xf32, #tpu.memory_space<vmem>>)
    %add3A_1212 = arith.constant 7168 : i32
    %add3A_1213 = arith.addi %mul3A_2, %add3A_1212 : i32
    %dma_start3A_1214 = arith.constant 0 : i32
    %dma_start3A_1215 = tpu.memref_slice %arg5[%add3A_1213, %dma_start3A_1214] : memref<425984x32xf32, #tpu.memory_space<hbm>> -> memref<1024x32xf32, #tpu.memory_space<hbm>>
    %dma_start3A_1216 = arith.constant 0 : i32
    %dma_start3A_1217 = tpu.memref_slice %arg5[%add3A_1213, %dma_start3A_1216] : memref<425984x32xf32, #tpu.memory_space<hbm>> -> memref<1024x32xf32, #tpu.memory_space<hbm>>
    tpu.enqueue_dma source(%arg9 : memref<1024x32xf32, #tpu.memory_space<vmem>>) target(%dma_start3A_1217 : memref<1024x32xf32, #tpu.memory_space<hbm>>) target_semaphore(%arg13 : memref<!tpu.dma_semaphore, #tpu.memory_space<semaphore_mem>>)
    %scan3A_1218 = arith.constant 0 : i32
    %scan3A_1219 = arith.constant 0 : i32
    %scan3A_1220 = arith.constant 64 : i32
    %scan3A_1221 = arith.addi %scan3A_1219, %scan3A_1220 : i32
    %scan3A_1222 = arith.constant 1 : i32
    scf.for %scan3A_1872 = %scan3A_1219 to %scan3A_1221 step %scan3A_1222  : i32 {
      %add3A_1873 = arith.constant 576 : i32
      %add3A_1874 = arith.addi %add3A_1873, %scan3A_1872 : i32
      %mul3A_1875 = arith.constant 16 : i32
      %mul3A_1876 = arith.muli %add3A_1874, %mul3A_1875 : i32
      %jit3A = arith.constant 104 : i32
      %eq3A = arith.constant 0 : i32
      %eq3A_1877 = arith.cmpi eq, %jit3A, %eq3A : i32
      %jit3A_1878 = arith.constant 1 : i32
      %select_n3A = arith.select %eq3A_1877, %jit3A_1878, %jit3A : i32
      %rem3A = arith.remsi %add3A_1874, %select_n3A : i32
      %ne3A = arith.constant 0 : i32
      %ne3A_1879 = arith.cmpi ne, %rem3A, %ne3A : i32
      %lt3A = arith.constant 0 : i32
      %lt3A_1880 = arith.cmpi slt, %rem3A, %lt3A : i32
      %lt3A_1881 = arith.constant 0 : i32
      %lt3A_1882 = arith.cmpi slt, %select_n3A, %lt3A_1881 : i32
      %ne3A_1883 = arith.xori %lt3A_1880, %lt3A_1882 : i1
      %and3A = arith.andi %ne3A_1883, %ne3A_1879 : i1
      %add3A_1884 = arith.addi %rem3A, %select_n3A : i32
      %select_n3A_1885 = arith.select %and3A, %add3A_1884, %rem3A : i32
      %mul3A_1886 = arith.constant 16 : i32
      %mul3A_1887 = arith.muli %select_n3A_1885, %mul3A_1886 : i32
      %get3A = arith.index_cast %mul3A_1876 : i32 to index
      %get3A_1888 = tpu.vector_load %arg6[%get3A] {strides = array<i32>} : memref<13312xi32, #tpu.memory_space<vmem>>, vector<16xi32>,
      %get3A_1889 = vector.shape_cast %get3A_1888 : vector<16xi32> to vector<16xi32>
      %get3A_1890 = arith.index_cast %mul3A_1887 : i32 to index
      %get3A_1891 = tpu.vector_load %arg7[%get3A_1890] {strides = array<i32>} : memref<1664xi32, #tpu.memory_space<vmem>>, vector<16xi32>,
      %get3A_1892 = vector.shape_cast %get3A_1891 : vector<16xi32> to vector<16xi32>
      %add3A_1893 = arith.addi %get3A_1889, %get3A_1892 : vector<16xi32>
      %swap3A = arith.index_cast %mul3A_1876 : i32 to index
      %swap3A_1894 = tpu.vector_load %arg6[%swap3A] {strides = array<i32>} : memref<13312xi32, #tpu.memory_space<vmem>>, vector<16xi32>,
      %swap3A_1895 = vector.shape_cast %swap3A_1894 : vector<16xi32> to vector<16xi32>
      %swap3A_1896 = vector.shape_cast %add3A_1893 : vector<16xi32> to vector<16xi32>
      tpu.vector_store %arg6[%swap3A], %swap3A_1896 {strides = array<i32>} : memref<13312xi32, #tpu.memory_space<vmem>>, vector<16xi32>,
    }
    %scan3A_1223 = arith.constant 64 : i32
    %dma_wait3A_1224 = arith.constant 0 : i32
    %dma_wait3A_1225 = tpu.memref_slice %arg5[%add3A_1213, %dma_wait3A_1224] : memref<425984x32xf32, #tpu.memory_space<hbm>> -> memref<1024x32xf32, #tpu.memory_space<hbm>>
    %dma_wait3A_1226 = arith.constant 0 : i32
    %dma_wait3A_1227 = tpu.memref_slice %arg5[%add3A_1213, %dma_wait3A_1226] : memref<425984x32xf32, #tpu.memory_space<hbm>> -> memref<1024x32xf32, #tpu.memory_space<hbm>>
    tpu.wait_dma2 semaphore(%arg13 : memref<!tpu.dma_semaphore, #tpu.memory_space<semaphore_mem>>) src(%arg9 : memref<1024x32xf32, #tpu.memory_space<vmem>>) dst(%dma_wait3A_1227 : memref<1024x32xf32, #tpu.memory_space<hbm>>)
    %dma_start3A_1228 = arith.constant 0 : i32
    %dma_start3A_1229 = arith.constant 0 : i32
    %dma_start3A_1230 = tpu.memref_slice %arg9[%dma_start3A_1228, %dma_start3A_1229] : memref<1024x32xf32, #tpu.memory_space<vmem>> -> memref<128x32xf32, #tpu.memory_space<vmem>>
    %dma_start3A_1231 = arith.constant 9216 : i32
    %dma_start3A_1232 = tpu.memref_slice %arg6[%dma_start3A_1231] : memref<13312xi32, #tpu.memory_space<vmem>> -> memref<128xi32, #tpu.memory_space<vmem>>
    %dma_start3A_1233 = arith.constant 0 : i32
    %dma_start3A_1234 = arith.constant 0 : i32
    %dma_start3A_1235 = tpu.memref_slice %arg2[%dma_start3A_1233, %dma_start3A_1234] : memref<2600000x32xf32, #tpu.memory_space<hbm>> -> memref<2600000x32xf32, #tpu.memory_space<hbm>>
    tpu.enqueue_indirect_dma source(%dma_start3A_1235 : memref<2600000x32xf32, #tpu.memory_space<hbm>>) target(%dma_start3A_1230 : memref<128x32xf32, #tpu.memory_space<vmem>>) offsets(%dma_start3A_1232 : memref<128xi32, #tpu.memory_space<vmem>>) semaphore(%arg11 : memref<!tpu.dma_semaphore, #tpu.memory_space<semaphore_mem>>)
    %dma_start3A_1236 = arith.constant 128 : i32
    %dma_start3A_1237 = arith.constant 0 : i32
    %dma_start3A_1238 = tpu.memref_slice %arg9[%dma_start3A_1236, %dma_start3A_1237] : memref<1024x32xf32, #tpu.memory_space<vmem>> -> memref<128x32xf32, #tpu.memory_space<vmem>>
    %dma_start3A_1239 = arith.constant 9344 : i32
    %dma_start3A_1240 = tpu.memref_slice %arg6[%dma_start3A_1239] : memref<13312xi32, #tpu.memory_space<vmem>> -> memref<128xi32, #tpu.memory_space<vmem>>
    %dma_start3A_1241 = arith.constant 0 : i32
    %dma_start3A_1242 = arith.constant 0 : i32
    %dma_start3A_1243 = tpu.memref_slice %arg2[%dma_start3A_1241, %dma_start3A_1242] : memref<2600000x32xf32, #tpu.memory_space<hbm>> -> memref<2600000x32xf32, #tpu.memory_space<hbm>>
    tpu.enqueue_indirect_dma source(%dma_start3A_1243 : memref<2600000x32xf32, #tpu.memory_space<hbm>>) target(%dma_start3A_1238 : memref<128x32xf32, #tpu.memory_space<vmem>>) offsets(%dma_start3A_1240 : memref<128xi32, #tpu.memory_space<vmem>>) semaphore(%arg11 : memref<!tpu.dma_semaphore, #tpu.memory_space<semaphore_mem>>)
    %dma_start3A_1244 = arith.constant 256 : i32
    %dma_start3A_1245 = arith.constant 0 : i32
    %dma_start3A_1246 = tpu.memref_slice %arg9[%dma_start3A_1244, %dma_start3A_1245] : memref<1024x32xf32, #tpu.memory_space<vmem>> -> memref<128x32xf32, #tpu.memory_space<vmem>>
    %dma_start3A_1247 = arith.constant 9472 : i32
    %dma_start3A_1248 = tpu.memref_slice %arg6[%dma_start3A_1247] : memref<13312xi32, #tpu.memory_space<vmem>> -> memref<128xi32, #tpu.memory_space<vmem>>
    %dma_start3A_1249 = arith.constant 0 : i32
    %dma_start3A_1250 = arith.constant 0 : i32
    %dma_start3A_1251 = tpu.memref_slice %arg2[%dma_start3A_1249, %dma_start3A_1250] : memref<2600000x32xf32, #tpu.memory_space<hbm>> -> memref<2600000x32xf32, #tpu.memory_space<hbm>>
    tpu.enqueue_indirect_dma source(%dma_start3A_1251 : memref<2600000x32xf32, #tpu.memory_space<hbm>>) target(%dma_start3A_1246 : memref<128x32xf32, #tpu.memory_space<vmem>>) offsets(%dma_start3A_1248 : memref<128xi32, #tpu.memory_space<vmem>>) semaphore(%arg11 : memref<!tpu.dma_semaphore, #tpu.memory_space<semaphore_mem>>)
    %dma_start3A_1252 = arith.constant 384 : i32
    %dma_start3A_1253 = arith.constant 0 : i32
    %dma_start3A_1254 = tpu.memref_slice %arg9[%dma_start3A_1252, %dma_start3A_1253] : memref<1024x32xf32, #tpu.memory_space<vmem>> -> memref<128x32xf32, #tpu.memory_space<vmem>>
    %dma_start3A_1255 = arith.constant 9600 : i32
    %dma_start3A_1256 = tpu.memref_slice %arg6[%dma_start3A_1255] : memref<13312xi32, #tpu.memory_space<vmem>> -> memref<128xi32, #tpu.memory_space<vmem>>
    %dma_start3A_1257 = arith.constant 0 : i32
    %dma_start3A_1258 = arith.constant 0 : i32
    %dma_start3A_1259 = tpu.memref_slice %arg2[%dma_start3A_1257, %dma_start3A_1258] : memref<2600000x32xf32, #tpu.memory_space<hbm>> -> memref<2600000x32xf32, #tpu.memory_space<hbm>>
    tpu.enqueue_indirect_dma source(%dma_start3A_1259 : memref<2600000x32xf32, #tpu.memory_space<hbm>>) target(%dma_start3A_1254 : memref<128x32xf32, #tpu.memory_space<vmem>>) offsets(%dma_start3A_1256 : memref<128xi32, #tpu.memory_space<vmem>>) semaphore(%arg11 : memref<!tpu.dma_semaphore, #tpu.memory_space<semaphore_mem>>)
    %dma_start3A_1260 = arith.constant 512 : i32
    %dma_start3A_1261 = arith.constant 0 : i32
    %dma_start3A_1262 = tpu.memref_slice %arg9[%dma_start3A_1260, %dma_start3A_1261] : memref<1024x32xf32, #tpu.memory_space<vmem>> -> memref<128x32xf32, #tpu.memory_space<vmem>>
    %dma_start3A_1263 = arith.constant 9728 : i32
    %dma_start3A_1264 = tpu.memref_slice %arg6[%dma_start3A_1263] : memref<13312xi32, #tpu.memory_space<vmem>> -> memref<128xi32, #tpu.memory_space<vmem>>
    %dma_start3A_1265 = arith.constant 0 : i32
    %dma_start3A_1266 = arith.constant 0 : i32
    %dma_start3A_1267 = tpu.memref_slice %arg2[%dma_start3A_1265, %dma_start3A_1266] : memref<2600000x32xf32, #tpu.memory_space<hbm>> -> memref<2600000x32xf32, #tpu.memory_space<hbm>>
    tpu.enqueue_indirect_dma source(%dma_start3A_1267 : memref<2600000x32xf32, #tpu.memory_space<hbm>>) target(%dma_start3A_1262 : memref<128x32xf32, #tpu.memory_space<vmem>>) offsets(%dma_start3A_1264 : memref<128xi32, #tpu.memory_space<vmem>>) semaphore(%arg11 : memref<!tpu.dma_semaphore, #tpu.memory_space<semaphore_mem>>)
    %dma_start3A_1268 = arith.constant 640 : i32
    %dma_start3A_1269 = arith.constant 0 : i32
    %dma_start3A_1270 = tpu.memref_slice %arg9[%dma_start3A_1268, %dma_start3A_1269] : memref<1024x32xf32, #tpu.memory_space<vmem>> -> memref<128x32xf32, #tpu.memory_space<vmem>>
    %dma_start3A_1271 = arith.constant 9856 : i32
    %dma_start3A_1272 = tpu.memref_slice %arg6[%dma_start3A_1271] : memref<13312xi32, #tpu.memory_space<vmem>> -> memref<128xi32, #tpu.memory_space<vmem>>
    %dma_start3A_1273 = arith.constant 0 : i32
    %dma_start3A_1274 = arith.constant 0 : i32
    %dma_start3A_1275 = tpu.memref_slice %arg2[%dma_start3A_1273, %dma_start3A_1274] : memref<2600000x32xf32, #tpu.memory_space<hbm>> -> memref<2600000x32xf32, #tpu.memory_space<hbm>>
    tpu.enqueue_indirect_dma source(%dma_start3A_1275 : memref<2600000x32xf32, #tpu.memory_space<hbm>>) target(%dma_start3A_1270 : memref<128x32xf32, #tpu.memory_space<vmem>>) offsets(%dma_start3A_1272 : memref<128xi32, #tpu.memory_space<vmem>>) semaphore(%arg11 : memref<!tpu.dma_semaphore, #tpu.memory_space<semaphore_mem>>)
    %dma_start3A_1276 = arith.constant 768 : i32
    %dma_start3A_1277 = arith.constant 0 : i32
    %dma_start3A_1278 = tpu.memref_slice %arg9[%dma_start3A_1276, %dma_start3A_1277] : memref<1024x32xf32, #tpu.memory_space<vmem>> -> memref<128x32xf32, #tpu.memory_space<vmem>>
    %dma_start3A_1279 = arith.constant 9984 : i32
    %dma_start3A_1280 = tpu.memref_slice %arg6[%dma_start3A_1279] : memref<13312xi32, #tpu.memory_space<vmem>> -> memref<128xi32, #tpu.memory_space<vmem>>
    %dma_start3A_1281 = arith.constant 0 : i32
    %dma_start3A_1282 = arith.constant 0 : i32
    %dma_start3A_1283 = tpu.memref_slice %arg2[%dma_start3A_1281, %dma_start3A_1282] : memref<2600000x32xf32, #tpu.memory_space<hbm>> -> memref<2600000x32xf32, #tpu.memory_space<hbm>>
    tpu.enqueue_indirect_dma source(%dma_start3A_1283 : memref<2600000x32xf32, #tpu.memory_space<hbm>>) target(%dma_start3A_1278 : memref<128x32xf32, #tpu.memory_space<vmem>>) offsets(%dma_start3A_1280 : memref<128xi32, #tpu.memory_space<vmem>>) semaphore(%arg11 : memref<!tpu.dma_semaphore, #tpu.memory_space<semaphore_mem>>)
    %dma_start3A_1284 = arith.constant 896 : i32
    %dma_start3A_1285 = arith.constant 0 : i32
    %dma_start3A_1286 = tpu.memref_slice %arg9[%dma_start3A_1284, %dma_start3A_1285] : memref<1024x32xf32, #tpu.memory_space<vmem>> -> memref<128x32xf32, #tpu.memory_space<vmem>>
    %dma_start3A_1287 = arith.constant 10112 : i32
    %dma_start3A_1288 = tpu.memref_slice %arg6[%dma_start3A_1287] : memref<13312xi32, #tpu.memory_space<vmem>> -> memref<128xi32, #tpu.memory_space<vmem>>
    %dma_start3A_1289 = arith.constant 0 : i32
    %dma_start3A_1290 = arith.constant 0 : i32
    %dma_start3A_1291 = tpu.memref_slice %arg2[%dma_start3A_1289, %dma_start3A_1290] : memref<2600000x32xf32, #tpu.memory_space<hbm>> -> memref<2600000x32xf32, #tpu.memory_space<hbm>>
    tpu.enqueue_indirect_dma source(%dma_start3A_1291 : memref<2600000x32xf32, #tpu.memory_space<hbm>>) target(%dma_start3A_1286 : memref<128x32xf32, #tpu.memory_space<vmem>>) offsets(%dma_start3A_1288 : memref<128xi32, #tpu.memory_space<vmem>>) semaphore(%arg11 : memref<!tpu.dma_semaphore, #tpu.memory_space<semaphore_mem>>)
    %dma_wait3A_1292 = arith.constant 0 : i32
    %dma_wait3A_1293 = arith.constant 0 : i32
    %dma_wait3A_1294 = tpu.memref_slice %arg8[%dma_wait3A_1292, %dma_wait3A_1293] : memref<1024x32xf32, #tpu.memory_space<vmem>> -> memref<128x32xf32, #tpu.memory_space<vmem>>
    %dma_wait3A_1295 = arith.constant 8192 : i32
    %dma_wait3A_1296 = tpu.memref_slice %arg6[%dma_wait3A_1295] : memref<13312xi32, #tpu.memory_space<vmem>> -> memref<128xi32, #tpu.memory_space<vmem>>
    %dma_wait3A_1297 = arith.constant 0 : i32
    %dma_wait3A_1298 = arith.constant 0 : i32
    %dma_wait3A_1299 = tpu.memref_slice %arg2[%dma_wait3A_1297, %dma_wait3A_1298] : memref<2600000x32xf32, #tpu.memory_space<hbm>> -> memref<2600000x32xf32, #tpu.memory_space<hbm>>
    tpu.wait_indirect_dma semaphore(%arg10 : memref<!tpu.dma_semaphore, #tpu.memory_space<semaphore_mem>>) src(%dma_wait3A_1299 : memref<2600000x32xf32, #tpu.memory_space<hbm>>) dst(%dma_wait3A_1294 : memref<128x32xf32, #tpu.memory_space<vmem>>)
    %dma_wait3A_1300 = arith.constant 128 : i32
    %dma_wait3A_1301 = arith.constant 0 : i32
    %dma_wait3A_1302 = tpu.memref_slice %arg8[%dma_wait3A_1300, %dma_wait3A_1301] : memref<1024x32xf32, #tpu.memory_space<vmem>> -> memref<128x32xf32, #tpu.memory_space<vmem>>
    %dma_wait3A_1303 = arith.constant 8320 : i32
    %dma_wait3A_1304 = tpu.memref_slice %arg6[%dma_wait3A_1303] : memref<13312xi32, #tpu.memory_space<vmem>> -> memref<128xi32, #tpu.memory_space<vmem>>
    %dma_wait3A_1305 = arith.constant 0 : i32
    %dma_wait3A_1306 = arith.constant 0 : i32
    %dma_wait3A_1307 = tpu.memref_slice %arg2[%dma_wait3A_1305, %dma_wait3A_1306] : memref<2600000x32xf32, #tpu.memory_space<hbm>> -> memref<2600000x32xf32, #tpu.memory_space<hbm>>
    tpu.wait_indirect_dma semaphore(%arg10 : memref<!tpu.dma_semaphore, #tpu.memory_space<semaphore_mem>>) src(%dma_wait3A_1307 : memref<2600000x32xf32, #tpu.memory_space<hbm>>) dst(%dma_wait3A_1302 : memref<128x32xf32, #tpu.memory_space<vmem>>)
    %dma_wait3A_1308 = arith.constant 256 : i32
    %dma_wait3A_1309 = arith.constant 0 : i32
    %dma_wait3A_1310 = tpu.memref_slice %arg8[%dma_wait3A_1308, %dma_wait3A_1309] : memref<1024x32xf32, #tpu.memory_space<vmem>> -> memref<128x32xf32, #tpu.memory_space<vmem>>
    %dma_wait3A_1311 = arith.constant 8448 : i32
    %dma_wait3A_1312 = tpu.memref_slice %arg6[%dma_wait3A_1311] : memref<13312xi32, #tpu.memory_space<vmem>> -> memref<128xi32, #tpu.memory_space<vmem>>
    %dma_wait3A_1313 = arith.constant 0 : i32
    %dma_wait3A_1314 = arith.constant 0 : i32
    %dma_wait3A_1315 = tpu.memref_slice %arg2[%dma_wait3A_1313, %dma_wait3A_1314] : memref<2600000x32xf32, #tpu.memory_space<hbm>> -> memref<2600000x32xf32, #tpu.memory_space<hbm>>
    tpu.wait_indirect_dma semaphore(%arg10 : memref<!tpu.dma_semaphore, #tpu.memory_space<semaphore_mem>>) src(%dma_wait3A_1315 : memref<2600000x32xf32, #tpu.memory_space<hbm>>) dst(%dma_wait3A_1310 : memref<128x32xf32, #tpu.memory_space<vmem>>)
    %dma_wait3A_1316 = arith.constant 384 : i32
    %dma_wait3A_1317 = arith.constant 0 : i32
    %dma_wait3A_1318 = tpu.memref_slice %arg8[%dma_wait3A_1316, %dma_wait3A_1317] : memref<1024x32xf32, #tpu.memory_space<vmem>> -> memref<128x32xf32, #tpu.memory_space<vmem>>
    %dma_wait3A_1319 = arith.constant 8576 : i32
    %dma_wait3A_1320 = tpu.memref_slice %arg6[%dma_wait3A_1319] : memref<13312xi32, #tpu.memory_space<vmem>> -> memref<128xi32, #tpu.memory_space<vmem>>
    %dma_wait3A_1321 = arith.constant 0 : i32
    %dma_wait3A_1322 = arith.constant 0 : i32
    %dma_wait3A_1323 = tpu.memref_slice %arg2[%dma_wait3A_1321, %dma_wait3A_1322] : memref<2600000x32xf32, #tpu.memory_space<hbm>> -> memref<2600000x32xf32, #tpu.memory_space<hbm>>
    tpu.wait_indirect_dma semaphore(%arg10 : memref<!tpu.dma_semaphore, #tpu.memory_space<semaphore_mem>>) src(%dma_wait3A_1323 : memref<2600000x32xf32, #tpu.memory_space<hbm>>) dst(%dma_wait3A_1318 : memref<128x32xf32, #tpu.memory_space<vmem>>)
    %dma_wait3A_1324 = arith.constant 512 : i32
    %dma_wait3A_1325 = arith.constant 0 : i32
    %dma_wait3A_1326 = tpu.memref_slice %arg8[%dma_wait3A_1324, %dma_wait3A_1325] : memref<1024x32xf32, #tpu.memory_space<vmem>> -> memref<128x32xf32, #tpu.memory_space<vmem>>
    %dma_wait3A_1327 = arith.constant 8704 : i32
    %dma_wait3A_1328 = tpu.memref_slice %arg6[%dma_wait3A_1327] : memref<13312xi32, #tpu.memory_space<vmem>> -> memref<128xi32, #tpu.memory_space<vmem>>
    %dma_wait3A_1329 = arith.constant 0 : i32
    %dma_wait3A_1330 = arith.constant 0 : i32
    %dma_wait3A_1331 = tpu.memref_slice %arg2[%dma_wait3A_1329, %dma_wait3A_1330] : memref<2600000x32xf32, #tpu.memory_space<hbm>> -> memref<2600000x32xf32, #tpu.memory_space<hbm>>
    tpu.wait_indirect_dma semaphore(%arg10 : memref<!tpu.dma_semaphore, #tpu.memory_space<semaphore_mem>>) src(%dma_wait3A_1331 : memref<2600000x32xf32, #tpu.memory_space<hbm>>) dst(%dma_wait3A_1326 : memref<128x32xf32, #tpu.memory_space<vmem>>)
    %dma_wait3A_1332 = arith.constant 640 : i32
    %dma_wait3A_1333 = arith.constant 0 : i32
    %dma_wait3A_1334 = tpu.memref_slice %arg8[%dma_wait3A_1332, %dma_wait3A_1333] : memref<1024x32xf32, #tpu.memory_space<vmem>> -> memref<128x32xf32, #tpu.memory_space<vmem>>
    %dma_wait3A_1335 = arith.constant 8832 : i32
    %dma_wait3A_1336 = tpu.memref_slice %arg6[%dma_wait3A_1335] : memref<13312xi32, #tpu.memory_space<vmem>> -> memref<128xi32, #tpu.memory_space<vmem>>
    %dma_wait3A_1337 = arith.constant 0 : i32
    %dma_wait3A_1338 = arith.constant 0 : i32
    %dma_wait3A_1339 = tpu.memref_slice %arg2[%dma_wait3A_1337, %dma_wait3A_1338] : memref<2600000x32xf32, #tpu.memory_space<hbm>> -> memref<2600000x32xf32, #tpu.memory_space<hbm>>
    tpu.wait_indirect_dma semaphore(%arg10 : memref<!tpu.dma_semaphore, #tpu.memory_space<semaphore_mem>>) src(%dma_wait3A_1339 : memref<2600000x32xf32, #tpu.memory_space<hbm>>) dst(%dma_wait3A_1334 : memref<128x32xf32, #tpu.memory_space<vmem>>)
    %dma_wait3A_1340 = arith.constant 768 : i32
    %dma_wait3A_1341 = arith.constant 0 : i32
    %dma_wait3A_1342 = tpu.memref_slice %arg8[%dma_wait3A_1340, %dma_wait3A_1341] : memref<1024x32xf32, #tpu.memory_space<vmem>> -> memref<128x32xf32, #tpu.memory_space<vmem>>
    %dma_wait3A_1343 = arith.constant 8960 : i32
    %dma_wait3A_1344 = tpu.memref_slice %arg6[%dma_wait3A_1343] : memref<13312xi32, #tpu.memory_space<vmem>> -> memref<128xi32, #tpu.memory_space<vmem>>
    %dma_wait3A_1345 = arith.constant 0 : i32
    %dma_wait3A_1346 = arith.constant 0 : i32
    %dma_wait3A_1347 = tpu.memref_slice %arg2[%dma_wait3A_1345, %dma_wait3A_1346] : memref<2600000x32xf32, #tpu.memory_space<hbm>> -> memref<2600000x32xf32, #tpu.memory_space<hbm>>
    tpu.wait_indirect_dma semaphore(%arg10 : memref<!tpu.dma_semaphore, #tpu.memory_space<semaphore_mem>>) src(%dma_wait3A_1347 : memref<2600000x32xf32, #tpu.memory_space<hbm>>) dst(%dma_wait3A_1342 : memref<128x32xf32, #tpu.memory_space<vmem>>)
    %dma_wait3A_1348 = arith.constant 896 : i32
    %dma_wait3A_1349 = arith.constant 0 : i32
    %dma_wait3A_1350 = tpu.memref_slice %arg8[%dma_wait3A_1348, %dma_wait3A_1349] : memref<1024x32xf32, #tpu.memory_space<vmem>> -> memref<128x32xf32, #tpu.memory_space<vmem>>
    %dma_wait3A_1351 = arith.constant 9088 : i32
    %dma_wait3A_1352 = tpu.memref_slice %arg6[%dma_wait3A_1351] : memref<13312xi32, #tpu.memory_space<vmem>> -> memref<128xi32, #tpu.memory_space<vmem>>
    %dma_wait3A_1353 = arith.constant 0 : i32
    %dma_wait3A_1354 = arith.constant 0 : i32
    %dma_wait3A_1355 = tpu.memref_slice %arg2[%dma_wait3A_1353, %dma_wait3A_1354] : memref<2600000x32xf32, #tpu.memory_space<hbm>> -> memref<2600000x32xf32, #tpu.memory_space<hbm>>
    tpu.wait_indirect_dma semaphore(%arg10 : memref<!tpu.dma_semaphore, #tpu.memory_space<semaphore_mem>>) src(%dma_wait3A_1355 : memref<2600000x32xf32, #tpu.memory_space<hbm>>) dst(%dma_wait3A_1350 : memref<128x32xf32, #tpu.memory_space<vmem>>)
    %add3A_1356 = arith.constant 8192 : i32
    %add3A_1357 = arith.addi %mul3A_2, %add3A_1356 : i32
    %dma_start3A_1358 = arith.constant 0 : i32
    %dma_start3A_1359 = tpu.memref_slice %arg5[%add3A_1357, %dma_start3A_1358] : memref<425984x32xf32, #tpu.memory_space<hbm>> -> memref<1024x32xf32, #tpu.memory_space<hbm>>
    %dma_start3A_1360 = arith.constant 0 : i32
    %dma_start3A_1361 = tpu.memref_slice %arg5[%add3A_1357, %dma_start3A_1360] : memref<425984x32xf32, #tpu.memory_space<hbm>> -> memref<1024x32xf32, #tpu.memory_space<hbm>>
    tpu.enqueue_dma source(%arg8 : memref<1024x32xf32, #tpu.memory_space<vmem>>) target(%dma_start3A_1361 : memref<1024x32xf32, #tpu.memory_space<hbm>>) target_semaphore(%arg12 : memref<!tpu.dma_semaphore, #tpu.memory_space<semaphore_mem>>)
    %scan3A_1362 = arith.constant 0 : i32
    %scan3A_1363 = arith.constant 0 : i32
    %scan3A_1364 = arith.constant 64 : i32
    %scan3A_1365 = arith.addi %scan3A_1363, %scan3A_1364 : i32
    %scan3A_1366 = arith.constant 1 : i32
    scf.for %scan3A_1872 = %scan3A_1363 to %scan3A_1365 step %scan3A_1366  : i32 {
      %add3A_1873 = arith.constant 640 : i32
      %add3A_1874 = arith.addi %add3A_1873, %scan3A_1872 : i32
      %mul3A_1875 = arith.constant 16 : i32
      %mul3A_1876 = arith.muli %add3A_1874, %mul3A_1875 : i32
      %jit3A = arith.constant 104 : i32
      %eq3A = arith.constant 0 : i32
      %eq3A_1877 = arith.cmpi eq, %jit3A, %eq3A : i32
      %jit3A_1878 = arith.constant 1 : i32
      %select_n3A = arith.select %eq3A_1877, %jit3A_1878, %jit3A : i32
      %rem3A = arith.remsi %add3A_1874, %select_n3A : i32
      %ne3A = arith.constant 0 : i32
      %ne3A_1879 = arith.cmpi ne, %rem3A, %ne3A : i32
      %lt3A = arith.constant 0 : i32
      %lt3A_1880 = arith.cmpi slt, %rem3A, %lt3A : i32
      %lt3A_1881 = arith.constant 0 : i32
      %lt3A_1882 = arith.cmpi slt, %select_n3A, %lt3A_1881 : i32
      %ne3A_1883 = arith.xori %lt3A_1880, %lt3A_1882 : i1
      %and3A = arith.andi %ne3A_1883, %ne3A_1879 : i1
      %add3A_1884 = arith.addi %rem3A, %select_n3A : i32
      %select_n3A_1885 = arith.select %and3A, %add3A_1884, %rem3A : i32
      %mul3A_1886 = arith.constant 16 : i32
      %mul3A_1887 = arith.muli %select_n3A_1885, %mul3A_1886 : i32
      %get3A = arith.index_cast %mul3A_1876 : i32 to index
      %get3A_1888 = tpu.vector_load %arg6[%get3A] {strides = array<i32>} : memref<13312xi32, #tpu.memory_space<vmem>>, vector<16xi32>,
      %get3A_1889 = vector.shape_cast %get3A_1888 : vector<16xi32> to vector<16xi32>
      %get3A_1890 = arith.index_cast %mul3A_1887 : i32 to index
      %get3A_1891 = tpu.vector_load %arg7[%get3A_1890] {strides = array<i32>} : memref<1664xi32, #tpu.memory_space<vmem>>, vector<16xi32>,
      %get3A_1892 = vector.shape_cast %get3A_1891 : vector<16xi32> to vector<16xi32>
      %add3A_1893 = arith.addi %get3A_1889, %get3A_1892 : vector<16xi32>
      %swap3A = arith.index_cast %mul3A_1876 : i32 to index
      %swap3A_1894 = tpu.vector_load %arg6[%swap3A] {strides = array<i32>} : memref<13312xi32, #tpu.memory_space<vmem>>, vector<16xi32>,
      %swap3A_1895 = vector.shape_cast %swap3A_1894 : vector<16xi32> to vector<16xi32>
      %swap3A_1896 = vector.shape_cast %add3A_1893 : vector<16xi32> to vector<16xi32>
      tpu.vector_store %arg6[%swap3A], %swap3A_1896 {strides = array<i32>} : memref<13312xi32, #tpu.memory_space<vmem>>, vector<16xi32>,
    }
    %scan3A_1367 = arith.constant 64 : i32
    %dma_wait3A_1368 = arith.constant 0 : i32
    %dma_wait3A_1369 = tpu.memref_slice %arg5[%add3A_1357, %dma_wait3A_1368] : memref<425984x32xf32, #tpu.memory_space<hbm>> -> memref<1024x32xf32, #tpu.memory_space<hbm>>
    %dma_wait3A_1370 = arith.constant 0 : i32
    %dma_wait3A_1371 = tpu.memref_slice %arg5[%add3A_1357, %dma_wait3A_1370] : memref<425984x32xf32, #tpu.memory_space<hbm>> -> memref<1024x32xf32, #tpu.memory_space<hbm>>
    tpu.wait_dma2 semaphore(%arg12 : memref<!tpu.dma_semaphore, #tpu.memory_space<semaphore_mem>>) src(%arg8 : memref<1024x32xf32, #tpu.memory_space<vmem>>) dst(%dma_wait3A_1371 : memref<1024x32xf32, #tpu.memory_space<hbm>>)
    %dma_start3A_1372 = arith.constant 0 : i32
    %dma_start3A_1373 = arith.constant 0 : i32
    %dma_start3A_1374 = tpu.memref_slice %arg8[%dma_start3A_1372, %dma_start3A_1373] : memref<1024x32xf32, #tpu.memory_space<vmem>> -> memref<128x32xf32, #tpu.memory_space<vmem>>
    %dma_start3A_1375 = arith.constant 10240 : i32
    %dma_start3A_1376 = tpu.memref_slice %arg6[%dma_start3A_1375] : memref<13312xi32, #tpu.memory_space<vmem>> -> memref<128xi32, #tpu.memory_space<vmem>>
    %dma_start3A_1377 = arith.constant 0 : i32
    %dma_start3A_1378 = arith.constant 0 : i32
    %dma_start3A_1379 = tpu.memref_slice %arg2[%dma_start3A_1377, %dma_start3A_1378] : memref<2600000x32xf32, #tpu.memory_space<hbm>> -> memref<2600000x32xf32, #tpu.memory_space<hbm>>
    tpu.enqueue_indirect_dma source(%dma_start3A_1379 : memref<2600000x32xf32, #tpu.memory_space<hbm>>) target(%dma_start3A_1374 : memref<128x32xf32, #tpu.memory_space<vmem>>) offsets(%dma_start3A_1376 : memref<128xi32, #tpu.memory_space<vmem>>) semaphore(%arg10 : memref<!tpu.dma_semaphore, #tpu.memory_space<semaphore_mem>>)
    %dma_start3A_1380 = arith.constant 128 : i32
    %dma_start3A_1381 = arith.constant 0 : i32
    %dma_start3A_1382 = tpu.memref_slice %arg8[%dma_start3A_1380, %dma_start3A_1381] : memref<1024x32xf32, #tpu.memory_space<vmem>> -> memref<128x32xf32, #tpu.memory_space<vmem>>
    %dma_start3A_1383 = arith.constant 10368 : i32
    %dma_start3A_1384 = tpu.memref_slice %arg6[%dma_start3A_1383] : memref<13312xi32, #tpu.memory_space<vmem>> -> memref<128xi32, #tpu.memory_space<vmem>>
    %dma_start3A_1385 = arith.constant 0 : i32
    %dma_start3A_1386 = arith.constant 0 : i32
    %dma_start3A_1387 = tpu.memref_slice %arg2[%dma_start3A_1385, %dma_start3A_1386] : memref<2600000x32xf32, #tpu.memory_space<hbm>> -> memref<2600000x32xf32, #tpu.memory_space<hbm>>
    tpu.enqueue_indirect_dma source(%dma_start3A_1387 : memref<2600000x32xf32, #tpu.memory_space<hbm>>) target(%dma_start3A_1382 : memref<128x32xf32, #tpu.memory_space<vmem>>) offsets(%dma_start3A_1384 : memref<128xi32, #tpu.memory_space<vmem>>) semaphore(%arg10 : memref<!tpu.dma_semaphore, #tpu.memory_space<semaphore_mem>>)
    %dma_start3A_1388 = arith.constant 256 : i32
    %dma_start3A_1389 = arith.constant 0 : i32
    %dma_start3A_1390 = tpu.memref_slice %arg8[%dma_start3A_1388, %dma_start3A_1389] : memref<1024x32xf32, #tpu.memory_space<vmem>> -> memref<128x32xf32, #tpu.memory_space<vmem>>
    %dma_start3A_1391 = arith.constant 10496 : i32
    %dma_start3A_1392 = tpu.memref_slice %arg6[%dma_start3A_1391] : memref<13312xi32, #tpu.memory_space<vmem>> -> memref<128xi32, #tpu.memory_space<vmem>>
    %dma_start3A_1393 = arith.constant 0 : i32
    %dma_start3A_1394 = arith.constant 0 : i32
    %dma_start3A_1395 = tpu.memref_slice %arg2[%dma_start3A_1393, %dma_start3A_1394] : memref<2600000x32xf32, #tpu.memory_space<hbm>> -> memref<2600000x32xf32, #tpu.memory_space<hbm>>
    tpu.enqueue_indirect_dma source(%dma_start3A_1395 : memref<2600000x32xf32, #tpu.memory_space<hbm>>) target(%dma_start3A_1390 : memref<128x32xf32, #tpu.memory_space<vmem>>) offsets(%dma_start3A_1392 : memref<128xi32, #tpu.memory_space<vmem>>) semaphore(%arg10 : memref<!tpu.dma_semaphore, #tpu.memory_space<semaphore_mem>>)
    %dma_start3A_1396 = arith.constant 384 : i32
    %dma_start3A_1397 = arith.constant 0 : i32
    %dma_start3A_1398 = tpu.memref_slice %arg8[%dma_start3A_1396, %dma_start3A_1397] : memref<1024x32xf32, #tpu.memory_space<vmem>> -> memref<128x32xf32, #tpu.memory_space<vmem>>
    %dma_start3A_1399 = arith.constant 10624 : i32
    %dma_start3A_1400 = tpu.memref_slice %arg6[%dma_start3A_1399] : memref<13312xi32, #tpu.memory_space<vmem>> -> memref<128xi32, #tpu.memory_space<vmem>>
    %dma_start3A_1401 = arith.constant 0 : i32
    %dma_start3A_1402 = arith.constant 0 : i32
    %dma_start3A_1403 = tpu.memref_slice %arg2[%dma_start3A_1401, %dma_start3A_1402] : memref<2600000x32xf32, #tpu.memory_space<hbm>> -> memref<2600000x32xf32, #tpu.memory_space<hbm>>
    tpu.enqueue_indirect_dma source(%dma_start3A_1403 : memref<2600000x32xf32, #tpu.memory_space<hbm>>) target(%dma_start3A_1398 : memref<128x32xf32, #tpu.memory_space<vmem>>) offsets(%dma_start3A_1400 : memref<128xi32, #tpu.memory_space<vmem>>) semaphore(%arg10 : memref<!tpu.dma_semaphore, #tpu.memory_space<semaphore_mem>>)
    %dma_start3A_1404 = arith.constant 512 : i32
    %dma_start3A_1405 = arith.constant 0 : i32
    %dma_start3A_1406 = tpu.memref_slice %arg8[%dma_start3A_1404, %dma_start3A_1405] : memref<1024x32xf32, #tpu.memory_space<vmem>> -> memref<128x32xf32, #tpu.memory_space<vmem>>
    %dma_start3A_1407 = arith.constant 10752 : i32
    %dma_start3A_1408 = tpu.memref_slice %arg6[%dma_start3A_1407] : memref<13312xi32, #tpu.memory_space<vmem>> -> memref<128xi32, #tpu.memory_space<vmem>>
    %dma_start3A_1409 = arith.constant 0 : i32
    %dma_start3A_1410 = arith.constant 0 : i32
    %dma_start3A_1411 = tpu.memref_slice %arg2[%dma_start3A_1409, %dma_start3A_1410] : memref<2600000x32xf32, #tpu.memory_space<hbm>> -> memref<2600000x32xf32, #tpu.memory_space<hbm>>
    tpu.enqueue_indirect_dma source(%dma_start3A_1411 : memref<2600000x32xf32, #tpu.memory_space<hbm>>) target(%dma_start3A_1406 : memref<128x32xf32, #tpu.memory_space<vmem>>) offsets(%dma_start3A_1408 : memref<128xi32, #tpu.memory_space<vmem>>) semaphore(%arg10 : memref<!tpu.dma_semaphore, #tpu.memory_space<semaphore_mem>>)
    %dma_start3A_1412 = arith.constant 640 : i32
    %dma_start3A_1413 = arith.constant 0 : i32
    %dma_start3A_1414 = tpu.memref_slice %arg8[%dma_start3A_1412, %dma_start3A_1413] : memref<1024x32xf32, #tpu.memory_space<vmem>> -> memref<128x32xf32, #tpu.memory_space<vmem>>
    %dma_start3A_1415 = arith.constant 10880 : i32
    %dma_start3A_1416 = tpu.memref_slice %arg6[%dma_start3A_1415] : memref<13312xi32, #tpu.memory_space<vmem>> -> memref<128xi32, #tpu.memory_space<vmem>>
    %dma_start3A_1417 = arith.constant 0 : i32
    %dma_start3A_1418 = arith.constant 0 : i32
    %dma_start3A_1419 = tpu.memref_slice %arg2[%dma_start3A_1417, %dma_start3A_1418] : memref<2600000x32xf32, #tpu.memory_space<hbm>> -> memref<2600000x32xf32, #tpu.memory_space<hbm>>
    tpu.enqueue_indirect_dma source(%dma_start3A_1419 : memref<2600000x32xf32, #tpu.memory_space<hbm>>) target(%dma_start3A_1414 : memref<128x32xf32, #tpu.memory_space<vmem>>) offsets(%dma_start3A_1416 : memref<128xi32, #tpu.memory_space<vmem>>) semaphore(%arg10 : memref<!tpu.dma_semaphore, #tpu.memory_space<semaphore_mem>>)
    %dma_start3A_1420 = arith.constant 768 : i32
    %dma_start3A_1421 = arith.constant 0 : i32
    %dma_start3A_1422 = tpu.memref_slice %arg8[%dma_start3A_1420, %dma_start3A_1421] : memref<1024x32xf32, #tpu.memory_space<vmem>> -> memref<128x32xf32, #tpu.memory_space<vmem>>
    %dma_start3A_1423 = arith.constant 11008 : i32
    %dma_start3A_1424 = tpu.memref_slice %arg6[%dma_start3A_1423] : memref<13312xi32, #tpu.memory_space<vmem>> -> memref<128xi32, #tpu.memory_space<vmem>>
    %dma_start3A_1425 = arith.constant 0 : i32
    %dma_start3A_1426 = arith.constant 0 : i32
    %dma_start3A_1427 = tpu.memref_slice %arg2[%dma_start3A_1425, %dma_start3A_1426] : memref<2600000x32xf32, #tpu.memory_space<hbm>> -> memref<2600000x32xf32, #tpu.memory_space<hbm>>
    tpu.enqueue_indirect_dma source(%dma_start3A_1427 : memref<2600000x32xf32, #tpu.memory_space<hbm>>) target(%dma_start3A_1422 : memref<128x32xf32, #tpu.memory_space<vmem>>) offsets(%dma_start3A_1424 : memref<128xi32, #tpu.memory_space<vmem>>) semaphore(%arg10 : memref<!tpu.dma_semaphore, #tpu.memory_space<semaphore_mem>>)
    %dma_start3A_1428 = arith.constant 896 : i32
    %dma_start3A_1429 = arith.constant 0 : i32
    %dma_start3A_1430 = tpu.memref_slice %arg8[%dma_start3A_1428, %dma_start3A_1429] : memref<1024x32xf32, #tpu.memory_space<vmem>> -> memref<128x32xf32, #tpu.memory_space<vmem>>
    %dma_start3A_1431 = arith.constant 11136 : i32
    %dma_start3A_1432 = tpu.memref_slice %arg6[%dma_start3A_1431] : memref<13312xi32, #tpu.memory_space<vmem>> -> memref<128xi32, #tpu.memory_space<vmem>>
    %dma_start3A_1433 = arith.constant 0 : i32
    %dma_start3A_1434 = arith.constant 0 : i32
    %dma_start3A_1435 = tpu.memref_slice %arg2[%dma_start3A_1433, %dma_start3A_1434] : memref<2600000x32xf32, #tpu.memory_space<hbm>> -> memref<2600000x32xf32, #tpu.memory_space<hbm>>
    tpu.enqueue_indirect_dma source(%dma_start3A_1435 : memref<2600000x32xf32, #tpu.memory_space<hbm>>) target(%dma_start3A_1430 : memref<128x32xf32, #tpu.memory_space<vmem>>) offsets(%dma_start3A_1432 : memref<128xi32, #tpu.memory_space<vmem>>) semaphore(%arg10 : memref<!tpu.dma_semaphore, #tpu.memory_space<semaphore_mem>>)
    %dma_wait3A_1436 = arith.constant 0 : i32
    %dma_wait3A_1437 = arith.constant 0 : i32
    %dma_wait3A_1438 = tpu.memref_slice %arg9[%dma_wait3A_1436, %dma_wait3A_1437] : memref<1024x32xf32, #tpu.memory_space<vmem>> -> memref<128x32xf32, #tpu.memory_space<vmem>>
    %dma_wait3A_1439 = arith.constant 9216 : i32
    %dma_wait3A_1440 = tpu.memref_slice %arg6[%dma_wait3A_1439] : memref<13312xi32, #tpu.memory_space<vmem>> -> memref<128xi32, #tpu.memory_space<vmem>>
    %dma_wait3A_1441 = arith.constant 0 : i32
    %dma_wait3A_1442 = arith.constant 0 : i32
    %dma_wait3A_1443 = tpu.memref_slice %arg2[%dma_wait3A_1441, %dma_wait3A_1442] : memref<2600000x32xf32, #tpu.memory_space<hbm>> -> memref<2600000x32xf32, #tpu.memory_space<hbm>>
    tpu.wait_indirect_dma semaphore(%arg11 : memref<!tpu.dma_semaphore, #tpu.memory_space<semaphore_mem>>) src(%dma_wait3A_1443 : memref<2600000x32xf32, #tpu.memory_space<hbm>>) dst(%dma_wait3A_1438 : memref<128x32xf32, #tpu.memory_space<vmem>>)
    %dma_wait3A_1444 = arith.constant 128 : i32
    %dma_wait3A_1445 = arith.constant 0 : i32
    %dma_wait3A_1446 = tpu.memref_slice %arg9[%dma_wait3A_1444, %dma_wait3A_1445] : memref<1024x32xf32, #tpu.memory_space<vmem>> -> memref<128x32xf32, #tpu.memory_space<vmem>>
    %dma_wait3A_1447 = arith.constant 9344 : i32
    %dma_wait3A_1448 = tpu.memref_slice %arg6[%dma_wait3A_1447] : memref<13312xi32, #tpu.memory_space<vmem>> -> memref<128xi32, #tpu.memory_space<vmem>>
    %dma_wait3A_1449 = arith.constant 0 : i32
    %dma_wait3A_1450 = arith.constant 0 : i32
    %dma_wait3A_1451 = tpu.memref_slice %arg2[%dma_wait3A_1449, %dma_wait3A_1450] : memref<2600000x32xf32, #tpu.memory_space<hbm>> -> memref<2600000x32xf32, #tpu.memory_space<hbm>>
    tpu.wait_indirect_dma semaphore(%arg11 : memref<!tpu.dma_semaphore, #tpu.memory_space<semaphore_mem>>) src(%dma_wait3A_1451 : memref<2600000x32xf32, #tpu.memory_space<hbm>>) dst(%dma_wait3A_1446 : memref<128x32xf32, #tpu.memory_space<vmem>>)
    %dma_wait3A_1452 = arith.constant 256 : i32
    %dma_wait3A_1453 = arith.constant 0 : i32
    %dma_wait3A_1454 = tpu.memref_slice %arg9[%dma_wait3A_1452, %dma_wait3A_1453] : memref<1024x32xf32, #tpu.memory_space<vmem>> -> memref<128x32xf32, #tpu.memory_space<vmem>>
    %dma_wait3A_1455 = arith.constant 9472 : i32
    %dma_wait3A_1456 = tpu.memref_slice %arg6[%dma_wait3A_1455] : memref<13312xi32, #tpu.memory_space<vmem>> -> memref<128xi32, #tpu.memory_space<vmem>>
    %dma_wait3A_1457 = arith.constant 0 : i32
    %dma_wait3A_1458 = arith.constant 0 : i32
    %dma_wait3A_1459 = tpu.memref_slice %arg2[%dma_wait3A_1457, %dma_wait3A_1458] : memref<2600000x32xf32, #tpu.memory_space<hbm>> -> memref<2600000x32xf32, #tpu.memory_space<hbm>>
    tpu.wait_indirect_dma semaphore(%arg11 : memref<!tpu.dma_semaphore, #tpu.memory_space<semaphore_mem>>) src(%dma_wait3A_1459 : memref<2600000x32xf32, #tpu.memory_space<hbm>>) dst(%dma_wait3A_1454 : memref<128x32xf32, #tpu.memory_space<vmem>>)
    %dma_wait3A_1460 = arith.constant 384 : i32
    %dma_wait3A_1461 = arith.constant 0 : i32
    %dma_wait3A_1462 = tpu.memref_slice %arg9[%dma_wait3A_1460, %dma_wait3A_1461] : memref<1024x32xf32, #tpu.memory_space<vmem>> -> memref<128x32xf32, #tpu.memory_space<vmem>>
    %dma_wait3A_1463 = arith.constant 9600 : i32
    %dma_wait3A_1464 = tpu.memref_slice %arg6[%dma_wait3A_1463] : memref<13312xi32, #tpu.memory_space<vmem>> -> memref<128xi32, #tpu.memory_space<vmem>>
    %dma_wait3A_1465 = arith.constant 0 : i32
    %dma_wait3A_1466 = arith.constant 0 : i32
    %dma_wait3A_1467 = tpu.memref_slice %arg2[%dma_wait3A_1465, %dma_wait3A_1466] : memref<2600000x32xf32, #tpu.memory_space<hbm>> -> memref<2600000x32xf32, #tpu.memory_space<hbm>>
    tpu.wait_indirect_dma semaphore(%arg11 : memref<!tpu.dma_semaphore, #tpu.memory_space<semaphore_mem>>) src(%dma_wait3A_1467 : memref<2600000x32xf32, #tpu.memory_space<hbm>>) dst(%dma_wait3A_1462 : memref<128x32xf32, #tpu.memory_space<vmem>>)
    %dma_wait3A_1468 = arith.constant 512 : i32
    %dma_wait3A_1469 = arith.constant 0 : i32
    %dma_wait3A_1470 = tpu.memref_slice %arg9[%dma_wait3A_1468, %dma_wait3A_1469] : memref<1024x32xf32, #tpu.memory_space<vmem>> -> memref<128x32xf32, #tpu.memory_space<vmem>>
    %dma_wait3A_1471 = arith.constant 9728 : i32
    %dma_wait3A_1472 = tpu.memref_slice %arg6[%dma_wait3A_1471] : memref<13312xi32, #tpu.memory_space<vmem>> -> memref<128xi32, #tpu.memory_space<vmem>>
    %dma_wait3A_1473 = arith.constant 0 : i32
    %dma_wait3A_1474 = arith.constant 0 : i32
    %dma_wait3A_1475 = tpu.memref_slice %arg2[%dma_wait3A_1473, %dma_wait3A_1474] : memref<2600000x32xf32, #tpu.memory_space<hbm>> -> memref<2600000x32xf32, #tpu.memory_space<hbm>>
    tpu.wait_indirect_dma semaphore(%arg11 : memref<!tpu.dma_semaphore, #tpu.memory_space<semaphore_mem>>) src(%dma_wait3A_1475 : memref<2600000x32xf32, #tpu.memory_space<hbm>>) dst(%dma_wait3A_1470 : memref<128x32xf32, #tpu.memory_space<vmem>>)
    %dma_wait3A_1476 = arith.constant 640 : i32
    %dma_wait3A_1477 = arith.constant 0 : i32
    %dma_wait3A_1478 = tpu.memref_slice %arg9[%dma_wait3A_1476, %dma_wait3A_1477] : memref<1024x32xf32, #tpu.memory_space<vmem>> -> memref<128x32xf32, #tpu.memory_space<vmem>>
    %dma_wait3A_1479 = arith.constant 9856 : i32
    %dma_wait3A_1480 = tpu.memref_slice %arg6[%dma_wait3A_1479] : memref<13312xi32, #tpu.memory_space<vmem>> -> memref<128xi32, #tpu.memory_space<vmem>>
    %dma_wait3A_1481 = arith.constant 0 : i32
    %dma_wait3A_1482 = arith.constant 0 : i32
    %dma_wait3A_1483 = tpu.memref_slice %arg2[%dma_wait3A_1481, %dma_wait3A_1482] : memref<2600000x32xf32, #tpu.memory_space<hbm>> -> memref<2600000x32xf32, #tpu.memory_space<hbm>>
    tpu.wait_indirect_dma semaphore(%arg11 : memref<!tpu.dma_semaphore, #tpu.memory_space<semaphore_mem>>) src(%dma_wait3A_1483 : memref<2600000x32xf32, #tpu.memory_space<hbm>>) dst(%dma_wait3A_1478 : memref<128x32xf32, #tpu.memory_space<vmem>>)
    %dma_wait3A_1484 = arith.constant 768 : i32
    %dma_wait3A_1485 = arith.constant 0 : i32
    %dma_wait3A_1486 = tpu.memref_slice %arg9[%dma_wait3A_1484, %dma_wait3A_1485] : memref<1024x32xf32, #tpu.memory_space<vmem>> -> memref<128x32xf32, #tpu.memory_space<vmem>>
    %dma_wait3A_1487 = arith.constant 9984 : i32
    %dma_wait3A_1488 = tpu.memref_slice %arg6[%dma_wait3A_1487] : memref<13312xi32, #tpu.memory_space<vmem>> -> memref<128xi32, #tpu.memory_space<vmem>>
    %dma_wait3A_1489 = arith.constant 0 : i32
    %dma_wait3A_1490 = arith.constant 0 : i32
    %dma_wait3A_1491 = tpu.memref_slice %arg2[%dma_wait3A_1489, %dma_wait3A_1490] : memref<2600000x32xf32, #tpu.memory_space<hbm>> -> memref<2600000x32xf32, #tpu.memory_space<hbm>>
    tpu.wait_indirect_dma semaphore(%arg11 : memref<!tpu.dma_semaphore, #tpu.memory_space<semaphore_mem>>) src(%dma_wait3A_1491 : memref<2600000x32xf32, #tpu.memory_space<hbm>>) dst(%dma_wait3A_1486 : memref<128x32xf32, #tpu.memory_space<vmem>>)
    %dma_wait3A_1492 = arith.constant 896 : i32
    %dma_wait3A_1493 = arith.constant 0 : i32
    %dma_wait3A_1494 = tpu.memref_slice %arg9[%dma_wait3A_1492, %dma_wait3A_1493] : memref<1024x32xf32, #tpu.memory_space<vmem>> -> memref<128x32xf32, #tpu.memory_space<vmem>>
    %dma_wait3A_1495 = arith.constant 10112 : i32
    %dma_wait3A_1496 = tpu.memref_slice %arg6[%dma_wait3A_1495] : memref<13312xi32, #tpu.memory_space<vmem>> -> memref<128xi32, #tpu.memory_space<vmem>>
    %dma_wait3A_1497 = arith.constant 0 : i32
    %dma_wait3A_1498 = arith.constant 0 : i32
    %dma_wait3A_1499 = tpu.memref_slice %arg2[%dma_wait3A_1497, %dma_wait3A_1498] : memref<2600000x32xf32, #tpu.memory_space<hbm>> -> memref<2600000x32xf32, #tpu.memory_space<hbm>>
    tpu.wait_indirect_dma semaphore(%arg11 : memref<!tpu.dma_semaphore, #tpu.memory_space<semaphore_mem>>) src(%dma_wait3A_1499 : memref<2600000x32xf32, #tpu.memory_space<hbm>>) dst(%dma_wait3A_1494 : memref<128x32xf32, #tpu.memory_space<vmem>>)
    %add3A_1500 = arith.constant 9216 : i32
    %add3A_1501 = arith.addi %mul3A_2, %add3A_1500 : i32
    %dma_start3A_1502 = arith.constant 0 : i32
    %dma_start3A_1503 = tpu.memref_slice %arg5[%add3A_1501, %dma_start3A_1502] : memref<425984x32xf32, #tpu.memory_space<hbm>> -> memref<1024x32xf32, #tpu.memory_space<hbm>>
    %dma_start3A_1504 = arith.constant 0 : i32
    %dma_start3A_1505 = tpu.memref_slice %arg5[%add3A_1501, %dma_start3A_1504] : memref<425984x32xf32, #tpu.memory_space<hbm>> -> memref<1024x32xf32, #tpu.memory_space<hbm>>
    tpu.enqueue_dma source(%arg9 : memref<1024x32xf32, #tpu.memory_space<vmem>>) target(%dma_start3A_1505 : memref<1024x32xf32, #tpu.memory_space<hbm>>) target_semaphore(%arg13 : memref<!tpu.dma_semaphore, #tpu.memory_space<semaphore_mem>>)
    %scan3A_1506 = arith.constant 0 : i32
    %scan3A_1507 = arith.constant 0 : i32
    %scan3A_1508 = arith.constant 64 : i32
    %scan3A_1509 = arith.addi %scan3A_1507, %scan3A_1508 : i32
    %scan3A_1510 = arith.constant 1 : i32
    scf.for %scan3A_1872 = %scan3A_1507 to %scan3A_1509 step %scan3A_1510  : i32 {
      %add3A_1873 = arith.constant 704 : i32
      %add3A_1874 = arith.addi %add3A_1873, %scan3A_1872 : i32
      %mul3A_1875 = arith.constant 16 : i32
      %mul3A_1876 = arith.muli %add3A_1874, %mul3A_1875 : i32
      %jit3A = arith.constant 104 : i32
      %eq3A = arith.constant 0 : i32
      %eq3A_1877 = arith.cmpi eq, %jit3A, %eq3A : i32
      %jit3A_1878 = arith.constant 1 : i32
      %select_n3A = arith.select %eq3A_1877, %jit3A_1878, %jit3A : i32
      %rem3A = arith.remsi %add3A_1874, %select_n3A : i32
      %ne3A = arith.constant 0 : i32
      %ne3A_1879 = arith.cmpi ne, %rem3A, %ne3A : i32
      %lt3A = arith.constant 0 : i32
      %lt3A_1880 = arith.cmpi slt, %rem3A, %lt3A : i32
      %lt3A_1881 = arith.constant 0 : i32
      %lt3A_1882 = arith.cmpi slt, %select_n3A, %lt3A_1881 : i32
      %ne3A_1883 = arith.xori %lt3A_1880, %lt3A_1882 : i1
      %and3A = arith.andi %ne3A_1883, %ne3A_1879 : i1
      %add3A_1884 = arith.addi %rem3A, %select_n3A : i32
      %select_n3A_1885 = arith.select %and3A, %add3A_1884, %rem3A : i32
      %mul3A_1886 = arith.constant 16 : i32
      %mul3A_1887 = arith.muli %select_n3A_1885, %mul3A_1886 : i32
      %get3A = arith.index_cast %mul3A_1876 : i32 to index
      %get3A_1888 = tpu.vector_load %arg6[%get3A] {strides = array<i32>} : memref<13312xi32, #tpu.memory_space<vmem>>, vector<16xi32>,
      %get3A_1889 = vector.shape_cast %get3A_1888 : vector<16xi32> to vector<16xi32>
      %get3A_1890 = arith.index_cast %mul3A_1887 : i32 to index
      %get3A_1891 = tpu.vector_load %arg7[%get3A_1890] {strides = array<i32>} : memref<1664xi32, #tpu.memory_space<vmem>>, vector<16xi32>,
      %get3A_1892 = vector.shape_cast %get3A_1891 : vector<16xi32> to vector<16xi32>
      %add3A_1893 = arith.addi %get3A_1889, %get3A_1892 : vector<16xi32>
      %swap3A = arith.index_cast %mul3A_1876 : i32 to index
      %swap3A_1894 = tpu.vector_load %arg6[%swap3A] {strides = array<i32>} : memref<13312xi32, #tpu.memory_space<vmem>>, vector<16xi32>,
      %swap3A_1895 = vector.shape_cast %swap3A_1894 : vector<16xi32> to vector<16xi32>
      %swap3A_1896 = vector.shape_cast %add3A_1893 : vector<16xi32> to vector<16xi32>
      tpu.vector_store %arg6[%swap3A], %swap3A_1896 {strides = array<i32>} : memref<13312xi32, #tpu.memory_space<vmem>>, vector<16xi32>,
    }
    %scan3A_1511 = arith.constant 64 : i32
    %dma_wait3A_1512 = arith.constant 0 : i32
    %dma_wait3A_1513 = tpu.memref_slice %arg5[%add3A_1501, %dma_wait3A_1512] : memref<425984x32xf32, #tpu.memory_space<hbm>> -> memref<1024x32xf32, #tpu.memory_space<hbm>>
    %dma_wait3A_1514 = arith.constant 0 : i32
    %dma_wait3A_1515 = tpu.memref_slice %arg5[%add3A_1501, %dma_wait3A_1514] : memref<425984x32xf32, #tpu.memory_space<hbm>> -> memref<1024x32xf32, #tpu.memory_space<hbm>>
    tpu.wait_dma2 semaphore(%arg13 : memref<!tpu.dma_semaphore, #tpu.memory_space<semaphore_mem>>) src(%arg9 : memref<1024x32xf32, #tpu.memory_space<vmem>>) dst(%dma_wait3A_1515 : memref<1024x32xf32, #tpu.memory_space<hbm>>)
    %dma_start3A_1516 = arith.constant 0 : i32
    %dma_start3A_1517 = arith.constant 0 : i32
    %dma_start3A_1518 = tpu.memref_slice %arg9[%dma_start3A_1516, %dma_start3A_1517] : memref<1024x32xf32, #tpu.memory_space<vmem>> -> memref<128x32xf32, #tpu.memory_space<vmem>>
    %dma_start3A_1519 = arith.constant 11264 : i32
    %dma_start3A_1520 = tpu.memref_slice %arg6[%dma_start3A_1519] : memref<13312xi32, #tpu.memory_space<vmem>> -> memref<128xi32, #tpu.memory_space<vmem>>
    %dma_start3A_1521 = arith.constant 0 : i32
    %dma_start3A_1522 = arith.constant 0 : i32
    %dma_start3A_1523 = tpu.memref_slice %arg2[%dma_start3A_1521, %dma_start3A_1522] : memref<2600000x32xf32, #tpu.memory_space<hbm>> -> memref<2600000x32xf32, #tpu.memory_space<hbm>>
    tpu.enqueue_indirect_dma source(%dma_start3A_1523 : memref<2600000x32xf32, #tpu.memory_space<hbm>>) target(%dma_start3A_1518 : memref<128x32xf32, #tpu.memory_space<vmem>>) offsets(%dma_start3A_1520 : memref<128xi32, #tpu.memory_space<vmem>>) semaphore(%arg11 : memref<!tpu.dma_semaphore, #tpu.memory_space<semaphore_mem>>)
    %dma_start3A_1524 = arith.constant 128 : i32
    %dma_start3A_1525 = arith.constant 0 : i32
    %dma_start3A_1526 = tpu.memref_slice %arg9[%dma_start3A_1524, %dma_start3A_1525] : memref<1024x32xf32, #tpu.memory_space<vmem>> -> memref<128x32xf32, #tpu.memory_space<vmem>>
    %dma_start3A_1527 = arith.constant 11392 : i32
    %dma_start3A_1528 = tpu.memref_slice %arg6[%dma_start3A_1527] : memref<13312xi32, #tpu.memory_space<vmem>> -> memref<128xi32, #tpu.memory_space<vmem>>
    %dma_start3A_1529 = arith.constant 0 : i32
    %dma_start3A_1530 = arith.constant 0 : i32
    %dma_start3A_1531 = tpu.memref_slice %arg2[%dma_start3A_1529, %dma_start3A_1530] : memref<2600000x32xf32, #tpu.memory_space<hbm>> -> memref<2600000x32xf32, #tpu.memory_space<hbm>>
    tpu.enqueue_indirect_dma source(%dma_start3A_1531 : memref<2600000x32xf32, #tpu.memory_space<hbm>>) target(%dma_start3A_1526 : memref<128x32xf32, #tpu.memory_space<vmem>>) offsets(%dma_start3A_1528 : memref<128xi32, #tpu.memory_space<vmem>>) semaphore(%arg11 : memref<!tpu.dma_semaphore, #tpu.memory_space<semaphore_mem>>)
    %dma_start3A_1532 = arith.constant 256 : i32
    %dma_start3A_1533 = arith.constant 0 : i32
    %dma_start3A_1534 = tpu.memref_slice %arg9[%dma_start3A_1532, %dma_start3A_1533] : memref<1024x32xf32, #tpu.memory_space<vmem>> -> memref<128x32xf32, #tpu.memory_space<vmem>>
    %dma_start3A_1535 = arith.constant 11520 : i32
    %dma_start3A_1536 = tpu.memref_slice %arg6[%dma_start3A_1535] : memref<13312xi32, #tpu.memory_space<vmem>> -> memref<128xi32, #tpu.memory_space<vmem>>
    %dma_start3A_1537 = arith.constant 0 : i32
    %dma_start3A_1538 = arith.constant 0 : i32
    %dma_start3A_1539 = tpu.memref_slice %arg2[%dma_start3A_1537, %dma_start3A_1538] : memref<2600000x32xf32, #tpu.memory_space<hbm>> -> memref<2600000x32xf32, #tpu.memory_space<hbm>>
    tpu.enqueue_indirect_dma source(%dma_start3A_1539 : memref<2600000x32xf32, #tpu.memory_space<hbm>>) target(%dma_start3A_1534 : memref<128x32xf32, #tpu.memory_space<vmem>>) offsets(%dma_start3A_1536 : memref<128xi32, #tpu.memory_space<vmem>>) semaphore(%arg11 : memref<!tpu.dma_semaphore, #tpu.memory_space<semaphore_mem>>)
    %dma_start3A_1540 = arith.constant 384 : i32
    %dma_start3A_1541 = arith.constant 0 : i32
    %dma_start3A_1542 = tpu.memref_slice %arg9[%dma_start3A_1540, %dma_start3A_1541] : memref<1024x32xf32, #tpu.memory_space<vmem>> -> memref<128x32xf32, #tpu.memory_space<vmem>>
    %dma_start3A_1543 = arith.constant 11648 : i32
    %dma_start3A_1544 = tpu.memref_slice %arg6[%dma_start3A_1543] : memref<13312xi32, #tpu.memory_space<vmem>> -> memref<128xi32, #tpu.memory_space<vmem>>
    %dma_start3A_1545 = arith.constant 0 : i32
    %dma_start3A_1546 = arith.constant 0 : i32
    %dma_start3A_1547 = tpu.memref_slice %arg2[%dma_start3A_1545, %dma_start3A_1546] : memref<2600000x32xf32, #tpu.memory_space<hbm>> -> memref<2600000x32xf32, #tpu.memory_space<hbm>>
    tpu.enqueue_indirect_dma source(%dma_start3A_1547 : memref<2600000x32xf32, #tpu.memory_space<hbm>>) target(%dma_start3A_1542 : memref<128x32xf32, #tpu.memory_space<vmem>>) offsets(%dma_start3A_1544 : memref<128xi32, #tpu.memory_space<vmem>>) semaphore(%arg11 : memref<!tpu.dma_semaphore, #tpu.memory_space<semaphore_mem>>)
    %dma_start3A_1548 = arith.constant 512 : i32
    %dma_start3A_1549 = arith.constant 0 : i32
    %dma_start3A_1550 = tpu.memref_slice %arg9[%dma_start3A_1548, %dma_start3A_1549] : memref<1024x32xf32, #tpu.memory_space<vmem>> -> memref<128x32xf32, #tpu.memory_space<vmem>>
    %dma_start3A_1551 = arith.constant 11776 : i32
    %dma_start3A_1552 = tpu.memref_slice %arg6[%dma_start3A_1551] : memref<13312xi32, #tpu.memory_space<vmem>> -> memref<128xi32, #tpu.memory_space<vmem>>
    %dma_start3A_1553 = arith.constant 0 : i32
    %dma_start3A_1554 = arith.constant 0 : i32
    %dma_start3A_1555 = tpu.memref_slice %arg2[%dma_start3A_1553, %dma_start3A_1554] : memref<2600000x32xf32, #tpu.memory_space<hbm>> -> memref<2600000x32xf32, #tpu.memory_space<hbm>>
    tpu.enqueue_indirect_dma source(%dma_start3A_1555 : memref<2600000x32xf32, #tpu.memory_space<hbm>>) target(%dma_start3A_1550 : memref<128x32xf32, #tpu.memory_space<vmem>>) offsets(%dma_start3A_1552 : memref<128xi32, #tpu.memory_space<vmem>>) semaphore(%arg11 : memref<!tpu.dma_semaphore, #tpu.memory_space<semaphore_mem>>)
    %dma_start3A_1556 = arith.constant 640 : i32
    %dma_start3A_1557 = arith.constant 0 : i32
    %dma_start3A_1558 = tpu.memref_slice %arg9[%dma_start3A_1556, %dma_start3A_1557] : memref<1024x32xf32, #tpu.memory_space<vmem>> -> memref<128x32xf32, #tpu.memory_space<vmem>>
    %dma_start3A_1559 = arith.constant 11904 : i32
    %dma_start3A_1560 = tpu.memref_slice %arg6[%dma_start3A_1559] : memref<13312xi32, #tpu.memory_space<vmem>> -> memref<128xi32, #tpu.memory_space<vmem>>
    %dma_start3A_1561 = arith.constant 0 : i32
    %dma_start3A_1562 = arith.constant 0 : i32
    %dma_start3A_1563 = tpu.memref_slice %arg2[%dma_start3A_1561, %dma_start3A_1562] : memref<2600000x32xf32, #tpu.memory_space<hbm>> -> memref<2600000x32xf32, #tpu.memory_space<hbm>>
    tpu.enqueue_indirect_dma source(%dma_start3A_1563 : memref<2600000x32xf32, #tpu.memory_space<hbm>>) target(%dma_start3A_1558 : memref<128x32xf32, #tpu.memory_space<vmem>>) offsets(%dma_start3A_1560 : memref<128xi32, #tpu.memory_space<vmem>>) semaphore(%arg11 : memref<!tpu.dma_semaphore, #tpu.memory_space<semaphore_mem>>)
    %dma_start3A_1564 = arith.constant 768 : i32
    %dma_start3A_1565 = arith.constant 0 : i32
    %dma_start3A_1566 = tpu.memref_slice %arg9[%dma_start3A_1564, %dma_start3A_1565] : memref<1024x32xf32, #tpu.memory_space<vmem>> -> memref<128x32xf32, #tpu.memory_space<vmem>>
    %dma_start3A_1567 = arith.constant 12032 : i32
    %dma_start3A_1568 = tpu.memref_slice %arg6[%dma_start3A_1567] : memref<13312xi32, #tpu.memory_space<vmem>> -> memref<128xi32, #tpu.memory_space<vmem>>
    %dma_start3A_1569 = arith.constant 0 : i32
    %dma_start3A_1570 = arith.constant 0 : i32
    %dma_start3A_1571 = tpu.memref_slice %arg2[%dma_start3A_1569, %dma_start3A_1570] : memref<2600000x32xf32, #tpu.memory_space<hbm>> -> memref<2600000x32xf32, #tpu.memory_space<hbm>>
    tpu.enqueue_indirect_dma source(%dma_start3A_1571 : memref<2600000x32xf32, #tpu.memory_space<hbm>>) target(%dma_start3A_1566 : memref<128x32xf32, #tpu.memory_space<vmem>>) offsets(%dma_start3A_1568 : memref<128xi32, #tpu.memory_space<vmem>>) semaphore(%arg11 : memref<!tpu.dma_semaphore, #tpu.memory_space<semaphore_mem>>)
    %dma_start3A_1572 = arith.constant 896 : i32
    %dma_start3A_1573 = arith.constant 0 : i32
    %dma_start3A_1574 = tpu.memref_slice %arg9[%dma_start3A_1572, %dma_start3A_1573] : memref<1024x32xf32, #tpu.memory_space<vmem>> -> memref<128x32xf32, #tpu.memory_space<vmem>>
    %dma_start3A_1575 = arith.constant 12160 : i32
    %dma_start3A_1576 = tpu.memref_slice %arg6[%dma_start3A_1575] : memref<13312xi32, #tpu.memory_space<vmem>> -> memref<128xi32, #tpu.memory_space<vmem>>
    %dma_start3A_1577 = arith.constant 0 : i32
    %dma_start3A_1578 = arith.constant 0 : i32
    %dma_start3A_1579 = tpu.memref_slice %arg2[%dma_start3A_1577, %dma_start3A_1578] : memref<2600000x32xf32, #tpu.memory_space<hbm>> -> memref<2600000x32xf32, #tpu.memory_space<hbm>>
    tpu.enqueue_indirect_dma source(%dma_start3A_1579 : memref<2600000x32xf32, #tpu.memory_space<hbm>>) target(%dma_start3A_1574 : memref<128x32xf32, #tpu.memory_space<vmem>>) offsets(%dma_start3A_1576 : memref<128xi32, #tpu.memory_space<vmem>>) semaphore(%arg11 : memref<!tpu.dma_semaphore, #tpu.memory_space<semaphore_mem>>)
    %dma_wait3A_1580 = arith.constant 0 : i32
    %dma_wait3A_1581 = arith.constant 0 : i32
    %dma_wait3A_1582 = tpu.memref_slice %arg8[%dma_wait3A_1580, %dma_wait3A_1581] : memref<1024x32xf32, #tpu.memory_space<vmem>> -> memref<128x32xf32, #tpu.memory_space<vmem>>
    %dma_wait3A_1583 = arith.constant 10240 : i32
    %dma_wait3A_1584 = tpu.memref_slice %arg6[%dma_wait3A_1583] : memref<13312xi32, #tpu.memory_space<vmem>> -> memref<128xi32, #tpu.memory_space<vmem>>
    %dma_wait3A_1585 = arith.constant 0 : i32
    %dma_wait3A_1586 = arith.constant 0 : i32
    %dma_wait3A_1587 = tpu.memref_slice %arg2[%dma_wait3A_1585, %dma_wait3A_1586] : memref<2600000x32xf32, #tpu.memory_space<hbm>> -> memref<2600000x32xf32, #tpu.memory_space<hbm>>
    tpu.wait_indirect_dma semaphore(%arg10 : memref<!tpu.dma_semaphore, #tpu.memory_space<semaphore_mem>>) src(%dma_wait3A_1587 : memref<2600000x32xf32, #tpu.memory_space<hbm>>) dst(%dma_wait3A_1582 : memref<128x32xf32, #tpu.memory_space<vmem>>)
    %dma_wait3A_1588 = arith.constant 128 : i32
    %dma_wait3A_1589 = arith.constant 0 : i32
    %dma_wait3A_1590 = tpu.memref_slice %arg8[%dma_wait3A_1588, %dma_wait3A_1589] : memref<1024x32xf32, #tpu.memory_space<vmem>> -> memref<128x32xf32, #tpu.memory_space<vmem>>
    %dma_wait3A_1591 = arith.constant 10368 : i32
    %dma_wait3A_1592 = tpu.memref_slice %arg6[%dma_wait3A_1591] : memref<13312xi32, #tpu.memory_space<vmem>> -> memref<128xi32, #tpu.memory_space<vmem>>
    %dma_wait3A_1593 = arith.constant 0 : i32
    %dma_wait3A_1594 = arith.constant 0 : i32
    %dma_wait3A_1595 = tpu.memref_slice %arg2[%dma_wait3A_1593, %dma_wait3A_1594] : memref<2600000x32xf32, #tpu.memory_space<hbm>> -> memref<2600000x32xf32, #tpu.memory_space<hbm>>
    tpu.wait_indirect_dma semaphore(%arg10 : memref<!tpu.dma_semaphore, #tpu.memory_space<semaphore_mem>>) src(%dma_wait3A_1595 : memref<2600000x32xf32, #tpu.memory_space<hbm>>) dst(%dma_wait3A_1590 : memref<128x32xf32, #tpu.memory_space<vmem>>)
    %dma_wait3A_1596 = arith.constant 256 : i32
    %dma_wait3A_1597 = arith.constant 0 : i32
    %dma_wait3A_1598 = tpu.memref_slice %arg8[%dma_wait3A_1596, %dma_wait3A_1597] : memref<1024x32xf32, #tpu.memory_space<vmem>> -> memref<128x32xf32, #tpu.memory_space<vmem>>
    %dma_wait3A_1599 = arith.constant 10496 : i32
    %dma_wait3A_1600 = tpu.memref_slice %arg6[%dma_wait3A_1599] : memref<13312xi32, #tpu.memory_space<vmem>> -> memref<128xi32, #tpu.memory_space<vmem>>
    %dma_wait3A_1601 = arith.constant 0 : i32
    %dma_wait3A_1602 = arith.constant 0 : i32
    %dma_wait3A_1603 = tpu.memref_slice %arg2[%dma_wait3A_1601, %dma_wait3A_1602] : memref<2600000x32xf32, #tpu.memory_space<hbm>> -> memref<2600000x32xf32, #tpu.memory_space<hbm>>
    tpu.wait_indirect_dma semaphore(%arg10 : memref<!tpu.dma_semaphore, #tpu.memory_space<semaphore_mem>>) src(%dma_wait3A_1603 : memref<2600000x32xf32, #tpu.memory_space<hbm>>) dst(%dma_wait3A_1598 : memref<128x32xf32, #tpu.memory_space<vmem>>)
    %dma_wait3A_1604 = arith.constant 384 : i32
    %dma_wait3A_1605 = arith.constant 0 : i32
    %dma_wait3A_1606 = tpu.memref_slice %arg8[%dma_wait3A_1604, %dma_wait3A_1605] : memref<1024x32xf32, #tpu.memory_space<vmem>> -> memref<128x32xf32, #tpu.memory_space<vmem>>
    %dma_wait3A_1607 = arith.constant 10624 : i32
    %dma_wait3A_1608 = tpu.memref_slice %arg6[%dma_wait3A_1607] : memref<13312xi32, #tpu.memory_space<vmem>> -> memref<128xi32, #tpu.memory_space<vmem>>
    %dma_wait3A_1609 = arith.constant 0 : i32
    %dma_wait3A_1610 = arith.constant 0 : i32
    %dma_wait3A_1611 = tpu.memref_slice %arg2[%dma_wait3A_1609, %dma_wait3A_1610] : memref<2600000x32xf32, #tpu.memory_space<hbm>> -> memref<2600000x32xf32, #tpu.memory_space<hbm>>
    tpu.wait_indirect_dma semaphore(%arg10 : memref<!tpu.dma_semaphore, #tpu.memory_space<semaphore_mem>>) src(%dma_wait3A_1611 : memref<2600000x32xf32, #tpu.memory_space<hbm>>) dst(%dma_wait3A_1606 : memref<128x32xf32, #tpu.memory_space<vmem>>)
    %dma_wait3A_1612 = arith.constant 512 : i32
    %dma_wait3A_1613 = arith.constant 0 : i32
    %dma_wait3A_1614 = tpu.memref_slice %arg8[%dma_wait3A_1612, %dma_wait3A_1613] : memref<1024x32xf32, #tpu.memory_space<vmem>> -> memref<128x32xf32, #tpu.memory_space<vmem>>
    %dma_wait3A_1615 = arith.constant 10752 : i32
    %dma_wait3A_1616 = tpu.memref_slice %arg6[%dma_wait3A_1615] : memref<13312xi32, #tpu.memory_space<vmem>> -> memref<128xi32, #tpu.memory_space<vmem>>
    %dma_wait3A_1617 = arith.constant 0 : i32
    %dma_wait3A_1618 = arith.constant 0 : i32
    %dma_wait3A_1619 = tpu.memref_slice %arg2[%dma_wait3A_1617, %dma_wait3A_1618] : memref<2600000x32xf32, #tpu.memory_space<hbm>> -> memref<2600000x32xf32, #tpu.memory_space<hbm>>
    tpu.wait_indirect_dma semaphore(%arg10 : memref<!tpu.dma_semaphore, #tpu.memory_space<semaphore_mem>>) src(%dma_wait3A_1619 : memref<2600000x32xf32, #tpu.memory_space<hbm>>) dst(%dma_wait3A_1614 : memref<128x32xf32, #tpu.memory_space<vmem>>)
    %dma_wait3A_1620 = arith.constant 640 : i32
    %dma_wait3A_1621 = arith.constant 0 : i32
    %dma_wait3A_1622 = tpu.memref_slice %arg8[%dma_wait3A_1620, %dma_wait3A_1621] : memref<1024x32xf32, #tpu.memory_space<vmem>> -> memref<128x32xf32, #tpu.memory_space<vmem>>
    %dma_wait3A_1623 = arith.constant 10880 : i32
    %dma_wait3A_1624 = tpu.memref_slice %arg6[%dma_wait3A_1623] : memref<13312xi32, #tpu.memory_space<vmem>> -> memref<128xi32, #tpu.memory_space<vmem>>
    %dma_wait3A_1625 = arith.constant 0 : i32
    %dma_wait3A_1626 = arith.constant 0 : i32
    %dma_wait3A_1627 = tpu.memref_slice %arg2[%dma_wait3A_1625, %dma_wait3A_1626] : memref<2600000x32xf32, #tpu.memory_space<hbm>> -> memref<2600000x32xf32, #tpu.memory_space<hbm>>
    tpu.wait_indirect_dma semaphore(%arg10 : memref<!tpu.dma_semaphore, #tpu.memory_space<semaphore_mem>>) src(%dma_wait3A_1627 : memref<2600000x32xf32, #tpu.memory_space<hbm>>) dst(%dma_wait3A_1622 : memref<128x32xf32, #tpu.memory_space<vmem>>)
    %dma_wait3A_1628 = arith.constant 768 : i32
    %dma_wait3A_1629 = arith.constant 0 : i32
    %dma_wait3A_1630 = tpu.memref_slice %arg8[%dma_wait3A_1628, %dma_wait3A_1629] : memref<1024x32xf32, #tpu.memory_space<vmem>> -> memref<128x32xf32, #tpu.memory_space<vmem>>
    %dma_wait3A_1631 = arith.constant 11008 : i32
    %dma_wait3A_1632 = tpu.memref_slice %arg6[%dma_wait3A_1631] : memref<13312xi32, #tpu.memory_space<vmem>> -> memref<128xi32, #tpu.memory_space<vmem>>
    %dma_wait3A_1633 = arith.constant 0 : i32
    %dma_wait3A_1634 = arith.constant 0 : i32
    %dma_wait3A_1635 = tpu.memref_slice %arg2[%dma_wait3A_1633, %dma_wait3A_1634] : memref<2600000x32xf32, #tpu.memory_space<hbm>> -> memref<2600000x32xf32, #tpu.memory_space<hbm>>
    tpu.wait_indirect_dma semaphore(%arg10 : memref<!tpu.dma_semaphore, #tpu.memory_space<semaphore_mem>>) src(%dma_wait3A_1635 : memref<2600000x32xf32, #tpu.memory_space<hbm>>) dst(%dma_wait3A_1630 : memref<128x32xf32, #tpu.memory_space<vmem>>)
    %dma_wait3A_1636 = arith.constant 896 : i32
    %dma_wait3A_1637 = arith.constant 0 : i32
    %dma_wait3A_1638 = tpu.memref_slice %arg8[%dma_wait3A_1636, %dma_wait3A_1637] : memref<1024x32xf32, #tpu.memory_space<vmem>> -> memref<128x32xf32, #tpu.memory_space<vmem>>
    %dma_wait3A_1639 = arith.constant 11136 : i32
    %dma_wait3A_1640 = tpu.memref_slice %arg6[%dma_wait3A_1639] : memref<13312xi32, #tpu.memory_space<vmem>> -> memref<128xi32, #tpu.memory_space<vmem>>
    %dma_wait3A_1641 = arith.constant 0 : i32
    %dma_wait3A_1642 = arith.constant 0 : i32
    %dma_wait3A_1643 = tpu.memref_slice %arg2[%dma_wait3A_1641, %dma_wait3A_1642] : memref<2600000x32xf32, #tpu.memory_space<hbm>> -> memref<2600000x32xf32, #tpu.memory_space<hbm>>
    tpu.wait_indirect_dma semaphore(%arg10 : memref<!tpu.dma_semaphore, #tpu.memory_space<semaphore_mem>>) src(%dma_wait3A_1643 : memref<2600000x32xf32, #tpu.memory_space<hbm>>) dst(%dma_wait3A_1638 : memref<128x32xf32, #tpu.memory_space<vmem>>)
    %add3A_1644 = arith.constant 10240 : i32
    %add3A_1645 = arith.addi %mul3A_2, %add3A_1644 : i32
    %dma_start3A_1646 = arith.constant 0 : i32
    %dma_start3A_1647 = tpu.memref_slice %arg5[%add3A_1645, %dma_start3A_1646] : memref<425984x32xf32, #tpu.memory_space<hbm>> -> memref<1024x32xf32, #tpu.memory_space<hbm>>
    %dma_start3A_1648 = arith.constant 0 : i32
    %dma_start3A_1649 = tpu.memref_slice %arg5[%add3A_1645, %dma_start3A_1648] : memref<425984x32xf32, #tpu.memory_space<hbm>> -> memref<1024x32xf32, #tpu.memory_space<hbm>>
    tpu.enqueue_dma source(%arg8 : memref<1024x32xf32, #tpu.memory_space<vmem>>) target(%dma_start3A_1649 : memref<1024x32xf32, #tpu.memory_space<hbm>>) target_semaphore(%arg12 : memref<!tpu.dma_semaphore, #tpu.memory_space<semaphore_mem>>)
    %scan3A_1650 = arith.constant 0 : i32
    %scan3A_1651 = arith.constant 0 : i32
    %scan3A_1652 = arith.constant 64 : i32
    %scan3A_1653 = arith.addi %scan3A_1651, %scan3A_1652 : i32
    %scan3A_1654 = arith.constant 1 : i32
    scf.for %scan3A_1872 = %scan3A_1651 to %scan3A_1653 step %scan3A_1654  : i32 {
      %add3A_1873 = arith.constant 768 : i32
      %add3A_1874 = arith.addi %add3A_1873, %scan3A_1872 : i32
      %mul3A_1875 = arith.constant 16 : i32
      %mul3A_1876 = arith.muli %add3A_1874, %mul3A_1875 : i32
      %jit3A = arith.constant 104 : i32
      %eq3A = arith.constant 0 : i32
      %eq3A_1877 = arith.cmpi eq, %jit3A, %eq3A : i32
      %jit3A_1878 = arith.constant 1 : i32
      %select_n3A = arith.select %eq3A_1877, %jit3A_1878, %jit3A : i32
      %rem3A = arith.remsi %add3A_1874, %select_n3A : i32
      %ne3A = arith.constant 0 : i32
      %ne3A_1879 = arith.cmpi ne, %rem3A, %ne3A : i32
      %lt3A = arith.constant 0 : i32
      %lt3A_1880 = arith.cmpi slt, %rem3A, %lt3A : i32
      %lt3A_1881 = arith.constant 0 : i32
      %lt3A_1882 = arith.cmpi slt, %select_n3A, %lt3A_1881 : i32
      %ne3A_1883 = arith.xori %lt3A_1880, %lt3A_1882 : i1
      %and3A = arith.andi %ne3A_1883, %ne3A_1879 : i1
      %add3A_1884 = arith.addi %rem3A, %select_n3A : i32
      %select_n3A_1885 = arith.select %and3A, %add3A_1884, %rem3A : i32
      %mul3A_1886 = arith.constant 16 : i32
      %mul3A_1887 = arith.muli %select_n3A_1885, %mul3A_1886 : i32
      %get3A = arith.index_cast %mul3A_1876 : i32 to index
      %get3A_1888 = tpu.vector_load %arg6[%get3A] {strides = array<i32>} : memref<13312xi32, #tpu.memory_space<vmem>>, vector<16xi32>,
      %get3A_1889 = vector.shape_cast %get3A_1888 : vector<16xi32> to vector<16xi32>
      %get3A_1890 = arith.index_cast %mul3A_1887 : i32 to index
      %get3A_1891 = tpu.vector_load %arg7[%get3A_1890] {strides = array<i32>} : memref<1664xi32, #tpu.memory_space<vmem>>, vector<16xi32>,
      %get3A_1892 = vector.shape_cast %get3A_1891 : vector<16xi32> to vector<16xi32>
      %add3A_1893 = arith.addi %get3A_1889, %get3A_1892 : vector<16xi32>
      %swap3A = arith.index_cast %mul3A_1876 : i32 to index
      %swap3A_1894 = tpu.vector_load %arg6[%swap3A] {strides = array<i32>} : memref<13312xi32, #tpu.memory_space<vmem>>, vector<16xi32>,
      %swap3A_1895 = vector.shape_cast %swap3A_1894 : vector<16xi32> to vector<16xi32>
      %swap3A_1896 = vector.shape_cast %add3A_1893 : vector<16xi32> to vector<16xi32>
      tpu.vector_store %arg6[%swap3A], %swap3A_1896 {strides = array<i32>} : memref<13312xi32, #tpu.memory_space<vmem>>, vector<16xi32>,
    }
    %scan3A_1655 = arith.constant 64 : i32
    %dma_wait3A_1656 = arith.constant 0 : i32
    %dma_wait3A_1657 = tpu.memref_slice %arg5[%add3A_1645, %dma_wait3A_1656] : memref<425984x32xf32, #tpu.memory_space<hbm>> -> memref<1024x32xf32, #tpu.memory_space<hbm>>
    %dma_wait3A_1658 = arith.constant 0 : i32
    %dma_wait3A_1659 = tpu.memref_slice %arg5[%add3A_1645, %dma_wait3A_1658] : memref<425984x32xf32, #tpu.memory_space<hbm>> -> memref<1024x32xf32, #tpu.memory_space<hbm>>
    tpu.wait_dma2 semaphore(%arg12 : memref<!tpu.dma_semaphore, #tpu.memory_space<semaphore_mem>>) src(%arg8 : memref<1024x32xf32, #tpu.memory_space<vmem>>) dst(%dma_wait3A_1659 : memref<1024x32xf32, #tpu.memory_space<hbm>>)
    %dma_start3A_1660 = arith.constant 0 : i32
    %dma_start3A_1661 = arith.constant 0 : i32
    %dma_start3A_1662 = tpu.memref_slice %arg8[%dma_start3A_1660, %dma_start3A_1661] : memref<1024x32xf32, #tpu.memory_space<vmem>> -> memref<128x32xf32, #tpu.memory_space<vmem>>
    %dma_start3A_1663 = arith.constant 12288 : i32
    %dma_start3A_1664 = tpu.memref_slice %arg6[%dma_start3A_1663] : memref<13312xi32, #tpu.memory_space<vmem>> -> memref<128xi32, #tpu.memory_space<vmem>>
    %dma_start3A_1665 = arith.constant 0 : i32
    %dma_start3A_1666 = arith.constant 0 : i32
    %dma_start3A_1667 = tpu.memref_slice %arg2[%dma_start3A_1665, %dma_start3A_1666] : memref<2600000x32xf32, #tpu.memory_space<hbm>> -> memref<2600000x32xf32, #tpu.memory_space<hbm>>
    tpu.enqueue_indirect_dma source(%dma_start3A_1667 : memref<2600000x32xf32, #tpu.memory_space<hbm>>) target(%dma_start3A_1662 : memref<128x32xf32, #tpu.memory_space<vmem>>) offsets(%dma_start3A_1664 : memref<128xi32, #tpu.memory_space<vmem>>) semaphore(%arg10 : memref<!tpu.dma_semaphore, #tpu.memory_space<semaphore_mem>>)
    %dma_start3A_1668 = arith.constant 128 : i32
    %dma_start3A_1669 = arith.constant 0 : i32
    %dma_start3A_1670 = tpu.memref_slice %arg8[%dma_start3A_1668, %dma_start3A_1669] : memref<1024x32xf32, #tpu.memory_space<vmem>> -> memref<128x32xf32, #tpu.memory_space<vmem>>
    %dma_start3A_1671 = arith.constant 12416 : i32
    %dma_start3A_1672 = tpu.memref_slice %arg6[%dma_start3A_1671] : memref<13312xi32, #tpu.memory_space<vmem>> -> memref<128xi32, #tpu.memory_space<vmem>>
    %dma_start3A_1673 = arith.constant 0 : i32
    %dma_start3A_1674 = arith.constant 0 : i32
    %dma_start3A_1675 = tpu.memref_slice %arg2[%dma_start3A_1673, %dma_start3A_1674] : memref<2600000x32xf32, #tpu.memory_space<hbm>> -> memref<2600000x32xf32, #tpu.memory_space<hbm>>
    tpu.enqueue_indirect_dma source(%dma_start3A_1675 : memref<2600000x32xf32, #tpu.memory_space<hbm>>) target(%dma_start3A_1670 : memref<128x32xf32, #tpu.memory_space<vmem>>) offsets(%dma_start3A_1672 : memref<128xi32, #tpu.memory_space<vmem>>) semaphore(%arg10 : memref<!tpu.dma_semaphore, #tpu.memory_space<semaphore_mem>>)
    %dma_start3A_1676 = arith.constant 256 : i32
    %dma_start3A_1677 = arith.constant 0 : i32
    %dma_start3A_1678 = tpu.memref_slice %arg8[%dma_start3A_1676, %dma_start3A_1677] : memref<1024x32xf32, #tpu.memory_space<vmem>> -> memref<128x32xf32, #tpu.memory_space<vmem>>
    %dma_start3A_1679 = arith.constant 12544 : i32
    %dma_start3A_1680 = tpu.memref_slice %arg6[%dma_start3A_1679] : memref<13312xi32, #tpu.memory_space<vmem>> -> memref<128xi32, #tpu.memory_space<vmem>>
    %dma_start3A_1681 = arith.constant 0 : i32
    %dma_start3A_1682 = arith.constant 0 : i32
    %dma_start3A_1683 = tpu.memref_slice %arg2[%dma_start3A_1681, %dma_start3A_1682] : memref<2600000x32xf32, #tpu.memory_space<hbm>> -> memref<2600000x32xf32, #tpu.memory_space<hbm>>
    tpu.enqueue_indirect_dma source(%dma_start3A_1683 : memref<2600000x32xf32, #tpu.memory_space<hbm>>) target(%dma_start3A_1678 : memref<128x32xf32, #tpu.memory_space<vmem>>) offsets(%dma_start3A_1680 : memref<128xi32, #tpu.memory_space<vmem>>) semaphore(%arg10 : memref<!tpu.dma_semaphore, #tpu.memory_space<semaphore_mem>>)
    %dma_start3A_1684 = arith.constant 384 : i32
    %dma_start3A_1685 = arith.constant 0 : i32
    %dma_start3A_1686 = tpu.memref_slice %arg8[%dma_start3A_1684, %dma_start3A_1685] : memref<1024x32xf32, #tpu.memory_space<vmem>> -> memref<128x32xf32, #tpu.memory_space<vmem>>
    %dma_start3A_1687 = arith.constant 12672 : i32
    %dma_start3A_1688 = tpu.memref_slice %arg6[%dma_start3A_1687] : memref<13312xi32, #tpu.memory_space<vmem>> -> memref<128xi32, #tpu.memory_space<vmem>>
    %dma_start3A_1689 = arith.constant 0 : i32
    %dma_start3A_1690 = arith.constant 0 : i32
    %dma_start3A_1691 = tpu.memref_slice %arg2[%dma_start3A_1689, %dma_start3A_1690] : memref<2600000x32xf32, #tpu.memory_space<hbm>> -> memref<2600000x32xf32, #tpu.memory_space<hbm>>
    tpu.enqueue_indirect_dma source(%dma_start3A_1691 : memref<2600000x32xf32, #tpu.memory_space<hbm>>) target(%dma_start3A_1686 : memref<128x32xf32, #tpu.memory_space<vmem>>) offsets(%dma_start3A_1688 : memref<128xi32, #tpu.memory_space<vmem>>) semaphore(%arg10 : memref<!tpu.dma_semaphore, #tpu.memory_space<semaphore_mem>>)
    %dma_start3A_1692 = arith.constant 512 : i32
    %dma_start3A_1693 = arith.constant 0 : i32
    %dma_start3A_1694 = tpu.memref_slice %arg8[%dma_start3A_1692, %dma_start3A_1693] : memref<1024x32xf32, #tpu.memory_space<vmem>> -> memref<128x32xf32, #tpu.memory_space<vmem>>
    %dma_start3A_1695 = arith.constant 12800 : i32
    %dma_start3A_1696 = tpu.memref_slice %arg6[%dma_start3A_1695] : memref<13312xi32, #tpu.memory_space<vmem>> -> memref<128xi32, #tpu.memory_space<vmem>>
    %dma_start3A_1697 = arith.constant 0 : i32
    %dma_start3A_1698 = arith.constant 0 : i32
    %dma_start3A_1699 = tpu.memref_slice %arg2[%dma_start3A_1697, %dma_start3A_1698] : memref<2600000x32xf32, #tpu.memory_space<hbm>> -> memref<2600000x32xf32, #tpu.memory_space<hbm>>
    tpu.enqueue_indirect_dma source(%dma_start3A_1699 : memref<2600000x32xf32, #tpu.memory_space<hbm>>) target(%dma_start3A_1694 : memref<128x32xf32, #tpu.memory_space<vmem>>) offsets(%dma_start3A_1696 : memref<128xi32, #tpu.memory_space<vmem>>) semaphore(%arg10 : memref<!tpu.dma_semaphore, #tpu.memory_space<semaphore_mem>>)
    %dma_start3A_1700 = arith.constant 640 : i32
    %dma_start3A_1701 = arith.constant 0 : i32
    %dma_start3A_1702 = tpu.memref_slice %arg8[%dma_start3A_1700, %dma_start3A_1701] : memref<1024x32xf32, #tpu.memory_space<vmem>> -> memref<128x32xf32, #tpu.memory_space<vmem>>
    %dma_start3A_1703 = arith.constant 12928 : i32
    %dma_start3A_1704 = tpu.memref_slice %arg6[%dma_start3A_1703] : memref<13312xi32, #tpu.memory_space<vmem>> -> memref<128xi32, #tpu.memory_space<vmem>>
    %dma_start3A_1705 = arith.constant 0 : i32
    %dma_start3A_1706 = arith.constant 0 : i32
    %dma_start3A_1707 = tpu.memref_slice %arg2[%dma_start3A_1705, %dma_start3A_1706] : memref<2600000x32xf32, #tpu.memory_space<hbm>> -> memref<2600000x32xf32, #tpu.memory_space<hbm>>
    tpu.enqueue_indirect_dma source(%dma_start3A_1707 : memref<2600000x32xf32, #tpu.memory_space<hbm>>) target(%dma_start3A_1702 : memref<128x32xf32, #tpu.memory_space<vmem>>) offsets(%dma_start3A_1704 : memref<128xi32, #tpu.memory_space<vmem>>) semaphore(%arg10 : memref<!tpu.dma_semaphore, #tpu.memory_space<semaphore_mem>>)
    %dma_start3A_1708 = arith.constant 768 : i32
    %dma_start3A_1709 = arith.constant 0 : i32
    %dma_start3A_1710 = tpu.memref_slice %arg8[%dma_start3A_1708, %dma_start3A_1709] : memref<1024x32xf32, #tpu.memory_space<vmem>> -> memref<128x32xf32, #tpu.memory_space<vmem>>
    %dma_start3A_1711 = arith.constant 13056 : i32
    %dma_start3A_1712 = tpu.memref_slice %arg6[%dma_start3A_1711] : memref<13312xi32, #tpu.memory_space<vmem>> -> memref<128xi32, #tpu.memory_space<vmem>>
    %dma_start3A_1713 = arith.constant 0 : i32
    %dma_start3A_1714 = arith.constant 0 : i32
    %dma_start3A_1715 = tpu.memref_slice %arg2[%dma_start3A_1713, %dma_start3A_1714] : memref<2600000x32xf32, #tpu.memory_space<hbm>> -> memref<2600000x32xf32, #tpu.memory_space<hbm>>
    tpu.enqueue_indirect_dma source(%dma_start3A_1715 : memref<2600000x32xf32, #tpu.memory_space<hbm>>) target(%dma_start3A_1710 : memref<128x32xf32, #tpu.memory_space<vmem>>) offsets(%dma_start3A_1712 : memref<128xi32, #tpu.memory_space<vmem>>) semaphore(%arg10 : memref<!tpu.dma_semaphore, #tpu.memory_space<semaphore_mem>>)
    %dma_start3A_1716 = arith.constant 896 : i32
    %dma_start3A_1717 = arith.constant 0 : i32
    %dma_start3A_1718 = tpu.memref_slice %arg8[%dma_start3A_1716, %dma_start3A_1717] : memref<1024x32xf32, #tpu.memory_space<vmem>> -> memref<128x32xf32, #tpu.memory_space<vmem>>
    %dma_start3A_1719 = arith.constant 13184 : i32
    %dma_start3A_1720 = tpu.memref_slice %arg6[%dma_start3A_1719] : memref<13312xi32, #tpu.memory_space<vmem>> -> memref<128xi32, #tpu.memory_space<vmem>>
    %dma_start3A_1721 = arith.constant 0 : i32
    %dma_start3A_1722 = arith.constant 0 : i32
    %dma_start3A_1723 = tpu.memref_slice %arg2[%dma_start3A_1721, %dma_start3A_1722] : memref<2600000x32xf32, #tpu.memory_space<hbm>> -> memref<2600000x32xf32, #tpu.memory_space<hbm>>
    tpu.enqueue_indirect_dma source(%dma_start3A_1723 : memref<2600000x32xf32, #tpu.memory_space<hbm>>) target(%dma_start3A_1718 : memref<128x32xf32, #tpu.memory_space<vmem>>) offsets(%dma_start3A_1720 : memref<128xi32, #tpu.memory_space<vmem>>) semaphore(%arg10 : memref<!tpu.dma_semaphore, #tpu.memory_space<semaphore_mem>>)
    %dma_wait3A_1724 = arith.constant 0 : i32
    %dma_wait3A_1725 = arith.constant 0 : i32
    %dma_wait3A_1726 = tpu.memref_slice %arg9[%dma_wait3A_1724, %dma_wait3A_1725] : memref<1024x32xf32, #tpu.memory_space<vmem>> -> memref<128x32xf32, #tpu.memory_space<vmem>>
    %dma_wait3A_1727 = arith.constant 11264 : i32
    %dma_wait3A_1728 = tpu.memref_slice %arg6[%dma_wait3A_1727] : memref<13312xi32, #tpu.memory_space<vmem>> -> memref<128xi32, #tpu.memory_space<vmem>>
    %dma_wait3A_1729 = arith.constant 0 : i32
    %dma_wait3A_1730 = arith.constant 0 : i32
    %dma_wait3A_1731 = tpu.memref_slice %arg2[%dma_wait3A_1729, %dma_wait3A_1730] : memref<2600000x32xf32, #tpu.memory_space<hbm>> -> memref<2600000x32xf32, #tpu.memory_space<hbm>>
    tpu.wait_indirect_dma semaphore(%arg11 : memref<!tpu.dma_semaphore, #tpu.memory_space<semaphore_mem>>) src(%dma_wait3A_1731 : memref<2600000x32xf32, #tpu.memory_space<hbm>>) dst(%dma_wait3A_1726 : memref<128x32xf32, #tpu.memory_space<vmem>>)
    %dma_wait3A_1732 = arith.constant 128 : i32
    %dma_wait3A_1733 = arith.constant 0 : i32
    %dma_wait3A_1734 = tpu.memref_slice %arg9[%dma_wait3A_1732, %dma_wait3A_1733] : memref<1024x32xf32, #tpu.memory_space<vmem>> -> memref<128x32xf32, #tpu.memory_space<vmem>>
    %dma_wait3A_1735 = arith.constant 11392 : i32
    %dma_wait3A_1736 = tpu.memref_slice %arg6[%dma_wait3A_1735] : memref<13312xi32, #tpu.memory_space<vmem>> -> memref<128xi32, #tpu.memory_space<vmem>>
    %dma_wait3A_1737 = arith.constant 0 : i32
    %dma_wait3A_1738 = arith.constant 0 : i32
    %dma_wait3A_1739 = tpu.memref_slice %arg2[%dma_wait3A_1737, %dma_wait3A_1738] : memref<2600000x32xf32, #tpu.memory_space<hbm>> -> memref<2600000x32xf32, #tpu.memory_space<hbm>>
    tpu.wait_indirect_dma semaphore(%arg11 : memref<!tpu.dma_semaphore, #tpu.memory_space<semaphore_mem>>) src(%dma_wait3A_1739 : memref<2600000x32xf32, #tpu.memory_space<hbm>>) dst(%dma_wait3A_1734 : memref<128x32xf32, #tpu.memory_space<vmem>>)
    %dma_wait3A_1740 = arith.constant 256 : i32
    %dma_wait3A_1741 = arith.constant 0 : i32
    %dma_wait3A_1742 = tpu.memref_slice %arg9[%dma_wait3A_1740, %dma_wait3A_1741] : memref<1024x32xf32, #tpu.memory_space<vmem>> -> memref<128x32xf32, #tpu.memory_space<vmem>>
    %dma_wait3A_1743 = arith.constant 11520 : i32
    %dma_wait3A_1744 = tpu.memref_slice %arg6[%dma_wait3A_1743] : memref<13312xi32, #tpu.memory_space<vmem>> -> memref<128xi32, #tpu.memory_space<vmem>>
    %dma_wait3A_1745 = arith.constant 0 : i32
    %dma_wait3A_1746 = arith.constant 0 : i32
    %dma_wait3A_1747 = tpu.memref_slice %arg2[%dma_wait3A_1745, %dma_wait3A_1746] : memref<2600000x32xf32, #tpu.memory_space<hbm>> -> memref<2600000x32xf32, #tpu.memory_space<hbm>>
    tpu.wait_indirect_dma semaphore(%arg11 : memref<!tpu.dma_semaphore, #tpu.memory_space<semaphore_mem>>) src(%dma_wait3A_1747 : memref<2600000x32xf32, #tpu.memory_space<hbm>>) dst(%dma_wait3A_1742 : memref<128x32xf32, #tpu.memory_space<vmem>>)
    %dma_wait3A_1748 = arith.constant 384 : i32
    %dma_wait3A_1749 = arith.constant 0 : i32
    %dma_wait3A_1750 = tpu.memref_slice %arg9[%dma_wait3A_1748, %dma_wait3A_1749] : memref<1024x32xf32, #tpu.memory_space<vmem>> -> memref<128x32xf32, #tpu.memory_space<vmem>>
    %dma_wait3A_1751 = arith.constant 11648 : i32
    %dma_wait3A_1752 = tpu.memref_slice %arg6[%dma_wait3A_1751] : memref<13312xi32, #tpu.memory_space<vmem>> -> memref<128xi32, #tpu.memory_space<vmem>>
    %dma_wait3A_1753 = arith.constant 0 : i32
    %dma_wait3A_1754 = arith.constant 0 : i32
    %dma_wait3A_1755 = tpu.memref_slice %arg2[%dma_wait3A_1753, %dma_wait3A_1754] : memref<2600000x32xf32, #tpu.memory_space<hbm>> -> memref<2600000x32xf32, #tpu.memory_space<hbm>>
    tpu.wait_indirect_dma semaphore(%arg11 : memref<!tpu.dma_semaphore, #tpu.memory_space<semaphore_mem>>) src(%dma_wait3A_1755 : memref<2600000x32xf32, #tpu.memory_space<hbm>>) dst(%dma_wait3A_1750 : memref<128x32xf32, #tpu.memory_space<vmem>>)
    %dma_wait3A_1756 = arith.constant 512 : i32
    %dma_wait3A_1757 = arith.constant 0 : i32
    %dma_wait3A_1758 = tpu.memref_slice %arg9[%dma_wait3A_1756, %dma_wait3A_1757] : memref<1024x32xf32, #tpu.memory_space<vmem>> -> memref<128x32xf32, #tpu.memory_space<vmem>>
    %dma_wait3A_1759 = arith.constant 11776 : i32
    %dma_wait3A_1760 = tpu.memref_slice %arg6[%dma_wait3A_1759] : memref<13312xi32, #tpu.memory_space<vmem>> -> memref<128xi32, #tpu.memory_space<vmem>>
    %dma_wait3A_1761 = arith.constant 0 : i32
    %dma_wait3A_1762 = arith.constant 0 : i32
    %dma_wait3A_1763 = tpu.memref_slice %arg2[%dma_wait3A_1761, %dma_wait3A_1762] : memref<2600000x32xf32, #tpu.memory_space<hbm>> -> memref<2600000x32xf32, #tpu.memory_space<hbm>>
    tpu.wait_indirect_dma semaphore(%arg11 : memref<!tpu.dma_semaphore, #tpu.memory_space<semaphore_mem>>) src(%dma_wait3A_1763 : memref<2600000x32xf32, #tpu.memory_space<hbm>>) dst(%dma_wait3A_1758 : memref<128x32xf32, #tpu.memory_space<vmem>>)
    %dma_wait3A_1764 = arith.constant 640 : i32
    %dma_wait3A_1765 = arith.constant 0 : i32
    %dma_wait3A_1766 = tpu.memref_slice %arg9[%dma_wait3A_1764, %dma_wait3A_1765] : memref<1024x32xf32, #tpu.memory_space<vmem>> -> memref<128x32xf32, #tpu.memory_space<vmem>>
    %dma_wait3A_1767 = arith.constant 11904 : i32
    %dma_wait3A_1768 = tpu.memref_slice %arg6[%dma_wait3A_1767] : memref<13312xi32, #tpu.memory_space<vmem>> -> memref<128xi32, #tpu.memory_space<vmem>>
    %dma_wait3A_1769 = arith.constant 0 : i32
    %dma_wait3A_1770 = arith.constant 0 : i32
    %dma_wait3A_1771 = tpu.memref_slice %arg2[%dma_wait3A_1769, %dma_wait3A_1770] : memref<2600000x32xf32, #tpu.memory_space<hbm>> -> memref<2600000x32xf32, #tpu.memory_space<hbm>>
    tpu.wait_indirect_dma semaphore(%arg11 : memref<!tpu.dma_semaphore, #tpu.memory_space<semaphore_mem>>) src(%dma_wait3A_1771 : memref<2600000x32xf32, #tpu.memory_space<hbm>>) dst(%dma_wait3A_1766 : memref<128x32xf32, #tpu.memory_space<vmem>>)
    %dma_wait3A_1772 = arith.constant 768 : i32
    %dma_wait3A_1773 = arith.constant 0 : i32
    %dma_wait3A_1774 = tpu.memref_slice %arg9[%dma_wait3A_1772, %dma_wait3A_1773] : memref<1024x32xf32, #tpu.memory_space<vmem>> -> memref<128x32xf32, #tpu.memory_space<vmem>>
    %dma_wait3A_1775 = arith.constant 12032 : i32
    %dma_wait3A_1776 = tpu.memref_slice %arg6[%dma_wait3A_1775] : memref<13312xi32, #tpu.memory_space<vmem>> -> memref<128xi32, #tpu.memory_space<vmem>>
    %dma_wait3A_1777 = arith.constant 0 : i32
    %dma_wait3A_1778 = arith.constant 0 : i32
    %dma_wait3A_1779 = tpu.memref_slice %arg2[%dma_wait3A_1777, %dma_wait3A_1778] : memref<2600000x32xf32, #tpu.memory_space<hbm>> -> memref<2600000x32xf32, #tpu.memory_space<hbm>>
    tpu.wait_indirect_dma semaphore(%arg11 : memref<!tpu.dma_semaphore, #tpu.memory_space<semaphore_mem>>) src(%dma_wait3A_1779 : memref<2600000x32xf32, #tpu.memory_space<hbm>>) dst(%dma_wait3A_1774 : memref<128x32xf32, #tpu.memory_space<vmem>>)
    %dma_wait3A_1780 = arith.constant 896 : i32
    %dma_wait3A_1781 = arith.constant 0 : i32
    %dma_wait3A_1782 = tpu.memref_slice %arg9[%dma_wait3A_1780, %dma_wait3A_1781] : memref<1024x32xf32, #tpu.memory_space<vmem>> -> memref<128x32xf32, #tpu.memory_space<vmem>>
    %dma_wait3A_1783 = arith.constant 12160 : i32
    %dma_wait3A_1784 = tpu.memref_slice %arg6[%dma_wait3A_1783] : memref<13312xi32, #tpu.memory_space<vmem>> -> memref<128xi32, #tpu.memory_space<vmem>>
    %dma_wait3A_1785 = arith.constant 0 : i32
    %dma_wait3A_1786 = arith.constant 0 : i32
    %dma_wait3A_1787 = tpu.memref_slice %arg2[%dma_wait3A_1785, %dma_wait3A_1786] : memref<2600000x32xf32, #tpu.memory_space<hbm>> -> memref<2600000x32xf32, #tpu.memory_space<hbm>>
    tpu.wait_indirect_dma semaphore(%arg11 : memref<!tpu.dma_semaphore, #tpu.memory_space<semaphore_mem>>) src(%dma_wait3A_1787 : memref<2600000x32xf32, #tpu.memory_space<hbm>>) dst(%dma_wait3A_1782 : memref<128x32xf32, #tpu.memory_space<vmem>>)
    %add3A_1788 = arith.constant 11264 : i32
    %add3A_1789 = arith.addi %mul3A_2, %add3A_1788 : i32
    %dma_start3A_1790 = arith.constant 0 : i32
    %dma_start3A_1791 = tpu.memref_slice %arg5[%add3A_1789, %dma_start3A_1790] : memref<425984x32xf32, #tpu.memory_space<hbm>> -> memref<1024x32xf32, #tpu.memory_space<hbm>>
    %dma_start3A_1792 = arith.constant 0 : i32
    %dma_start3A_1793 = tpu.memref_slice %arg5[%add3A_1789, %dma_start3A_1792] : memref<425984x32xf32, #tpu.memory_space<hbm>> -> memref<1024x32xf32, #tpu.memory_space<hbm>>
    tpu.enqueue_dma source(%arg9 : memref<1024x32xf32, #tpu.memory_space<vmem>>) target(%dma_start3A_1793 : memref<1024x32xf32, #tpu.memory_space<hbm>>) target_semaphore(%arg13 : memref<!tpu.dma_semaphore, #tpu.memory_space<semaphore_mem>>)
    %dma_wait3A_1794 = arith.constant 0 : i32
    %dma_wait3A_1795 = arith.constant 0 : i32
    %dma_wait3A_1796 = tpu.memref_slice %arg8[%dma_wait3A_1794, %dma_wait3A_1795] : memref<1024x32xf32, #tpu.memory_space<vmem>> -> memref<128x32xf32, #tpu.memory_space<vmem>>
    %dma_wait3A_1797 = arith.constant 12288 : i32
    %dma_wait3A_1798 = tpu.memref_slice %arg6[%dma_wait3A_1797] : memref<13312xi32, #tpu.memory_space<vmem>> -> memref<128xi32, #tpu.memory_space<vmem>>
    %dma_wait3A_1799 = arith.constant 0 : i32
    %dma_wait3A_1800 = arith.constant 0 : i32
    %dma_wait3A_1801 = tpu.memref_slice %arg2[%dma_wait3A_1799, %dma_wait3A_1800] : memref<2600000x32xf32, #tpu.memory_space<hbm>> -> memref<2600000x32xf32, #tpu.memory_space<hbm>>
    tpu.wait_indirect_dma semaphore(%arg10 : memref<!tpu.dma_semaphore, #tpu.memory_space<semaphore_mem>>) src(%dma_wait3A_1801 : memref<2600000x32xf32, #tpu.memory_space<hbm>>) dst(%dma_wait3A_1796 : memref<128x32xf32, #tpu.memory_space<vmem>>)
    %dma_wait3A_1802 = arith.constant 128 : i32
    %dma_wait3A_1803 = arith.constant 0 : i32
    %dma_wait3A_1804 = tpu.memref_slice %arg8[%dma_wait3A_1802, %dma_wait3A_1803] : memref<1024x32xf32, #tpu.memory_space<vmem>> -> memref<128x32xf32, #tpu.memory_space<vmem>>
    %dma_wait3A_1805 = arith.constant 12416 : i32
    %dma_wait3A_1806 = tpu.memref_slice %arg6[%dma_wait3A_1805] : memref<13312xi32, #tpu.memory_space<vmem>> -> memref<128xi32, #tpu.memory_space<vmem>>
    %dma_wait3A_1807 = arith.constant 0 : i32
    %dma_wait3A_1808 = arith.constant 0 : i32
    %dma_wait3A_1809 = tpu.memref_slice %arg2[%dma_wait3A_1807, %dma_wait3A_1808] : memref<2600000x32xf32, #tpu.memory_space<hbm>> -> memref<2600000x32xf32, #tpu.memory_space<hbm>>
    tpu.wait_indirect_dma semaphore(%arg10 : memref<!tpu.dma_semaphore, #tpu.memory_space<semaphore_mem>>) src(%dma_wait3A_1809 : memref<2600000x32xf32, #tpu.memory_space<hbm>>) dst(%dma_wait3A_1804 : memref<128x32xf32, #tpu.memory_space<vmem>>)
    %dma_wait3A_1810 = arith.constant 256 : i32
    %dma_wait3A_1811 = arith.constant 0 : i32
    %dma_wait3A_1812 = tpu.memref_slice %arg8[%dma_wait3A_1810, %dma_wait3A_1811] : memref<1024x32xf32, #tpu.memory_space<vmem>> -> memref<128x32xf32, #tpu.memory_space<vmem>>
    %dma_wait3A_1813 = arith.constant 12544 : i32
    %dma_wait3A_1814 = tpu.memref_slice %arg6[%dma_wait3A_1813] : memref<13312xi32, #tpu.memory_space<vmem>> -> memref<128xi32, #tpu.memory_space<vmem>>
    %dma_wait3A_1815 = arith.constant 0 : i32
    %dma_wait3A_1816 = arith.constant 0 : i32
    %dma_wait3A_1817 = tpu.memref_slice %arg2[%dma_wait3A_1815, %dma_wait3A_1816] : memref<2600000x32xf32, #tpu.memory_space<hbm>> -> memref<2600000x32xf32, #tpu.memory_space<hbm>>
    tpu.wait_indirect_dma semaphore(%arg10 : memref<!tpu.dma_semaphore, #tpu.memory_space<semaphore_mem>>) src(%dma_wait3A_1817 : memref<2600000x32xf32, #tpu.memory_space<hbm>>) dst(%dma_wait3A_1812 : memref<128x32xf32, #tpu.memory_space<vmem>>)
    %dma_wait3A_1818 = arith.constant 384 : i32
    %dma_wait3A_1819 = arith.constant 0 : i32
    %dma_wait3A_1820 = tpu.memref_slice %arg8[%dma_wait3A_1818, %dma_wait3A_1819] : memref<1024x32xf32, #tpu.memory_space<vmem>> -> memref<128x32xf32, #tpu.memory_space<vmem>>
    %dma_wait3A_1821 = arith.constant 12672 : i32
    %dma_wait3A_1822 = tpu.memref_slice %arg6[%dma_wait3A_1821] : memref<13312xi32, #tpu.memory_space<vmem>> -> memref<128xi32, #tpu.memory_space<vmem>>
    %dma_wait3A_1823 = arith.constant 0 : i32
    %dma_wait3A_1824 = arith.constant 0 : i32
    %dma_wait3A_1825 = tpu.memref_slice %arg2[%dma_wait3A_1823, %dma_wait3A_1824] : memref<2600000x32xf32, #tpu.memory_space<hbm>> -> memref<2600000x32xf32, #tpu.memory_space<hbm>>
    tpu.wait_indirect_dma semaphore(%arg10 : memref<!tpu.dma_semaphore, #tpu.memory_space<semaphore_mem>>) src(%dma_wait3A_1825 : memref<2600000x32xf32, #tpu.memory_space<hbm>>) dst(%dma_wait3A_1820 : memref<128x32xf32, #tpu.memory_space<vmem>>)
    %dma_wait3A_1826 = arith.constant 512 : i32
    %dma_wait3A_1827 = arith.constant 0 : i32
    %dma_wait3A_1828 = tpu.memref_slice %arg8[%dma_wait3A_1826, %dma_wait3A_1827] : memref<1024x32xf32, #tpu.memory_space<vmem>> -> memref<128x32xf32, #tpu.memory_space<vmem>>
    %dma_wait3A_1829 = arith.constant 12800 : i32
    %dma_wait3A_1830 = tpu.memref_slice %arg6[%dma_wait3A_1829] : memref<13312xi32, #tpu.memory_space<vmem>> -> memref<128xi32, #tpu.memory_space<vmem>>
    %dma_wait3A_1831 = arith.constant 0 : i32
    %dma_wait3A_1832 = arith.constant 0 : i32
    %dma_wait3A_1833 = tpu.memref_slice %arg2[%dma_wait3A_1831, %dma_wait3A_1832] : memref<2600000x32xf32, #tpu.memory_space<hbm>> -> memref<2600000x32xf32, #tpu.memory_space<hbm>>
    tpu.wait_indirect_dma semaphore(%arg10 : memref<!tpu.dma_semaphore, #tpu.memory_space<semaphore_mem>>) src(%dma_wait3A_1833 : memref<2600000x32xf32, #tpu.memory_space<hbm>>) dst(%dma_wait3A_1828 : memref<128x32xf32, #tpu.memory_space<vmem>>)
    %dma_wait3A_1834 = arith.constant 640 : i32
    %dma_wait3A_1835 = arith.constant 0 : i32
    %dma_wait3A_1836 = tpu.memref_slice %arg8[%dma_wait3A_1834, %dma_wait3A_1835] : memref<1024x32xf32, #tpu.memory_space<vmem>> -> memref<128x32xf32, #tpu.memory_space<vmem>>
    %dma_wait3A_1837 = arith.constant 12928 : i32
    %dma_wait3A_1838 = tpu.memref_slice %arg6[%dma_wait3A_1837] : memref<13312xi32, #tpu.memory_space<vmem>> -> memref<128xi32, #tpu.memory_space<vmem>>
    %dma_wait3A_1839 = arith.constant 0 : i32
    %dma_wait3A_1840 = arith.constant 0 : i32
    %dma_wait3A_1841 = tpu.memref_slice %arg2[%dma_wait3A_1839, %dma_wait3A_1840] : memref<2600000x32xf32, #tpu.memory_space<hbm>> -> memref<2600000x32xf32, #tpu.memory_space<hbm>>
    tpu.wait_indirect_dma semaphore(%arg10 : memref<!tpu.dma_semaphore, #tpu.memory_space<semaphore_mem>>) src(%dma_wait3A_1841 : memref<2600000x32xf32, #tpu.memory_space<hbm>>) dst(%dma_wait3A_1836 : memref<128x32xf32, #tpu.memory_space<vmem>>)
    %dma_wait3A_1842 = arith.constant 768 : i32
    %dma_wait3A_1843 = arith.constant 0 : i32
    %dma_wait3A_1844 = tpu.memref_slice %arg8[%dma_wait3A_1842, %dma_wait3A_1843] : memref<1024x32xf32, #tpu.memory_space<vmem>> -> memref<128x32xf32, #tpu.memory_space<vmem>>
    %dma_wait3A_1845 = arith.constant 13056 : i32
    %dma_wait3A_1846 = tpu.memref_slice %arg6[%dma_wait3A_1845] : memref<13312xi32, #tpu.memory_space<vmem>> -> memref<128xi32, #tpu.memory_space<vmem>>
    %dma_wait3A_1847 = arith.constant 0 : i32
    %dma_wait3A_1848 = arith.constant 0 : i32
    %dma_wait3A_1849 = tpu.memref_slice %arg2[%dma_wait3A_1847, %dma_wait3A_1848] : memref<2600000x32xf32, #tpu.memory_space<hbm>> -> memref<2600000x32xf32, #tpu.memory_space<hbm>>
    tpu.wait_indirect_dma semaphore(%arg10 : memref<!tpu.dma_semaphore, #tpu.memory_space<semaphore_mem>>) src(%dma_wait3A_1849 : memref<2600000x32xf32, #tpu.memory_space<hbm>>) dst(%dma_wait3A_1844 : memref<128x32xf32, #tpu.memory_space<vmem>>)
    %dma_wait3A_1850 = arith.constant 896 : i32
    %dma_wait3A_1851 = arith.constant 0 : i32
    %dma_wait3A_1852 = tpu.memref_slice %arg8[%dma_wait3A_1850, %dma_wait3A_1851] : memref<1024x32xf32, #tpu.memory_space<vmem>> -> memref<128x32xf32, #tpu.memory_space<vmem>>
    %dma_wait3A_1853 = arith.constant 13184 : i32
    %dma_wait3A_1854 = tpu.memref_slice %arg6[%dma_wait3A_1853] : memref<13312xi32, #tpu.memory_space<vmem>> -> memref<128xi32, #tpu.memory_space<vmem>>
    %dma_wait3A_1855 = arith.constant 0 : i32
    %dma_wait3A_1856 = arith.constant 0 : i32
    %dma_wait3A_1857 = tpu.memref_slice %arg2[%dma_wait3A_1855, %dma_wait3A_1856] : memref<2600000x32xf32, #tpu.memory_space<hbm>> -> memref<2600000x32xf32, #tpu.memory_space<hbm>>
    tpu.wait_indirect_dma semaphore(%arg10 : memref<!tpu.dma_semaphore, #tpu.memory_space<semaphore_mem>>) src(%dma_wait3A_1857 : memref<2600000x32xf32, #tpu.memory_space<hbm>>) dst(%dma_wait3A_1852 : memref<128x32xf32, #tpu.memory_space<vmem>>)
    %add3A_1858 = arith.constant 12288 : i32
    %add3A_1859 = arith.addi %mul3A_2, %add3A_1858 : i32
    %dma_start3A_1860 = arith.constant 0 : i32
    %dma_start3A_1861 = tpu.memref_slice %arg5[%add3A_1859, %dma_start3A_1860] : memref<425984x32xf32, #tpu.memory_space<hbm>> -> memref<1024x32xf32, #tpu.memory_space<hbm>>
    %dma_start3A_1862 = arith.constant 0 : i32
    %dma_start3A_1863 = tpu.memref_slice %arg5[%add3A_1859, %dma_start3A_1862] : memref<425984x32xf32, #tpu.memory_space<hbm>> -> memref<1024x32xf32, #tpu.memory_space<hbm>>
    tpu.enqueue_dma source(%arg8 : memref<1024x32xf32, #tpu.memory_space<vmem>>) target(%dma_start3A_1863 : memref<1024x32xf32, #tpu.memory_space<hbm>>) target_semaphore(%arg12 : memref<!tpu.dma_semaphore, #tpu.memory_space<semaphore_mem>>)
    %dma_wait3A_1864 = arith.constant 0 : i32
    %dma_wait3A_1865 = tpu.memref_slice %arg5[%add3A_1859, %dma_wait3A_1864] : memref<425984x32xf32, #tpu.memory_space<hbm>> -> memref<1024x32xf32, #tpu.memory_space<hbm>>
    %dma_wait3A_1866 = arith.constant 0 : i32
    %dma_wait3A_1867 = tpu.memref_slice %arg5[%add3A_1859, %dma_wait3A_1866] : memref<425984x32xf32, #tpu.memory_space<hbm>> -> memref<1024x32xf32, #tpu.memory_space<hbm>>
    tpu.wait_dma2 semaphore(%arg12 : memref<!tpu.dma_semaphore, #tpu.memory_space<semaphore_mem>>) src(%arg8 : memref<1024x32xf32, #tpu.memory_space<vmem>>) dst(%dma_wait3A_1867 : memref<1024x32xf32, #tpu.memory_space<hbm>>)
    %dma_wait3A_1868 = arith.constant 0 : i32
    %dma_wait3A_1869 = tpu.memref_slice %arg5[%add3A_1789, %dma_wait3A_1868] : memref<425984x32xf32, #tpu.memory_space<hbm>> -> memref<1024x32xf32, #tpu.memory_space<hbm>>
    %dma_wait3A_1870 = arith.constant 0 : i32
    %dma_wait3A_1871 = tpu.memref_slice %arg5[%add3A_1789, %dma_wait3A_1870] : memref<425984x32xf32, #tpu.memory_space<hbm>> -> memref<1024x32xf32, #tpu.memory_space<hbm>>
    tpu.wait_dma2 semaphore(%arg13 : memref<!tpu.dma_semaphore, #tpu.memory_space<semaphore_mem>>) src(%arg9 : memref<1024x32xf32, #tpu.memory_space<vmem>>) dst(%dma_wait3A_1871 : memref<1024x32xf32, #tpu.memory_space<hbm>>)
    return
  }
}

</mosaic_0001>

<sc_bundles>
// kernel: kernel.3.cloned.1.call-start
scs
__scs_entry_jumppad:
0x0: {  	(pc) =	sbr.rel $0x88, $3  }
0x1: {  	(tag) =	ssettag $0x0;
	lr =	simm.s32 $0x1  }
0x2: {  	[smem:$0x3F9F] =	sst lr;
	_ =	strace $0xD0000000  }
0x3: {  	_ = 	snop  }
0x4: {  	_ = 	snop  }
0x5: {  	_ = 	snop  }
0x6: {  	_ = 	snop  }
0x7: {  	_ = 	snop  }
__scs_overlays_trampoline_lowered:
0x8: {  	[smem:$0x3FAE] =	sst s0  }
0x9: {  	[smem:$0x3FAF] =	sst s1  }
0xa: {  	[smem:$0x3FB0] =	sst s2  }
0xb: {  	[smem:$0x3FB1] =	sst s3  }
0xc: {  	[smem:$0x3FB2] =	sst s4  }
0xd: {  	[smem:$0x3FB3] =	sst s5  }
0xe: {  	[smem:$0x3FB4] =	sst s6  }
0xf: {  	[smem:$0x3FB5] =	sst s7  }
0x10: {  	[smem:$0x3FB6] =	sst s8  }
0x11: {  	[smem:$0x3FB7] =	sst s9;
	s0 =	simm.s32 @!p0 $0x0  }
0x12: {  	s1 =	sld [smem:$0x3F9D];
	s0 =	simm.s32 @p0 $0x1  }
0x13: {  	[smem:$0x3FB8] =	sst s0;
	s0 =	simm.s32 @!p1 $0x0  }
0x14: {  	s2 =	sld [smem:$0x3F9C];
	s0 =	simm.s32 @p1 $0x1  }
0x15: {  	[smem:$0x3FB9] =	sst s0;
	s0 =	simm.s32 @!p2 $0x0  }
0x16: {  	s3 =	sld [smem:$0x3FDB];
	s0 =	simm.s32 @p2 $0x1  }
0x17: {  	s4 =	simm.s32 $0x1BF5;
	[smem:$0x3FBB] =	sst s0  }
0x18: {  	s0 =	sld [smem:$0x3F9E];
	_ =	swait.ge [sflag:s4], $0x0  }
0x19: {  	s7 =	sld [smem:$0x3F9F]  }
0x1a: {  	s8 =	sadd.s32 $0xFFFFE003, lr  }
0x1b: {  	s9 =	sadd.s32 $0xFFFFFEF7, lr;
	s5 =	simm.s32 $0xFFFFFFFF;
	p2 =	slt.u32 s8, $0xFFFFF086  }
0x1c: {  	p1 =	slt.u32 s9, $0xF7A;
	s5 =	simm.s32 @!p2 $0x0  }
0x1d: {  	s5 =	simm.s32 @p1 $0x1;
	p0 =	seq.s32 s7, s2  }
0x1e: {  	s7 =	smul.u32 @!p0 $0xF7A, s2;
	p2 =	seq.s32 @!p0 s5, $0x0  }
0x1f: {  	s9 =	smul.u32 $0xF7A, s1;
	s8 =	simm.s32 @!p0 $0x1BF5;
	p2 =	por !p2, p0  }
0x20: {  	[sflag:s8] =	ssyncset.s32 @!p0 $0xFFFFF086;
	s6 =	sadd.s32 @!p0 s3, s7;
	s7 =	simm.s32 @!p0 $0x108  }
0x21: {  	s3 =	sadd.s32 s3, s9;
	s6 =	sadd.s32 @!p0 $0x88, s6;
	s7 =	simm.s32 @p2 $0x1082  }
0x22: {  	[simem:s7], [sflag:s8] =	dma.local @!p0 [hbm:s6], $0xF7A  }
0x23: {  	s9 =	sor.u32 $0xD0000000, s2;
	s6 =	simm.s32 $0x108;
	_ =	swait.ge @!p0 [sflag:s8], $0x0  }
0x24: {  	s3 =	sadd.s32 $0x88, s3;
	s6 =	simm.s32 @!p1 $0x1082;
	[sflag:s4] =	ssyncset.s32 $0xFFFFF086  }
0x25: {  	[simem:s6], [sflag:s4] =	dma.local [hbm:s3], $0xF7A  }
0x26: {  	[smem:$0x3F9F] =	sst s1;
	(tag) =	ssettag s2;
	_ =	strace s9  }
0x27: {  	s1 =	sld [smem:$0x3FAF]  }
0x28: {  	s2 =	sld [smem:$0x3FB0]  }
0x29: {  	s4 =	sld [smem:$0x3FB2]  }
0x2a: {  	p0 =	seq.s32 s5, $0x0;
	s5 =	sld [smem:$0x3FB3]  }
0x2b: {  	s6 =	sld [smem:$0x3FB4]  }
0x2c: {  	s7 =	sld [smem:$0x3FB5]  }
0x2d: {  	s3 =	simm.s32 $0x108;
	s8 =	sld [smem:$0x3FB6]  }
0x2e: {  	s3 =	simm.s32 @!p0 $0x1082;
	s9 =	sld [smem:$0x3FB7]  }
0x2f: {  	lr =	sadd.s32 s0, s3;
	s0 =	sld [smem:$0x3FAE]  }
0x30: {  	s3 =	sld [smem:$0x3FB1]  }
0x31: {  	[smem:$0x3FBA] =	sst s10  }
0x32: {  	s10 =	sld [smem:$0x3FB8];
	_ =	sdelay $0x3  }
0x33: {  	p0 =	seq.s32 s10, $0x1;
	s10 =	sld [smem:$0x3FBA];
	_ =	sdelay $0x3  }
0x34: {  	[smem:$0x3FBA] =	sst s10  }
0x35: {  	s10 =	sld [smem:$0x3FB9];
	_ =	sdelay $0x3  }
0x36: {  	p1 =	seq.s32 s10, $0x1;
	s10 =	sld [smem:$0x3FBA];
	_ =	sdelay $0x3  }
0x37: {  	[smem:$0x3FBA] =	sst s10  }
0x38: {  	s10 =	sld [smem:$0x3FBB]  }
0x39: {  	_ = 	snop;
	(pc) =	sbr.ind lr, $3  }
0x3a: {  	_ = 	snop  }
0x3b: {  	_ = 	snop  }
0x3c: {  	p2 =	seq.s32 s10, $0x1;
	s10 =	sld [smem:$0x3FBA]  }
0x3d: {  	_ =	shalt  }
0x3e: {  	_ =	shalt  }
0x3f: {  	_ =	shalt  }
0x40: {  	_ =	shalt  }
0x41: {  	_ =	shalt  }
0x42: {  	_ =	shalt  }
0x43: {  	_ =	shalt  }
0x44: {  	_ =	shalt  }
0x45: {  	_ =	shalt  }
0x46: {  	_ =	shalt  }
0x47: {  	_ =	shalt  }
0x48: {  	_ =	shalt  }
0x49: {  	_ =	shalt  }
0x4a: {  	_ =	shalt  }
0x4b: {  	_ =	shalt  }
0x4c: {  	_ =	shalt  }
0x4d: {  	_ =	shalt  }
0x4e: {  	_ =	shalt  }
0x4f: {  	_ =	shalt  }
0x50: {  	_ =	shalt  }
0x51: {  	_ =	shalt  }
0x52: {  	_ =	shalt  }
0x53: {  	_ =	shalt  }
0x54: {  	_ =	shalt  }
0x55: {  	_ =	shalt  }
0x56: {  	_ =	shalt  }
0x57: {  	_ =	shalt  }
0x58: {  	_ =	shalt  }
0x59: {  	_ =	shalt  }
0x5a: {  	_ =	shalt  }
0x5b: {  	_ =	shalt  }
0x5c: {  	_ =	shalt  }
0x5d: {  	_ =	shalt  }
0x5e: {  	_ =	shalt  }
0x5f: {  	_ =	shalt  }
0x60: {  	_ =	shalt  }
0x61: {  	_ =	shalt  }
0x62: {  	_ =	shalt  }
0x63: {  	_ =	shalt  }
0x64: {  	_ =	shalt  }
0x65: {  	_ =	shalt  }
0x66: {  	_ =	shalt  }
0x67: {  	_ =	shalt  }
0x68: {  	_ =	shalt  }
0x69: {  	_ =	shalt  }
0x6a: {  	_ =	shalt  }
0x6b: {  	_ =	shalt  }
0x6c: {  	_ =	shalt  }
0x6d: {  	_ =	shalt  }
0x6e: {  	_ =	shalt  }
0x6f: {  	_ =	shalt  }
0x70: {  	_ =	shalt  }
0x71: {  	_ =	shalt  }
0x72: {  	_ =	shalt  }
0x73: {  	_ =	shalt  }
0x74: {  	_ =	shalt  }
0x75: {  	_ =	shalt  }
0x76: {  	_ =	shalt  }
0x77: {  	_ =	shalt  }
0x78: {  	_ =	shalt  }
0x79: {  	_ =	shalt  }
0x7a: {  	_ =	shalt  }
0x7b: {  	_ =	shalt  }
0x7c: {  	_ =	shalt  }
0x7d: {  	_ =	shalt  }
0x7e: {  	_ =	shalt  }
0x7f: {  	_ =	shalt  }
0x80: {  	_ =	shalt  }
0x81: {  	_ =	shalt  }
0x82: {  	_ =	shalt  }
0x83: {  	_ =	shalt  }
0x84: {  	_ =	shalt  }
0x85: {  	_ =	shalt  }
0x86: {  	_ =	shalt  }
0x87: {  	_ =	shalt  }
.Lfunc_end0:
.L_simem_size_0:
called_computation.1_lowered:
.L_overlay_start_0:
0x88: {  	s2 =	sld [smem:$0x3FD9]  }
0x89: {  	s3 =	sld [smem:$0x3FFE];
	_ =	sdelay $0x1  }
0x8a: {  	s1 =	srdreg.scid  }
0x8b: {  	s0 =	sand.u32 $0x1, s1  }
0x8c: {  	s17 =	sshll.u32 s0, $0xA;
	s2 =	sadd.s32 s3, s2  }
0x8d: {  	s2 =	sadd.s32 s2, s17  }
0x8e: {  	[smem:$0x3FC6] =	sst s2  }
0x8f: {  	_ = 	snop  }
0x90: {  	s2 =	sld [smem:$0x3FD0];
	(tm) =	ssettm $0x1  }
0x91: {  	s18 =	sld [smem:$0x3FFB];
	_ =	sdelay $0x3  }
0x92: {  	_ =	strace s18  }
0x93: {  	s3 =	sld [smem:$0x3FFC];
	_ =	sdelay $0x3  }
0x94: {  	_ =	strace s3  }
0x95: {  	s3 =	sld [smem:$0x3FFD];
	_ =	sdelay $0x3  }
0x96: {  	_ =	strace s3  }
0x97: {  	_ =	strace $0x8FFFFFFF  }
0x98: {  	s19 =	sld [smem:$0x3FDB];
	_ =	sdelay $0x1  }
0x99: {  	s4 =	simm.s32 $_scs_section_size  }
0x9a: {  	s5 =	simm.s32 $_size__tile_overlayer_lowered;
	s6 =	simm.s32 $_tile_overlayer_lowered  }
0x9b: {  	s22 =	simm.s32 $0x1BFF;
	s21 =	sshll.u32 s6, $0x1;
	s3 =	sadd.s32 s4, s19  }
0x9c: {  	s7 =	simm.s32 $0x0;
	s20 =	sshll.u32 s5, $0x1;
	s5 =	sadd.s32 s21, s3  }
0x9d: {  	[timem:s7], [sflag:s22] =	dma.local [hbm:s5], s20  }
0x9e: {  	_ =	swait.ge [sflag:s22], s20  }
0x9f: {  	s4 =	ssub.s32 $0x0, s20;
	[sflag:s22] =	ssyncset.done $0x0  }
0xa0: {  	[sflag:s22] =	ssyncadd.s32 s4;
	_ =	sdelay $0x1  }
0xa1: {  	s23 =	simm.s32 $0x1B8B  }
0xa2: {  	_ =	swait.ge [sflag:s23], $0x1  }
0xa3: {  	[sflag:s23] =	ssyncset.done $0x0  }
0xa4: {  	s25 =	simm.s32 $0x1B8E;
	s24 =	sld [smem:$0x3FFE];
	[sflag:s23] =	ssyncadd.s32 $0xFFFFFFFF  }
0xa5: {  	s26 =	simm.s32 $execute0_lowered;
	[smem:$0x3FD2] =	sst s25  }
0xa6: {  	s5 =	sshll.u32 s26, $0x1;
	_ =	strace $0x80000046;
	[dreg:$0x1] =	wrdreg $0xFFFFFFFF  }
0xa7: {  	s28 =	simm.s32 $_size_execute0_lowered;
	s3 =	sadd.s32 s3, s5;
	[dreg:$0x0] =	wrdreg $0x0  }
0xa8: {  	s5 =	sshll.u32 s28, $0x1;
	[dreg:$0x2] =	wrdreg s3  }
0xa9: {  	[dreg:$0x3] =	wrdreg s5  }
0xaa: {  	[dreg:$0x4] =	wrdreg $0xC0  }
0xab: {  	_ =	task [dreg:s7], $0x5FFFF  }
0xac: {  	[dreg:$0x1] =	wrdreg $0xFFFFFFFF  }
0xad: {  	[dreg:$0x0] =	wrdreg $0x60  }
0xae: {  	[dreg:$0x2] =	wrdreg s24  }
0xaf: {  	[dreg:$0x3] =	wrdreg s2  }
0xb0: {  	[dreg:$0x4] =	wrdreg $0x9  }
0xb1: {  	_ =	task.clear_ibuf [dreg:s7], $0x5FFFF;
	_ =	strace $0x90000046  }
0xb2: {  	s29 =	simm.s32 $0x9;
	_ =	strace $0x80000048  }
0xb3: {  	_ =	swait.ge [sflag:s29], $0x1  }
0xb4: {  	[sflag:s29] =	ssyncadd.s32 $0xFFFFFFFF  }
0xb5: {  	_ =	strace $0x90000048  }
0xb6: {  	_ =	sfence  }
0xb7: {  	s30 =	sld [smem:$0x0];
	_ =	sdelay $0x2  }
0xb8: {  	s31 =	sshll.u32 s1, $0xD;
	s1 =	sshrl.u32 s1, $0x2  }
0xb9: {  	s3 =	sand.u32 $0x4000, s31;
	s1 =	sadd.s32 s1, s30  }
0xba: {  	s0 =	sor.u32 s3, s0;
	s1 =	sshll.u32 s1, $0x11  }
0xbb: {  	s0 =	sor.u32 s1, s0  }
0xbc: {  	s0 =	sadd.s32 $0x8F2B, s0  }
0xbd: {  	[sflag:s0] =	ssyncadd.remote.s32 $0x1  }
0xbe: {  	_ =	sfence.sel $0xFFFF  }
0xbf: {  	[dreg:$0x0] =	wrdreg $0xFFFFFFFF;
	(pc) =	sbr.abs _section_cstart, $3  }
0xc0: {  	[dreg:$0x1] =	wrdreg $0xFFFFFFFF  }
0xc1: {  	_ =	task.clear_ibuf [dreg:s7], $0x2FFFF;
	_ =	strace $0x9FFFFFFF  }
0xc2: {  	(tm) =	ssettm $0x7FFFFFFF  }
0xc3: {  	_ =	shalt  }
tec
execute0_lowered:
.L_overlay_start_1:
0x0: {  	(tag) =	ssettag $0x1  }
0x1: {  	s0 =	rddreg [dreg:$0x0];
	s1 =	srdreg.scid  }
0x2: {  	s2 =	stileid.u32;
	s4 =	rddreg [dreg:$0x1];
	s29 =	simm.s32 $0x6A80  }
0x3: {  	s31 =	simm.s32 $0x7A80;
	s1 =	sand.u32 $0x1, s1;
	s3 =	sshll.u32 s2, $0x1  }
0x4: {  	s30 =	simm.s32 $0xAA80;
	s2 =	simm.s32 $0x0;
	s5 =	sor.u32 s1, s3  }
0x5: {  	s28 =	simm.s32 $0xDA80;
	[smem:$0x7FF] =	sst s2;
	s6 =	smul.u32 $0x680, s5  }
0x6: {  	s3 =	sadd.s32 $0x27AD000, s0;
	_ =	strace $0x80000047;
	s7 =	smul.u32 $0x68000, s5  }
0x7: {  	s5 =	smul.u32 $0xD000, s5;
	s6 =	sadd.s32 s6, s0;
	s0 =	sadd.s32 $0xA00, s0  }
0x8: {  	s7 =	sshrl.u32 s7, $0x3;
	[dreg:$0x3] =	wrdreg s0;
	s6 =	sadd.s32 $0xC00, s6  }
0x9: {  	s15 =	sadd.s32 s4, s7;
	s4 =	sadd.s32 s4, s5;
	[dreg:$0x4] =	wrdreg s6  }
0xa: {  	s9 =	simm.s32 $0x1;
	[dreg:$0x5] =	wrdreg s4;
	s16 =	sadd.s32 $0x1000, s15  }
0xb: {  	s10 =	simm.s32 $0x3;
	s17 =	sadd.s32 $0x2000, s15;
	[dreg:$0x6] =	wrdreg s16  }
0xc: {  	s11 =	simm.s32 $0x2;
	s18 =	sadd.s32 $0x3000, s15;
	[dreg:$0x7] =	wrdreg s17  }
0xd: {  	s12 =	simm.s32 $0x4;
	s19 =	sadd.s32 $0x4000, s15;
	[dreg:$0x8] =	wrdreg s18  }
0xe: {  	s13 =	simm.s32 $0x0;
	s20 =	sadd.s32 $0x5000, s15;
	[dreg:$0x9] =	wrdreg s19  }
0xf: {  	s1 =	ssub.s32 $0x2, s1;
	s21 =	sadd.s32 $0x6000, s15;
	[dreg:$0xa] =	wrdreg s20  }
0x10: {  	s8 =	sshrl.u32 s1, $0x1;
	s22 =	sadd.s32 $0x7000, s15;
	[dreg:$0xb] =	wrdreg s21  }
0x11: {  	s14 =	ssub.s32 s1, s8;
	s23 =	sadd.s32 $0x8000, s15;
	[dreg:$0xc] =	wrdreg s22  }
0x12: {  	s8 =	simm.s32 $0x12A80;
	s24 =	sadd.s32 $0x9000, s15;
	[dreg:$0xd] =	wrdreg s23  }
0x13: {  	s0 =	simm.s32 $0x8A80;
	s25 =	sadd.s32 $0xA000, s15;
	[dreg:$0xe] =	wrdreg s24  }
0x14: {  	s5 =	simm.s32 $0xFA80;
	s26 =	sadd.s32 $0xB000, s15;
	[dreg:$0xf] =	wrdreg s25  }
0x15: {  	s7 =	simm.s32 $0x11A80;
	s1 =	sadd.s32 $0xC000, s15;
	[dreg:$0x10] =	wrdreg s26  }
0x16: {  	s4 =	simm.s32 $0xEA80;
	s6 =	simm.s32 $0x10A80;
	[dreg:$0x11] =	wrdreg s1  }
0x17: {  	s19 =	smax.u32 s14, $0x1;
	s20 =	simm.s32 $0x5;
	s22 =	simm.s32 $0x80  }
0x18: {  	s23 =	simm.s32 $0x3A80;
	s24 =	simm.s32 $0x4A80;
	s26 =	simm.s32 $0x5A80  }
0x19: {  	s25 =	simm.s32 $0x9A80;
	s21 =	simm.s32 $0xBA80;
	s1 =	simm.s32 $0xCA80  }
.LBB2_1:
0x1a: {  	s14 =	rddreg [dreg:$0x4]  }
0x1b: {  	[tilespmem:s2], [sflag:$0x5] =	stream.linear.gather [hbm4b:s14+s2], $0x3400, $0x38;
	[tilespmem:$0x13A80] =	vst v63  }
0x1c: {  	_ =	swait.ge [sflag:s20], $0x3400  }
0x1d: {  	[sflag:s20] =	ssyncset.done $0x0  }
0x1e: {  	s15 =	simm.s32 $0x3400;
	s18 =	rddreg [dreg:$0x3];
	[sflag:s20] =	ssyncadd.s32 $0xFFFFCC00  }
0x1f: {  	[tilespmem:s15], [sflag:$0x5] =	stream.linear.gather [hbm4b:s18+s2], $0x680, $0x38;
	[tilespmem:$0x13A80] =	vst v63  }
0x20: {  	_ =	swait.ge [sflag:s20], $0x680  }
0x21: {  	[sflag:s20] =	ssyncset.done $0x0  }
0x22: {  	s14 =	simm.s32 $0x0;
	[sflag:s20] =	ssyncadd.s32 $0xFFFFF980  }
0x23: {  	s15 =	simm.s32 $0x40;
	v0 =	vld [tilespmem:s14+$0x3400]  }
.LBB2_2:
0x24: {  	p0 =	sne.s32 s15, $0xFC0;
	v1 =	vld [tilespmem:s14+$0x0];
	_ =	sdelay $0x1  }
.Ltmp0:
0x25: {  	(pc) =	sbr.rel @p0 .LBB2_2-.Ltmp0, $3  }
0x26: {  	_ =	sdelay $0x1  }
0x27: {  	s16 =	sshra.s32 s15, $0x2;
	v1 =	vadd.s32 v1, v0  }
0x28: {  	s15 =	sadd.s32 $0x40, s15;
	v0 =	vld [tilespmem:s16+$0x3400];
	[tilespmem:s14+$0x0] =	vst v1;
	s14 =	smov.u32 s16  }
0x29: {  	v1 =	vld [tilespmem:s14+$0x0];
	_ =	sdelay $0x4  }
0x2a: {  	v0 =	vadd.s32 v1, v0  }
0x2b: {  	[tilespmem:s14+$0x0] =	vst v0  }
0x2c: {  	[tilespmem:s23], [sflag:$0x1] =	stream.indirect.gather [hbm4b:s3+s22], $0x20, s2, s22, $0xb8;
	[tilespmem:$0x13A80] =	vst v63  }
0x2d: {  	_ = 	snop  }
0x2e: {  	[tilespmem:s24], [sflag:$0x1] =	stream.indirect.gather [hbm4b:s3+s22], $0x20, s22, s22, $0xb8;
	[tilespmem:$0x13A80] =	vst v63  }
0x2f: {  	s18 =	simm.s32 $0x100  }
0x30: {  	[tilespmem:s26], [sflag:$0x1] =	stream.indirect.gather [hbm4b:s3+s22], $0x20, s18, s22, $0xb8;
	[tilespmem:$0x13A80] =	vst v63  }
0x31: {  	s15 =	simm.s32 $0x180  }
0x32: {  	[tilespmem:s29], [sflag:$0x1] =	stream.indirect.gather [hbm4b:s3+s22], $0x20, s15, s22, $0xb8;
	[tilespmem:$0x13A80] =	vst v63  }
0x33: {  	s16 =	simm.s32 $0x200  }
0x34: {  	[tilespmem:s31], [sflag:$0x1] =	stream.indirect.gather [hbm4b:s3+s22], $0x20, s16, s22, $0xb8;
	[tilespmem:$0x13A80] =	vst v63  }
0x35: {  	s17 =	simm.s32 $0x280  }
0x36: {  	[tilespmem:s0], [sflag:$0x1] =	stream.indirect.gather [hbm4b:s3+s22], $0x20, s17, s22, $0xb8;
	[tilespmem:$0x13A80] =	vst v63  }
0x37: {  	s18 =	simm.s32 $0x300  }
0x38: {  	[tilespmem:s25], [sflag:$0x1] =	stream.indirect.gather [hbm4b:s3+s22], $0x20, s18, s22, $0xb8;
	[tilespmem:$0x13A80] =	vst v63  }
0x39: {  	s15 =	simm.s32 $0x380  }
0x3a: {  	[tilespmem:s30], [sflag:$0x1] =	stream.indirect.gather [hbm4b:s3+s22], $0x20, s15, s22, $0xb8;
	[tilespmem:$0x13A80] =	vst v63  }
0x3b: {  	s16 =	simm.s32 $0x40;
	s15 =	simm.s32 $0xFFFFFFD8  }
0x3c: {  	s14 =	smin.u32 s16, s15  }
0x3d: {  	s14 =	sshll.u32 s14, $0x4  }
0x3e: {  	s17 =	sand.u32 $0x3FFFFFF0, s14  }
0x3f: {  	s14 =	simm.s32 $0x400;
	v0 =	vld [tilespmem:s17+$0x3400]  }
0x40: {  	v1 =	vld [tilespmem:s14+$0x0];
	_ =	sdelay $0x2  }
0x41: {  	s18 =	simm.s32 $0xFFFFFFD9;
	s16 =	simm.s32 $0x41  }
0x42: {  	s15 =	simm.s32 $0x42;
	s16 =	smin.u32 s16, s18  }
.LBB2_4:
0x43: {  	p0 =	sne.s32 s15, $0x7F;
	s16 =	sshll.u32 s16, $0x4;
	v0 =	vadd.s32 v1, v0  }
0x44: {  	s16 =	sand.u32 $0x3FFFFFF0, s16;
	[tilespmem:s14+$0x0] =	vst v0  }
0x45: {  	s14 =	sadd.s32 $0x10, s14;
	v0 =	vld [tilespmem:s16+$0x3400]  }
.Ltmp1:
0x46: {  	v1 =	vld [tilespmem:s14+$0x0];
	(pc) =	sbr.rel @p0 .LBB2_4-.Ltmp1, $3  }
0x47: {  	_ =	sdelay $0x1  }
0x48: {  	s16 =	sadd.s32 $0xFFFFFF98, s15  }
0x49: {  	s16 =	smin.u32 s15, s16;
	s15 =	sadd.s32 $0x1, s15  }
0x4a: {  	s15 =	sshll.u32 s16, $0x4;
	v0 =	vadd.s32 v1, v0  }
0x4b: {  	s15 =	sand.u32 $0x3FFFFFF0, s15;
	[tilespmem:s14+$0x0] =	vst v0  }
0x4c: {  	s16 =	sadd.s32 $0x10, s14;
	v0 =	vld [tilespmem:s15+$0x3400]  }
0x4d: {  	v1 =	vld [tilespmem:s16+$0x0];
	_ =	sdelay $0x4  }
0x4e: {  	v0 =	vadd.s32 v1, v0  }
0x4f: {  	s17 =	simm.s32 $0x400;
	[tilespmem:s16+$0x0] =	vst v0  }
0x50: {  	[tilespmem:s21], [sflag:$0x2] =	stream.indirect.gather [hbm4b:s3+s22], $0x20, s17, s22, $0xb8;
	[tilespmem:$0x13A80] =	vst v63  }
0x51: {  	s18 =	simm.s32 $0x480  }
0x52: {  	[tilespmem:s1], [sflag:$0x2] =	stream.indirect.gather [hbm4b:s3+s22], $0x20, s18, s22, $0xb8;
	[tilespmem:$0x13A80] =	vst v63  }
0x53: {  	s15 =	simm.s32 $0x500  }
0x54: {  	[tilespmem:s28], [sflag:$0x2] =	stream.indirect.gather [hbm4b:s3+s22], $0x20, s15, s22, $0xb8;
	[tilespmem:$0x13A80] =	vst v63  }
0x55: {  	s16 =	simm.s32 $0x580  }
0x56: {  	[tilespmem:s4], [sflag:$0x2] =	stream.indirect.gather [hbm4b:s3+s22], $0x20, s16, s22, $0xb8;
	[tilespmem:$0x13A80] =	vst v63  }
0x57: {  	s17 =	simm.s32 $0x600  }
0x58: {  	[tilespmem:s5], [sflag:$0x2] =	stream.indirect.gather [hbm4b:s3+s22], $0x20, s17, s22, $0xb8;
	[tilespmem:$0x13A80] =	vst v63  }
0x59: {  	s18 =	simm.s32 $0x680  }
0x5a: {  	[tilespmem:s6], [sflag:$0x2] =	stream.indirect.gather [hbm4b:s3+s22], $0x20, s18, s22, $0xb8;
	[tilespmem:$0x13A80] =	vst v63  }
0x5b: {  	s15 =	simm.s32 $0x700  }
0x5c: {  	[tilespmem:s7], [sflag:$0x2] =	stream.indirect.gather [hbm4b:s3+s22], $0x20, s15, s22, $0xb8;
	[tilespmem:$0x13A80] =	vst v63  }
0x5d: {  	s16 =	simm.s32 $0x780  }
0x5e: {  	[tilespmem:s8], [sflag:$0x2] =	stream.indirect.gather [hbm4b:s3+s22], $0x20, s16, s22, $0xb8;
	[tilespmem:$0x13A80] =	vst v63  }
0x5f: {  	_ =	swait.ge [sflag:s9], $0x1000  }
0x60: {  	[sflag:s9] =	ssyncset.done $0x0  }
0x61: {  	[sflag:s9] =	ssyncadd.s32 $0xFFFFF000  }
0x62: {  	_ =	swait.ge [sflag:s9], $0x1000  }
0x63: {  	[sflag:s9] =	ssyncset.done $0x0  }
0x64: {  	[sflag:s9] =	ssyncadd.s32 $0xFFFFF000  }
0x65: {  	_ =	swait.ge [sflag:s9], $0x1000  }
0x66: {  	[sflag:s9] =	ssyncset.done $0x0  }
0x67: {  	[sflag:s9] =	ssyncadd.s32 $0xFFFFF000  }
0x68: {  	_ =	swait.ge [sflag:s9], $0x1000  }
0x69: {  	[sflag:s9] =	ssyncset.done $0x0  }
0x6a: {  	[sflag:s9] =	ssyncadd.s32 $0xFFFFF000  }
0x6b: {  	_ =	swait.ge [sflag:s9], $0x1000  }
0x6c: {  	[sflag:s9] =	ssyncset.done $0x0  }
0x6d: {  	[sflag:s9] =	ssyncadd.s32 $0xFFFFF000  }
0x6e: {  	_ =	swait.ge [sflag:s9], $0x1000  }
0x6f: {  	[sflag:s9] =	ssyncset.done $0x0  }
0x70: {  	[sflag:s9] =	ssyncadd.s32 $0xFFFFF000  }
0x71: {  	_ =	swait.ge [sflag:s9], $0x1000  }
0x72: {  	[sflag:s9] =	ssyncset.done $0x0  }
0x73: {  	[sflag:s9] =	ssyncadd.s32 $0xFFFFF000  }
0x74: {  	_ =	swait.ge [sflag:s9], $0x1000  }
0x75: {  	s14 =	simm.s32 $0x0;
	[sflag:s9] =	ssyncset.done $0x0  }
0x76: {  	s17 =	simm.s32 $0x0;
	s18 =	rddreg [dreg:$0x5];
	[sflag:s9] =	ssyncadd.s32 $0xFFFFF000  }
0x77: {  	[hbm4b:s18+s17] =	stream.linear.scatter [tilespmem:s23], [sflag:$0x3], $0x8000, $0x38;
	[tilespmem:$0x13A80] =	vst v63  }
0x78: {  	s15 =	simm.s32 $0x40;
	v0 =	vld [tilespmem:s14+$0x3580]  }
.LBB2_6:
0x79: {  	p0 =	sne.s32 s15, $0xFC0;
	v1 =	vld [tilespmem:s14+$0x800];
	_ =	sdelay $0x1  }
.Ltmp2:
0x7a: {  	(pc) =	sbr.rel @p0 .LBB2_6-.Ltmp2, $3  }
0x7b: {  	_ =	sdelay $0x1  }
0x7c: {  	s16 =	sshra.s32 s15, $0x2;
	v1 =	vadd.s32 v1, v0  }
0x7d: {  	s15 =	sadd.s32 $0x40, s15;
	v0 =	vld [tilespmem:s16+$0x3580];
	[tilespmem:s14+$0x800] =	vst v1;
	s14 =	smov.u32 s16  }
0x7e: {  	v1 =	vld [tilespmem:s14+$0x800];
	_ =	sdelay $0x4  }
0x7f: {  	v0 =	vadd.s32 v1, v0  }
0x80: {  	[tilespmem:s14+$0x800] =	vst v0  }
0x81: {  	_ =	swait.ge [sflag:s10], $0x8000  }
0x82: {  	[sflag:s10] =	ssyncset.done $0x0  }
0x83: {  	s18 =	simm.s32 $0x800;
	[sflag:s10] =	ssyncadd.s32 $0xFFFF8000  }
0x84: {  	[tilespmem:s23], [sflag:$0x1] =	stream.indirect.gather [hbm4b:s3+s22], $0x20, s18, s22, $0xb8;
	[tilespmem:$0x13A80] =	vst v63  }
0x85: {  	s15 =	simm.s32 $0x880  }
0x86: {  	[tilespmem:s24], [sflag:$0x1] =	stream.indirect.gather [hbm4b:s3+s22], $0x20, s15, s22, $0xb8;
	[tilespmem:$0x13A80] =	vst v63  }
0x87: {  	s16 =	simm.s32 $0x900  }
0x88: {  	[tilespmem:s26], [sflag:$0x1] =	stream.indirect.gather [hbm4b:s3+s22], $0x20, s16, s22, $0xb8;
	[tilespmem:$0x13A80] =	vst v63  }
0x89: {  	s17 =	simm.s32 $0x980  }
0x8a: {  	[tilespmem:s29], [sflag:$0x1] =	stream.indirect.gather [hbm4b:s3+s22], $0x20, s17, s22, $0xb8;
	[tilespmem:$0x13A80] =	vst v63  }
0x8b: {  	s18 =	simm.s32 $0xA00  }
0x8c: {  	[tilespmem:s31], [sflag:$0x1] =	stream.indirect.gather [hbm4b:s3+s22], $0x20, s18, s22, $0xb8;
	[tilespmem:$0x13A80] =	vst v63  }
0x8d: {  	s15 =	simm.s32 $0xA80  }
0x8e: {  	[tilespmem:s0], [sflag:$0x1] =	stream.indirect.gather [hbm4b:s3+s22], $0x20, s15, s22, $0xb8;
	[tilespmem:$0x13A80] =	vst v63  }
0x8f: {  	s16 =	simm.s32 $0xB00  }
0x90: {  	[tilespmem:s25], [sflag:$0x1] =	stream.indirect.gather [hbm4b:s3+s22], $0x20, s16, s22, $0xb8;
	[tilespmem:$0x13A80] =	vst v63  }
0x91: {  	s17 =	simm.s32 $0xB80  }
0x92: {  	[tilespmem:s30], [sflag:$0x1] =	stream.indirect.gather [hbm4b:s3+s22], $0x20, s17, s22, $0xb8;
	[tilespmem:$0x13A80] =	vst v63  }
0x93: {  	_ =	swait.ge [sflag:s11], $0x1000  }
0x94: {  	[sflag:s11] =	ssyncset.done $0x0  }
0x95: {  	[sflag:s11] =	ssyncadd.s32 $0xFFFFF000  }
0x96: {  	_ =	swait.ge [sflag:s11], $0x1000  }
0x97: {  	[sflag:s11] =	ssyncset.done $0x0  }
0x98: {  	[sflag:s11] =	ssyncadd.s32 $0xFFFFF000  }
0x99: {  	_ =	swait.ge [sflag:s11], $0x1000  }
0x9a: {  	[sflag:s11] =	ssyncset.done $0x0  }
0x9b: {  	[sflag:s11] =	ssyncadd.s32 $0xFFFFF000  }
0x9c: {  	_ =	swait.ge [sflag:s11], $0x1000  }
0x9d: {  	[sflag:s11] =	ssyncset.done $0x0  }
0x9e: {  	[sflag:s11] =	ssyncadd.s32 $0xFFFFF000  }
0x9f: {  	_ =	swait.ge [sflag:s11], $0x1000  }
0xa0: {  	[sflag:s11] =	ssyncset.done $0x0  }
0xa1: {  	[sflag:s11] =	ssyncadd.s32 $0xFFFFF000  }
0xa2: {  	_ =	swait.ge [sflag:s11], $0x1000  }
0xa3: {  	s18 =	simm.s32 $0xC0;
	[sflag:s11] =	ssyncset.done $0x0  }
0xa4: {  	s14 =	smul.u32 $0x4F, s18;
	[sflag:s11] =	ssyncadd.s32 $0xFFFFF000  }
0xa5: {  	_ =	swait.ge [sflag:s11], $0x1000  }
0xa6: {  	s14 =	sshrl.u32 s14, $0xD;
	[sflag:s11] =	ssyncset.done $0x0  }
0xa7: {  	s14 =	sand.u32 $0x7, s14;
	[sflag:s11] =	ssyncadd.s32 $0xFFFFF000  }
0xa8: {  	s14 =	smul.u32 $0x68, s14;
	_ =	swait.ge [sflag:s11], $0x1000  }
0xa9: {  	[sflag:s11] =	ssyncset.done $0x0  }
0xaa: {  	s14 =	ssub.s32 $0xC0, s14;
	s15 =	rddreg [dreg:$0x6];
	[sflag:s11] =	ssyncadd.s32 $0xFFFFF000  }
0xab: {  	[hbm4b:s15+s2] =	stream.linear.scatter [tilespmem:s21], [sflag:$0x4], $0x8000, $0x38;
	[tilespmem:$0x13A80] =	vst v63  }
0xac: {  	s14 =	sand.u32 $0xFF, s14;
	s15 =	simm.s32 $0xC1  }
0xad: {  	s16 =	sshll.u32 s14, $0x4;
	s17 =	smul.u32 $0x4F, s15  }
0xae: {  	s14 =	simm.s32 $0xC00;
	v0 =	vld [tilespmem:s16+$0x3400];
	s16 =	simm.s32 $0xC2  }
.LBB2_8:
0xaf: {  	p0 =	sne.s32 s16, $0xFF;
	s17 =	sshrl.u32 s17, $0xD;
	v1 =	vld [tilespmem:s14+$0x0]  }
0xb0: {  	s17 =	sand.u32 $0x7, s17  }
0xb1: {  	s17 =	smul.u32 $0x68, s17  }
.Ltmp3:
0xb2: {  	(pc) =	sbr.rel @p0 .LBB2_8-.Ltmp3, $4  }
0xb3: {  	s17 =	ssub.s32 s15, s17;
	s15 =	smov.u32 s16  }
0xb4: {  	s18 =	sand.u32 $0xFF, s17;
	v0 =	vadd.s32 v1, v0  }
0xb5: {  	s17 =	smul.u32 $0x4F, s16;
	s18 =	sshll.u32 s18, $0x4;
	[tilespmem:s14+$0x0] =	vst v0  }
0xb6: {  	s16 =	sadd.s32 $0x1, s16;
	s14 =	sadd.s32 $0x10, s14;
	v0 =	vld [tilespmem:s18+$0x3400]  }
0xb7: {  	s16 =	sshrl.u32 s17, $0xD;
	v1 =	vld [tilespmem:s14+$0x0]  }
0xb8: {  	s16 =	sand.u32 $0x7, s16  }
0xb9: {  	s16 =	smul.u32 $0x68, s16;
	_ =	sdelay $0x1  }
0xba: {  	s15 =	ssub.s32 s15, s16  }
0xbb: {  	s15 =	sand.u32 $0xFF, s15;
	v0 =	vadd.s32 v1, v0  }
0xbc: {  	s15 =	sshll.u32 s15, $0x4;
	[tilespmem:s14+$0x0] =	vst v0  }
0xbd: {  	v0 =	vld [tilespmem:s15+$0x3400];
	s15 =	sadd.s32 $0x10, s14  }
0xbe: {  	v1 =	vld [tilespmem:s15+$0x0];
	_ =	sdelay $0x4  }
0xbf: {  	v0 =	vadd.s32 v1, v0  }
0xc0: {  	[tilespmem:s15+$0x0] =	vst v0  }
0xc1: {  	_ =	swait.ge [sflag:s12], $0x8000  }
0xc2: {  	[sflag:s12] =	ssyncset.done $0x0  }
0xc3: {  	s16 =	simm.s32 $0xC00;
	[sflag:s12] =	ssyncadd.s32 $0xFFFF8000  }
0xc4: {  	[tilespmem:s21], [sflag:$0x2] =	stream.indirect.gather [hbm4b:s3+s22], $0x20, s16, s22, $0xb8;
	[tilespmem:$0x13A80] =	vst v63  }
0xc5: {  	s17 =	simm.s32 $0xC80  }
0xc6: {  	[tilespmem:s1], [sflag:$0x2] =	stream.indirect.gather [hbm4b:s3+s22], $0x20, s17, s22, $0xb8;
	[tilespmem:$0x13A80] =	vst v63  }
0xc7: {  	s18 =	simm.s32 $0xD00  }
0xc8: {  	[tilespmem:s28], [sflag:$0x2] =	stream.indirect.gather [hbm4b:s3+s22], $0x20, s18, s22, $0xb8;
	[tilespmem:$0x13A80] =	vst v63  }
0xc9: {  	s15 =	simm.s32 $0xD80  }
0xca: {  	[tilespmem:s4], [sflag:$0x2] =	stream.indirect.gather [hbm4b:s3+s22], $0x20, s15, s22, $0xb8;
	[tilespmem:$0x13A80] =	vst v63  }
0xcb: {  	s16 =	simm.s32 $0xE00  }
0xcc: {  	[tilespmem:s5], [sflag:$0x2] =	stream.indirect.gather [hbm4b:s3+s22], $0x20, s16, s22, $0xb8;
	[tilespmem:$0x13A80] =	vst v63  }
0xcd: {  	s17 =	simm.s32 $0xE80  }
0xce: {  	[tilespmem:s6], [sflag:$0x2] =	stream.indirect.gather [hbm4b:s3+s22], $0x20, s17, s22, $0xb8;
	[tilespmem:$0x13A80] =	vst v63  }
0xcf: {  	s18 =	simm.s32 $0xF00  }
0xd0: {  	[tilespmem:s7], [sflag:$0x2] =	stream.indirect.gather [hbm4b:s3+s22], $0x20, s18, s22, $0xb8;
	[tilespmem:$0x13A80] =	vst v63  }
0xd1: {  	s15 =	simm.s32 $0xF80  }
0xd2: {  	[tilespmem:s8], [sflag:$0x2] =	stream.indirect.gather [hbm4b:s3+s22], $0x20, s15, s22, $0xb8;
	[tilespmem:$0x13A80] =	vst v63  }
0xd3: {  	_ =	swait.ge [sflag:s9], $0x1000  }
0xd4: {  	[sflag:s9] =	ssyncset.done $0x0  }
0xd5: {  	[sflag:s9] =	ssyncadd.s32 $0xFFFFF000  }
0xd6: {  	_ =	swait.ge [sflag:s9], $0x1000  }
0xd7: {  	[sflag:s9] =	ssyncset.done $0x0  }
0xd8: {  	[sflag:s9] =	ssyncadd.s32 $0xFFFFF000  }
0xd9: {  	_ =	swait.ge [sflag:s9], $0x1000  }
0xda: {  	[sflag:s9] =	ssyncset.done $0x0  }
0xdb: {  	[sflag:s9] =	ssyncadd.s32 $0xFFFFF000  }
0xdc: {  	_ =	swait.ge [sflag:s9], $0x1000  }
0xdd: {  	[sflag:s9] =	ssyncset.done $0x0  }
0xde: {  	[sflag:s9] =	ssyncadd.s32 $0xFFFFF000  }
0xdf: {  	_ =	swait.ge [sflag:s9], $0x1000  }
0xe0: {  	[sflag:s9] =	ssyncset.done $0x0  }
0xe1: {  	[sflag:s9] =	ssyncadd.s32 $0xFFFFF000  }
0xe2: {  	s16 =	simm.s32 $0x100;
	_ =	swait.ge [sflag:s9], $0x1000  }
0xe3: {  	s14 =	smul.u32 $0x4EC5, s16;
	[sflag:s9] =	ssyncset.done $0x0  }
0xe4: {  	[sflag:s9] =	ssyncadd.s32 $0xFFFFF000  }
0xe5: {  	s14 =	sshrl.u32 s14, $0x15;
	_ =	swait.ge [sflag:s9], $0x1000  }
0xe6: {  	s14 =	smul.u32 $0x68, s14;
	[sflag:s9] =	ssyncset.done $0x0  }
0xe7: {  	[sflag:s9] =	ssyncadd.s32 $0xFFFFF000  }
0xe8: {  	s14 =	ssub.s32 $0x100, s14;
	_ =	swait.ge [sflag:s9], $0x1000  }
0xe9: {  	s15 =	simm.s32 $0x101;
	s14 =	sand.u32 $0xFFFF, s14;
	[sflag:s9] =	ssyncset.done $0x0  }
0xea: {  	s18 =	sshll.u32 s14, $0x4;
	s17 =	rddreg [dreg:$0x7];
	[sflag:s9] =	ssyncadd.s32 $0xFFFFF000  }
0xeb: {  	[hbm4b:s17+s2] =	stream.linear.scatter [tilespmem:s23], [sflag:$0x3], $0x8000, $0x38;
	[tilespmem:$0x13A80] =	vst v63  }
0xec: {  	s14 =	simm.s32 $0x1000;
	s17 =	smul.u32 $0x4EC5, s15;
	v0 =	vld [tilespmem:s18+$0x3400]  }
0xed: {  	s16 =	simm.s32 $0x102;
	v1 =	vld [tilespmem:s14+$0x0]  }
.LBB2_10:
0xee: {  	p0 =	sne.s32 s16, $0x13F;
	s17 =	sshrl.u32 s17, $0x15  }
0xef: {  	s17 =	smul.u32 $0x68, s17;
	_ =	sdelay $0x1  }
.Ltmp4:
0xf0: {  	s17 =	ssub.s32 s15, s17;
	s15 =	smov.u32 s16;
	(pc) =	sbr.rel @p0 .LBB2_10-.Ltmp4, $4  }
0xf1: {  	s17 =	sand.u32 $0xFFFF, s17;
	v0 =	vadd.s32 v1, v0  }
0xf2: {  	s18 =	sshll.u32 s17, $0x4;
	[tilespmem:s14+$0x0] =	vst v0  }
0xf3: {  	s17 =	smul.u32 $0x4EC5, s16;
	s14 =	sadd.s32 $0x10, s14;
	v0 =	vld [tilespmem:s18+$0x3400]  }
0xf4: {  	s16 =	sadd.s32 $0x1, s16;
	v1 =	vld [tilespmem:s14+$0x0]  }
0xf5: {  	s16 =	sshrl.u32 s17, $0x15  }
0xf6: {  	s16 =	smul.u32 $0x68, s16;
	_ =	sdelay $0x1  }
0xf7: {  	s15 =	ssub.s32 s15, s16  }
0xf8: {  	s15 =	sand.u32 $0xFFFF, s15;
	v0 =	vadd.s32 v1, v0  }
0xf9: {  	s15 =	sshll.u32 s15, $0x4;
	[tilespmem:s14+$0x0] =	vst v0  }
0xfa: {  	v0 =	vld [tilespmem:s15+$0x3400];
	s15 =	sadd.s32 $0x10, s14  }
0xfb: {  	v1 =	vld [tilespmem:s15+$0x0];
	_ =	sdelay $0x4  }
0xfc: {  	v0 =	vadd.s32 v1, v0  }
0xfd: {  	[tilespmem:s15+$0x0] =	vst v0  }
0xfe: {  	_ =	swait.ge [sflag:s10], $0x8000  }
0xff: {  	[sflag:s10] =	ssyncset.done $0x0  }
0x100: {  	s16 =	simm.s32 $0x1000;
	[sflag:s10] =	ssyncadd.s32 $0xFFFF8000  }
0x101: {  	[tilespmem:s23], [sflag:$0x1] =	stream.indirect.gather [hbm4b:s3+s22], $0x20, s16, s22, $0xb8;
	[tilespmem:$0x13A80] =	vst v63  }
0x102: {  	s17 =	simm.s32 $0x1080  }
0x103: {  	[tilespmem:s24], [sflag:$0x1] =	stream.indirect.gather [hbm4b:s3+s22], $0x20, s17, s22, $0xb8;
	[tilespmem:$0x13A80] =	vst v63  }
0x104: {  	s18 =	simm.s32 $0x1100  }
0x105: {  	[tilespmem:s26], [sflag:$0x1] =	stream.indirect.gather [hbm4b:s3+s22], $0x20, s18, s22, $0xb8;
	[tilespmem:$0x13A80] =	vst v63  }
0x106: {  	s15 =	simm.s32 $0x1180  }
0x107: {  	[tilespmem:s29], [sflag:$0x1] =	stream.indirect.gather [hbm4b:s3+s22], $0x20, s15, s22, $0xb8;
	[tilespmem:$0x13A80] =	vst v63  }
0x108: {  	s16 =	simm.s32 $0x1200  }
0x109: {  	[tilespmem:s31], [sflag:$0x1] =	stream.indirect.gather [hbm4b:s3+s22], $0x20, s16, s22, $0xb8;
	[tilespmem:$0x13A80] =	vst v63  }
0x10a: {  	s17 =	simm.s32 $0x1280  }
0x10b: {  	[tilespmem:s0], [sflag:$0x1] =	stream.indirect.gather [hbm4b:s3+s22], $0x20, s17, s22, $0xb8;
	[tilespmem:$0x13A80] =	vst v63  }
0x10c: {  	s18 =	simm.s32 $0x1300  }
0x10d: {  	[tilespmem:s25], [sflag:$0x1] =	stream.indirect.gather [hbm4b:s3+s22], $0x20, s18, s22, $0xb8;
	[tilespmem:$0x13A80] =	vst v63  }
0x10e: {  	s15 =	simm.s32 $0x1380  }
0x10f: {  	[tilespmem:s30], [sflag:$0x1] =	stream.indirect.gather [hbm4b:s3+s22], $0x20, s15, s22, $0xb8;
	[tilespmem:$0x13A80] =	vst v63  }
0x110: {  	_ =	swait.ge [sflag:s11], $0x1000  }
0x111: {  	[sflag:s11] =	ssyncset.done $0x0  }
0x112: {  	[sflag:s11] =	ssyncadd.s32 $0xFFFFF000  }
0x113: {  	_ =	swait.ge [sflag:s11], $0x1000  }
0x114: {  	[sflag:s11] =	ssyncset.done $0x0  }
0x115: {  	[sflag:s11] =	ssyncadd.s32 $0xFFFFF000  }
0x116: {  	_ =	swait.ge [sflag:s11], $0x1000  }
0x117: {  	[sflag:s11] =	ssyncset.done $0x0  }
0x118: {  	[sflag:s11] =	ssyncadd.s32 $0xFFFFF000  }
0x119: {  	_ =	swait.ge [sflag:s11], $0x1000  }
0x11a: {  	[sflag:s11] =	ssyncset.done $0x0  }
0x11b: {  	[sflag:s11] =	ssyncadd.s32 $0xFFFFF000  }
0x11c: {  	_ =	swait.ge [sflag:s11], $0x1000  }
0x11d: {  	[sflag:s11] =	ssyncset.done $0x0  }
0x11e: {  	[sflag:s11] =	ssyncadd.s32 $0xFFFFF000  }
0x11f: {  	s16 =	simm.s32 $0x140;
	_ =	swait.ge [sflag:s11], $0x1000  }
0x120: {  	s14 =	smul.u32 $0x4EC5, s16;
	[sflag:s11] =	ssyncset.done $0x0  }
0x121: {  	[sflag:s11] =	ssyncadd.s32 $0xFFFFF000  }
0x122: {  	s14 =	sshrl.u32 s14, $0x15;
	_ =	swait.ge [sflag:s11], $0x1000  }
0x123: {  	s14 =	smul.u32 $0x68, s14;
	[sflag:s11] =	ssyncset.done $0x0  }
0x124: {  	[sflag:s11] =	ssyncadd.s32 $0xFFFFF000  }
0x125: {  	s14 =	ssub.s32 $0x140, s14;
	_ =	swait.ge [sflag:s11], $0x1000  }
0x126: {  	s15 =	simm.s32 $0x141;
	s14 =	sand.u32 $0xFFFF, s14;
	[sflag:s11] =	ssyncset.done $0x0  }
0x127: {  	s18 =	sshll.u32 s14, $0x4;
	s17 =	rddreg [dreg:$0x8];
	[sflag:s11] =	ssyncadd.s32 $0xFFFFF000  }
0x128: {  	[hbm4b:s17+s2] =	stream.linear.scatter [tilespmem:s21], [sflag:$0x4], $0x8000, $0x38;
	[tilespmem:$0x13A80] =	vst v63  }
0x129: {  	s14 =	simm.s32 $0x1400;
	s17 =	smul.u32 $0x4EC5, s15;
	v0 =	vld [tilespmem:s18+$0x3400]  }
0x12a: {  	s16 =	simm.s32 $0x142;
	v1 =	vld [tilespmem:s14+$0x0]  }
.LBB2_12:
0x12b: {  	p0 =	sne.s32 s16, $0x17F;
	s17 =	sshrl.u32 s17, $0x15  }
0x12c: {  	s17 =	smul.u32 $0x68, s17;
	_ =	sdelay $0x1  }
.Ltmp5:
0x12d: {  	s17 =	ssub.s32 s15, s17;
	s15 =	smov.u32 s16;
	(pc) =	sbr.rel @p0 .LBB2_12-.Ltmp5, $4  }
0x12e: {  	s17 =	sand.u32 $0xFFFF, s17;
	v0 =	vadd.s32 v1, v0  }
0x12f: {  	s18 =	sshll.u32 s17, $0x4;
	[tilespmem:s14+$0x0] =	vst v0  }
0x130: {  	s17 =	smul.u32 $0x4EC5, s16;
	s14 =	sadd.s32 $0x10, s14;
	v0 =	vld [tilespmem:s18+$0x3400]  }
0x131: {  	s16 =	sadd.s32 $0x1, s16;
	v1 =	vld [tilespmem:s14+$0x0]  }
0x132: {  	s16 =	sshrl.u32 s17, $0x15  }
0x133: {  	s16 =	smul.u32 $0x68, s16;
	_ =	sdelay $0x1  }
0x134: {  	s15 =	ssub.s32 s15, s16  }
0x135: {  	s15 =	sand.u32 $0xFFFF, s15;
	v0 =	vadd.s32 v1, v0  }
0x136: {  	s15 =	sshll.u32 s15, $0x4;
	[tilespmem:s14+$0x0] =	vst v0  }
0x137: {  	v0 =	vld [tilespmem:s15+$0x3400];
	s15 =	sadd.s32 $0x10, s14  }
0x138: {  	v1 =	vld [tilespmem:s15+$0x0];
	_ =	sdelay $0x4  }
0x139: {  	v0 =	vadd.s32 v1, v0  }
0x13a: {  	[tilespmem:s15+$0x0] =	vst v0  }
0x13b: {  	_ =	swait.ge [sflag:s12], $0x8000  }
0x13c: {  	[sflag:s12] =	ssyncset.done $0x0  }
0x13d: {  	s16 =	simm.s32 $0x1400;
	[sflag:s12] =	ssyncadd.s32 $0xFFFF8000  }
0x13e: {  	[tilespmem:s21], [sflag:$0x2] =	stream.indirect.gather [hbm4b:s3+s22], $0x20, s16, s22, $0xb8;
	[tilespmem:$0x13A80] =	vst v63  }
0x13f: {  	s17 =	simm.s32 $0x1480  }
0x140: {  	[tilespmem:s1], [sflag:$0x2] =	stream.indirect.gather [hbm4b:s3+s22], $0x20, s17, s22, $0xb8;
	[tilespmem:$0x13A80] =	vst v63  }
0x141: {  	s18 =	simm.s32 $0x1500  }
0x142: {  	[tilespmem:s28], [sflag:$0x2] =	stream.indirect.gather [hbm4b:s3+s22], $0x20, s18, s22, $0xb8;
	[tilespmem:$0x13A80] =	vst v63  }
0x143: {  	s15 =	simm.s32 $0x1580  }
0x144: {  	[tilespmem:s4], [sflag:$0x2] =	stream.indirect.gather [hbm4b:s3+s22], $0x20, s15, s22, $0xb8;
	[tilespmem:$0x13A80] =	vst v63  }
0x145: {  	s16 =	simm.s32 $0x1600  }
0x146: {  	[tilespmem:s5], [sflag:$0x2] =	stream.indirect.gather [hbm4b:s3+s22], $0x20, s16, s22, $0xb8;
	[tilespmem:$0x13A80] =	vst v63  }
0x147: {  	s17 =	simm.s32 $0x1680  }
0x148: {  	[tilespmem:s6], [sflag:$0x2] =	stream.indirect.gather [hbm4b:s3+s22], $0x20, s17, s22, $0xb8;
	[tilespmem:$0x13A80] =	vst v63  }
0x149: {  	s18 =	simm.s32 $0x1700  }
0x14a: {  	[tilespmem:s7], [sflag:$0x2] =	stream.indirect.gather [hbm4b:s3+s22], $0x20, s18, s22, $0xb8;
	[tilespmem:$0x13A80] =	vst v63  }
0x14b: {  	s15 =	simm.s32 $0x1780  }
0x14c: {  	[tilespmem:s8], [sflag:$0x2] =	stream.indirect.gather [hbm4b:s3+s22], $0x20, s15, s22, $0xb8;
	[tilespmem:$0x13A80] =	vst v63  }
0x14d: {  	_ =	swait.ge [sflag:s9], $0x1000  }
0x14e: {  	[sflag:s9] =	ssyncset.done $0x0  }
0x14f: {  	[sflag:s9] =	ssyncadd.s32 $0xFFFFF000  }
0x150: {  	_ =	swait.ge [sflag:s9], $0x1000  }
0x151: {  	[sflag:s9] =	ssyncset.done $0x0  }
0x152: {  	[sflag:s9] =	ssyncadd.s32 $0xFFFFF000  }
0x153: {  	_ =	swait.ge [sflag:s9], $0x1000  }
0x154: {  	[sflag:s9] =	ssyncset.done $0x0  }
0x155: {  	[sflag:s9] =	ssyncadd.s32 $0xFFFFF000  }
0x156: {  	_ =	swait.ge [sflag:s9], $0x1000  }
0x157: {  	[sflag:s9] =	ssyncset.done $0x0  }
0x158: {  	[sflag:s9] =	ssyncadd.s32 $0xFFFFF000  }
0x159: {  	_ =	swait.ge [sflag:s9], $0x1000  }
0x15a: {  	[sflag:s9] =	ssyncset.done $0x0  }
0x15b: {  	[sflag:s9] =	ssyncadd.s32 $0xFFFFF000  }
0x15c: {  	s16 =	simm.s32 $0x180;
	_ =	swait.ge [sflag:s9], $0x1000  }
0x15d: {  	s14 =	smul.u32 $0x4EC5, s16;
	[sflag:s9] =	ssyncset.done $0x0  }
0x15e: {  	[sflag:s9] =	ssyncadd.s32 $0xFFFFF000  }
0x15f: {  	s14 =	sshrl.u32 s14, $0x15;
	_ =	swait.ge [sflag:s9], $0x1000  }
0x160: {  	s14 =	smul.u32 $0x68, s14;
	[sflag:s9] =	ssyncset.done $0x0  }
0x161: {  	[sflag:s9] =	ssyncadd.s32 $0xFFFFF000  }
0x162: {  	s14 =	ssub.s32 $0x180, s14;
	_ =	swait.ge [sflag:s9], $0x1000  }
0x163: {  	s15 =	simm.s32 $0x181;
	s14 =	sand.u32 $0xFFFF, s14;
	[sflag:s9] =	ssyncset.done $0x0  }
0x164: {  	s18 =	sshll.u32 s14, $0x4;
	s17 =	rddreg [dreg:$0x9];
	[sflag:s9] =	ssyncadd.s32 $0xFFFFF000  }
0x165: {  	[hbm4b:s17+s2] =	stream.linear.scatter [tilespmem:s23], [sflag:$0x3], $0x8000, $0x38;
	[tilespmem:$0x13A80] =	vst v63  }
0x166: {  	s14 =	simm.s32 $0x1800;
	s17 =	smul.u32 $0x4EC5, s15;
	v0 =	vld [tilespmem:s18+$0x3400]  }
0x167: {  	s16 =	simm.s32 $0x182;
	v1 =	vld [tilespmem:s14+$0x0]  }
.LBB2_14:
0x168: {  	p0 =	sne.s32 s16, $0x1BF;
	s17 =	sshrl.u32 s17, $0x15  }
0x169: {  	s17 =	smul.u32 $0x68, s17;
	_ =	sdelay $0x1  }
.Ltmp6:
0x16a: {  	s17 =	ssub.s32 s15, s17;
	s15 =	smov.u32 s16;
	(pc) =	sbr.rel @p0 .LBB2_14-.Ltmp6, $4  }
0x16b: {  	s17 =	sand.u32 $0xFFFF, s17;
	v0 =	vadd.s32 v1, v0  }
0x16c: {  	s18 =	sshll.u32 s17, $0x4;
	[tilespmem:s14+$0x0] =	vst v0  }
0x16d: {  	s17 =	smul.u32 $0x4EC5, s16;
	s14 =	sadd.s32 $0x10, s14;
	v0 =	vld [tilespmem:s18+$0x3400]  }
0x16e: {  	s16 =	sadd.s32 $0x1, s16;
	v1 =	vld [tilespmem:s14+$0x0]  }
0x16f: {  	s16 =	sshrl.u32 s17, $0x15  }
0x170: {  	s16 =	smul.u32 $0x68, s16;
	_ =	sdelay $0x1  }
0x171: {  	s15 =	ssub.s32 s15, s16  }
0x172: {  	s15 =	sand.u32 $0xFFFF, s15;
	v0 =	vadd.s32 v1, v0  }
0x173: {  	s15 =	sshll.u32 s15, $0x4;
	[tilespmem:s14+$0x0] =	vst v0  }
0x174: {  	v0 =	vld [tilespmem:s15+$0x3400];
	s15 =	sadd.s32 $0x10, s14  }
0x175: {  	v1 =	vld [tilespmem:s15+$0x0];
	_ =	sdelay $0x4  }
0x176: {  	v0 =	vadd.s32 v1, v0  }
0x177: {  	[tilespmem:s15+$0x0] =	vst v0  }
0x178: {  	_ =	swait.ge [sflag:s10], $0x8000  }
0x179: {  	[sflag:s10] =	ssyncset.done $0x0  }
0x17a: {  	s16 =	simm.s32 $0x1800;
	[sflag:s10] =	ssyncadd.s32 $0xFFFF8000  }
0x17b: {  	[tilespmem:s23], [sflag:$0x1] =	stream.indirect.gather [hbm4b:s3+s22], $0x20, s16, s22, $0xb8;
	[tilespmem:$0x13A80] =	vst v63  }
0x17c: {  	s17 =	simm.s32 $0x1880  }
0x17d: {  	[tilespmem:s24], [sflag:$0x1] =	stream.indirect.gather [hbm4b:s3+s22], $0x20, s17, s22, $0xb8;
	[tilespmem:$0x13A80] =	vst v63  }
0x17e: {  	s18 =	simm.s32 $0x1900  }
0x17f: {  	[tilespmem:s26], [sflag:$0x1] =	stream.indirect.gather [hbm4b:s3+s22], $0x20, s18, s22, $0xb8;
	[tilespmem:$0x13A80] =	vst v63  }
0x180: {  	s15 =	simm.s32 $0x1980  }
0x181: {  	[tilespmem:s29], [sflag:$0x1] =	stream.indirect.gather [hbm4b:s3+s22], $0x20, s15, s22, $0xb8;
	[tilespmem:$0x13A80] =	vst v63  }
0x182: {  	s16 =	simm.s32 $0x1A00  }
0x183: {  	[tilespmem:s31], [sflag:$0x1] =	stream.indirect.gather [hbm4b:s3+s22], $0x20, s16, s22, $0xb8;
	[tilespmem:$0x13A80] =	vst v63  }
0x184: {  	s17 =	simm.s32 $0x1A80  }
0x185: {  	[tilespmem:s0], [sflag:$0x1] =	stream.indirect.gather [hbm4b:s3+s22], $0x20, s17, s22, $0xb8;
	[tilespmem:$0x13A80] =	vst v63  }
0x186: {  	s18 =	simm.s32 $0x1B00  }
0x187: {  	[tilespmem:s25], [sflag:$0x1] =	stream.indirect.gather [hbm4b:s3+s22], $0x20, s18, s22, $0xb8;
	[tilespmem:$0x13A80] =	vst v63  }
0x188: {  	s15 =	simm.s32 $0x1B80  }
0x189: {  	[tilespmem:s30], [sflag:$0x1] =	stream.indirect.gather [hbm4b:s3+s22], $0x20, s15, s22, $0xb8;
	[tilespmem:$0x13A80] =	vst v63  }
0x18a: {  	_ =	swait.ge [sflag:s11], $0x1000  }
0x18b: {  	[sflag:s11] =	ssyncset.done $0x0  }
0x18c: {  	[sflag:s11] =	ssyncadd.s32 $0xFFFFF000  }
0x18d: {  	_ =	swait.ge [sflag:s11], $0x1000  }
0x18e: {  	[sflag:s11] =	ssyncset.done $0x0  }
0x18f: {  	[sflag:s11] =	ssyncadd.s32 $0xFFFFF000  }
0x190: {  	_ =	swait.ge [sflag:s11], $0x1000  }
0x191: {  	[sflag:s11] =	ssyncset.done $0x0  }
0x192: {  	[sflag:s11] =	ssyncadd.s32 $0xFFFFF000  }
0x193: {  	_ =	swait.ge [sflag:s11], $0x1000  }
0x194: {  	[sflag:s11] =	ssyncset.done $0x0  }
0x195: {  	[sflag:s11] =	ssyncadd.s32 $0xFFFFF000  }
0x196: {  	_ =	swait.ge [sflag:s11], $0x1000  }
0x197: {  	[sflag:s11] =	ssyncset.done $0x0  }
0x198: {  	[sflag:s11] =	ssyncadd.s32 $0xFFFFF000  }
0x199: {  	s16 =	simm.s32 $0x1C0;
	_ =	swait.ge [sflag:s11], $0x1000  }
0x19a: {  	s14 =	smul.u32 $0x4EC5, s16;
	[sflag:s11] =	ssyncset.done $0x0  }
0x19b: {  	[sflag:s11] =	ssyncadd.s32 $0xFFFFF000  }
0x19c: {  	s14 =	sshrl.u32 s14, $0x15;
	_ =	swait.ge [sflag:s11], $0x1000  }
0x19d: {  	s14 =	smul.u32 $0x68, s14;
	[sflag:s11] =	ssyncset.done $0x0  }
0x19e: {  	[sflag:s11] =	ssyncadd.s32 $0xFFFFF000  }
0x19f: {  	s14 =	ssub.s32 $0x1C0, s14;
	_ =	swait.ge [sflag:s11], $0x1000  }
0x1a0: {  	s15 =	simm.s32 $0x1C1;
	s14 =	sand.u32 $0xFFFF, s14;
	[sflag:s11] =	ssyncset.done $0x0  }
0x1a1: {  	s18 =	sshll.u32 s14, $0x4;
	s17 =	rddreg [dreg:$0xa];
	[sflag:s11] =	ssyncadd.s32 $0xFFFFF000  }
0x1a2: {  	[hbm4b:s17+s2] =	stream.linear.scatter [tilespmem:s21], [sflag:$0x4], $0x8000, $0x38;
	[tilespmem:$0x13A80] =	vst v63  }
0x1a3: {  	s14 =	simm.s32 $0x1C00;
	s17 =	smul.u32 $0x4EC5, s15;
	v0 =	vld [tilespmem:s18+$0x3400]  }
0x1a4: {  	s16 =	simm.s32 $0x1C2;
	v1 =	vld [tilespmem:s14+$0x0]  }
.LBB2_16:
0x1a5: {  	p0 =	sne.s32 s16, $0x1FF;
	s17 =	sshrl.u32 s17, $0x15  }
0x1a6: {  	s17 =	smul.u32 $0x68, s17;
	_ =	sdelay $0x1  }
.Ltmp7:
0x1a7: {  	s17 =	ssub.s32 s15, s17;
	s15 =	smov.u32 s16;
	(pc) =	sbr.rel @p0 .LBB2_16-.Ltmp7, $4  }
0x1a8: {  	s17 =	sand.u32 $0xFFFF, s17;
	v0 =	vadd.s32 v1, v0  }
0x1a9: {  	s18 =	sshll.u32 s17, $0x4;
	[tilespmem:s14+$0x0] =	vst v0  }
0x1aa: {  	s17 =	smul.u32 $0x4EC5, s16;
	s14 =	sadd.s32 $0x10, s14;
	v0 =	vld [tilespmem:s18+$0x3400]  }
0x1ab: {  	s16 =	sadd.s32 $0x1, s16;
	v1 =	vld [tilespmem:s14+$0x0]  }
0x1ac: {  	s16 =	sshrl.u32 s17, $0x15  }
0x1ad: {  	s16 =	smul.u32 $0x68, s16;
	_ =	sdelay $0x1  }
0x1ae: {  	s15 =	ssub.s32 s15, s16  }
0x1af: {  	s15 =	sand.u32 $0xFFFF, s15;
	v0 =	vadd.s32 v1, v0  }
0x1b0: {  	s15 =	sshll.u32 s15, $0x4;
	[tilespmem:s14+$0x0] =	vst v0  }
0x1b1: {  	v0 =	vld [tilespmem:s15+$0x3400];
	s15 =	sadd.s32 $0x10, s14  }
0x1b2: {  	v1 =	vld [tilespmem:s15+$0x0];
	_ =	sdelay $0x4  }
0x1b3: {  	v0 =	vadd.s32 v1, v0  }
0x1b4: {  	[tilespmem:s15+$0x0] =	vst v0  }
0x1b5: {  	_ =	swait.ge [sflag:s12], $0x8000  }
0x1b6: {  	[sflag:s12] =	ssyncset.done $0x0  }
0x1b7: {  	s16 =	simm.s32 $0x1C00;
	[sflag:s12] =	ssyncadd.s32 $0xFFFF8000  }
0x1b8: {  	[tilespmem:s21], [sflag:$0x2] =	stream.indirect.gather [hbm4b:s3+s22], $0x20, s16, s22, $0xb8;
	[tilespmem:$0x13A80] =	vst v63  }
0x1b9: {  	s17 =	simm.s32 $0x1C80  }
0x1ba: {  	[tilespmem:s1], [sflag:$0x2] =	stream.indirect.gather [hbm4b:s3+s22], $0x20, s17, s22, $0xb8;
	[tilespmem:$0x13A80] =	vst v63  }
0x1bb: {  	s18 =	simm.s32 $0x1D00  }
0x1bc: {  	[tilespmem:s28], [sflag:$0x2] =	stream.indirect.gather [hbm4b:s3+s22], $0x20, s18, s22, $0xb8;
	[tilespmem:$0x13A80] =	vst v63  }
0x1bd: {  	s15 =	simm.s32 $0x1D80  }
0x1be: {  	[tilespmem:s4], [sflag:$0x2] =	stream.indirect.gather [hbm4b:s3+s22], $0x20, s15, s22, $0xb8;
	[tilespmem:$0x13A80] =	vst v63  }
0x1bf: {  	s16 =	simm.s32 $0x1E00  }
0x1c0: {  	[tilespmem:s5], [sflag:$0x2] =	stream.indirect.gather [hbm4b:s3+s22], $0x20, s16, s22, $0xb8;
	[tilespmem:$0x13A80] =	vst v63  }
0x1c1: {  	s17 =	simm.s32 $0x1E80  }
0x1c2: {  	[tilespmem:s6], [sflag:$0x2] =	stream.indirect.gather [hbm4b:s3+s22], $0x20, s17, s22, $0xb8;
	[tilespmem:$0x13A80] =	vst v63  }
0x1c3: {  	s18 =	simm.s32 $0x1F00  }
0x1c4: {  	[tilespmem:s7], [sflag:$0x2] =	stream.indirect.gather [hbm4b:s3+s22], $0x20, s18, s22, $0xb8;
	[tilespmem:$0x13A80] =	vst v63  }
0x1c5: {  	s15 =	simm.s32 $0x1F80  }
0x1c6: {  	[tilespmem:s8], [sflag:$0x2] =	stream.indirect.gather [hbm4b:s3+s22], $0x20, s15, s22, $0xb8;
	[tilespmem:$0x13A80] =	vst v63  }
0x1c7: {  	_ =	swait.ge [sflag:s9], $0x1000  }
0x1c8: {  	[sflag:s9] =	ssyncset.done $0x0  }
0x1c9: {  	[sflag:s9] =	ssyncadd.s32 $0xFFFFF000  }
0x1ca: {  	_ =	swait.ge [sflag:s9], $0x1000  }
0x1cb: {  	[sflag:s9] =	ssyncset.done $0x0  }
0x1cc: {  	[sflag:s9] =	ssyncadd.s32 $0xFFFFF000  }
0x1cd: {  	_ =	swait.ge [sflag:s9], $0x1000  }
0x1ce: {  	[sflag:s9] =	ssyncset.done $0x0  }
0x1cf: {  	[sflag:s9] =	ssyncadd.s32 $0xFFFFF000  }
0x1d0: {  	_ =	swait.ge [sflag:s9], $0x1000  }
0x1d1: {  	[sflag:s9] =	ssyncset.done $0x0  }
0x1d2: {  	[sflag:s9] =	ssyncadd.s32 $0xFFFFF000  }
0x1d3: {  	_ =	swait.ge [sflag:s9], $0x1000  }
0x1d4: {  	[sflag:s9] =	ssyncset.done $0x0  }
0x1d5: {  	[sflag:s9] =	ssyncadd.s32 $0xFFFFF000  }
0x1d6: {  	s16 =	simm.s32 $0x200;
	_ =	swait.ge [sflag:s9], $0x1000  }
0x1d7: {  	s14 =	smul.u32 $0x4EC5, s16;
	[sflag:s9] =	ssyncset.done $0x0  }
0x1d8: {  	[sflag:s9] =	ssyncadd.s32 $0xFFFFF000  }
0x1d9: {  	s14 =	sshrl.u32 s14, $0x15;
	_ =	swait.ge [sflag:s9], $0x1000  }
0x1da: {  	s14 =	smul.u32 $0x68, s14;
	[sflag:s9] =	ssyncset.done $0x0  }
0x1db: {  	[sflag:s9] =	ssyncadd.s32 $0xFFFFF000  }
0x1dc: {  	s14 =	ssub.s32 $0x200, s14;
	_ =	swait.ge [sflag:s9], $0x1000  }
0x1dd: {  	s15 =	simm.s32 $0x201;
	s14 =	sand.u32 $0xFFFF, s14;
	[sflag:s9] =	ssyncset.done $0x0  }
0x1de: {  	s18 =	sshll.u32 s14, $0x4;
	s17 =	rddreg [dreg:$0xb];
	[sflag:s9] =	ssyncadd.s32 $0xFFFFF000  }
0x1df: {  	[hbm4b:s17+s2] =	stream.linear.scatter [tilespmem:s23], [sflag:$0x3], $0x8000, $0x38;
	[tilespmem:$0x13A80] =	vst v63  }
0x1e0: {  	s14 =	simm.s32 $0x2000;
	s17 =	smul.u32 $0x4EC5, s15;
	v0 =	vld [tilespmem:s18+$0x3400]  }
0x1e1: {  	s16 =	simm.s32 $0x202;
	v1 =	vld [tilespmem:s14+$0x0]  }
.LBB2_18:
0x1e2: {  	p0 =	sne.s32 s16, $0x23F;
	s17 =	sshrl.u32 s17, $0x15  }
0x1e3: {  	s17 =	smul.u32 $0x68, s17;
	_ =	sdelay $0x1  }
.Ltmp8:
0x1e4: {  	s17 =	ssub.s32 s15, s17;
	s15 =	smov.u32 s16;
	(pc) =	sbr.rel @p0 .LBB2_18-.Ltmp8, $4  }
0x1e5: {  	s17 =	sand.u32 $0xFFFF, s17;
	v0 =	vadd.s32 v1, v0  }
0x1e6: {  	s18 =	sshll.u32 s17, $0x4;
	[tilespmem:s14+$0x0] =	vst v0  }
0x1e7: {  	s17 =	smul.u32 $0x4EC5, s16;
	s14 =	sadd.s32 $0x10, s14;
	v0 =	vld [tilespmem:s18+$0x3400]  }
0x1e8: {  	s16 =	sadd.s32 $0x1, s16;
	v1 =	vld [tilespmem:s14+$0x0]  }
0x1e9: {  	s16 =	sshrl.u32 s17, $0x15  }
0x1ea: {  	s16 =	smul.u32 $0x68, s16;
	_ =	sdelay $0x1  }
0x1eb: {  	s15 =	ssub.s32 s15, s16  }
0x1ec: {  	s15 =	sand.u32 $0xFFFF, s15;
	v0 =	vadd.s32 v1, v0  }
0x1ed: {  	s15 =	sshll.u32 s15, $0x4;
	[tilespmem:s14+$0x0] =	vst v0  }
0x1ee: {  	v0 =	vld [tilespmem:s15+$0x3400];
	s15 =	sadd.s32 $0x10, s14  }
0x1ef: {  	v1 =	vld [tilespmem:s15+$0x0];
	_ =	sdelay $0x4  }
0x1f0: {  	v0 =	vadd.s32 v1, v0  }
0x1f1: {  	[tilespmem:s15+$0x0] =	vst v0  }
0x1f2: {  	_ =	swait.ge [sflag:s10], $0x8000  }
0x1f3: {  	[sflag:s10] =	ssyncset.done $0x0  }
0x1f4: {  	s16 =	simm.s32 $0x2000;
	[sflag:s10] =	ssyncadd.s32 $0xFFFF8000  }
0x1f5: {  	[tilespmem:s23], [sflag:$0x1] =	stream.indirect.gather [hbm4b:s3+s22], $0x20, s16, s22, $0xb8;
	[tilespmem:$0x13A80] =	vst v63  }
0x1f6: {  	s17 =	simm.s32 $0x2080  }
0x1f7: {  	[tilespmem:s24], [sflag:$0x1] =	stream.indirect.gather [hbm4b:s3+s22], $0x20, s17, s22, $0xb8;
	[tilespmem:$0x13A80] =	vst v63  }
0x1f8: {  	s18 =	simm.s32 $0x2100  }
0x1f9: {  	[tilespmem:s26], [sflag:$0x1] =	stream.indirect.gather [hbm4b:s3+s22], $0x20, s18, s22, $0xb8;
	[tilespmem:$0x13A80] =	vst v63  }
0x1fa: {  	s15 =	simm.s32 $0x2180  }
0x1fb: {  	[tilespmem:s29], [sflag:$0x1] =	stream.indirect.gather [hbm4b:s3+s22], $0x20, s15, s22, $0xb8;
	[tilespmem:$0x13A80] =	vst v63  }
0x1fc: {  	s16 =	simm.s32 $0x2200  }
0x1fd: {  	[tilespmem:s31], [sflag:$0x1] =	stream.indirect.gather [hbm4b:s3+s22], $0x20, s16, s22, $0xb8;
	[tilespmem:$0x13A80] =	vst v63  }
0x1fe: {  	s17 =	simm.s32 $0x2280  }
0x1ff: {  	[tilespmem:s0], [sflag:$0x1] =	stream.indirect.gather [hbm4b:s3+s22], $0x20, s17, s22, $0xb8;
	[tilespmem:$0x13A80] =	vst v63  }
0x200: {  	s18 =	simm.s32 $0x2300  }
0x201: {  	[tilespmem:s25], [sflag:$0x1] =	stream.indirect.gather [hbm4b:s3+s22], $0x20, s18, s22, $0xb8;
	[tilespmem:$0x13A80] =	vst v63  }
0x202: {  	s15 =	simm.s32 $0x2380  }
0x203: {  	[tilespmem:s30], [sflag:$0x1] =	stream.indirect.gather [hbm4b:s3+s22], $0x20, s15, s22, $0xb8;
	[tilespmem:$0x13A80] =	vst v63  }
0x204: {  	_ =	swait.ge [sflag:s11], $0x1000  }
0x205: {  	[sflag:s11] =	ssyncset.done $0x0  }
0x206: {  	[sflag:s11] =	ssyncadd.s32 $0xFFFFF000  }
0x207: {  	_ =	swait.ge [sflag:s11], $0x1000  }
0x208: {  	[sflag:s11] =	ssyncset.done $0x0  }
0x209: {  	[sflag:s11] =	ssyncadd.s32 $0xFFFFF000  }
0x20a: {  	_ =	swait.ge [sflag:s11], $0x1000  }
0x20b: {  	[sflag:s11] =	ssyncset.done $0x0  }
0x20c: {  	[sflag:s11] =	ssyncadd.s32 $0xFFFFF000  }
0x20d: {  	_ =	swait.ge [sflag:s11], $0x1000  }
0x20e: {  	[sflag:s11] =	ssyncset.done $0x0  }
0x20f: {  	[sflag:s11] =	ssyncadd.s32 $0xFFFFF000  }
0x210: {  	_ =	swait.ge [sflag:s11], $0x1000  }
0x211: {  	[sflag:s11] =	ssyncset.done $0x0  }
0x212: {  	[sflag:s11] =	ssyncadd.s32 $0xFFFFF000  }
0x213: {  	s16 =	simm.s32 $0x240;
	_ =	swait.ge [sflag:s11], $0x1000  }
0x214: {  	s14 =	smul.u32 $0x4EC5, s16;
	[sflag:s11] =	ssyncset.done $0x0  }
0x215: {  	[sflag:s11] =	ssyncadd.s32 $0xFFFFF000  }
0x216: {  	s14 =	sshrl.u32 s14, $0x15;
	_ =	swait.ge [sflag:s11], $0x1000  }
0x217: {  	s14 =	smul.u32 $0x68, s14;
	[sflag:s11] =	ssyncset.done $0x0  }
0x218: {  	[sflag:s11] =	ssyncadd.s32 $0xFFFFF000  }
0x219: {  	s14 =	ssub.s32 $0x240, s14;
	_ =	swait.ge [sflag:s11], $0x1000  }
0x21a: {  	s15 =	simm.s32 $0x241;
	s14 =	sand.u32 $0xFFFF, s14;
	[sflag:s11] =	ssyncset.done $0x0  }
0x21b: {  	s18 =	sshll.u32 s14, $0x4;
	s17 =	rddreg [dreg:$0xc];
	[sflag:s11] =	ssyncadd.s32 $0xFFFFF000  }
0x21c: {  	[hbm4b:s17+s2] =	stream.linear.scatter [tilespmem:s21], [sflag:$0x4], $0x8000, $0x38;
	[tilespmem:$0x13A80] =	vst v63  }
0x21d: {  	s14 =	simm.s32 $0x2400;
	s17 =	smul.u32 $0x4EC5, s15;
	v0 =	vld [tilespmem:s18+$0x3400]  }
0x21e: {  	s16 =	simm.s32 $0x242;
	v1 =	vld [tilespmem:s14+$0x0]  }
.LBB2_20:
0x21f: {  	p0 =	sne.s32 s16, $0x27F;
	s17 =	sshrl.u32 s17, $0x15  }
0x220: {  	s17 =	smul.u32 $0x68, s17;
	_ =	sdelay $0x1  }
.Ltmp9:
0x221: {  	s17 =	ssub.s32 s15, s17;
	s15 =	smov.u32 s16;
	(pc) =	sbr.rel @p0 .LBB2_20-.Ltmp9, $4  }
0x222: {  	s17 =	sand.u32 $0xFFFF, s17;
	v0 =	vadd.s32 v1, v0  }
0x223: {  	s18 =	sshll.u32 s17, $0x4;
	[tilespmem:s14+$0x0] =	vst v0  }
0x224: {  	s17 =	smul.u32 $0x4EC5, s16;
	s14 =	sadd.s32 $0x10, s14;
	v0 =	vld [tilespmem:s18+$0x3400]  }
0x225: {  	s16 =	sadd.s32 $0x1, s16;
	v1 =	vld [tilespmem:s14+$0x0]  }
0x226: {  	s16 =	sshrl.u32 s17, $0x15  }
0x227: {  	s16 =	smul.u32 $0x68, s16;
	_ =	sdelay $0x1  }
0x228: {  	s15 =	ssub.s32 s15, s16  }
0x229: {  	s15 =	sand.u32 $0xFFFF, s15;
	v0 =	vadd.s32 v1, v0  }
0x22a: {  	s15 =	sshll.u32 s15, $0x4;
	[tilespmem:s14+$0x0] =	vst v0  }
0x22b: {  	v0 =	vld [tilespmem:s15+$0x3400];
	s15 =	sadd.s32 $0x10, s14  }
0x22c: {  	v1 =	vld [tilespmem:s15+$0x0];
	_ =	sdelay $0x4  }
0x22d: {  	v0 =	vadd.s32 v1, v0  }
0x22e: {  	[tilespmem:s15+$0x0] =	vst v0  }
0x22f: {  	_ =	swait.ge [sflag:s12], $0x8000  }
0x230: {  	[sflag:s12] =	ssyncset.done $0x0  }
0x231: {  	s16 =	simm.s32 $0x2400;
	[sflag:s12] =	ssyncadd.s32 $0xFFFF8000  }
0x232: {  	[tilespmem:s21], [sflag:$0x2] =	stream.indirect.gather [hbm4b:s3+s22], $0x20, s16, s22, $0xb8;
	[tilespmem:$0x13A80] =	vst v63  }
0x233: {  	s17 =	simm.s32 $0x2480  }
0x234: {  	[tilespmem:s1], [sflag:$0x2] =	stream.indirect.gather [hbm4b:s3+s22], $0x20, s17, s22, $0xb8;
	[tilespmem:$0x13A80] =	vst v63  }
0x235: {  	s18 =	simm.s32 $0x2500  }
0x236: {  	[tilespmem:s28], [sflag:$0x2] =	stream.indirect.gather [hbm4b:s3+s22], $0x20, s18, s22, $0xb8;
	[tilespmem:$0x13A80] =	vst v63  }
0x237: {  	s15 =	simm.s32 $0x2580  }
0x238: {  	[tilespmem:s4], [sflag:$0x2] =	stream.indirect.gather [hbm4b:s3+s22], $0x20, s15, s22, $0xb8;
	[tilespmem:$0x13A80] =	vst v63  }
0x239: {  	s16 =	simm.s32 $0x2600  }
0x23a: {  	[tilespmem:s5], [sflag:$0x2] =	stream.indirect.gather [hbm4b:s3+s22], $0x20, s16, s22, $0xb8;
	[tilespmem:$0x13A80] =	vst v63  }
0x23b: {  	s17 =	simm.s32 $0x2680  }
0x23c: {  	[tilespmem:s6], [sflag:$0x2] =	stream.indirect.gather [hbm4b:s3+s22], $0x20, s17, s22, $0xb8;
	[tilespmem:$0x13A80] =	vst v63  }
0x23d: {  	s18 =	simm.s32 $0x2700  }
0x23e: {  	[tilespmem:s7], [sflag:$0x2] =	stream.indirect.gather [hbm4b:s3+s22], $0x20, s18, s22, $0xb8;
	[tilespmem:$0x13A80] =	vst v63  }
0x23f: {  	s15 =	simm.s32 $0x2780  }
0x240: {  	[tilespmem:s8], [sflag:$0x2] =	stream.indirect.gather [hbm4b:s3+s22], $0x20, s15, s22, $0xb8;
	[tilespmem:$0x13A80] =	vst v63  }
0x241: {  	_ =	swait.ge [sflag:s9], $0x1000  }
0x242: {  	[sflag:s9] =	ssyncset.done $0x0  }
0x243: {  	[sflag:s9] =	ssyncadd.s32 $0xFFFFF000  }
0x244: {  	_ =	swait.ge [sflag:s9], $0x1000  }
0x245: {  	[sflag:s9] =	ssyncset.done $0x0  }
0x246: {  	[sflag:s9] =	ssyncadd.s32 $0xFFFFF000  }
0x247: {  	_ =	swait.ge [sflag:s9], $0x1000  }
0x248: {  	[sflag:s9] =	ssyncset.done $0x0  }
0x249: {  	[sflag:s9] =	ssyncadd.s32 $0xFFFFF000  }
0x24a: {  	_ =	swait.ge [sflag:s9], $0x1000  }
0x24b: {  	[sflag:s9] =	ssyncset.done $0x0  }
0x24c: {  	[sflag:s9] =	ssyncadd.s32 $0xFFFFF000  }
0x24d: {  	_ =	swait.ge [sflag:s9], $0x1000  }
0x24e: {  	[sflag:s9] =	ssyncset.done $0x0  }
0x24f: {  	[sflag:s9] =	ssyncadd.s32 $0xFFFFF000  }
0x250: {  	s16 =	simm.s32 $0x280;
	_ =	swait.ge [sflag:s9], $0x1000  }
0x251: {  	s14 =	smul.u32 $0x4EC5, s16;
	[sflag:s9] =	ssyncset.done $0x0  }
0x252: {  	[sflag:s9] =	ssyncadd.s32 $0xFFFFF000  }
0x253: {  	s14 =	sshrl.u32 s14, $0x15;
	_ =	swait.ge [sflag:s9], $0x1000  }
0x254: {  	s14 =	smul.u32 $0x68, s14;
	[sflag:s9] =	ssyncset.done $0x0  }
0x255: {  	[sflag:s9] =	ssyncadd.s32 $0xFFFFF000  }
0x256: {  	s14 =	ssub.s32 $0x280, s14;
	_ =	swait.ge [sflag:s9], $0x1000  }
0x257: {  	s15 =	simm.s32 $0x281;
	s14 =	sand.u32 $0xFFFF, s14;
	[sflag:s9] =	ssyncset.done $0x0  }
0x258: {  	s18 =	sshll.u32 s14, $0x4;
	s17 =	rddreg [dreg:$0xd];
	[sflag:s9] =	ssyncadd.s32 $0xFFFFF000  }
0x259: {  	[hbm4b:s17+s2] =	stream.linear.scatter [tilespmem:s23], [sflag:$0x3], $0x8000, $0x38;
	[tilespmem:$0x13A80] =	vst v63  }
0x25a: {  	s14 =	simm.s32 $0x2800;
	s17 =	smul.u32 $0x4EC5, s15;
	v0 =	vld [tilespmem:s18+$0x3400]  }
0x25b: {  	s16 =	simm.s32 $0x282;
	v1 =	vld [tilespmem:s14+$0x0]  }
.LBB2_22:
0x25c: {  	p0 =	sne.s32 s16, $0x2BF;
	s17 =	sshrl.u32 s17, $0x15  }
0x25d: {  	s17 =	smul.u32 $0x68, s17;
	_ =	sdelay $0x1  }
.Ltmp10:
0x25e: {  	s17 =	ssub.s32 s15, s17;
	s15 =	smov.u32 s16;
	(pc) =	sbr.rel @p0 .LBB2_22-.Ltmp10, $4  }
0x25f: {  	s17 =	sand.u32 $0xFFFF, s17;
	v0 =	vadd.s32 v1, v0  }
0x260: {  	s18 =	sshll.u32 s17, $0x4;
	[tilespmem:s14+$0x0] =	vst v0  }
0x261: {  	s17 =	smul.u32 $0x4EC5, s16;
	s14 =	sadd.s32 $0x10, s14;
	v0 =	vld [tilespmem:s18+$0x3400]  }
0x262: {  	s16 =	sadd.s32 $0x1, s16;
	v1 =	vld [tilespmem:s14+$0x0]  }
0x263: {  	s16 =	sshrl.u32 s17, $0x15  }
0x264: {  	s16 =	smul.u32 $0x68, s16;
	_ =	sdelay $0x1  }
0x265: {  	s15 =	ssub.s32 s15, s16  }
0x266: {  	s15 =	sand.u32 $0xFFFF, s15;
	v0 =	vadd.s32 v1, v0  }
0x267: {  	s15 =	sshll.u32 s15, $0x4;
	[tilespmem:s14+$0x0] =	vst v0  }
0x268: {  	v0 =	vld [tilespmem:s15+$0x3400];
	s15 =	sadd.s32 $0x10, s14  }
0x269: {  	v1 =	vld [tilespmem:s15+$0x0];
	_ =	sdelay $0x4  }
0x26a: {  	v0 =	vadd.s32 v1, v0  }
0x26b: {  	[tilespmem:s15+$0x0] =	vst v0  }
0x26c: {  	_ =	swait.ge [sflag:s10], $0x8000  }
0x26d: {  	[sflag:s10] =	ssyncset.done $0x0  }
0x26e: {  	s16 =	simm.s32 $0x2800;
	[sflag:s10] =	ssyncadd.s32 $0xFFFF8000  }
0x26f: {  	[tilespmem:s23], [sflag:$0x1] =	stream.indirect.gather [hbm4b:s3+s22], $0x20, s16, s22, $0xb8;
	[tilespmem:$0x13A80] =	vst v63  }
0x270: {  	s17 =	simm.s32 $0x2880  }
0x271: {  	[tilespmem:s24], [sflag:$0x1] =	stream.indirect.gather [hbm4b:s3+s22], $0x20, s17, s22, $0xb8;
	[tilespmem:$0x13A80] =	vst v63  }
0x272: {  	s18 =	simm.s32 $0x2900  }
0x273: {  	[tilespmem:s26], [sflag:$0x1] =	stream.indirect.gather [hbm4b:s3+s22], $0x20, s18, s22, $0xb8;
	[tilespmem:$0x13A80] =	vst v63  }
0x274: {  	s15 =	simm.s32 $0x2980  }
0x275: {  	[tilespmem:s29], [sflag:$0x1] =	stream.indirect.gather [hbm4b:s3+s22], $0x20, s15, s22, $0xb8;
	[tilespmem:$0x13A80] =	vst v63  }
0x276: {  	s16 =	simm.s32 $0x2A00  }
0x277: {  	[tilespmem:s31], [sflag:$0x1] =	stream.indirect.gather [hbm4b:s3+s22], $0x20, s16, s22, $0xb8;
	[tilespmem:$0x13A80] =	vst v63  }
0x278: {  	s17 =	simm.s32 $0x2A80  }
0x279: {  	[tilespmem:s0], [sflag:$0x1] =	stream.indirect.gather [hbm4b:s3+s22], $0x20, s17, s22, $0xb8;
	[tilespmem:$0x13A80] =	vst v63  }
0x27a: {  	s18 =	simm.s32 $0x2B00  }
0x27b: {  	[tilespmem:s25], [sflag:$0x1] =	stream.indirect.gather [hbm4b:s3+s22], $0x20, s18, s22, $0xb8;
	[tilespmem:$0x13A80] =	vst v63  }
0x27c: {  	s15 =	simm.s32 $0x2B80  }
0x27d: {  	[tilespmem:s30], [sflag:$0x1] =	stream.indirect.gather [hbm4b:s3+s22], $0x20, s15, s22, $0xb8;
	[tilespmem:$0x13A80] =	vst v63  }
0x27e: {  	_ =	swait.ge [sflag:s11], $0x1000  }
0x27f: {  	[sflag:s11] =	ssyncset.done $0x0  }
0x280: {  	[sflag:s11] =	ssyncadd.s32 $0xFFFFF000  }
0x281: {  	_ =	swait.ge [sflag:s11], $0x1000  }
0x282: {  	[sflag:s11] =	ssyncset.done $0x0  }
0x283: {  	[sflag:s11] =	ssyncadd.s32 $0xFFFFF000  }
0x284: {  	_ =	swait.ge [sflag:s11], $0x1000  }
0x285: {  	[sflag:s11] =	ssyncset.done $0x0  }
0x286: {  	[sflag:s11] =	ssyncadd.s32 $0xFFFFF000  }
0x287: {  	_ =	swait.ge [sflag:s11], $0x1000  }
0x288: {  	[sflag:s11] =	ssyncset.done $0x0  }
0x289: {  	[sflag:s11] =	ssyncadd.s32 $0xFFFFF000  }
0x28a: {  	_ =	swait.ge [sflag:s11], $0x1000  }
0x28b: {  	[sflag:s11] =	ssyncset.done $0x0  }
0x28c: {  	[sflag:s11] =	ssyncadd.s32 $0xFFFFF000  }
0x28d: {  	s16 =	simm.s32 $0x2C0;
	_ =	swait.ge [sflag:s11], $0x1000  }
0x28e: {  	s14 =	smul.u32 $0x4EC5, s16;
	[sflag:s11] =	ssyncset.done $0x0  }
0x28f: {  	[sflag:s11] =	ssyncadd.s32 $0xFFFFF000  }
0x290: {  	s14 =	sshrl.u32 s14, $0x15;
	_ =	swait.ge [sflag:s11], $0x1000  }
0x291: {  	s14 =	smul.u32 $0x68, s14;
	[sflag:s11] =	ssyncset.done $0x0  }
0x292: {  	[sflag:s11] =	ssyncadd.s32 $0xFFFFF000  }
0x293: {  	s14 =	ssub.s32 $0x2C0, s14;
	_ =	swait.ge [sflag:s11], $0x1000  }
0x294: {  	s15 =	simm.s32 $0x2C1;
	s14 =	sand.u32 $0xFFFF, s14;
	[sflag:s11] =	ssyncset.done $0x0  }
0x295: {  	s18 =	sshll.u32 s14, $0x4;
	s17 =	rddreg [dreg:$0xe];
	[sflag:s11] =	ssyncadd.s32 $0xFFFFF000  }
0x296: {  	[hbm4b:s17+s2] =	stream.linear.scatter [tilespmem:s21], [sflag:$0x4], $0x8000, $0x38;
	[tilespmem:$0x13A80] =	vst v63  }
0x297: {  	s14 =	simm.s32 $0x2C00;
	s17 =	smul.u32 $0x4EC5, s15;
	v0 =	vld [tilespmem:s18+$0x3400]  }
0x298: {  	s16 =	simm.s32 $0x2C2;
	v1 =	vld [tilespmem:s14+$0x0]  }
.LBB2_24:
0x299: {  	p0 =	sne.s32 s16, $0x2FF;
	s17 =	sshrl.u32 s17, $0x15  }
0x29a: {  	s17 =	smul.u32 $0x68, s17;
	_ =	sdelay $0x1  }
.Ltmp11:
0x29b: {  	s17 =	ssub.s32 s15, s17;
	s15 =	smov.u32 s16;
	(pc) =	sbr.rel @p0 .LBB2_24-.Ltmp11, $4  }
0x29c: {  	s17 =	sand.u32 $0xFFFF, s17;
	v0 =	vadd.s32 v1, v0  }
0x29d: {  	s18 =	sshll.u32 s17, $0x4;
	[tilespmem:s14+$0x0] =	vst v0  }
0x29e: {  	s17 =	smul.u32 $0x4EC5, s16;
	s14 =	sadd.s32 $0x10, s14;
	v0 =	vld [tilespmem:s18+$0x3400]  }
0x29f: {  	s16 =	sadd.s32 $0x1, s16;
	v1 =	vld [tilespmem:s14+$0x0]  }
0x2a0: {  	s16 =	sshrl.u32 s17, $0x15  }
0x2a1: {  	s16 =	smul.u32 $0x68, s16;
	_ =	sdelay $0x1  }
0x2a2: {  	s15 =	ssub.s32 s15, s16  }
0x2a3: {  	s15 =	sand.u32 $0xFFFF, s15;
	v0 =	vadd.s32 v1, v0  }
0x2a4: {  	s15 =	sshll.u32 s15, $0x4;
	[tilespmem:s14+$0x0] =	vst v0  }
0x2a5: {  	v0 =	vld [tilespmem:s15+$0x3400];
	s15 =	sadd.s32 $0x10, s14  }
0x2a6: {  	v1 =	vld [tilespmem:s15+$0x0];
	_ =	sdelay $0x4  }
0x2a7: {  	v0 =	vadd.s32 v1, v0  }
0x2a8: {  	[tilespmem:s15+$0x0] =	vst v0  }
0x2a9: {  	_ =	swait.ge [sflag:s12], $0x8000  }
0x2aa: {  	[sflag:s12] =	ssyncset.done $0x0  }
0x2ab: {  	s16 =	simm.s32 $0x2C00;
	[sflag:s12] =	ssyncadd.s32 $0xFFFF8000  }
0x2ac: {  	[tilespmem:s21], [sflag:$0x2] =	stream.indirect.gather [hbm4b:s3+s22], $0x20, s16, s22, $0xb8;
	[tilespmem:$0x13A80] =	vst v63  }
0x2ad: {  	s17 =	simm.s32 $0x2C80  }
0x2ae: {  	[tilespmem:s1], [sflag:$0x2] =	stream.indirect.gather [hbm4b:s3+s22], $0x20, s17, s22, $0xb8;
	[tilespmem:$0x13A80] =	vst v63  }
0x2af: {  	s18 =	simm.s32 $0x2D00  }
0x2b0: {  	[tilespmem:s28], [sflag:$0x2] =	stream.indirect.gather [hbm4b:s3+s22], $0x20, s18, s22, $0xb8;
	[tilespmem:$0x13A80] =	vst v63  }
0x2b1: {  	s15 =	simm.s32 $0x2D80  }
0x2b2: {  	[tilespmem:s4], [sflag:$0x2] =	stream.indirect.gather [hbm4b:s3+s22], $0x20, s15, s22, $0xb8;
	[tilespmem:$0x13A80] =	vst v63  }
0x2b3: {  	s16 =	simm.s32 $0x2E00  }
0x2b4: {  	[tilespmem:s5], [sflag:$0x2] =	stream.indirect.gather [hbm4b:s3+s22], $0x20, s16, s22, $0xb8;
	[tilespmem:$0x13A80] =	vst v63  }
0x2b5: {  	s17 =	simm.s32 $0x2E80  }
0x2b6: {  	[tilespmem:s6], [sflag:$0x2] =	stream.indirect.gather [hbm4b:s3+s22], $0x20, s17, s22, $0xb8;
	[tilespmem:$0x13A80] =	vst v63  }
0x2b7: {  	s18 =	simm.s32 $0x2F00  }
0x2b8: {  	[tilespmem:s7], [sflag:$0x2] =	stream.indirect.gather [hbm4b:s3+s22], $0x20, s18, s22, $0xb8;
	[tilespmem:$0x13A80] =	vst v63  }
0x2b9: {  	s15 =	simm.s32 $0x2F80  }
0x2ba: {  	[tilespmem:s8], [sflag:$0x2] =	stream.indirect.gather [hbm4b:s3+s22], $0x20, s15, s22, $0xb8;
	[tilespmem:$0x13A80] =	vst v63  }
0x2bb: {  	_ =	swait.ge [sflag:s9], $0x1000  }
0x2bc: {  	[sflag:s9] =	ssyncset.done $0x0  }
0x2bd: {  	[sflag:s9] =	ssyncadd.s32 $0xFFFFF000  }
0x2be: {  	_ =	swait.ge [sflag:s9], $0x1000  }
0x2bf: {  	[sflag:s9] =	ssyncset.done $0x0  }
0x2c0: {  	[sflag:s9] =	ssyncadd.s32 $0xFFFFF000  }
0x2c1: {  	_ =	swait.ge [sflag:s9], $0x1000  }
0x2c2: {  	[sflag:s9] =	ssyncset.done $0x0  }
0x2c3: {  	[sflag:s9] =	ssyncadd.s32 $0xFFFFF000  }
0x2c4: {  	_ =	swait.ge [sflag:s9], $0x1000  }
0x2c5: {  	[sflag:s9] =	ssyncset.done $0x0  }
0x2c6: {  	[sflag:s9] =	ssyncadd.s32 $0xFFFFF000  }
0x2c7: {  	_ =	swait.ge [sflag:s9], $0x1000  }
0x2c8: {  	[sflag:s9] =	ssyncset.done $0x0  }
0x2c9: {  	[sflag:s9] =	ssyncadd.s32 $0xFFFFF000  }
0x2ca: {  	s16 =	simm.s32 $0x300;
	_ =	swait.ge [sflag:s9], $0x1000  }
0x2cb: {  	s14 =	smul.u32 $0x4EC5, s16;
	[sflag:s9] =	ssyncset.done $0x0  }
0x2cc: {  	[sflag:s9] =	ssyncadd.s32 $0xFFFFF000  }
0x2cd: {  	s14 =	sshrl.u32 s14, $0x15;
	_ =	swait.ge [sflag:s9], $0x1000  }
0x2ce: {  	s14 =	smul.u32 $0x68, s14;
	[sflag:s9] =	ssyncset.done $0x0  }
0x2cf: {  	[sflag:s9] =	ssyncadd.s32 $0xFFFFF000  }
0x2d0: {  	s14 =	ssub.s32 $0x300, s14;
	_ =	swait.ge [sflag:s9], $0x1000  }
0x2d1: {  	s15 =	simm.s32 $0x301;
	s14 =	sand.u32 $0xFFFF, s14;
	[sflag:s9] =	ssyncset.done $0x0  }
0x2d2: {  	s18 =	sshll.u32 s14, $0x4;
	s17 =	rddreg [dreg:$0xf];
	[sflag:s9] =	ssyncadd.s32 $0xFFFFF000  }
0x2d3: {  	[hbm4b:s17+s2] =	stream.linear.scatter [tilespmem:s23], [sflag:$0x3], $0x8000, $0x38;
	[tilespmem:$0x13A80] =	vst v63  }
0x2d4: {  	s14 =	simm.s32 $0x3000;
	s17 =	smul.u32 $0x4EC5, s15;
	v0 =	vld [tilespmem:s18+$0x3400]  }
0x2d5: {  	s16 =	simm.s32 $0x302;
	v1 =	vld [tilespmem:s14+$0x0]  }
.LBB2_26:
0x2d6: {  	p0 =	sne.s32 s16, $0x33F;
	s17 =	sshrl.u32 s17, $0x15  }
0x2d7: {  	s17 =	smul.u32 $0x68, s17;
	_ =	sdelay $0x1  }
.Ltmp12:
0x2d8: {  	s17 =	ssub.s32 s15, s17;
	s15 =	smov.u32 s16;
	(pc) =	sbr.rel @p0 .LBB2_26-.Ltmp12, $4  }
0x2d9: {  	s17 =	sand.u32 $0xFFFF, s17;
	v0 =	vadd.s32 v1, v0  }
0x2da: {  	s18 =	sshll.u32 s17, $0x4;
	[tilespmem:s14+$0x0] =	vst v0  }
0x2db: {  	s17 =	smul.u32 $0x4EC5, s16;
	s14 =	sadd.s32 $0x10, s14;
	v0 =	vld [tilespmem:s18+$0x3400]  }
0x2dc: {  	s16 =	sadd.s32 $0x1, s16;
	v1 =	vld [tilespmem:s14+$0x0]  }
0x2dd: {  	s16 =	sshrl.u32 s17, $0x15  }
0x2de: {  	s16 =	smul.u32 $0x68, s16;
	_ =	sdelay $0x1  }
0x2df: {  	s15 =	ssub.s32 s15, s16  }
0x2e0: {  	s15 =	sand.u32 $0xFFFF, s15;
	v0 =	vadd.s32 v1, v0  }
0x2e1: {  	s15 =	sshll.u32 s15, $0x4;
	[tilespmem:s14+$0x0] =	vst v0  }
0x2e2: {  	s16 =	sadd.s32 $0x10, s14;
	v0 =	vld [tilespmem:s15+$0x3400]  }
0x2e3: {  	v63 =	vld [tilespmem:s16+$0x0];
	_ =	sdelay $0x4  }
0x2e4: {  	v0 =	vadd.s32 v63, v0  }
0x2e5: {  	[tilespmem:s16+$0x0] =	vst v0  }
0x2e6: {  	_ =	swait.ge [sflag:s10], $0x8000  }
0x2e7: {  	[sflag:s10] =	ssyncset.done $0x0  }
0x2e8: {  	s17 =	simm.s32 $0x3000;
	[sflag:s10] =	ssyncadd.s32 $0xFFFF8000  }
0x2e9: {  	[tilespmem:s23], [sflag:$0x1] =	stream.indirect.gather [hbm4b:s3+s22], $0x20, s17, s22, $0xb8;
	[tilespmem:$0x13A80] =	vst v63  }
0x2ea: {  	s18 =	simm.s32 $0x3080  }
0x2eb: {  	[tilespmem:s24], [sflag:$0x1] =	stream.indirect.gather [hbm4b:s3+s22], $0x20, s18, s22, $0xb8;
	[tilespmem:$0x13A80] =	vst v63  }
0x2ec: {  	s15 =	simm.s32 $0x3100  }
0x2ed: {  	[tilespmem:s26], [sflag:$0x1] =	stream.indirect.gather [hbm4b:s3+s22], $0x20, s15, s22, $0xb8;
	[tilespmem:$0x13A80] =	vst v63  }
0x2ee: {  	s16 =	simm.s32 $0x3180  }
0x2ef: {  	[tilespmem:s29], [sflag:$0x1] =	stream.indirect.gather [hbm4b:s3+s22], $0x20, s16, s22, $0xb8;
	[tilespmem:$0x13A80] =	vst v63  }
0x2f0: {  	s17 =	simm.s32 $0x3200  }
0x2f1: {  	[tilespmem:s31], [sflag:$0x1] =	stream.indirect.gather [hbm4b:s3+s22], $0x20, s17, s22, $0xb8;
	[tilespmem:$0x13A80] =	vst v63  }
0x2f2: {  	s18 =	simm.s32 $0x3280  }
0x2f3: {  	[tilespmem:s0], [sflag:$0x1] =	stream.indirect.gather [hbm4b:s3+s22], $0x20, s18, s22, $0xb8;
	[tilespmem:$0x13A80] =	vst v63  }
0x2f4: {  	s15 =	simm.s32 $0x3300  }
0x2f5: {  	[tilespmem:s25], [sflag:$0x1] =	stream.indirect.gather [hbm4b:s3+s22], $0x20, s15, s22, $0xb8;
	[tilespmem:$0x13A80] =	vst v63  }
0x2f6: {  	s16 =	simm.s32 $0x3380  }
0x2f7: {  	[tilespmem:s30], [sflag:$0x1] =	stream.indirect.gather [hbm4b:s3+s22], $0x20, s16, s22, $0xb8;
	[tilespmem:$0x13A80] =	vst v63  }
0x2f8: {  	_ =	swait.ge [sflag:s11], $0x1000  }
0x2f9: {  	[sflag:s11] =	ssyncset.done $0x0  }
0x2fa: {  	[sflag:s11] =	ssyncadd.s32 $0xFFFFF000  }
0x2fb: {  	_ =	swait.ge [sflag:s11], $0x1000  }
0x2fc: {  	[sflag:s11] =	ssyncset.done $0x0  }
0x2fd: {  	[sflag:s11] =	ssyncadd.s32 $0xFFFFF000  }
0x2fe: {  	_ =	swait.ge [sflag:s11], $0x1000  }
0x2ff: {  	[sflag:s11] =	ssyncset.done $0x0  }
0x300: {  	[sflag:s11] =	ssyncadd.s32 $0xFFFFF000  }
0x301: {  	_ =	swait.ge [sflag:s11], $0x1000  }
0x302: {  	[sflag:s11] =	ssyncset.done $0x0  }
0x303: {  	[sflag:s11] =	ssyncadd.s32 $0xFFFFF000  }
0x304: {  	_ =	swait.ge [sflag:s11], $0x1000  }
0x305: {  	[sflag:s11] =	ssyncset.done $0x0  }
0x306: {  	[sflag:s11] =	ssyncadd.s32 $0xFFFFF000  }
0x307: {  	_ =	swait.ge [sflag:s11], $0x1000  }
0x308: {  	[sflag:s11] =	ssyncset.done $0x0  }
0x309: {  	[sflag:s11] =	ssyncadd.s32 $0xFFFFF000  }
0x30a: {  	_ =	swait.ge [sflag:s11], $0x1000  }
0x30b: {  	[sflag:s11] =	ssyncset.done $0x0  }
0x30c: {  	[sflag:s11] =	ssyncadd.s32 $0xFFFFF000  }
0x30d: {  	_ =	swait.ge [sflag:s11], $0x1000  }
0x30e: {  	[sflag:s11] =	ssyncset.done $0x0  }
0x30f: {  	s17 =	rddreg [dreg:$0x10];
	[sflag:s11] =	ssyncadd.s32 $0xFFFFF000  }
0x310: {  	[hbm4b:s17+s2] =	stream.linear.scatter [tilespmem:s21], [sflag:$0x4], $0x8000, $0x38;
	[tilespmem:$0x13A80] =	vst v63  }
0x311: {  	_ =	swait.ge [sflag:s9], $0x1000  }
0x312: {  	[sflag:s9] =	ssyncset.done $0x0  }
0x313: {  	[sflag:s9] =	ssyncadd.s32 $0xFFFFF000  }
0x314: {  	_ =	swait.ge [sflag:s9], $0x1000  }
0x315: {  	[sflag:s9] =	ssyncset.done $0x0  }
0x316: {  	[sflag:s9] =	ssyncadd.s32 $0xFFFFF000  }
0x317: {  	_ =	swait.ge [sflag:s9], $0x1000  }
0x318: {  	[sflag:s9] =	ssyncset.done $0x0  }
0x319: {  	[sflag:s9] =	ssyncadd.s32 $0xFFFFF000  }
0x31a: {  	_ =	swait.ge [sflag:s9], $0x1000  }
0x31b: {  	[sflag:s9] =	ssyncset.done $0x0  }
0x31c: {  	[sflag:s9] =	ssyncadd.s32 $0xFFFFF000  }
0x31d: {  	_ =	swait.ge [sflag:s9], $0x1000  }
0x31e: {  	[sflag:s9] =	ssyncset.done $0x0  }
0x31f: {  	[sflag:s9] =	ssyncadd.s32 $0xFFFFF000  }
0x320: {  	_ =	swait.ge [sflag:s9], $0x1000  }
0x321: {  	[sflag:s9] =	ssyncset.done $0x0  }
0x322: {  	[sflag:s9] =	ssyncadd.s32 $0xFFFFF000  }
0x323: {  	_ =	swait.ge [sflag:s9], $0x1000  }
0x324: {  	[sflag:s9] =	ssyncset.done $0x0  }
0x325: {  	[sflag:s9] =	ssyncadd.s32 $0xFFFFF000  }
0x326: {  	_ =	swait.ge [sflag:s9], $0x1000  }
0x327: {  	[sflag:s9] =	ssyncset.done $0x0  }
0x328: {  	s13 =	sadd.s32 $0x1, s13;
	s18 =	rddreg [dreg:$0x11];
	[sflag:s9] =	ssyncadd.s32 $0xFFFFF000  }
0x329: {  	[hbm4b:s18+s2] =	stream.linear.scatter [tilespmem:s23], [sflag:$0x3], $0x8000, $0x38;
	[tilespmem:$0x13A80] =	vst v63  }
0x32a: {  	p0 =	sne.s32 s13, s19;
	_ =	swait.ge [sflag:s10], $0x8000  }
.Ltmp13:
0x32b: {  	[sflag:s10] =	ssyncset.done $0x0;
	(pc) =	sbr.rel @p0 .LBB2_1-.Ltmp13, $4  }
0x32c: {  	[sflag:s10] =	ssyncadd.s32 $0xFFFF8000  }
0x32d: {  	_ =	swait.ge [sflag:s12], $0x8000  }
0x32e: {  	[sflag:s12] =	ssyncset.done $0x0  }
0x32f: {  	[sflag:s12] =	ssyncadd.s32 $0xFFFF8000  }
0x330: {  	_ =	sfence.sel $0x180000  }
0x331: {  	[bflag:$0x0] =	sbarrier.arrive $0xFFFF  }
0x332: {  	_ =	strace $0x90000047  }
0x333: {  	s0 =	stileid.u32;
	[bflag:$0x2] =	sbarrier.arrive $0xFFFF  }
0x334: {  	p0 =	sne.s32 s0, $0x0;
	s0 =	rddreg [dreg:$0x2]  }
0x335: {  	s0 =	sadd.s32 @!p0 $0x100000, s0  }
0x336: {  	[sflag:s0] =	ssyncadd.tile.s32 @!p0 $0x1;
	_ =	shalt  }
.Lfunc_end2:
_tile_overlayer_lowered:
.L_overlay_start_2:
0x337: {  	(tag) =	ssettag $0x2  }
0x338: {  	s0 =	rddreg [dreg:$0x0];
	s2 =	stileid.u32  }
0x339: {  	s1 =	rddreg [dreg:$0x1];
	p0 =	sne.s32 s2, $0x0  }
0x33a: {  	s3 =	rddreg [dreg:$0x2];
	[bflag:$0x3] =	sbarrier.arrive $0xFFFF;
	s2 =	simm.s32 @!p0 $0x1C05  }
0x33b: {  	[timem:s3], [sflag:s2] =	dma.local @!p0 [hbm:s0], s1  }
0x33c: {  	s0 =	simm.s32 @!p0 $0x5  }
0x33d: {  	_ =	swait.ge @!p0 [sflag:s0], s1  }
0x33e: {  	s1 =	ssub.s32 @!p0 $0x0, s1;
	[sflag:s0] =	ssyncset.done @!p0 $0x0  }
0x33f: {  	[sflag:s0] =	ssyncadd.s32 @!p0 s1  }
0x340: {  	[bflag:$0x3] =	sbarrier.arrive $0xFFFF  }
0x341: {  	_ =	shalt  }

// kernel: sparse-core-data-format-call.cloned.1.call-start
scs
called_computation_lowered:
.L_overlay_start_0:
0x0: {  	s2 =	sld [smem:$0x3FD9]  }
0x1: {  	s3 =	sld [smem:$0x3FFE];
	_ =	sdelay $0x1  }
0x2: {  	s1 =	srdreg.scid  }
0x3: {  	s0 =	sand.u32 $0x1, s1  }
0x4: {  	s18 =	sshll.u32 s0, $0xA;
	s2 =	sadd.s32 s3, s2  }
0x5: {  	s2 =	sadd.s32 s2, s18  }
0x6: {  	[smem:$0x3FC6] =	sst s2  }
0x7: {  	_ = 	snop  }
0x8: {  	s2 =	sld [smem:$0x3FD0];
	(tm) =	ssettm $0x1  }
0x9: {  	s19 =	sld [smem:$0x3FFB];
	_ =	sdelay $0x3  }
0xa: {  	_ =	strace s19  }
0xb: {  	s3 =	sld [smem:$0x3FFC];
	_ =	sdelay $0x3  }
0xc: {  	_ =	strace s3  }
0xd: {  	s3 =	sld [smem:$0x3FFD];
	_ =	sdelay $0x3  }
0xe: {  	_ =	strace s3  }
0xf: {  	_ =	strace $0x8FFFFFFF  }
0x10: {  	s20 =	sld [smem:$0x3FDB];
	_ =	sdelay $0x1  }
0x11: {  	s4 =	simm.s32 $_scs_section_size  }
0x12: {  	s5 =	simm.s32 $_size__tile_overlayer_lowered;
	s6 =	simm.s32 $_tile_overlayer_lowered  }
0x13: {  	s23 =	simm.s32 $0x1BFF;
	s22 =	sshll.u32 s6, $0x1;
	s3 =	sadd.s32 s4, s20  }
0x14: {  	s7 =	simm.s32 $0x0;
	s21 =	sshll.u32 s5, $0x1;
	s5 =	sadd.s32 s22, s3  }
0x15: {  	[timem:s7], [sflag:s23] =	dma.local [hbm:s5], s21  }
0x16: {  	_ =	swait.ge [sflag:s23], s21  }
0x17: {  	s4 =	ssub.s32 $0x0, s21;
	[sflag:s23] =	ssyncset.done $0x0  }
0x18: {  	[sflag:s23] =	ssyncadd.s32 s4;
	_ =	sdelay $0x1  }
0x19: {  	s24 =	simm.s32 $0x1B8B  }
0x1a: {  	_ =	swait.ge [sflag:s24], $0x1  }
0x1b: {  	[sflag:s24] =	ssyncset.done $0x0  }
0x1c: {  	s26 =	simm.s32 $0x1B8E;
	s25 =	sld [smem:$0x3FFE];
	[sflag:s24] =	ssyncadd.s32 $0xFFFFFFFF  }
0x1d: {  	s27 =	simm.s32 $execute0_lowered;
	[smem:$0x3FD2] =	sst s26  }
0x1e: {  	s5 =	sshll.u32 s27, $0x1;
	_ =	strace $0x80000049;
	[dreg:$0x1] =	wrdreg $0xFFFFFFFF  }
0x1f: {  	s28 =	simm.s32 $_size_execute0_lowered;
	s3 =	sadd.s32 s3, s5;
	[dreg:$0x0] =	wrdreg $0x0  }
0x20: {  	s5 =	sshll.u32 s28, $0x1;
	[dreg:$0x2] =	wrdreg s3  }
0x21: {  	[dreg:$0x3] =	wrdreg s5  }
0x22: {  	[dreg:$0x4] =	wrdreg $0xC0  }
0x23: {  	_ =	task [dreg:s7], $0x5FFFF  }
0x24: {  	[dreg:$0x1] =	wrdreg $0xFFFFFFFF  }
0x25: {  	[dreg:$0x0] =	wrdreg $0x60  }
0x26: {  	[dreg:$0x2] =	wrdreg s25  }
0x27: {  	[dreg:$0x3] =	wrdreg s2  }
0x28: {  	[dreg:$0x4] =	wrdreg $0x9  }
0x29: {  	_ =	task.clear_ibuf [dreg:s7], $0x5FFFF;
	_ =	strace $0x90000049  }
0x2a: {  	s29 =	simm.s32 $0x9;
	_ =	strace $0x8000004B  }
0x2b: {  	_ =	swait.ge [sflag:s29], $0x1  }
0x2c: {  	[sflag:s29] =	ssyncadd.s32 $0xFFFFFFFF  }
0x2d: {  	_ =	strace $0x9000004B  }
0x2e: {  	_ =	sfence  }
0x2f: {  	s30 =	sld [smem:$0x0];
	_ =	sdelay $0x2  }
0x30: {  	s31 =	sshll.u32 s1, $0xD;
	s1 =	sshrl.u32 s1, $0x2  }
0x31: {  	s3 =	sand.u32 $0x4000, s31;
	s1 =	sadd.s32 s1, s30  }
0x32: {  	s0 =	sor.u32 s3, s0;
	s1 =	sshll.u32 s1, $0x11  }
0x33: {  	s0 =	sor.u32 s1, s0  }
0x34: {  	s0 =	sadd.s32 $0x8F2B, s0  }
0x35: {  	[sflag:s0] =	ssyncadd.remote.s32 $0x1  }
0x36: {  	_ =	sfence.sel $0xFFFF  }
0x37: {  	[dreg:$0x0] =	wrdreg $0xFFFFFFFF;
	(pc) =	sbr.abs _section_cstart, $3  }
0x38: {  	[dreg:$0x1] =	wrdreg $0xFFFFFFFF  }
0x39: {  	_ =	task.clear_ibuf [dreg:s7], $0x2FFFF;
	_ =	strace $0x9FFFFFFF  }
0x3a: {  	(tm) =	ssettm $0x7FFFFFFF  }
0x3b: {  	_ =	shalt  }
tec
execute0_lowered:
.L_overlay_start_1:
0x0: {  	(tag) =	ssettag $0x1  }
0x1: {  	s0 =	srdreg.scid  }
0x2: {  	s1 =	sshll.u32 s0, $0x4  }
0x3: {  	s6 =	rddreg [dreg:$0x0];
	s0 =	stileid.u32;
	s1 =	sand.u32 $0x10, s1  }
0x4: {  	s3 =	rddreg [dreg:$0x1];
	s1 =	sor.u32 s0, s1  }
0x5: {  	s5 =	simm.s32 $0x1;
	s31 =	simm.s32 $0x2;
	s2 =	sshll.u32 s1, $0x7  }
0x6: {  	s15 =	simm.s32 $0x0;
	s8 =	simm.s32 $0x20000;
	s4 =	ssub.s32 $0x4000, s2  }
0x7: {  	s14 =	simm.s32 $0x0;
	s9 =	simm.s32 $0x0;
	s30 =	sand.u32 $0xF80, s4  }
0x8: {  	s10 =	simm.s32 $0x0;
	s11 =	simm.s32 $0x0;
	p0 =	sne.s32 s30, $0x0  }
.Ltmp0:
0x9: {  	s7 =	sshrl.u32 s4, $0xC;
	s5 =	simm.s32 @!p0 $0x0;
	(pc) =	sbr.rel .LBB1_1-.Ltmp0, $4  }
0xa: {  	s13 =	simm.s32 $0x0;
	s1 =	rddreg [dreg:$0x2];
	s5 =	sadd.s32 s5, s7  }
0xb: {  	_ =	strace $0x8000004A;
	s4 =	simm.s32 $0x1;
	s5 =	smul.u32 $0x7, s5  }
0xc: {  	s6 =	sadd.s32 $0xA00, s6;
	s12 =	smov.u32 s2;
	[sflag:s4] =	ssyncpa.u1 $0x0  }
0xd: {  	[sflag:s31] =	ssyncpa.u1 $0x0;
	p0 =	por $0x0, $0x0;
	s7 =	sadd.s32 $0x1, s5  }
.LBB1_4:
0xe: {  	s20 =	sshra.s32 s20, $0x2  }
0xf: {  	s28 =	sand.u32 $0x78, s10;
	s21 =	sshll.u32 s9, $0xE;
	s22 =	sshll.u32 s10, $0x3  }
0x10: {  	s24 =	sshll.u32 s9, $0x7;
	p1 =	sgt.s32 s9, $0x2C0;
	s30 =	sshra.s32 s9, $0x1F  }
0x11: {  	s26 =	sshra.s32 s10, $0x1F;
	s19 =	sadd.s32 s20, s19;
	s21 =	sand.u32 $0xFFFE0000, s21  }
0x12: {  	v5 =	vld [tilespmem:s17+$0xFFFFFFD0];
	[tilespmem:s18+$0x2040 ss:$0x81] =	vst.msk $0xffff, v4;
	s23 =	sand.u32 $0xFFFFFC00, s22;
	s29 =	sand.u32 $0x380, s24;
	s22 =	sand.u32 $0x3C00, s22  }
0x13: {  	v58 =	vld [tilespmem:s17+$0xFFFFFFE0];
	[tilespmem:s18+$0x2850 ss:$0x81] =	vst.msk $0xffff, v3;
	s21 =	sadd.s32 s23, s21;
	s20 =	sor.u32 s28, s22;
	s22 =	smov.u32 s9  }
0x14: {  	v59 =	vld [tilespmem:s17+$0xFFFFFFF0];
	[tilespmem:s18+$0x3060 ss:$0x81] =	vst.msk $0xffff, v2;
	s24 =	sand.u32 s30, s9;
	s21 =	sshrl.u32 s21, $0xE;
	s22 =	simm.s32 @!p1 $0x2C0  }
0x15: {  	v60 =	vld [tilespmem:s17+$0x0];
	[tilespmem:s18+$0x0 ss:$0x81] =	vst.msk $0xffff, v1;
	p1 =	sgt.s32 s10, $0x3F80;
	s31 =	ssub.s32 s22, s24;
	s22 =	smov.u32 s10  }
0x16: {  	v61 =	vld [tilespmem:s17+$0x10];
	[tilespmem:s19+$0x3870 ss:$0x81] =	vst.msk $0xffff, v0;
	s25 =	smulhi.u32 $0x4EC4ED, s21;
	s24 =	sand.u32 s26, s10;
	s22 =	simm.s32 @!p1 $0x3F80  }
0x17: {  	v62 =	vld [tilespmem:s17+$0x20];
	s20 =	sor.u32 s29, s20;
	[tilespmem:s19+$0x810 ss:$0x81] =	vst.msk $0xffff, v5;
	s27 =	sadd.s32 $0xFFFFFD40, s31;
	s22 =	ssub.s32 s22, s24  }
0x18: {  	v63 =	vld [tilespmem:s17+$0xFFFFFFC0];
	[tilespmem:s19+$0x1020 ss:$0x81] =	vst.msk $0xffff, v58;
	s18 =	ssub.s32 $0x340, s31;
	s28 =	smul.u32 $0x340, s25;
	s29 =	sadd.s32 $0xFFFFC080, s22  }
0x19: {  	[tilespmem:s19+$0x1830 ss:$0x81] =	vst.msk $0xffff, v59;
	p1 =	sgt.s32 s27, $0x7F;
	s22 =	ssub.s32 $0x4000, s22;
	p2 =	sgt.s32 s29, $0x7F  }
0x1a: {  	s30 =	sand.u32 $0x7, s10;
	[tilespmem:s19+$0x2040 ss:$0x81] =	vst.msk $0xffff, v60;
	s18 =	simm.s32 @p1 $0x0;
	s22 =	simm.s32 @p2 $0x0  }
0x1b: {  	s20 =	sshrl.u32 s20, $0x3;
	[tilespmem:s19+$0x2850 ss:$0x81] =	vst.msk $0xffff, v61;
	s17 =	ssub.s32 s21, s28;
	s18 =	smul.u32 s22, s18  }
0x1c: {  	[tilespmem:s19+$0x3060 ss:$0x81] =	vst.msk $0xffff, v62;
	s20 =	sadd.s32 s3, s20;
	s21 =	sshll.u32 s30, $0x12;
	s17 =	sshll.u32 s17, $0xB  }
0x1d: {  	[tilespmem:s19+$0x0 ss:$0x81] =	vst.msk $0xffff, v63;
	s31 =	sor.u32 $0x400, s21;
	s17 =	sadd.s32 s17, s20;
	s18 =	sand.u32 $0x3FFFFFFF, s18  }
0x1e: {  	[hbm4b:s17+s31] =	stream.strided.scatter [tilespmem:s16], [sflag:$0x2], s18, s8, s31, $0x20;
	[tilespmem:$0x10100] =	vst v63  }
.LBB1_5:
0x1f: {  	p1 =	slt.u32 s13, $0x2  }
0x20: {  	s17 =	smov.u32 s15;
	p2 =	sgt.s32 @!p1 s15, $0x2C0;
	s16 =	sshra.s32 @!p1 s15, $0x1F  }
0x21: {  	p3 =	sgt.s32 @!p1 s14, $0x3F80;
	s18 =	sshra.s32 @!p1 s14, $0x1F;
	p2 =	por !p2, p1  }
0x22: {  	s15 =	sand.u32 @!p1 s16, s15;
	p3 =	por !p3, p1;
	s16 =	smov.u32 s14  }
0x23: {  	s14 =	sand.u32 @!p1 s18, s14;
	s17 =	simm.s32 @p2 $0x2C0;
	s16 =	simm.s32 @p3 $0x3F80  }
0x24: {  	s15 =	ssub.s32 @!p1 s17, s15;
	s14 =	ssub.s32 @!p1 s16, s14  }
0x25: {  	s18 =	smov.u32 s12;
	s16 =	sadd.s32 @!p1 $0xFFFFFD40, s15;
	s17 =	sadd.s32 @!p1 $0xFFFFC080, s14  }
0x26: {  	s15 =	ssub.s32 @!p1 $0x340, s15;
	p2 =	sgt.s32 @!p1 s16, $0x7F;
	p3 =	sgt.s32 @!p1 s17, $0x7F  }
0x27: {  	s14 =	ssub.s32 @!p1 $0x4000, s14;
	p2 =	por !p2, p1;
	p3 =	por !p3, p1  }
0x28: {  	s16 =	sadd.s32 $0x80, s11;
	s15 =	simm.s32 @!p2 $0x0;
	s14 =	simm.s32 @!p3 $0x0  }
0x29: {  	p2 =	sgt.s32 s16, $0x33F;
	s14 =	smul.u32 @!p1 s14, s15;
	s15 =	sadd.s32 $0x1000, s12  }
0x2a: {  	s18 =	smov.u32 @p2 s15  }
0x2b: {  	s16 =	simm.s32 @p2 $0x0;
	p2 =	sgt.s32 s18, $0x3FFF  }
0x2c: {  	s18 =	smov.u32 @p2 s2;
	p2 =	sne.s32 s13, s7  }
.Ltmp1:
0x2d: {  	p0 =	por !p0, !p0;
	s17 =	simm.s32 @!p1 $0x2;
	(pc) =	sbr.rel @!p2 .LBB1_6-.Ltmp1, $4  }
0x2e: {  	s15 =	smov.u32 s9;
	s9 =	smov.u32 s11;
	s14 =	sand.u32 @!p1 $0x3FFFFFFF, s14  }
0x2f: {  	s11 =	smov.u32 s16;
	_ =	swait.ge @!p1 [sflag:s17], s14;
	s19 =	ssub.s32 @!p1 $0x0, s14  }
0x30: {  	s14 =	smov.u32 s10;
	s13 =	sadd.s32 $0x1, s13;
	[sflag:s17] =	ssyncset.done @!p1 $0x0  }
0x31: {  	s10 =	smov.u32 s12;
	s12 =	smov.u32 s18;
	[sflag:s17] =	ssyncadd.s32 @!p1 s19  }
.LBB1_1:
0x32: {  	p1 =	sge.u32 s13, s5  }
0x33: {  	s16 =	sshrl.u32 @!p1 s12, $0x3  }
0x34: {  	s17 =	sshll.u32 @!p1 s11, $0x3;
	s16 =	smul.u32 @!p1 $0x1C00, s16  }
0x35: {  	s18 =	sshll.u32 @!p1 s12, $0x7;
	s17 =	sand.u32 @!p1 $0xFFFFFC00, s17  }
0x36: {  	s16 =	sadd.s32 @!p1 s16, s17;
	s17 =	sand.u32 @!p1 $0x380, s18  }
0x37: {  	s16 =	sor.u32 @!p1 s17, s16  }
0x38: {  	s17 =	sshrl.u32 @!p1 s16, $0x7  }
0x39: {  	s17 =	smulhi.u32 @!p1 $0x24924925, s17;
	_ =	sdelay $0x1  }
0x3a: {  	s18 =	sand.u32 @!p1 $0x7F, s11;
	s19 =	smul.u32 @!p1 $0x380, s17  }
0x3b: {  	s31 =	sadd.s32 $0xFFFFFFFF, s13;
	s16 =	sor.u32 @!p1 s18, s16;
	s18 =	sxor.u32 @!p1 $0xFFFFFFFF, s13  }
0x3c: {  	s18 =	sshll.u32 @!p1 s18, $0xE;
	s17 =	sand.u32 @!p1 $0x3FFF, s17;
	s16 =	ssub.s32 @!p1 s16, s19  }
0x3d: {  	s17 =	smul.u32 @!p1 $0x70, s17;
	s19 =	sshrl.u32 @!p1 s16, $0x3;
	s16 =	sand.u32 @!p1 $0x7, s16  }
0x3e: {  	s18 =	sand.u32 @!p1 $0x4000, s18;
	s19 =	sadd.s32 @!p1 s6, s19;
	s16 =	sshll.u32 @!p1 s16, $0x12  }
0x3f: {  	s17 =	sadd.s32 @!p1 s17, s19;
	s16 =	sor.u32 @!p1 $0x400, s16;
	s19 =	simm.s32 @!p1 $0x1C00  }
0x40: {  	[tilespmem:s18], [sflag:$0x1] =	stream.strided.gather @!p1 [hbm4b:s17+s16], $0x4000, s19, s16, $0x38;
	[tilespmem:$0x10100] =	vst v63  }
0x41: {  	p1 =	sge.u32 s31, s5  }
.Ltmp2:
0x42: {  	_ = 	snop;
	(pc) =	sbr.rel @p1 .LBB1_5-.Ltmp2, $1  }
0x43: {  	_ =	sdelay $0x3  }
0x44: {  	s16 =	simm.s32 $0x1  }
0x45: {  	_ =	swait.ge [sflag:s4], $0x4000;
	s16 =	simm.s32 @!p0 $0x0  }
0x46: {  	[sflag:s4] =	ssyncset.done $0x0;
	s17 =	sshll.u32 s16, $0xE  }
0x47: {  	[sflag:s4] =	ssyncadd.s32 $0xFFFFC000;
	s17 =	sor.u32 $0x40, s17  }
0x48: {  	s16 =	smul.u32 $0x10200, s16;
	v0 =	vld [tilespmem:s17+$0x30]  }
0x49: {  	v1 =	vld [tilespmem:s17+$0xFFFFFFD0]  }
0x4a: {  	s16 =	sshrl.u32 s16, $0x2;
	v5 =	vld [tilespmem:s17+$0xFFFFFFE0]  }
0x4b: {  	v6 =	vld [tilespmem:s17+$0xFFFFFFF0];
	s19 =	sor.u32 $0x8000, s16  }
0x4c: {  	s31 =	sand.u32 $0x1, s13;
	v4 =	vld [tilespmem:s17+$0x0];
	s18 =	sadd.s32 $0x0, s19  }
0x4d: {  	v3 =	vld [tilespmem:s17+$0x10];
	s16 =	smul.u32 $0x10200, s31;
	[tilespmem:s18+$0x3870 ss:$0x81] =	vst.msk $0xffff, v0  }
0x4e: {  	v2 =	vld [tilespmem:s17+$0x20];
	[tilespmem:s18+$0x810 ss:$0x81] =	vst.msk $0xffff, v1  }
0x4f: {  	s16 =	sshrl.u32 s16, $0x2;
	v1 =	vld [tilespmem:s17+$0xFFFFFFC0];
	[tilespmem:s18+$0x1020 ss:$0x81] =	vst.msk $0xffff, v5;
	s17 =	sadd.s32 $0x80, s17  }
0x50: {  	s20 =	simm.s32 $0x4;
	s21 =	simm.s32 $0x8;
	s16 =	sor.u32 $0x8000, s16;
	[tilespmem:s18+$0x1830 ss:$0x81] =	vst.msk $0xffff, v6;
	v0 =	vld [tilespmem:s17+$0x30]  }
.LBB1_3:
0x51: {  	p1 =	sne.s32 s21, $0x1FC;
	v5 =	vld [tilespmem:s17+$0xFFFFFFD0];
	[tilespmem:s18+$0x2040 ss:$0x81] =	vst.msk $0xffff, v4  }
0x52: {  	v6 =	vld [tilespmem:s17+$0xFFFFFFE0];
	[tilespmem:s18+$0x2850 ss:$0x81] =	vst.msk $0xffff, v3  }
0x53: {  	s22 =	sshra.s32 s20, $0x2;
	s20 =	smov.u32 s21;
	v7 =	vld [tilespmem:s17+$0xFFFFFFF0];
	[tilespmem:s18+$0x3060 ss:$0x81] =	vst.msk $0xffff, v2  }
.Ltmp3:
0x54: {  	v4 =	vld [tilespmem:s17+$0x0];
	[tilespmem:s18+$0x0 ss:$0x81] =	vst.msk $0xffff, v1;
	s18 =	sadd.s32 s22, s19;
	(pc) =	sbr.rel @p1 .LBB1_3-.Ltmp3, $4  }
0x55: {  	v3 =	vld [tilespmem:s17+$0x10];
	[tilespmem:s18+$0x3870 ss:$0x81] =	vst.msk $0xffff, v0  }
0x56: {  	[tilespmem:s18+$0x810 ss:$0x81] =	vst.msk $0xffff, v5;
	v2 =	vld [tilespmem:s17+$0x20]  }
0x57: {  	v1 =	vld [tilespmem:s17+$0xFFFFFFC0];
	[tilespmem:s18+$0x1020 ss:$0x81] =	vst.msk $0xffff, v6;
	s17 =	sadd.s32 $0x80, s17  }
0x58: {  	s21 =	sadd.s32 $0x4, s21;
	v0 =	vld [tilespmem:s17+$0x30];
	[tilespmem:s18+$0x1830 ss:$0x81] =	vst.msk $0xffff, v7  }
.Ltmp4:
0x59: {  	_ = 	snop;
	(pc) =	sbr.rel .LBB1_4-.Ltmp4, $1  }
0x5a: {  	_ =	sdelay $0x3  }
.LBB1_6:
0x5b: {  	_ =	sfence.sel $0x180000  }
0x5c: {  	s2 =	simm.s32 $0x1;
	[bflag:$0x0] =	sbarrier.arrive $0xFFFF  }
0x5d: {  	s31 =	simm.s32 $0x2;
	[sflag:s2] =	ssyncpa.u1 $0x1  }
0x5e: {  	[sflag:s31] =	ssyncpa.u1 $0x1  }
0x5f: {  	p0 =	sne.s32 s0, $0x0;
	_ =	strace $0x9000004A  }
0x60: {  	s0 =	sadd.s32 @!p0 $0x100000, s1;
	[bflag:$0x2] =	sbarrier.arrive $0xFFFF  }
0x61: {  	[sflag:s0] =	ssyncadd.tile.s32 @!p0 $0x1;
	_ =	shalt  }
.Lfunc_end1:
_tile_overlayer_lowered:
.L_overlay_start_2:
0x62: {  	(tag) =	ssettag $0x2  }
0x63: {  	s0 =	rddreg [dreg:$0x0];
	s2 =	stileid.u32  }
0x64: {  	s1 =	rddreg [dreg:$0x1];
	p0 =	sne.s32 s2, $0x0  }
0x65: {  	s3 =	rddreg [dreg:$0x2];
	[bflag:$0x3] =	sbarrier.arrive $0xFFFF;
	s2 =	simm.s32 @!p0 $0x1C01  }
0x66: {  	[timem:s3], [sflag:s2] =	dma.local @!p0 [hbm:s0], s1  }
0x67: {  	s0 =	simm.s32 @!p0 $0x1  }
0x68: {  	_ =	swait.ge @!p0 [sflag:s0], s1  }
0x69: {  	s1 =	ssub.s32 @!p0 $0x0, s1;
	[sflag:s0] =	ssyncset.done @!p0 $0x0  }
0x6a: {  	[sflag:s0] =	ssyncadd.s32 @!p0 s1  }
0x6b: {  	[bflag:$0x3] =	sbarrier.arrive $0xFFFF  }
0x6c: {  	_ =	shalt  }

</sc_bundles>
